<compile_context>
chip_gen: v7x
topology: tpu7x:2x2x1
jax: 0.10.2.dev20260603
libtpu: 0.0.44.dev20260713+nightly
codegen_flags: <defaults>
</compile_context>

<pallas_src>
import functools

import jax
import jax.numpy as jnp
from jax import lax
from jax.experimental import pallas as pl
from jax.experimental.pallas import tpu as pltpu
from jax.experimental.pallas import tpu_sc as plsc

N = 10000
D = 128
E = 320000
NC = 2
NS = 16
NW = NC * NS
EPT = 10240
EPAD = NW * EPT
CHUNK = 80
NCH = EPT // CHUNK
NPAD = 10240
RPT = NPAD // NS

NBUF = 4
NIB = 8

BLK = 256
NBLK = NPAD // BLK


def _deg_body(dst_hbm, zeros_hbm, out_hbm, hist, idxf):
    c = lax.axis_index("c")
    s = lax.axis_index("s")
    wid = s * NC + c
    pltpu.sync_copy(zeros_hbm, hist)
    pltpu.sync_copy(dst_hbm.at[wid], idxf)

    def it(i, carry):
        for u in range(4):
            v = idxf[pl.ds((i * 4 + u) * 16, 16)]
            cnt, last = plsc.scan_count(v)
            plsc.addupdate_scatter(hist, [v], cnt, mask=last)
        return carry

    lax.fori_loop(0, EPT // 64, it, 0)
    pltpu.sync_copy(hist, out_hbm.at[wid])


@functools.cache
def _sc_mesh():
    return plsc.VectorSubcoreMesh(
        core_axis_name="c", subcore_axis_name="s",
        num_cores=NC, num_subcores=NS)


@functools.cache
def _deg_call():
    return pl.kernel(
        _deg_body,
        out_type=jax.ShapeDtypeStruct((NW, NPAD), jnp.int32),
        mesh=_sc_mesh(),
        scratch_types=[
            pltpu.VMEM((NPAD,), jnp.int32),
            pltpu.VMEM((EPT,), jnp.int32),
        ],
        compiler_params=pltpu.CompilerParams(needs_layout_passes=False),
    )


def _agg_body(y_hbm, src_hbm, dst_hbm, zeros_hbm, out_hbm,
              acc, sib, dib, rb0, rb1, rb2, rb3,
              i0, i1, i2, i3, i4, i5, i6, i7, g0, g1, g2, g3, t0, t1, t2, t3):
    rbs = (rb0, rb1, rb2, rb3)
    isem = (i0, i1, i2, i3, i4, i5, i6, i7)
    gsem = (g0, g1, g2, g3)
    ssem = (t0, t1, t2, t3)
    c = lax.axis_index("c")
    s = lax.axis_index("s")
    wid = s * NC + c
    rows = pl.ds(s * RPT, RPT)

    def fetch_idx(j, k):
        pltpu.async_copy(src_hbm.at[wid, j], sib.at[k], isem[k])
        pltpu.async_copy(dst_hbm.at[wid, j], dib.at[k], isem[k])

    def wait_idx(j, k):
        pltpu.make_async_copy(src_hbm.at[wid, j], sib.at[k], isem[k]).wait()
        pltpu.make_async_copy(dst_hbm.at[wid, j], dib.at[k], isem[k]).wait()

    def gather(k, b):
        pltpu.async_copy(y_hbm.at[sib.at[k]], rbs[b], gsem[b])

    def scatter(k, b):
        pltpu.async_copy(rbs[b], acc.at[dib.at[k]], ssem[b], add=True)

    def wait_gather(b):
        pltpu.make_async_copy(y_hbm.at[sib.at[0]], rbs[b], gsem[b]).wait()

    def wait_scatter(b):
        pltpu.make_async_copy(rbs[b], acc.at[dib.at[0]], ssem[b]).wait()

    for k in range(4):
        fetch_idx(k, k)
    pltpu.sync_copy(zeros_hbm.at[rows], acc.at[rows])
    wait_idx(0, 0)
    gather(0, 0)
    wait_idx(1, 1)
    gather(1, 1)
    plsc.subcore_barrier()

    def body(i, carry):
        j0 = i * NIB
        for u in range(NIB):
            j = j0 + u

            @pl.when(j + 4 < NCH)
            def _():
                fetch_idx(j + 4, (u + 4) % NIB)

            @pl.when(j >= 2)
            def _():
                wait_scatter((u + 2) % NBUF)

            @pl.when(j + 2 < NCH)
            def _():
                wait_idx(j + 2, (u + 2) % NIB)
                gather((u + 2) % NIB, (u + 2) % NBUF)

            wait_gather(u % NBUF)
            scatter(u % NIB, u % NBUF)
        return carry

    lax.fori_loop(0, NCH // NIB, body, 0)
    wait_scatter((NCH - 2) % NBUF)
    wait_scatter((NCH - 1) % NBUF)
    plsc.subcore_barrier()
    pltpu.sync_copy(acc.at[rows], out_hbm.at[c, rows])


@functools.cache
def _agg_call():
    return pl.kernel(
        _agg_body,
        out_type=jax.ShapeDtypeStruct((NC, NPAD, D), jnp.float32),
        mesh=_sc_mesh(),
        scratch_types=[
            pltpu.VMEM_SHARED((NPAD, D), jnp.float32),
            pltpu.VMEM((NIB, CHUNK), jnp.int32),
            pltpu.VMEM((NIB, CHUNK), jnp.int32),
        ] + [pltpu.VMEM((CHUNK, D), jnp.float32)] * NBUF
          + [pltpu.SemaphoreType.DMA] * (NIB + 2 * NBUF),
    )


def _dinv_of(degp):
    return lax.rsqrt(1.0 + jnp.sum(degp, axis=0).astype(jnp.float32))


def _k1_body(x_ref, w_ref, degp_ref, y_ref):
    dinv = _dinv_of(degp_ref[...])
    xw = jnp.dot(x_ref[...], w_ref[...], preferred_element_type=jnp.float32)
    row = pl.program_id(0) * BLK + lax.broadcasted_iota(jnp.int32, (BLK, 1), 0)
    y_ref[...] = jnp.where(row < N, xw * dinv[:, None], 0.0)


def _k2_body(s_ref, y1_ref, degp_ref, w_ref, b_ref, y2_ref):
    dinv = _dinv_of(degp_ref[...])
    agg = s_ref[0] + s_ref[1] + y1_ref[...]
    h = jnp.maximum(agg * dinv[:, None] + b_ref[...], 0.0)
    y2 = jnp.dot(h, w_ref[...], preferred_element_type=jnp.float32) * dinv[:, None]
    row = pl.program_id(0) * BLK + lax.broadcasted_iota(jnp.int32, (BLK, 1), 0)
    y2_ref[...] = jnp.where(row < N, y2, 0.0)


def _k3_body(s_ref, y2_ref, degp_ref, b_ref, o_ref):
    dinv = _dinv_of(degp_ref[...])
    o_ref[...] = (s_ref[0] + s_ref[1] + y2_ref[...]) * dinv[:, None] + b_ref[...]


_spec_rows = pl.BlockSpec((BLK, D), lambda i: (i, 0))
_spec_w = pl.BlockSpec((D, D), lambda i: (0, 0))
_spec_degp = pl.BlockSpec((NW, BLK), lambda i: (0, i))
_spec_s = pl.BlockSpec((NC, BLK, D), lambda i: (0, i, 0))
_spec_b = pl.BlockSpec((1, D), lambda i: (0, 0))

_k1 = pl.pallas_call(
    _k1_body,
    grid=(NBLK,),
    in_specs=[_spec_rows, _spec_w, _spec_degp],
    out_specs=_spec_rows,
    out_shape=jax.ShapeDtypeStruct((NPAD, D), jnp.float32),
)

_k2 = pl.pallas_call(
    _k2_body,
    grid=(NBLK,),
    in_specs=[_spec_s, _spec_rows, _spec_degp, _spec_w, _spec_b],
    out_specs=_spec_rows,
    out_shape=jax.ShapeDtypeStruct((NPAD, D), jnp.float32),
)

_k3 = pl.pallas_call(
    _k3_body,
    grid=(NBLK,),
    in_specs=[_spec_s, _spec_rows, _spec_degp, _spec_b],
    out_specs=_spec_rows,
    out_shape=jax.ShapeDtypeStruct((NPAD, D), jnp.float32),
)


def kernel(x, edge_index, W1, b1, W2, b2):
    src = edge_index[0].astype(jnp.int32)
    dst = edge_index[1].astype(jnp.int32)
    pad = (jnp.arange(EPAD - E, dtype=jnp.int32) % (NPAD - N)) + N
    src_p = jnp.concatenate([src, pad]).reshape(NW, NCH, CHUNK)
    dst_p = jnp.concatenate([dst, pad]).reshape(NW, NCH, CHUNK)
    dst_flat = dst_p.reshape(NW, EPT)
    zeros_d = jnp.zeros((NPAD, D), jnp.float32)
    zeros_1 = jnp.zeros((NPAD,), jnp.int32)
    b1r = b1.reshape(1, D)
    b2r = b2.reshape(1, D)

    degp = _deg_call()(dst_flat, zeros_1, )
    y1 = _k1(x, W1, degp)
    s1 = _agg_call()(y1, src_p, dst_p, zeros_d)
    y2 = _k2(s1, y1, degp, W2, b1r)
    s2 = _agg_call()(y2, src_p, dst_p, zeros_d)
    out = _k3(s2, y2, degp, b2r)
    return out[:N]

# --- scband reference (transcript-rebuilt; emitter-appended) ---
"""Pipeline reference for scband-ontology-gnn-47150150975760 (READ-ONLY COPY).

The authoritative reference and input builder live on the scoring server;
editing this copy changes nothing except your own understanding.
"""

import jax, jax.numpy as jnp
import numpy as np

N_NODES = 10000
N_EDGES = 320000
D = 128


def _gcn_conv(x, edge_index, W, b):
    n = x.shape[0]
    # add self loops (PyG GCNConv default add_self_loops=True)
    loop = jnp.arange(n, dtype=edge_index.dtype)
    src = jnp.concatenate([edge_index[0], loop])
    dst = jnp.concatenate([edge_index[1], loop])
    # symmetric normalization D^{-1/2} (A+I) D^{-1/2}
    deg = jnp.zeros((n,), dtype=x.dtype).at[dst].add(1.0)
    dinv = jnp.where(deg > 0, deg ** -0.5, 0.0)
    norm = dinv[src] * dinv[dst]
    xw = x @ W
    msg = xw[src] * norm[:, None]
    out = jnp.zeros((n, W.shape[1]), dtype=x.dtype).at[dst].add(msg)
    return out + b


def setup_inputs(seed: int = 0) -> dict:
    key = jax.random.key(seed)
    k1, k2, k3, k4, k5 = jax.random.split(key, 5)
    x = jax.random.normal(k1, (N_NODES, D), dtype=jnp.float32)
    edge_index = jax.random.randint(k2, (2, N_EDGES), 0, N_NODES, dtype=jnp.int64)
    scale = 1.0 / np.sqrt(D)
    W1 = jax.random.normal(k3, (D, D), dtype=jnp.float32) * scale
    b1 = jnp.zeros((D,), dtype=jnp.float32)
    W2 = jax.random.normal(k4, (D, D), dtype=jnp.float32) * scale
    b2 = jnp.zeros((D,), dtype=jnp.float32)
    return {"x": x, "edge_index": edge_index, "W1": W1, "b1": b1, "W2": W2, "b2": b2}


def reference(x, edge_index, W1, b1, W2, b2):
    h = jax.nn.relu(_gcn_conv(x, edge_index, W1, b1))
    out = _gcn_conv(h, edge_index, W2, b2)
    return out

if __name__ == "__main__":
    import jax
    _d = setup_inputs()
    print(jax.jit(kernel)(*tuple(_d.values())))

</pallas_src>

<mosaic_0001>
#map = affine_map<(d0, d1) -> (0, 0)>
#map1 = affine_map<(d0, d1) -> (0, 0, 0)>
module attributes {stable_mosaic.version = 14 : i64} {
  func.func @_agg_body(%arg0: i32, %arg1: i32, %arg2: memref<10240x128xf32, #tpu.memory_space<hbm>>, %arg3: memref<32x128x80xi32, #tpu.memory_space<hbm>>, %arg4: memref<32x128x80xi32, #tpu.memory_space<hbm>>, %arg5: memref<10240x128xf32, #tpu.memory_space<hbm>>, %arg6: memref<2x10240x128xf32, #tpu.memory_space<hbm>>, %arg7: memref<10240x128xf32, #tpu.memory_space<vmem_shared>>, %arg8: memref<8x80xi32, #tpu.memory_space<vmem>>, %arg9: memref<8x80xi32, #tpu.memory_space<vmem>>, %arg10: memref<80x128xf32, #tpu.memory_space<vmem>>, %arg11: memref<80x128xf32, #tpu.memory_space<vmem>>, %arg12: memref<80x128xf32, #tpu.memory_space<vmem>>, %arg13: memref<80x128xf32, #tpu.memory_space<vmem>>, %arg14: memref<!tpu.dma_semaphore, #tpu.memory_space<semaphore_mem>>, %arg15: memref<!tpu.dma_semaphore, #tpu.memory_space<semaphore_mem>>, %arg16: memref<!tpu.dma_semaphore, #tpu.memory_space<semaphore_mem>>, %arg17: memref<!tpu.dma_semaphore, #tpu.memory_space<semaphore_mem>>, %arg18: memref<!tpu.dma_semaphore, #tpu.memory_space<semaphore_mem>>, %arg19: memref<!tpu.dma_semaphore, #tpu.memory_space<semaphore_mem>>, %arg20: memref<!tpu.dma_semaphore, #tpu.memory_space<semaphore_mem>>, %arg21: memref<!tpu.dma_semaphore, #tpu.memory_space<semaphore_mem>>, %arg22: memref<!tpu.dma_semaphore, #tpu.memory_space<semaphore_mem>>, %arg23: memref<!tpu.dma_semaphore, #tpu.memory_space<semaphore_mem>>, %arg24: memref<!tpu.dma_semaphore, #tpu.memory_space<semaphore_mem>>, %arg25: memref<!tpu.dma_semaphore, #tpu.memory_space<semaphore_mem>>, %arg26: memref<!tpu.dma_semaphore, #tpu.memory_space<semaphore_mem>>, %arg27: memref<!tpu.dma_semaphore, #tpu.memory_space<semaphore_mem>>, %arg28: memref<!tpu.dma_semaphore, #tpu.memory_space<semaphore_mem>>, %arg29: memref<!tpu.dma_semaphore, #tpu.memory_space<semaphore_mem>>) attributes {dimension_semantics = [#tpu.dimension_semantics<core_parallel>, #tpu.dimension_semantics<subcore_parallel>], iteration_bounds = array<i64: 2, 16>, scalar_prefetch = 0 : i64, scratch_operands = 23 : i64, tpu.core_type = #tpu.core_type<sc_vector_subcore>, window_params = [{transform_indices = #map}, {transform_indices = #map1}, {transform_indices = #map1}, {transform_indices = #map}, {transform_indices = #map1}]} {
    %mul3A = arith.constant 2 : i32
    %mul3A_0 = arith.muli %arg1, %mul3A : i32
    %add3A = arith.addi %mul3A_0, %arg0 : i32
    %mul3A_1 = arith.constant 640 : i32
    %mul3A_2 = arith.muli %arg1, %mul3A_1 : i32
    %dma_start3A = arith.constant 0 : i32
    %dma_start3A_3 = arith.constant 0 : i32
    %dma_start3A_4 = arith.constant 0 : i32
    %dma_start3A_5 = tpu.memref_slice %arg8[%dma_start3A_3, %dma_start3A_4] : memref<8x80xi32, #tpu.memory_space<vmem>> -> memref<1x80xi32, #tpu.memory_space<vmem>>
    %dma_start3A_6 = tpu.memref_squeeze %dma_start3A_5 : memref<1x80xi32, #tpu.memory_space<vmem>> -> memref<80xi32, #tpu.memory_space<vmem>>
    %dma_start3A_7 = arith.constant 0 : i32
    %dma_start3A_8 = tpu.memref_slice %arg3[%add3A, %dma_start3A, %dma_start3A_7] : memref<32x128x80xi32, #tpu.memory_space<hbm>> -> memref<1x1x80xi32, #tpu.memory_space<hbm>>
    %dma_start3A_9 = tpu.memref_squeeze %dma_start3A_8 : memref<1x1x80xi32, #tpu.memory_space<hbm>> -> memref<80xi32, #tpu.memory_space<hbm>>
    %dma_start3A_10 = arith.constant 0 : i32
    %dma_start3A_11 = tpu.memref_slice %arg8[%dma_start3A_3, %dma_start3A_10] : memref<8x80xi32, #tpu.memory_space<vmem>> -> memref<1x80xi32, #tpu.memory_space<vmem>>
    %dma_start3A_12 = tpu.memref_squeeze %dma_start3A_11 : memref<1x80xi32, #tpu.memory_space<vmem>> -> memref<80xi32, #tpu.memory_space<vmem>>
    %dma_start3A_13 = arith.constant 0 : i32
    %dma_start3A_14 = tpu.memref_slice %arg3[%add3A, %dma_start3A, %dma_start3A_13] : memref<32x128x80xi32, #tpu.memory_space<hbm>> -> memref<1x1x80xi32, #tpu.memory_space<hbm>>
    %dma_start3A_15 = tpu.memref_squeeze %dma_start3A_14 : memref<1x1x80xi32, #tpu.memory_space<hbm>> -> memref<80xi32, #tpu.memory_space<hbm>>
    tpu.enqueue_dma source(%dma_start3A_15 : memref<80xi32, #tpu.memory_space<hbm>>) target(%dma_start3A_12 : memref<80xi32, #tpu.memory_space<vmem>>) target_semaphore(%arg14 : memref<!tpu.dma_semaphore, #tpu.memory_space<semaphore_mem>>)
    %dma_start3A_16 = arith.constant 0 : i32
    %dma_start3A_17 = arith.constant 0 : i32
    %dma_start3A_18 = arith.constant 0 : i32
    %dma_start3A_19 = tpu.memref_slice %arg9[%dma_start3A_17, %dma_start3A_18] : memref<8x80xi32, #tpu.memory_space<vmem>> -> memref<1x80xi32, #tpu.memory_space<vmem>>
    %dma_start3A_20 = tpu.memref_squeeze %dma_start3A_19 : memref<1x80xi32, #tpu.memory_space<vmem>> -> memref<80xi32, #tpu.memory_space<vmem>>
    %dma_start3A_21 = arith.constant 0 : i32
    %dma_start3A_22 = tpu.memref_slice %arg4[%add3A, %dma_start3A_16, %dma_start3A_21] : memref<32x128x80xi32, #tpu.memory_space<hbm>> -> memref<1x1x80xi32, #tpu.memory_space<hbm>>
    %dma_start3A_23 = tpu.memref_squeeze %dma_start3A_22 : memref<1x1x80xi32, #tpu.memory_space<hbm>> -> memref<80xi32, #tpu.memory_space<hbm>>
    %dma_start3A_24 = arith.constant 0 : i32
    %dma_start3A_25 = tpu.memref_slice %arg9[%dma_start3A_17, %dma_start3A_24] : memref<8x80xi32, #tpu.memory_space<vmem>> -> memref<1x80xi32, #tpu.memory_space<vmem>>
    %dma_start3A_26 = tpu.memref_squeeze %dma_start3A_25 : memref<1x80xi32, #tpu.memory_space<vmem>> -> memref<80xi32, #tpu.memory_space<vmem>>
    %dma_start3A_27 = arith.constant 0 : i32
    %dma_start3A_28 = tpu.memref_slice %arg4[%add3A, %dma_start3A_16, %dma_start3A_27] : memref<32x128x80xi32, #tpu.memory_space<hbm>> -> memref<1x1x80xi32, #tpu.memory_space<hbm>>
    %dma_start3A_29 = tpu.memref_squeeze %dma_start3A_28 : memref<1x1x80xi32, #tpu.memory_space<hbm>> -> memref<80xi32, #tpu.memory_space<hbm>>
    tpu.enqueue_dma source(%dma_start3A_29 : memref<80xi32, #tpu.memory_space<hbm>>) target(%dma_start3A_26 : memref<80xi32, #tpu.memory_space<vmem>>) target_semaphore(%arg14 : memref<!tpu.dma_semaphore, #tpu.memory_space<semaphore_mem>>)
    %dma_start3A_30 = arith.constant 1 : i32
    %dma_start3A_31 = arith.constant 1 : i32
    %dma_start3A_32 = arith.constant 0 : i32
    %dma_start3A_33 = tpu.memref_slice %arg8[%dma_start3A_31, %dma_start3A_32] : memref<8x80xi32, #tpu.memory_space<vmem>> -> memref<1x80xi32, #tpu.memory_space<vmem>>
    %dma_start3A_34 = tpu.memref_squeeze %dma_start3A_33 : memref<1x80xi32, #tpu.memory_space<vmem>> -> memref<80xi32, #tpu.memory_space<vmem>>
    %dma_start3A_35 = arith.constant 0 : i32
    %dma_start3A_36 = tpu.memref_slice %arg3[%add3A, %dma_start3A_30, %dma_start3A_35] : memref<32x128x80xi32, #tpu.memory_space<hbm>> -> memref<1x1x80xi32, #tpu.memory_space<hbm>>
    %dma_start3A_37 = tpu.memref_squeeze %dma_start3A_36 : memref<1x1x80xi32, #tpu.memory_space<hbm>> -> memref<80xi32, #tpu.memory_space<hbm>>
    %dma_start3A_38 = arith.constant 0 : i32
    %dma_start3A_39 = tpu.memref_slice %arg8[%dma_start3A_31, %dma_start3A_38] : memref<8x80xi32, #tpu.memory_space<vmem>> -> memref<1x80xi32, #tpu.memory_space<vmem>>
    %dma_start3A_40 = tpu.memref_squeeze %dma_start3A_39 : memref<1x80xi32, #tpu.memory_space<vmem>> -> memref<80xi32, #tpu.memory_space<vmem>>
    %dma_start3A_41 = arith.constant 0 : i32
    %dma_start3A_42 = tpu.memref_slice %arg3[%add3A, %dma_start3A_30, %dma_start3A_41] : memref<32x128x80xi32, #tpu.memory_space<hbm>> -> memref<1x1x80xi32, #tpu.memory_space<hbm>>
    %dma_start3A_43 = tpu.memref_squeeze %dma_start3A_42 : memref<1x1x80xi32, #tpu.memory_space<hbm>> -> memref<80xi32, #tpu.memory_space<hbm>>
    tpu.enqueue_dma source(%dma_start3A_43 : memref<80xi32, #tpu.memory_space<hbm>>) target(%dma_start3A_40 : memref<80xi32, #tpu.memory_space<vmem>>) target_semaphore(%arg15 : memref<!tpu.dma_semaphore, #tpu.memory_space<semaphore_mem>>)
    %dma_start3A_44 = arith.constant 1 : i32
    %dma_start3A_45 = arith.constant 1 : i32
    %dma_start3A_46 = arith.constant 0 : i32
    %dma_start3A_47 = tpu.memref_slice %arg9[%dma_start3A_45, %dma_start3A_46] : memref<8x80xi32, #tpu.memory_space<vmem>> -> memref<1x80xi32, #tpu.memory_space<vmem>>
    %dma_start3A_48 = tpu.memref_squeeze %dma_start3A_47 : memref<1x80xi32, #tpu.memory_space<vmem>> -> memref<80xi32, #tpu.memory_space<vmem>>
    %dma_start3A_49 = arith.constant 0 : i32
    %dma_start3A_50 = tpu.memref_slice %arg4[%add3A, %dma_start3A_44, %dma_start3A_49] : memref<32x128x80xi32, #tpu.memory_space<hbm>> -> memref<1x1x80xi32, #tpu.memory_space<hbm>>
    %dma_start3A_51 = tpu.memref_squeeze %dma_start3A_50 : memref<1x1x80xi32, #tpu.memory_space<hbm>> -> memref<80xi32, #tpu.memory_space<hbm>>
    %dma_start3A_52 = arith.constant 0 : i32
    %dma_start3A_53 = tpu.memref_slice %arg9[%dma_start3A_45, %dma_start3A_52] : memref<8x80xi32, #tpu.memory_space<vmem>> -> memref<1x80xi32, #tpu.memory_space<vmem>>
    %dma_start3A_54 = tpu.memref_squeeze %dma_start3A_53 : memref<1x80xi32, #tpu.memory_space<vmem>> -> memref<80xi32, #tpu.memory_space<vmem>>
    %dma_start3A_55 = arith.constant 0 : i32
    %dma_start3A_56 = tpu.memref_slice %arg4[%add3A, %dma_start3A_44, %dma_start3A_55] : memref<32x128x80xi32, #tpu.memory_space<hbm>> -> memref<1x1x80xi32, #tpu.memory_space<hbm>>
    %dma_start3A_57 = tpu.memref_squeeze %dma_start3A_56 : memref<1x1x80xi32, #tpu.memory_space<hbm>> -> memref<80xi32, #tpu.memory_space<hbm>>
    tpu.enqueue_dma source(%dma_start3A_57 : memref<80xi32, #tpu.memory_space<hbm>>) target(%dma_start3A_54 : memref<80xi32, #tpu.memory_space<vmem>>) target_semaphore(%arg15 : memref<!tpu.dma_semaphore, #tpu.memory_space<semaphore_mem>>)
    %dma_start3A_58 = arith.constant 2 : i32
    %dma_start3A_59 = arith.constant 2 : i32
    %dma_start3A_60 = arith.constant 0 : i32
    %dma_start3A_61 = tpu.memref_slice %arg8[%dma_start3A_59, %dma_start3A_60] : memref<8x80xi32, #tpu.memory_space<vmem>> -> memref<1x80xi32, #tpu.memory_space<vmem>>
    %dma_start3A_62 = tpu.memref_squeeze %dma_start3A_61 : memref<1x80xi32, #tpu.memory_space<vmem>> -> memref<80xi32, #tpu.memory_space<vmem>>
    %dma_start3A_63 = arith.constant 0 : i32
    %dma_start3A_64 = tpu.memref_slice %arg3[%add3A, %dma_start3A_58, %dma_start3A_63] : memref<32x128x80xi32, #tpu.memory_space<hbm>> -> memref<1x1x80xi32, #tpu.memory_space<hbm>>
    %dma_start3A_65 = tpu.memref_squeeze %dma_start3A_64 : memref<1x1x80xi32, #tpu.memory_space<hbm>> -> memref<80xi32, #tpu.memory_space<hbm>>
    %dma_start3A_66 = arith.constant 0 : i32
    %dma_start3A_67 = tpu.memref_slice %arg8[%dma_start3A_59, %dma_start3A_66] : memref<8x80xi32, #tpu.memory_space<vmem>> -> memref<1x80xi32, #tpu.memory_space<vmem>>
    %dma_start3A_68 = tpu.memref_squeeze %dma_start3A_67 : memref<1x80xi32, #tpu.memory_space<vmem>> -> memref<80xi32, #tpu.memory_space<vmem>>
    %dma_start3A_69 = arith.constant 0 : i32
    %dma_start3A_70 = tpu.memref_slice %arg3[%add3A, %dma_start3A_58, %dma_start3A_69] : memref<32x128x80xi32, #tpu.memory_space<hbm>> -> memref<1x1x80xi32, #tpu.memory_space<hbm>>
    %dma_start3A_71 = tpu.memref_squeeze %dma_start3A_70 : memref<1x1x80xi32, #tpu.memory_space<hbm>> -> memref<80xi32, #tpu.memory_space<hbm>>
    tpu.enqueue_dma source(%dma_start3A_71 : memref<80xi32, #tpu.memory_space<hbm>>) target(%dma_start3A_68 : memref<80xi32, #tpu.memory_space<vmem>>) target_semaphore(%arg16 : memref<!tpu.dma_semaphore, #tpu.memory_space<semaphore_mem>>)
    %dma_start3A_72 = arith.constant 2 : i32
    %dma_start3A_73 = arith.constant 2 : i32
    %dma_start3A_74 = arith.constant 0 : i32
    %dma_start3A_75 = tpu.memref_slice %arg9[%dma_start3A_73, %dma_start3A_74] : memref<8x80xi32, #tpu.memory_space<vmem>> -> memref<1x80xi32, #tpu.memory_space<vmem>>
    %dma_start3A_76 = tpu.memref_squeeze %dma_start3A_75 : memref<1x80xi32, #tpu.memory_space<vmem>> -> memref<80xi32, #tpu.memory_space<vmem>>
    %dma_start3A_77 = arith.constant 0 : i32
    %dma_start3A_78 = tpu.memref_slice %arg4[%add3A, %dma_start3A_72, %dma_start3A_77] : memref<32x128x80xi32, #tpu.memory_space<hbm>> -> memref<1x1x80xi32, #tpu.memory_space<hbm>>
    %dma_start3A_79 = tpu.memref_squeeze %dma_start3A_78 : memref<1x1x80xi32, #tpu.memory_space<hbm>> -> memref<80xi32, #tpu.memory_space<hbm>>
    %dma_start3A_80 = arith.constant 0 : i32
    %dma_start3A_81 = tpu.memref_slice %arg9[%dma_start3A_73, %dma_start3A_80] : memref<8x80xi32, #tpu.memory_space<vmem>> -> memref<1x80xi32, #tpu.memory_space<vmem>>
    %dma_start3A_82 = tpu.memref_squeeze %dma_start3A_81 : memref<1x80xi32, #tpu.memory_space<vmem>> -> memref<80xi32, #tpu.memory_space<vmem>>
    %dma_start3A_83 = arith.constant 0 : i32
    %dma_start3A_84 = tpu.memref_slice %arg4[%add3A, %dma_start3A_72, %dma_start3A_83] : memref<32x128x80xi32, #tpu.memory_space<hbm>> -> memref<1x1x80xi32, #tpu.memory_space<hbm>>
    %dma_start3A_85 = tpu.memref_squeeze %dma_start3A_84 : memref<1x1x80xi32, #tpu.memory_space<hbm>> -> memref<80xi32, #tpu.memory_space<hbm>>
    tpu.enqueue_dma source(%dma_start3A_85 : memref<80xi32, #tpu.memory_space<hbm>>) target(%dma_start3A_82 : memref<80xi32, #tpu.memory_space<vmem>>) target_semaphore(%arg16 : memref<!tpu.dma_semaphore, #tpu.memory_space<semaphore_mem>>)
    %dma_start3A_86 = arith.constant 3 : i32
    %dma_start3A_87 = arith.constant 3 : i32
    %dma_start3A_88 = arith.constant 0 : i32
    %dma_start3A_89 = tpu.memref_slice %arg8[%dma_start3A_87, %dma_start3A_88] : memref<8x80xi32, #tpu.memory_space<vmem>> -> memref<1x80xi32, #tpu.memory_space<vmem>>
    %dma_start3A_90 = tpu.memref_squeeze %dma_start3A_89 : memref<1x80xi32, #tpu.memory_space<vmem>> -> memref<80xi32, #tpu.memory_space<vmem>>
    %dma_start3A_91 = arith.constant 0 : i32
    %dma_start3A_92 = tpu.memref_slice %arg3[%add3A, %dma_start3A_86, %dma_start3A_91] : memref<32x128x80xi32, #tpu.memory_space<hbm>> -> memref<1x1x80xi32, #tpu.memory_space<hbm>>
    %dma_start3A_93 = tpu.memref_squeeze %dma_start3A_92 : memref<1x1x80xi32, #tpu.memory_space<hbm>> -> memref<80xi32, #tpu.memory_space<hbm>>
    %dma_start3A_94 = arith.constant 0 : i32
    %dma_start3A_95 = tpu.memref_slice %arg8[%dma_start3A_87, %dma_start3A_94] : memref<8x80xi32, #tpu.memory_space<vmem>> -> memref<1x80xi32, #tpu.memory_space<vmem>>
    %dma_start3A_96 = tpu.memref_squeeze %dma_start3A_95 : memref<1x80xi32, #tpu.memory_space<vmem>> -> memref<80xi32, #tpu.memory_space<vmem>>
    %dma_start3A_97 = arith.constant 0 : i32
    %dma_start3A_98 = tpu.memref_slice %arg3[%add3A, %dma_start3A_86, %dma_start3A_97] : memref<32x128x80xi32, #tpu.memory_space<hbm>> -> memref<1x1x80xi32, #tpu.memory_space<hbm>>
    %dma_start3A_99 = tpu.memref_squeeze %dma_start3A_98 : memref<1x1x80xi32, #tpu.memory_space<hbm>> -> memref<80xi32, #tpu.memory_space<hbm>>
    tpu.enqueue_dma source(%dma_start3A_99 : memref<80xi32, #tpu.memory_space<hbm>>) target(%dma_start3A_96 : memref<80xi32, #tpu.memory_space<vmem>>) target_semaphore(%arg17 : memref<!tpu.dma_semaphore, #tpu.memory_space<semaphore_mem>>)
    %dma_start3A_100 = arith.constant 3 : i32
    %dma_start3A_101 = arith.constant 3 : i32
    %dma_start3A_102 = arith.constant 0 : i32
    %dma_start3A_103 = tpu.memref_slice %arg9[%dma_start3A_101, %dma_start3A_102] : memref<8x80xi32, #tpu.memory_space<vmem>> -> memref<1x80xi32, #tpu.memory_space<vmem>>
    %dma_start3A_104 = tpu.memref_squeeze %dma_start3A_103 : memref<1x80xi32, #tpu.memory_space<vmem>> -> memref<80xi32, #tpu.memory_space<vmem>>
    %dma_start3A_105 = arith.constant 0 : i32
    %dma_start3A_106 = tpu.memref_slice %arg4[%add3A, %dma_start3A_100, %dma_start3A_105] : memref<32x128x80xi32, #tpu.memory_space<hbm>> -> memref<1x1x80xi32, #tpu.memory_space<hbm>>
    %dma_start3A_107 = tpu.memref_squeeze %dma_start3A_106 : memref<1x1x80xi32, #tpu.memory_space<hbm>> -> memref<80xi32, #tpu.memory_space<hbm>>
    %dma_start3A_108 = arith.constant 0 : i32
    %dma_start3A_109 = tpu.memref_slice %arg9[%dma_start3A_101, %dma_start3A_108] : memref<8x80xi32, #tpu.memory_space<vmem>> -> memref<1x80xi32, #tpu.memory_space<vmem>>
    %dma_start3A_110 = tpu.memref_squeeze %dma_start3A_109 : memref<1x80xi32, #tpu.memory_space<vmem>> -> memref<80xi32, #tpu.memory_space<vmem>>
    %dma_start3A_111 = arith.constant 0 : i32
    %dma_start3A_112 = tpu.memref_slice %arg4[%add3A, %dma_start3A_100, %dma_start3A_111] : memref<32x128x80xi32, #tpu.memory_space<hbm>> -> memref<1x1x80xi32, #tpu.memory_space<hbm>>
    %dma_start3A_113 = tpu.memref_squeeze %dma_start3A_112 : memref<1x1x80xi32, #tpu.memory_space<hbm>> -> memref<80xi32, #tpu.memory_space<hbm>>
    tpu.enqueue_dma source(%dma_start3A_113 : memref<80xi32, #tpu.memory_space<hbm>>) target(%dma_start3A_110 : memref<80xi32, #tpu.memory_space<vmem>>) target_semaphore(%arg17 : memref<!tpu.dma_semaphore, #tpu.memory_space<semaphore_mem>>)
    "tpu.region"() ({
      %run_scoped3A = tpu.sem_alloc : memref<!tpu.dma_semaphore, #tpu.memory_space<semaphore_mem>>
      %dma_start3A_203 = arith.constant 0 : i32
      %dma_start3A_204 = tpu.memref_slice %arg7[%mul3A_2, %dma_start3A_203] : memref<10240x128xf32, #tpu.memory_space<vmem_shared>> -> memref<640x128xf32, #tpu.memory_space<vmem_shared>>
      %dma_start3A_205 = arith.constant 0 : i32
      %dma_start3A_206 = tpu.memref_slice %arg5[%mul3A_2, %dma_start3A_205] : memref<10240x128xf32, #tpu.memory_space<hbm>> -> memref<640x128xf32, #tpu.memory_space<hbm>>
      tpu.enqueue_dma source(%dma_start3A_206 : memref<640x128xf32, #tpu.memory_space<hbm>>) target(%dma_start3A_204 : memref<640x128xf32, #tpu.memory_space<vmem_shared>>) target_semaphore(%run_scoped3A : memref<!tpu.dma_semaphore, #tpu.memory_space<semaphore_mem>>)
      %dma_wait3A_207 = arith.constant 0 : i32
      %dma_wait3A_208 = tpu.memref_slice %arg7[%mul3A_2, %dma_wait3A_207] : memref<10240x128xf32, #tpu.memory_space<vmem_shared>> -> memref<640x128xf32, #tpu.memory_space<vmem_shared>>
      %dma_wait3A_209 = arith.constant 0 : i32
      %dma_wait3A_210 = tpu.memref_slice %arg5[%mul3A_2, %dma_wait3A_209] : memref<10240x128xf32, #tpu.memory_space<hbm>> -> memref<640x128xf32, #tpu.memory_space<hbm>>
      tpu.wait_dma2 semaphore(%run_scoped3A : memref<!tpu.dma_semaphore, #tpu.memory_space<semaphore_mem>>) src(%dma_wait3A_210 : memref<640x128xf32, #tpu.memory_space<hbm>>) dst(%dma_wait3A_208 : memref<640x128xf32, #tpu.memory_space<vmem_shared>>)
      tpu.yield
    }) : () -> ()
    %dma_wait3A = arith.constant 0 : i32
    %dma_wait3A_114 = arith.constant 0 : i32
    %dma_wait3A_115 = arith.constant 0 : i32
    %dma_wait3A_116 = tpu.memref_slice %arg8[%dma_wait3A_114, %dma_wait3A_115] : memref<8x80xi32, #tpu.memory_space<vmem>> -> memref<1x80xi32, #tpu.memory_space<vmem>>
    %dma_wait3A_117 = tpu.memref_squeeze %dma_wait3A_116 : memref<1x80xi32, #tpu.memory_space<vmem>> -> memref<80xi32, #tpu.memory_space<vmem>>
    %dma_wait3A_118 = arith.constant 0 : i32
    %dma_wait3A_119 = tpu.memref_slice %arg3[%add3A, %dma_wait3A, %dma_wait3A_118] : memref<32x128x80xi32, #tpu.memory_space<hbm>> -> memref<1x1x80xi32, #tpu.memory_space<hbm>>
    %dma_wait3A_120 = tpu.memref_squeeze %dma_wait3A_119 : memref<1x1x80xi32, #tpu.memory_space<hbm>> -> memref<80xi32, #tpu.memory_space<hbm>>
    %dma_wait3A_121 = arith.constant 0 : i32
    %dma_wait3A_122 = tpu.memref_slice %arg8[%dma_wait3A_114, %dma_wait3A_121] : memref<8x80xi32, #tpu.memory_space<vmem>> -> memref<1x80xi32, #tpu.memory_space<vmem>>
    %dma_wait3A_123 = tpu.memref_squeeze %dma_wait3A_122 : memref<1x80xi32, #tpu.memory_space<vmem>> -> memref<80xi32, #tpu.memory_space<vmem>>
    %dma_wait3A_124 = arith.constant 0 : i32
    %dma_wait3A_125 = tpu.memref_slice %arg3[%add3A, %dma_wait3A, %dma_wait3A_124] : memref<32x128x80xi32, #tpu.memory_space<hbm>> -> memref<1x1x80xi32, #tpu.memory_space<hbm>>
    %dma_wait3A_126 = tpu.memref_squeeze %dma_wait3A_125 : memref<1x1x80xi32, #tpu.memory_space<hbm>> -> memref<80xi32, #tpu.memory_space<hbm>>
    tpu.wait_dma2 semaphore(%arg14 : memref<!tpu.dma_semaphore, #tpu.memory_space<semaphore_mem>>) src(%dma_wait3A_126 : memref<80xi32, #tpu.memory_space<hbm>>) dst(%dma_wait3A_123 : memref<80xi32, #tpu.memory_space<vmem>>)
    %dma_wait3A_127 = arith.constant 0 : i32
    %dma_wait3A_128 = arith.constant 0 : i32
    %dma_wait3A_129 = arith.constant 0 : i32
    %dma_wait3A_130 = tpu.memref_slice %arg9[%dma_wait3A_128, %dma_wait3A_129] : memref<8x80xi32, #tpu.memory_space<vmem>> -> memref<1x80xi32, #tpu.memory_space<vmem>>
    %dma_wait3A_131 = tpu.memref_squeeze %dma_wait3A_130 : memref<1x80xi32, #tpu.memory_space<vmem>> -> memref<80xi32, #tpu.memory_space<vmem>>
    %dma_wait3A_132 = arith.constant 0 : i32
    %dma_wait3A_133 = tpu.memref_slice %arg4[%add3A, %dma_wait3A_127, %dma_wait3A_132] : memref<32x128x80xi32, #tpu.memory_space<hbm>> -> memref<1x1x80xi32, #tpu.memory_space<hbm>>
    %dma_wait3A_134 = tpu.memref_squeeze %dma_wait3A_133 : memref<1x1x80xi32, #tpu.memory_space<hbm>> -> memref<80xi32, #tpu.memory_space<hbm>>
    %dma_wait3A_135 = arith.constant 0 : i32
    %dma_wait3A_136 = tpu.memref_slice %arg9[%dma_wait3A_128, %dma_wait3A_135] : memref<8x80xi32, #tpu.memory_space<vmem>> -> memref<1x80xi32, #tpu.memory_space<vmem>>
    %dma_wait3A_137 = tpu.memref_squeeze %dma_wait3A_136 : memref<1x80xi32, #tpu.memory_space<vmem>> -> memref<80xi32, #tpu.memory_space<vmem>>
    %dma_wait3A_138 = arith.constant 0 : i32
    %dma_wait3A_139 = tpu.memref_slice %arg4[%add3A, %dma_wait3A_127, %dma_wait3A_138] : memref<32x128x80xi32, #tpu.memory_space<hbm>> -> memref<1x1x80xi32, #tpu.memory_space<hbm>>
    %dma_wait3A_140 = tpu.memref_squeeze %dma_wait3A_139 : memref<1x1x80xi32, #tpu.memory_space<hbm>> -> memref<80xi32, #tpu.memory_space<hbm>>
    tpu.wait_dma2 semaphore(%arg14 : memref<!tpu.dma_semaphore, #tpu.memory_space<semaphore_mem>>) src(%dma_wait3A_140 : memref<80xi32, #tpu.memory_space<hbm>>) dst(%dma_wait3A_137 : memref<80xi32, #tpu.memory_space<vmem>>)
    %dma_start3A_141 = arith.constant 0 : i32
    %dma_start3A_142 = arith.constant 0 : i32
    %dma_start3A_143 = tpu.memref_slice %arg8[%dma_start3A_141, %dma_start3A_142] : memref<8x80xi32, #tpu.memory_space<vmem>> -> memref<1x80xi32, #tpu.memory_space<vmem>>
    %dma_start3A_144 = tpu.memref_squeeze %dma_start3A_143 : memref<1x80xi32, #tpu.memory_space<vmem>> -> memref<80xi32, #tpu.memory_space<vmem>>
    %dma_start3A_145 = arith.constant 0 : i32
    %dma_start3A_146 = arith.constant 0 : i32
    %dma_start3A_147 = tpu.memref_slice %arg2[%dma_start3A_145, %dma_start3A_146] : memref<10240x128xf32, #tpu.memory_space<hbm>> -> memref<10240x128xf32, #tpu.memory_space<hbm>>
    tpu.enqueue_indirect_dma source(%dma_start3A_147 : memref<10240x128xf32, #tpu.memory_space<hbm>>) target(%arg10 : memref<80x128xf32, #tpu.memory_space<vmem>>) offsets(%dma_start3A_144 : memref<80xi32, #tpu.memory_space<vmem>>) semaphore(%arg22 : memref<!tpu.dma_semaphore, #tpu.memory_space<semaphore_mem>>)
    %dma_wait3A_148 = arith.constant 1 : i32
    %dma_wait3A_149 = arith.constant 1 : i32
    %dma_wait3A_150 = arith.constant 0 : i32
    %dma_wait3A_151 = tpu.memref_slice %arg8[%dma_wait3A_149, %dma_wait3A_150] : memref<8x80xi32, #tpu.memory_space<vmem>> -> memref<1x80xi32, #tpu.memory_space<vmem>>
    %dma_wait3A_152 = tpu.memref_squeeze %dma_wait3A_151 : memref<1x80xi32, #tpu.memory_space<vmem>> -> memref<80xi32, #tpu.memory_space<vmem>>
    %dma_wait3A_153 = arith.constant 0 : i32
    %dma_wait3A_154 = tpu.memref_slice %arg3[%add3A, %dma_wait3A_148, %dma_wait3A_153] : memref<32x128x80xi32, #tpu.memory_space<hbm>> -> memref<1x1x80xi32, #tpu.memory_space<hbm>>
    %dma_wait3A_155 = tpu.memref_squeeze %dma_wait3A_154 : memref<1x1x80xi32, #tpu.memory_space<hbm>> -> memref<80xi32, #tpu.memory_space<hbm>>
    %dma_wait3A_156 = arith.constant 0 : i32
    %dma_wait3A_157 = tpu.memref_slice %arg8[%dma_wait3A_149, %dma_wait3A_156] : memref<8x80xi32, #tpu.memory_space<vmem>> -> memref<1x80xi32, #tpu.memory_space<vmem>>
    %dma_wait3A_158 = tpu.memref_squeeze %dma_wait3A_157 : memref<1x80xi32, #tpu.memory_space<vmem>> -> memref<80xi32, #tpu.memory_space<vmem>>
    %dma_wait3A_159 = arith.constant 0 : i32
    %dma_wait3A_160 = tpu.memref_slice %arg3[%add3A, %dma_wait3A_148, %dma_wait3A_159] : memref<32x128x80xi32, #tpu.memory_space<hbm>> -> memref<1x1x80xi32, #tpu.memory_space<hbm>>
    %dma_wait3A_161 = tpu.memref_squeeze %dma_wait3A_160 : memref<1x1x80xi32, #tpu.memory_space<hbm>> -> memref<80xi32, #tpu.memory_space<hbm>>
    tpu.wait_dma2 semaphore(%arg15 : memref<!tpu.dma_semaphore, #tpu.memory_space<semaphore_mem>>) src(%dma_wait3A_161 : memref<80xi32, #tpu.memory_space<hbm>>) dst(%dma_wait3A_158 : memref<80xi32, #tpu.memory_space<vmem>>)
    %dma_wait3A_162 = arith.constant 1 : i32
    %dma_wait3A_163 = arith.constant 1 : i32
    %dma_wait3A_164 = arith.constant 0 : i32
    %dma_wait3A_165 = tpu.memref_slice %arg9[%dma_wait3A_163, %dma_wait3A_164] : memref<8x80xi32, #tpu.memory_space<vmem>> -> memref<1x80xi32, #tpu.memory_space<vmem>>
    %dma_wait3A_166 = tpu.memref_squeeze %dma_wait3A_165 : memref<1x80xi32, #tpu.memory_space<vmem>> -> memref<80xi32, #tpu.memory_space<vmem>>
    %dma_wait3A_167 = arith.constant 0 : i32
    %dma_wait3A_168 = tpu.memref_slice %arg4[%add3A, %dma_wait3A_162, %dma_wait3A_167] : memref<32x128x80xi32, #tpu.memory_space<hbm>> -> memref<1x1x80xi32, #tpu.memory_space<hbm>>
    %dma_wait3A_169 = tpu.memref_squeeze %dma_wait3A_168 : memref<1x1x80xi32, #tpu.memory_space<hbm>> -> memref<80xi32, #tpu.memory_space<hbm>>
    %dma_wait3A_170 = arith.constant 0 : i32
    %dma_wait3A_171 = tpu.memref_slice %arg9[%dma_wait3A_163, %dma_wait3A_170] : memref<8x80xi32, #tpu.memory_space<vmem>> -> memref<1x80xi32, #tpu.memory_space<vmem>>
    %dma_wait3A_172 = tpu.memref_squeeze %dma_wait3A_171 : memref<1x80xi32, #tpu.memory_space<vmem>> -> memref<80xi32, #tpu.memory_space<vmem>>
    %dma_wait3A_173 = arith.constant 0 : i32
    %dma_wait3A_174 = tpu.memref_slice %arg4[%add3A, %dma_wait3A_162, %dma_wait3A_173] : memref<32x128x80xi32, #tpu.memory_space<hbm>> -> memref<1x1x80xi32, #tpu.memory_space<hbm>>
    %dma_wait3A_175 = tpu.memref_squeeze %dma_wait3A_174 : memref<1x1x80xi32, #tpu.memory_space<hbm>> -> memref<80xi32, #tpu.memory_space<hbm>>
    tpu.wait_dma2 semaphore(%arg15 : memref<!tpu.dma_semaphore, #tpu.memory_space<semaphore_mem>>) src(%dma_wait3A_175 : memref<80xi32, #tpu.memory_space<hbm>>) dst(%dma_wait3A_172 : memref<80xi32, #tpu.memory_space<vmem>>)
    %dma_start3A_176 = arith.constant 1 : i32
    %dma_start3A_177 = arith.constant 0 : i32
    %dma_start3A_178 = tpu.memref_slice %arg8[%dma_start3A_176, %dma_start3A_177] : memref<8x80xi32, #tpu.memory_space<vmem>> -> memref<1x80xi32, #tpu.memory_space<vmem>>
    %dma_start3A_179 = tpu.memref_squeeze %dma_start3A_178 : memref<1x80xi32, #tpu.memory_space<vmem>> -> memref<80xi32, #tpu.memory_space<vmem>>
    %dma_start3A_180 = arith.constant 0 : i32
    %dma_start3A_181 = arith.constant 0 : i32
    %dma_start3A_182 = tpu.memref_slice %arg2[%dma_start3A_180, %dma_start3A_181] : memref<10240x128xf32, #tpu.memory_space<hbm>> -> memref<10240x128xf32, #tpu.memory_space<hbm>>
    tpu.enqueue_indirect_dma source(%dma_start3A_182 : memref<10240x128xf32, #tpu.memory_space<hbm>>) target(%arg11 : memref<80x128xf32, #tpu.memory_space<vmem>>) offsets(%dma_start3A_179 : memref<80xi32, #tpu.memory_space<vmem>>) semaphore(%arg23 : memref<!tpu.dma_semaphore, #tpu.memory_space<semaphore_mem>>)
    %barrier3A = arith.constant 0 : index
    tpu.barrier barrier_id(%barrier3A)
    %scan3A = arith.constant 0 : i32
    %scan3A_183 = arith.constant 0 : i32
    %scan3A_184 = arith.constant 16 : i32
    %scan3A_185 = arith.addi %scan3A_183, %scan3A_184 : i32
    %scan3A_186 = arith.constant 1 : i32
    scf.for %scan3A_203 = %scan3A_183 to %scan3A_185 step %scan3A_186  : i32 {
      %mul3A_204 = arith.constant 8 : i32
      %mul3A_205 = arith.muli %scan3A_203, %mul3A_204 : i32
      %add3A_206 = arith.constant 0 : i32
      %add3A_207 = arith.addi %mul3A_205, %add3A_206 : i32
      %add3A_208 = arith.constant 4 : i32
      %add3A_209 = arith.addi %add3A_207, %add3A_208 : i32
      %lt3A = arith.constant 128 : i32
      %lt3A_210 = arith.cmpi slt, %add3A_209, %lt3A : i32
      %convert_element_type3A = arith.extui %lt3A_210 : i1 to i32
      %cond3A = arith.constant 0 : i32
      %cond3A_211 = arith.cmpi ne, %convert_element_type3A, %cond3A : i32
      scf.if %cond3A_211 {
        %add3A_482 = arith.constant 4 : i32
        %add3A_483 = arith.addi %add3A_207, %add3A_482 : i32
        %dma_start3A_484 = arith.constant 4 : i32
        %dma_start3A_485 = arith.constant 0 : i32
        %dma_start3A_486 = tpu.memref_slice %arg8[%dma_start3A_484, %dma_start3A_485] : memref<8x80xi32, #tpu.memory_space<vmem>> -> memref<1x80xi32, #tpu.memory_space<vmem>>
        %dma_start3A_487 = tpu.memref_squeeze %dma_start3A_486 : memref<1x80xi32, #tpu.memory_space<vmem>> -> memref<80xi32, #tpu.memory_space<vmem>>
        %dma_start3A_488 = arith.constant 0 : i32
        %dma_start3A_489 = tpu.memref_slice %arg3[%add3A, %add3A_483, %dma_start3A_488] : memref<32x128x80xi32, #tpu.memory_space<hbm>> -> memref<1x1x80xi32, #tpu.memory_space<hbm>>
        %dma_start3A_490 = tpu.memref_squeeze %dma_start3A_489 : memref<1x1x80xi32, #tpu.memory_space<hbm>> -> memref<80xi32, #tpu.memory_space<hbm>>
        %dma_start3A_491 = arith.constant 0 : i32
        %dma_start3A_492 = tpu.memref_slice %arg8[%dma_start3A_484, %dma_start3A_491] : memref<8x80xi32, #tpu.memory_space<vmem>> -> memref<1x80xi32, #tpu.memory_space<vmem>>
        %dma_start3A_493 = tpu.memref_squeeze %dma_start3A_492 : memref<1x80xi32, #tpu.memory_space<vmem>> -> memref<80xi32, #tpu.memory_space<vmem>>
        %dma_start3A_494 = arith.constant 0 : i32
        %dma_start3A_495 = tpu.memref_slice %arg3[%add3A, %add3A_483, %dma_start3A_494] : memref<32x128x80xi32, #tpu.memory_space<hbm>> -> memref<1x1x80xi32, #tpu.memory_space<hbm>>
        %dma_start3A_496 = tpu.memref_squeeze %dma_start3A_495 : memref<1x1x80xi32, #tpu.memory_space<hbm>> -> memref<80xi32, #tpu.memory_space<hbm>>
        tpu.enqueue_dma source(%dma_start3A_496 : memref<80xi32, #tpu.memory_space<hbm>>) target(%dma_start3A_493 : memref<80xi32, #tpu.memory_space<vmem>>) target_semaphore(%arg18 : memref<!tpu.dma_semaphore, #tpu.memory_space<semaphore_mem>>)
        %dma_start3A_497 = arith.constant 4 : i32
        %dma_start3A_498 = arith.constant 0 : i32
        %dma_start3A_499 = tpu.memref_slice %arg9[%dma_start3A_497, %dma_start3A_498] : memref<8x80xi32, #tpu.memory_space<vmem>> -> memref<1x80xi32, #tpu.memory_space<vmem>>
        %dma_start3A_500 = tpu.memref_squeeze %dma_start3A_499 : memref<1x80xi32, #tpu.memory_space<vmem>> -> memref<80xi32, #tpu.memory_space<vmem>>
        %dma_start3A_501 = arith.constant 0 : i32
        %dma_start3A_502 = tpu.memref_slice %arg4[%add3A, %add3A_483, %dma_start3A_501] : memref<32x128x80xi32, #tpu.memory_space<hbm>> -> memref<1x1x80xi32, #tpu.memory_space<hbm>>
        %dma_start3A_503 = tpu.memref_squeeze %dma_start3A_502 : memref<1x1x80xi32, #tpu.memory_space<hbm>> -> memref<80xi32, #tpu.memory_space<hbm>>
        %dma_start3A_504 = arith.constant 0 : i32
        %dma_start3A_505 = tpu.memref_slice %arg9[%dma_start3A_497, %dma_start3A_504] : memref<8x80xi32, #tpu.memory_space<vmem>> -> memref<1x80xi32, #tpu.memory_space<vmem>>
        %dma_start3A_506 = tpu.memref_squeeze %dma_start3A_505 : memref<1x80xi32, #tpu.memory_space<vmem>> -> memref<80xi32, #tpu.memory_space<vmem>>
        %dma_start3A_507 = arith.constant 0 : i32
        %dma_start3A_508 = tpu.memref_slice %arg4[%add3A, %add3A_483, %dma_start3A_507] : memref<32x128x80xi32, #tpu.memory_space<hbm>> -> memref<1x1x80xi32, #tpu.memory_space<hbm>>
        %dma_start3A_509 = tpu.memref_squeeze %dma_start3A_508 : memref<1x1x80xi32, #tpu.memory_space<hbm>> -> memref<80xi32, #tpu.memory_space<hbm>>
        tpu.enqueue_dma source(%dma_start3A_509 : memref<80xi32, #tpu.memory_space<hbm>>) target(%dma_start3A_506 : memref<80xi32, #tpu.memory_space<vmem>>) target_semaphore(%arg18 : memref<!tpu.dma_semaphore, #tpu.memory_space<semaphore_mem>>)
      } else {
      }
      %ge3A = arith.constant 2 : i32
      %ge3A_212 = arith.cmpi sge, %add3A_207, %ge3A : i32
      %convert_element_type3A_213 = arith.extui %ge3A_212 : i1 to i32
      %cond3A_214 = arith.constant 0 : i32
      %cond3A_215 = arith.cmpi ne, %convert_element_type3A_213, %cond3A_214 : i32
      scf.if %cond3A_215 {
        %dma_wait3A_482 = arith.constant 0 : i32
        %dma_wait3A_483 = arith.constant 0 : i32
        %dma_wait3A_484 = tpu.memref_slice %arg9[%dma_wait3A_482, %dma_wait3A_483] : memref<8x80xi32, #tpu.memory_space<vmem>> -> memref<1x80xi32, #tpu.memory_space<vmem>>
        %dma_wait3A_485 = tpu.memref_squeeze %dma_wait3A_484 : memref<1x80xi32, #tpu.memory_space<vmem>> -> memref<80xi32, #tpu.memory_space<vmem>>
        %dma_wait3A_486 = arith.constant 0 : i32
        %dma_wait3A_487 = arith.constant 0 : i32
        %dma_wait3A_488 = tpu.memref_slice %arg7[%dma_wait3A_486, %dma_wait3A_487] : memref<10240x128xf32, #tpu.memory_space<vmem_shared>> -> memref<10240x128xf32, #tpu.memory_space<vmem_shared>>
        tpu.wait_indirect_dma semaphore(%arg28 : memref<!tpu.dma_semaphore, #tpu.memory_space<semaphore_mem>>) src(%arg12 : memref<80x128xf32, #tpu.memory_space<vmem>>) dst(%dma_wait3A_488 : memref<10240x128xf32, #tpu.memory_space<vmem_shared>>)
      } else {
      }
      %add3A_216 = arith.constant 2 : i32
      %add3A_217 = arith.addi %add3A_207, %add3A_216 : i32
      %lt3A_218 = arith.constant 128 : i32
      %lt3A_219 = arith.cmpi slt, %add3A_217, %lt3A_218 : i32
      %convert_element_type3A_220 = arith.extui %lt3A_219 : i1 to i32
      %cond3A_221 = arith.constant 0 : i32
      %cond3A_222 = arith.cmpi ne, %convert_element_type3A_220, %cond3A_221 : i32
      scf.if %cond3A_222 {
        %add3A_482 = arith.constant 2 : i32
        %add3A_483 = arith.addi %add3A_207, %add3A_482 : i32
        %dma_wait3A_484 = arith.constant 2 : i32
        %dma_wait3A_485 = arith.constant 0 : i32
        %dma_wait3A_486 = tpu.memref_slice %arg8[%dma_wait3A_484, %dma_wait3A_485] : memref<8x80xi32, #tpu.memory_space<vmem>> -> memref<1x80xi32, #tpu.memory_space<vmem>>
        %dma_wait3A_487 = tpu.memref_squeeze %dma_wait3A_486 : memref<1x80xi32, #tpu.memory_space<vmem>> -> memref<80xi32, #tpu.memory_space<vmem>>
        %dma_wait3A_488 = arith.constant 0 : i32
        %dma_wait3A_489 = tpu.memref_slice %arg3[%add3A, %add3A_483, %dma_wait3A_488] : memref<32x128x80xi32, #tpu.memory_space<hbm>> -> memref<1x1x80xi32, #tpu.memory_space<hbm>>
        %dma_wait3A_490 = tpu.memref_squeeze %dma_wait3A_489 : memref<1x1x80xi32, #tpu.memory_space<hbm>> -> memref<80xi32, #tpu.memory_space<hbm>>
        %dma_wait3A_491 = arith.constant 0 : i32
        %dma_wait3A_492 = tpu.memref_slice %arg8[%dma_wait3A_484, %dma_wait3A_491] : memref<8x80xi32, #tpu.memory_space<vmem>> -> memref<1x80xi32, #tpu.memory_space<vmem>>
        %dma_wait3A_493 = tpu.memref_squeeze %dma_wait3A_492 : memref<1x80xi32, #tpu.memory_space<vmem>> -> memref<80xi32, #tpu.memory_space<vmem>>
        %dma_wait3A_494 = arith.constant 0 : i32
        %dma_wait3A_495 = tpu.memref_slice %arg3[%add3A, %add3A_483, %dma_wait3A_494] : memref<32x128x80xi32, #tpu.memory_space<hbm>> -> memref<1x1x80xi32, #tpu.memory_space<hbm>>
        %dma_wait3A_496 = tpu.memref_squeeze %dma_wait3A_495 : memref<1x1x80xi32, #tpu.memory_space<hbm>> -> memref<80xi32, #tpu.memory_space<hbm>>
        tpu.wait_dma2 semaphore(%arg16 : memref<!tpu.dma_semaphore, #tpu.memory_space<semaphore_mem>>) src(%dma_wait3A_496 : memref<80xi32, #tpu.memory_space<hbm>>) dst(%dma_wait3A_493 : memref<80xi32, #tpu.memory_space<vmem>>)
        %dma_wait3A_497 = arith.constant 2 : i32
        %dma_wait3A_498 = arith.constant 0 : i32
        %dma_wait3A_499 = tpu.memref_slice %arg9[%dma_wait3A_497, %dma_wait3A_498] : memref<8x80xi32, #tpu.memory_space<vmem>> -> memref<1x80xi32, #tpu.memory_space<vmem>>
        %dma_wait3A_500 = tpu.memref_squeeze %dma_wait3A_499 : memref<1x80xi32, #tpu.memory_space<vmem>> -> memref<80xi32, #tpu.memory_space<vmem>>
        %dma_wait3A_501 = arith.constant 0 : i32
        %dma_wait3A_502 = tpu.memref_slice %arg4[%add3A, %add3A_483, %dma_wait3A_501] : memref<32x128x80xi32, #tpu.memory_space<hbm>> -> memref<1x1x80xi32, #tpu.memory_space<hbm>>
        %dma_wait3A_503 = tpu.memref_squeeze %dma_wait3A_502 : memref<1x1x80xi32, #tpu.memory_space<hbm>> -> memref<80xi32, #tpu.memory_space<hbm>>
        %dma_wait3A_504 = arith.constant 0 : i32
        %dma_wait3A_505 = tpu.memref_slice %arg9[%dma_wait3A_497, %dma_wait3A_504] : memref<8x80xi32, #tpu.memory_space<vmem>> -> memref<1x80xi32, #tpu.memory_space<vmem>>
        %dma_wait3A_506 = tpu.memref_squeeze %dma_wait3A_505 : memref<1x80xi32, #tpu.memory_space<vmem>> -> memref<80xi32, #tpu.memory_space<vmem>>
        %dma_wait3A_507 = arith.constant 0 : i32
        %dma_wait3A_508 = tpu.memref_slice %arg4[%add3A, %add3A_483, %dma_wait3A_507] : memref<32x128x80xi32, #tpu.memory_space<hbm>> -> memref<1x1x80xi32, #tpu.memory_space<hbm>>
        %dma_wait3A_509 = tpu.memref_squeeze %dma_wait3A_508 : memref<1x1x80xi32, #tpu.memory_space<hbm>> -> memref<80xi32, #tpu.memory_space<hbm>>
        tpu.wait_dma2 semaphore(%arg16 : memref<!tpu.dma_semaphore, #tpu.memory_space<semaphore_mem>>) src(%dma_wait3A_509 : memref<80xi32, #tpu.memory_space<hbm>>) dst(%dma_wait3A_506 : memref<80xi32, #tpu.memory_space<vmem>>)
        %dma_start3A_510 = arith.constant 2 : i32
        %dma_start3A_511 = arith.constant 0 : i32
        %dma_start3A_512 = tpu.memref_slice %arg8[%dma_start3A_510, %dma_start3A_511] : memref<8x80xi32, #tpu.memory_space<vmem>> -> memref<1x80xi32, #tpu.memory_space<vmem>>
        %dma_start3A_513 = tpu.memref_squeeze %dma_start3A_512 : memref<1x80xi32, #tpu.memory_space<vmem>> -> memref<80xi32, #tpu.memory_space<vmem>>
        %dma_start3A_514 = arith.constant 0 : i32
        %dma_start3A_515 = arith.constant 0 : i32
        %dma_start3A_516 = tpu.memref_slice %arg2[%dma_start3A_514, %dma_start3A_515] : memref<10240x128xf32, #tpu.memory_space<hbm>> -> memref<10240x128xf32, #tpu.memory_space<hbm>>
        tpu.enqueue_indirect_dma source(%dma_start3A_516 : memref<10240x128xf32, #tpu.memory_space<hbm>>) target(%arg12 : memref<80x128xf32, #tpu.memory_space<vmem>>) offsets(%dma_start3A_513 : memref<80xi32, #tpu.memory_space<vmem>>) semaphore(%arg24 : memref<!tpu.dma_semaphore, #tpu.memory_space<semaphore_mem>>)
      } else {
      }
      %dma_wait3A_223 = arith.constant 0 : i32
      %dma_wait3A_224 = arith.constant 0 : i32
      %dma_wait3A_225 = tpu.memref_slice %arg8[%dma_wait3A_223, %dma_wait3A_224] : memref<8x80xi32, #tpu.memory_space<vmem>> -> memref<1x80xi32, #tpu.memory_space<vmem>>
      %dma_wait3A_226 = tpu.memref_squeeze %dma_wait3A_225 : memref<1x80xi32, #tpu.memory_space<vmem>> -> memref<80xi32, #tpu.memory_space<vmem>>
      %dma_wait3A_227 = arith.constant 0 : i32
      %dma_wait3A_228 = arith.constant 0 : i32
      %dma_wait3A_229 = tpu.memref_slice %arg2[%dma_wait3A_227, %dma_wait3A_228] : memref<10240x128xf32, #tpu.memory_space<hbm>> -> memref<10240x128xf32, #tpu.memory_space<hbm>>
      tpu.wait_indirect_dma semaphore(%arg22 : memref<!tpu.dma_semaphore, #tpu.memory_space<semaphore_mem>>) src(%dma_wait3A_229 : memref<10240x128xf32, #tpu.memory_space<hbm>>) dst(%arg10 : memref<80x128xf32, #tpu.memory_space<vmem>>)
      %dma_start3A_230 = arith.constant 0 : i32
      %dma_start3A_231 = arith.constant 0 : i32
      %dma_start3A_232 = tpu.memref_slice %arg9[%dma_start3A_230, %dma_start3A_231] : memref<8x80xi32, #tpu.memory_space<vmem>> -> memref<1x80xi32, #tpu.memory_space<vmem>>
      %dma_start3A_233 = tpu.memref_squeeze %dma_start3A_232 : memref<1x80xi32, #tpu.memory_space<vmem>> -> memref<80xi32, #tpu.memory_space<vmem>>
      %dma_start3A_234 = arith.constant 0 : i32
      %dma_start3A_235 = arith.constant 0 : i32
      %dma_start3A_236 = tpu.memref_slice %arg7[%dma_start3A_234, %dma_start3A_235] : memref<10240x128xf32, #tpu.memory_space<vmem_shared>> -> memref<10240x128xf32, #tpu.memory_space<vmem_shared>>
      tpu.enqueue_indirect_dma source(%arg10 : memref<80x128xf32, #tpu.memory_space<vmem>>) target(%dma_start3A_236 : memref<10240x128xf32, #tpu.memory_space<vmem_shared>>) offsets(%dma_start3A_233 : memref<80xi32, #tpu.memory_space<vmem>>) semaphore(%arg26 : memref<!tpu.dma_semaphore, #tpu.memory_space<semaphore_mem>>) {add = true}
      %add3A_237 = arith.constant 1 : i32
      %add3A_238 = arith.addi %mul3A_205, %add3A_237 : i32
      %add3A_239 = arith.constant 4 : i32
      %add3A_240 = arith.addi %add3A_238, %add3A_239 : i32
      %lt3A_241 = arith.constant 128 : i32
      %lt3A_242 = arith.cmpi slt, %add3A_240, %lt3A_241 : i32
      %convert_element_type3A_243 = arith.extui %lt3A_242 : i1 to i32
      %cond3A_244 = arith.constant 0 : i32
      %cond3A_245 = arith.cmpi ne, %convert_element_type3A_243, %cond3A_244 : i32
      scf.if %cond3A_245 {
        %add3A_482 = arith.constant 4 : i32
        %add3A_483 = arith.addi %add3A_238, %add3A_482 : i32
        %dma_start3A_484 = arith.constant 5 : i32
        %dma_start3A_485 = arith.constant 0 : i32
        %dma_start3A_486 = tpu.memref_slice %arg8[%dma_start3A_484, %dma_start3A_485] : memref<8x80xi32, #tpu.memory_space<vmem>> -> memref<1x80xi32, #tpu.memory_space<vmem>>
        %dma_start3A_487 = tpu.memref_squeeze %dma_start3A_486 : memref<1x80xi32, #tpu.memory_space<vmem>> -> memref<80xi32, #tpu.memory_space<vmem>>
        %dma_start3A_488 = arith.constant 0 : i32
        %dma_start3A_489 = tpu.memref_slice %arg3[%add3A, %add3A_483, %dma_start3A_488] : memref<32x128x80xi32, #tpu.memory_space<hbm>> -> memref<1x1x80xi32, #tpu.memory_space<hbm>>
        %dma_start3A_490 = tpu.memref_squeeze %dma_start3A_489 : memref<1x1x80xi32, #tpu.memory_space<hbm>> -> memref<80xi32, #tpu.memory_space<hbm>>
        %dma_start3A_491 = arith.constant 0 : i32
        %dma_start3A_492 = tpu.memref_slice %arg8[%dma_start3A_484, %dma_start3A_491] : memref<8x80xi32, #tpu.memory_space<vmem>> -> memref<1x80xi32, #tpu.memory_space<vmem>>
        %dma_start3A_493 = tpu.memref_squeeze %dma_start3A_492 : memref<1x80xi32, #tpu.memory_space<vmem>> -> memref<80xi32, #tpu.memory_space<vmem>>
        %dma_start3A_494 = arith.constant 0 : i32
        %dma_start3A_495 = tpu.memref_slice %arg3[%add3A, %add3A_483, %dma_start3A_494] : memref<32x128x80xi32, #tpu.memory_space<hbm>> -> memref<1x1x80xi32, #tpu.memory_space<hbm>>
        %dma_start3A_496 = tpu.memref_squeeze %dma_start3A_495 : memref<1x1x80xi32, #tpu.memory_space<hbm>> -> memref<80xi32, #tpu.memory_space<hbm>>
        tpu.enqueue_dma source(%dma_start3A_496 : memref<80xi32, #tpu.memory_space<hbm>>) target(%dma_start3A_493 : memref<80xi32, #tpu.memory_space<vmem>>) target_semaphore(%arg19 : memref<!tpu.dma_semaphore, #tpu.memory_space<semaphore_mem>>)
        %dma_start3A_497 = arith.constant 5 : i32
        %dma_start3A_498 = arith.constant 0 : i32
        %dma_start3A_499 = tpu.memref_slice %arg9[%dma_start3A_497, %dma_start3A_498] : memref<8x80xi32, #tpu.memory_space<vmem>> -> memref<1x80xi32, #tpu.memory_space<vmem>>
        %dma_start3A_500 = tpu.memref_squeeze %dma_start3A_499 : memref<1x80xi32, #tpu.memory_space<vmem>> -> memref<80xi32, #tpu.memory_space<vmem>>
        %dma_start3A_501 = arith.constant 0 : i32
        %dma_start3A_502 = tpu.memref_slice %arg4[%add3A, %add3A_483, %dma_start3A_501] : memref<32x128x80xi32, #tpu.memory_space<hbm>> -> memref<1x1x80xi32, #tpu.memory_space<hbm>>
        %dma_start3A_503 = tpu.memref_squeeze %dma_start3A_502 : memref<1x1x80xi32, #tpu.memory_space<hbm>> -> memref<80xi32, #tpu.memory_space<hbm>>
        %dma_start3A_504 = arith.constant 0 : i32
        %dma_start3A_505 = tpu.memref_slice %arg9[%dma_start3A_497, %dma_start3A_504] : memref<8x80xi32, #tpu.memory_space<vmem>> -> memref<1x80xi32, #tpu.memory_space<vmem>>
        %dma_start3A_506 = tpu.memref_squeeze %dma_start3A_505 : memref<1x80xi32, #tpu.memory_space<vmem>> -> memref<80xi32, #tpu.memory_space<vmem>>
        %dma_start3A_507 = arith.constant 0 : i32
        %dma_start3A_508 = tpu.memref_slice %arg4[%add3A, %add3A_483, %dma_start3A_507] : memref<32x128x80xi32, #tpu.memory_space<hbm>> -> memref<1x1x80xi32, #tpu.memory_space<hbm>>
        %dma_start3A_509 = tpu.memref_squeeze %dma_start3A_508 : memref<1x1x80xi32, #tpu.memory_space<hbm>> -> memref<80xi32, #tpu.memory_space<hbm>>
        tpu.enqueue_dma source(%dma_start3A_509 : memref<80xi32, #tpu.memory_space<hbm>>) target(%dma_start3A_506 : memref<80xi32, #tpu.memory_space<vmem>>) target_semaphore(%arg19 : memref<!tpu.dma_semaphore, #tpu.memory_space<semaphore_mem>>)
      } else {
      }
      %ge3A_246 = arith.constant 2 : i32
      %ge3A_247 = arith.cmpi sge, %add3A_238, %ge3A_246 : i32
      %convert_element_type3A_248 = arith.extui %ge3A_247 : i1 to i32
      %cond3A_249 = arith.constant 0 : i32
      %cond3A_250 = arith.cmpi ne, %convert_element_type3A_248, %cond3A_249 : i32
      scf.if %cond3A_250 {
        %dma_wait3A_482 = arith.constant 0 : i32
        %dma_wait3A_483 = arith.constant 0 : i32
        %dma_wait3A_484 = tpu.memref_slice %arg9[%dma_wait3A_482, %dma_wait3A_483] : memref<8x80xi32, #tpu.memory_space<vmem>> -> memref<1x80xi32, #tpu.memory_space<vmem>>
        %dma_wait3A_485 = tpu.memref_squeeze %dma_wait3A_484 : memref<1x80xi32, #tpu.memory_space<vmem>> -> memref<80xi32, #tpu.memory_space<vmem>>
        %dma_wait3A_486 = arith.constant 0 : i32
        %dma_wait3A_487 = arith.constant 0 : i32
        %dma_wait3A_488 = tpu.memref_slice %arg7[%dma_wait3A_486, %dma_wait3A_487] : memref<10240x128xf32, #tpu.memory_space<vmem_shared>> -> memref<10240x128xf32, #tpu.memory_space<vmem_shared>>
        tpu.wait_indirect_dma semaphore(%arg29 : memref<!tpu.dma_semaphore, #tpu.memory_space<semaphore_mem>>) src(%arg13 : memref<80x128xf32, #tpu.memory_space<vmem>>) dst(%dma_wait3A_488 : memref<10240x128xf32, #tpu.memory_space<vmem_shared>>)
      } else {
      }
      %add3A_251 = arith.constant 2 : i32
      %add3A_252 = arith.addi %add3A_238, %add3A_251 : i32
      %lt3A_253 = arith.constant 128 : i32
      %lt3A_254 = arith.cmpi slt, %add3A_252, %lt3A_253 : i32
      %convert_element_type3A_255 = arith.extui %lt3A_254 : i1 to i32
      %cond3A_256 = arith.constant 0 : i32
      %cond3A_257 = arith.cmpi ne, %convert_element_type3A_255, %cond3A_256 : i32
      scf.if %cond3A_257 {
        %add3A_482 = arith.constant 2 : i32
        %add3A_483 = arith.addi %add3A_238, %add3A_482 : i32
        %dma_wait3A_484 = arith.constant 3 : i32
        %dma_wait3A_485 = arith.constant 0 : i32
        %dma_wait3A_486 = tpu.memref_slice %arg8[%dma_wait3A_484, %dma_wait3A_485] : memref<8x80xi32, #tpu.memory_space<vmem>> -> memref<1x80xi32, #tpu.memory_space<vmem>>
        %dma_wait3A_487 = tpu.memref_squeeze %dma_wait3A_486 : memref<1x80xi32, #tpu.memory_space<vmem>> -> memref<80xi32, #tpu.memory_space<vmem>>
        %dma_wait3A_488 = arith.constant 0 : i32
        %dma_wait3A_489 = tpu.memref_slice %arg3[%add3A, %add3A_483, %dma_wait3A_488] : memref<32x128x80xi32, #tpu.memory_space<hbm>> -> memref<1x1x80xi32, #tpu.memory_space<hbm>>
        %dma_wait3A_490 = tpu.memref_squeeze %dma_wait3A_489 : memref<1x1x80xi32, #tpu.memory_space<hbm>> -> memref<80xi32, #tpu.memory_space<hbm>>
        %dma_wait3A_491 = arith.constant 0 : i32
        %dma_wait3A_492 = tpu.memref_slice %arg8[%dma_wait3A_484, %dma_wait3A_491] : memref<8x80xi32, #tpu.memory_space<vmem>> -> memref<1x80xi32, #tpu.memory_space<vmem>>
        %dma_wait3A_493 = tpu.memref_squeeze %dma_wait3A_492 : memref<1x80xi32, #tpu.memory_space<vmem>> -> memref<80xi32, #tpu.memory_space<vmem>>
        %dma_wait3A_494 = arith.constant 0 : i32
        %dma_wait3A_495 = tpu.memref_slice %arg3[%add3A, %add3A_483, %dma_wait3A_494] : memref<32x128x80xi32, #tpu.memory_space<hbm>> -> memref<1x1x80xi32, #tpu.memory_space<hbm>>
        %dma_wait3A_496 = tpu.memref_squeeze %dma_wait3A_495 : memref<1x1x80xi32, #tpu.memory_space<hbm>> -> memref<80xi32, #tpu.memory_space<hbm>>
        tpu.wait_dma2 semaphore(%arg17 : memref<!tpu.dma_semaphore, #tpu.memory_space<semaphore_mem>>) src(%dma_wait3A_496 : memref<80xi32, #tpu.memory_space<hbm>>) dst(%dma_wait3A_493 : memref<80xi32, #tpu.memory_space<vmem>>)
        %dma_wait3A_497 = arith.constant 3 : i32
        %dma_wait3A_498 = arith.constant 0 : i32
        %dma_wait3A_499 = tpu.memref_slice %arg9[%dma_wait3A_497, %dma_wait3A_498] : memref<8x80xi32, #tpu.memory_space<vmem>> -> memref<1x80xi32, #tpu.memory_space<vmem>>
        %dma_wait3A_500 = tpu.memref_squeeze %dma_wait3A_499 : memref<1x80xi32, #tpu.memory_space<vmem>> -> memref<80xi32, #tpu.memory_space<vmem>>
        %dma_wait3A_501 = arith.constant 0 : i32
        %dma_wait3A_502 = tpu.memref_slice %arg4[%add3A, %add3A_483, %dma_wait3A_501] : memref<32x128x80xi32, #tpu.memory_space<hbm>> -> memref<1x1x80xi32, #tpu.memory_space<hbm>>
        %dma_wait3A_503 = tpu.memref_squeeze %dma_wait3A_502 : memref<1x1x80xi32, #tpu.memory_space<hbm>> -> memref<80xi32, #tpu.memory_space<hbm>>
        %dma_wait3A_504 = arith.constant 0 : i32
        %dma_wait3A_505 = tpu.memref_slice %arg9[%dma_wait3A_497, %dma_wait3A_504] : memref<8x80xi32, #tpu.memory_space<vmem>> -> memref<1x80xi32, #tpu.memory_space<vmem>>
        %dma_wait3A_506 = tpu.memref_squeeze %dma_wait3A_505 : memref<1x80xi32, #tpu.memory_space<vmem>> -> memref<80xi32, #tpu.memory_space<vmem>>
        %dma_wait3A_507 = arith.constant 0 : i32
        %dma_wait3A_508 = tpu.memref_slice %arg4[%add3A, %add3A_483, %dma_wait3A_507] : memref<32x128x80xi32, #tpu.memory_space<hbm>> -> memref<1x1x80xi32, #tpu.memory_space<hbm>>
        %dma_wait3A_509 = tpu.memref_squeeze %dma_wait3A_508 : memref<1x1x80xi32, #tpu.memory_space<hbm>> -> memref<80xi32, #tpu.memory_space<hbm>>
        tpu.wait_dma2 semaphore(%arg17 : memref<!tpu.dma_semaphore, #tpu.memory_space<semaphore_mem>>) src(%dma_wait3A_509 : memref<80xi32, #tpu.memory_space<hbm>>) dst(%dma_wait3A_506 : memref<80xi32, #tpu.memory_space<vmem>>)
        %dma_start3A_510 = arith.constant 3 : i32
        %dma_start3A_511 = arith.constant 0 : i32
        %dma_start3A_512 = tpu.memref_slice %arg8[%dma_start3A_510, %dma_start3A_511] : memref<8x80xi32, #tpu.memory_space<vmem>> -> memref<1x80xi32, #tpu.memory_space<vmem>>
        %dma_start3A_513 = tpu.memref_squeeze %dma_start3A_512 : memref<1x80xi32, #tpu.memory_space<vmem>> -> memref<80xi32, #tpu.memory_space<vmem>>
        %dma_start3A_514 = arith.constant 0 : i32
        %dma_start3A_515 = arith.constant 0 : i32
        %dma_start3A_516 = tpu.memref_slice %arg2[%dma_start3A_514, %dma_start3A_515] : memref<10240x128xf32, #tpu.memory_space<hbm>> -> memref<10240x128xf32, #tpu.memory_space<hbm>>
        tpu.enqueue_indirect_dma source(%dma_start3A_516 : memref<10240x128xf32, #tpu.memory_space<hbm>>) target(%arg13 : memref<80x128xf32, #tpu.memory_space<vmem>>) offsets(%dma_start3A_513 : memref<80xi32, #tpu.memory_space<vmem>>) semaphore(%arg25 : memref<!tpu.dma_semaphore, #tpu.memory_space<semaphore_mem>>)
      } else {
      }
      %dma_wait3A_258 = arith.constant 0 : i32
      %dma_wait3A_259 = arith.constant 0 : i32
      %dma_wait3A_260 = tpu.memref_slice %arg8[%dma_wait3A_258, %dma_wait3A_259] : memref<8x80xi32, #tpu.memory_space<vmem>> -> memref<1x80xi32, #tpu.memory_space<vmem>>
      %dma_wait3A_261 = tpu.memref_squeeze %dma_wait3A_260 : memref<1x80xi32, #tpu.memory_space<vmem>> -> memref<80xi32, #tpu.memory_space<vmem>>
      %dma_wait3A_262 = arith.constant 0 : i32
      %dma_wait3A_263 = arith.constant 0 : i32
      %dma_wait3A_264 = tpu.memref_slice %arg2[%dma_wait3A_262, %dma_wait3A_263] : memref<10240x128xf32, #tpu.memory_space<hbm>> -> memref<10240x128xf32, #tpu.memory_space<hbm>>
      tpu.wait_indirect_dma semaphore(%arg23 : memref<!tpu.dma_semaphore, #tpu.memory_space<semaphore_mem>>) src(%dma_wait3A_264 : memref<10240x128xf32, #tpu.memory_space<hbm>>) dst(%arg11 : memref<80x128xf32, #tpu.memory_space<vmem>>)
      %dma_start3A_265 = arith.constant 1 : i32
      %dma_start3A_266 = arith.constant 0 : i32
      %dma_start3A_267 = tpu.memref_slice %arg9[%dma_start3A_265, %dma_start3A_266] : memref<8x80xi32, #tpu.memory_space<vmem>> -> memref<1x80xi32, #tpu.memory_space<vmem>>
      %dma_start3A_268 = tpu.memref_squeeze %dma_start3A_267 : memref<1x80xi32, #tpu.memory_space<vmem>> -> memref<80xi32, #tpu.memory_space<vmem>>
      %dma_start3A_269 = arith.constant 0 : i32
      %dma_start3A_270 = arith.constant 0 : i32
      %dma_start3A_271 = tpu.memref_slice %arg7[%dma_start3A_269, %dma_start3A_270] : memref<10240x128xf32, #tpu.memory_space<vmem_shared>> -> memref<10240x128xf32, #tpu.memory_space<vmem_shared>>
      tpu.enqueue_indirect_dma source(%arg11 : memref<80x128xf32, #tpu.memory_space<vmem>>) target(%dma_start3A_271 : memref<10240x128xf32, #tpu.memory_space<vmem_shared>>) offsets(%dma_start3A_268 : memref<80xi32, #tpu.memory_space<vmem>>) semaphore(%arg27 : memref<!tpu.dma_semaphore, #tpu.memory_space<semaphore_mem>>) {add = true}
      %add3A_272 = arith.constant 2 : i32
      %add3A_273 = arith.addi %mul3A_205, %add3A_272 : i32
      %add3A_274 = arith.constant 4 : i32
      %add3A_275 = arith.addi %add3A_273, %add3A_274 : i32
      %lt3A_276 = arith.constant 128 : i32
      %lt3A_277 = arith.cmpi slt, %add3A_275, %lt3A_276 : i32
      %convert_element_type3A_278 = arith.extui %lt3A_277 : i1 to i32
      %cond3A_279 = arith.constant 0 : i32
      %cond3A_280 = arith.cmpi ne, %convert_element_type3A_278, %cond3A_279 : i32
      scf.if %cond3A_280 {
        %add3A_482 = arith.constant 4 : i32
        %add3A_483 = arith.addi %add3A_273, %add3A_482 : i32
        %dma_start3A_484 = arith.constant 6 : i32
        %dma_start3A_485 = arith.constant 0 : i32
        %dma_start3A_486 = tpu.memref_slice %arg8[%dma_start3A_484, %dma_start3A_485] : memref<8x80xi32, #tpu.memory_space<vmem>> -> memref<1x80xi32, #tpu.memory_space<vmem>>
        %dma_start3A_487 = tpu.memref_squeeze %dma_start3A_486 : memref<1x80xi32, #tpu.memory_space<vmem>> -> memref<80xi32, #tpu.memory_space<vmem>>
        %dma_start3A_488 = arith.constant 0 : i32
        %dma_start3A_489 = tpu.memref_slice %arg3[%add3A, %add3A_483, %dma_start3A_488] : memref<32x128x80xi32, #tpu.memory_space<hbm>> -> memref<1x1x80xi32, #tpu.memory_space<hbm>>
        %dma_start3A_490 = tpu.memref_squeeze %dma_start3A_489 : memref<1x1x80xi32, #tpu.memory_space<hbm>> -> memref<80xi32, #tpu.memory_space<hbm>>
        %dma_start3A_491 = arith.constant 0 : i32
        %dma_start3A_492 = tpu.memref_slice %arg8[%dma_start3A_484, %dma_start3A_491] : memref<8x80xi32, #tpu.memory_space<vmem>> -> memref<1x80xi32, #tpu.memory_space<vmem>>
        %dma_start3A_493 = tpu.memref_squeeze %dma_start3A_492 : memref<1x80xi32, #tpu.memory_space<vmem>> -> memref<80xi32, #tpu.memory_space<vmem>>
        %dma_start3A_494 = arith.constant 0 : i32
        %dma_start3A_495 = tpu.memref_slice %arg3[%add3A, %add3A_483, %dma_start3A_494] : memref<32x128x80xi32, #tpu.memory_space<hbm>> -> memref<1x1x80xi32, #tpu.memory_space<hbm>>
        %dma_start3A_496 = tpu.memref_squeeze %dma_start3A_495 : memref<1x1x80xi32, #tpu.memory_space<hbm>> -> memref<80xi32, #tpu.memory_space<hbm>>
        tpu.enqueue_dma source(%dma_start3A_496 : memref<80xi32, #tpu.memory_space<hbm>>) target(%dma_start3A_493 : memref<80xi32, #tpu.memory_space<vmem>>) target_semaphore(%arg20 : memref<!tpu.dma_semaphore, #tpu.memory_space<semaphore_mem>>)
        %dma_start3A_497 = arith.constant 6 : i32
        %dma_start3A_498 = arith.constant 0 : i32
        %dma_start3A_499 = tpu.memref_slice %arg9[%dma_start3A_497, %dma_start3A_498] : memref<8x80xi32, #tpu.memory_space<vmem>> -> memref<1x80xi32, #tpu.memory_space<vmem>>
        %dma_start3A_500 = tpu.memref_squeeze %dma_start3A_499 : memref<1x80xi32, #tpu.memory_space<vmem>> -> memref<80xi32, #tpu.memory_space<vmem>>
        %dma_start3A_501 = arith.constant 0 : i32
        %dma_start3A_502 = tpu.memref_slice %arg4[%add3A, %add3A_483, %dma_start3A_501] : memref<32x128x80xi32, #tpu.memory_space<hbm>> -> memref<1x1x80xi32, #tpu.memory_space<hbm>>
        %dma_start3A_503 = tpu.memref_squeeze %dma_start3A_502 : memref<1x1x80xi32, #tpu.memory_space<hbm>> -> memref<80xi32, #tpu.memory_space<hbm>>
        %dma_start3A_504 = arith.constant 0 : i32
        %dma_start3A_505 = tpu.memref_slice %arg9[%dma_start3A_497, %dma_start3A_504] : memref<8x80xi32, #tpu.memory_space<vmem>> -> memref<1x80xi32, #tpu.memory_space<vmem>>
        %dma_start3A_506 = tpu.memref_squeeze %dma_start3A_505 : memref<1x80xi32, #tpu.memory_space<vmem>> -> memref<80xi32, #tpu.memory_space<vmem>>
        %dma_start3A_507 = arith.constant 0 : i32
        %dma_start3A_508 = tpu.memref_slice %arg4[%add3A, %add3A_483, %dma_start3A_507] : memref<32x128x80xi32, #tpu.memory_space<hbm>> -> memref<1x1x80xi32, #tpu.memory_space<hbm>>
        %dma_start3A_509 = tpu.memref_squeeze %dma_start3A_508 : memref<1x1x80xi32, #tpu.memory_space<hbm>> -> memref<80xi32, #tpu.memory_space<hbm>>
        tpu.enqueue_dma source(%dma_start3A_509 : memref<80xi32, #tpu.memory_space<hbm>>) target(%dma_start3A_506 : memref<80xi32, #tpu.memory_space<vmem>>) target_semaphore(%arg20 : memref<!tpu.dma_semaphore, #tpu.memory_space<semaphore_mem>>)
      } else {
      }
      %ge3A_281 = arith.constant 2 : i32
      %ge3A_282 = arith.cmpi sge, %add3A_273, %ge3A_281 : i32
      %convert_element_type3A_283 = arith.extui %ge3A_282 : i1 to i32
      %cond3A_284 = arith.constant 0 : i32
      %cond3A_285 = arith.cmpi ne, %convert_element_type3A_283, %cond3A_284 : i32
      scf.if %cond3A_285 {
        %dma_wait3A_482 = arith.constant 0 : i32
        %dma_wait3A_483 = arith.constant 0 : i32
        %dma_wait3A_484 = tpu.memref_slice %arg9[%dma_wait3A_482, %dma_wait3A_483] : memref<8x80xi32, #tpu.memory_space<vmem>> -> memref<1x80xi32, #tpu.memory_space<vmem>>
        %dma_wait3A_485 = tpu.memref_squeeze %dma_wait3A_484 : memref<1x80xi32, #tpu.memory_space<vmem>> -> memref<80xi32, #tpu.memory_space<vmem>>
        %dma_wait3A_486 = arith.constant 0 : i32
        %dma_wait3A_487 = arith.constant 0 : i32
        %dma_wait3A_488 = tpu.memref_slice %arg7[%dma_wait3A_486, %dma_wait3A_487] : memref<10240x128xf32, #tpu.memory_space<vmem_shared>> -> memref<10240x128xf32, #tpu.memory_space<vmem_shared>>
        tpu.wait_indirect_dma semaphore(%arg26 : memref<!tpu.dma_semaphore, #tpu.memory_space<semaphore_mem>>) src(%arg10 : memref<80x128xf32, #tpu.memory_space<vmem>>) dst(%dma_wait3A_488 : memref<10240x128xf32, #tpu.memory_space<vmem_shared>>)
      } else {
      }
      %add3A_286 = arith.constant 2 : i32
      %add3A_287 = arith.addi %add3A_273, %add3A_286 : i32
      %lt3A_288 = arith.constant 128 : i32
      %lt3A_289 = arith.cmpi slt, %add3A_287, %lt3A_288 : i32
      %convert_element_type3A_290 = arith.extui %lt3A_289 : i1 to i32
      %cond3A_291 = arith.constant 0 : i32
      %cond3A_292 = arith.cmpi ne, %convert_element_type3A_290, %cond3A_291 : i32
      scf.if %cond3A_292 {
        %add3A_482 = arith.constant 2 : i32
        %add3A_483 = arith.addi %add3A_273, %add3A_482 : i32
        %dma_wait3A_484 = arith.constant 4 : i32
        %dma_wait3A_485 = arith.constant 0 : i32
        %dma_wait3A_486 = tpu.memref_slice %arg8[%dma_wait3A_484, %dma_wait3A_485] : memref<8x80xi32, #tpu.memory_space<vmem>> -> memref<1x80xi32, #tpu.memory_space<vmem>>
        %dma_wait3A_487 = tpu.memref_squeeze %dma_wait3A_486 : memref<1x80xi32, #tpu.memory_space<vmem>> -> memref<80xi32, #tpu.memory_space<vmem>>
        %dma_wait3A_488 = arith.constant 0 : i32
        %dma_wait3A_489 = tpu.memref_slice %arg3[%add3A, %add3A_483, %dma_wait3A_488] : memref<32x128x80xi32, #tpu.memory_space<hbm>> -> memref<1x1x80xi32, #tpu.memory_space<hbm>>
        %dma_wait3A_490 = tpu.memref_squeeze %dma_wait3A_489 : memref<1x1x80xi32, #tpu.memory_space<hbm>> -> memref<80xi32, #tpu.memory_space<hbm>>
        %dma_wait3A_491 = arith.constant 0 : i32
        %dma_wait3A_492 = tpu.memref_slice %arg8[%dma_wait3A_484, %dma_wait3A_491] : memref<8x80xi32, #tpu.memory_space<vmem>> -> memref<1x80xi32, #tpu.memory_space<vmem>>
        %dma_wait3A_493 = tpu.memref_squeeze %dma_wait3A_492 : memref<1x80xi32, #tpu.memory_space<vmem>> -> memref<80xi32, #tpu.memory_space<vmem>>
        %dma_wait3A_494 = arith.constant 0 : i32
        %dma_wait3A_495 = tpu.memref_slice %arg3[%add3A, %add3A_483, %dma_wait3A_494] : memref<32x128x80xi32, #tpu.memory_space<hbm>> -> memref<1x1x80xi32, #tpu.memory_space<hbm>>
        %dma_wait3A_496 = tpu.memref_squeeze %dma_wait3A_495 : memref<1x1x80xi32, #tpu.memory_space<hbm>> -> memref<80xi32, #tpu.memory_space<hbm>>
        tpu.wait_dma2 semaphore(%arg18 : memref<!tpu.dma_semaphore, #tpu.memory_space<semaphore_mem>>) src(%dma_wait3A_496 : memref<80xi32, #tpu.memory_space<hbm>>) dst(%dma_wait3A_493 : memref<80xi32, #tpu.memory_space<vmem>>)
        %dma_wait3A_497 = arith.constant 4 : i32
        %dma_wait3A_498 = arith.constant 0 : i32
        %dma_wait3A_499 = tpu.memref_slice %arg9[%dma_wait3A_497, %dma_wait3A_498] : memref<8x80xi32, #tpu.memory_space<vmem>> -> memref<1x80xi32, #tpu.memory_space<vmem>>
        %dma_wait3A_500 = tpu.memref_squeeze %dma_wait3A_499 : memref<1x80xi32, #tpu.memory_space<vmem>> -> memref<80xi32, #tpu.memory_space<vmem>>
        %dma_wait3A_501 = arith.constant 0 : i32
        %dma_wait3A_502 = tpu.memref_slice %arg4[%add3A, %add3A_483, %dma_wait3A_501] : memref<32x128x80xi32, #tpu.memory_space<hbm>> -> memref<1x1x80xi32, #tpu.memory_space<hbm>>
        %dma_wait3A_503 = tpu.memref_squeeze %dma_wait3A_502 : memref<1x1x80xi32, #tpu.memory_space<hbm>> -> memref<80xi32, #tpu.memory_space<hbm>>
        %dma_wait3A_504 = arith.constant 0 : i32
        %dma_wait3A_505 = tpu.memref_slice %arg9[%dma_wait3A_497, %dma_wait3A_504] : memref<8x80xi32, #tpu.memory_space<vmem>> -> memref<1x80xi32, #tpu.memory_space<vmem>>
        %dma_wait3A_506 = tpu.memref_squeeze %dma_wait3A_505 : memref<1x80xi32, #tpu.memory_space<vmem>> -> memref<80xi32, #tpu.memory_space<vmem>>
        %dma_wait3A_507 = arith.constant 0 : i32
        %dma_wait3A_508 = tpu.memref_slice %arg4[%add3A, %add3A_483, %dma_wait3A_507] : memref<32x128x80xi32, #tpu.memory_space<hbm>> -> memref<1x1x80xi32, #tpu.memory_space<hbm>>
        %dma_wait3A_509 = tpu.memref_squeeze %dma_wait3A_508 : memref<1x1x80xi32, #tpu.memory_space<hbm>> -> memref<80xi32, #tpu.memory_space<hbm>>
        tpu.wait_dma2 semaphore(%arg18 : memref<!tpu.dma_semaphore, #tpu.memory_space<semaphore_mem>>) src(%dma_wait3A_509 : memref<80xi32, #tpu.memory_space<hbm>>) dst(%dma_wait3A_506 : memref<80xi32, #tpu.memory_space<vmem>>)
        %dma_start3A_510 = arith.constant 4 : i32
        %dma_start3A_511 = arith.constant 0 : i32
        %dma_start3A_512 = tpu.memref_slice %arg8[%dma_start3A_510, %dma_start3A_511] : memref<8x80xi32, #tpu.memory_space<vmem>> -> memref<1x80xi32, #tpu.memory_space<vmem>>
        %dma_start3A_513 = tpu.memref_squeeze %dma_start3A_512 : memref<1x80xi32, #tpu.memory_space<vmem>> -> memref<80xi32, #tpu.memory_space<vmem>>
        %dma_start3A_514 = arith.constant 0 : i32
        %dma_start3A_515 = arith.constant 0 : i32
        %dma_start3A_516 = tpu.memref_slice %arg2[%dma_start3A_514, %dma_start3A_515] : memref<10240x128xf32, #tpu.memory_space<hbm>> -> memref<10240x128xf32, #tpu.memory_space<hbm>>
        tpu.enqueue_indirect_dma source(%dma_start3A_516 : memref<10240x128xf32, #tpu.memory_space<hbm>>) target(%arg10 : memref<80x128xf32, #tpu.memory_space<vmem>>) offsets(%dma_start3A_513 : memref<80xi32, #tpu.memory_space<vmem>>) semaphore(%arg22 : memref<!tpu.dma_semaphore, #tpu.memory_space<semaphore_mem>>)
      } else {
      }
      %dma_wait3A_293 = arith.constant 0 : i32
      %dma_wait3A_294 = arith.constant 0 : i32
      %dma_wait3A_295 = tpu.memref_slice %arg8[%dma_wait3A_293, %dma_wait3A_294] : memref<8x80xi32, #tpu.memory_space<vmem>> -> memref<1x80xi32, #tpu.memory_space<vmem>>
      %dma_wait3A_296 = tpu.memref_squeeze %dma_wait3A_295 : memref<1x80xi32, #tpu.memory_space<vmem>> -> memref<80xi32, #tpu.memory_space<vmem>>
      %dma_wait3A_297 = arith.constant 0 : i32
      %dma_wait3A_298 = arith.constant 0 : i32
      %dma_wait3A_299 = tpu.memref_slice %arg2[%dma_wait3A_297, %dma_wait3A_298] : memref<10240x128xf32, #tpu.memory_space<hbm>> -> memref<10240x128xf32, #tpu.memory_space<hbm>>
      tpu.wait_indirect_dma semaphore(%arg24 : memref<!tpu.dma_semaphore, #tpu.memory_space<semaphore_mem>>) src(%dma_wait3A_299 : memref<10240x128xf32, #tpu.memory_space<hbm>>) dst(%arg12 : memref<80x128xf32, #tpu.memory_space<vmem>>)
      %dma_start3A_300 = arith.constant 2 : i32
      %dma_start3A_301 = arith.constant 0 : i32
      %dma_start3A_302 = tpu.memref_slice %arg9[%dma_start3A_300, %dma_start3A_301] : memref<8x80xi32, #tpu.memory_space<vmem>> -> memref<1x80xi32, #tpu.memory_space<vmem>>
      %dma_start3A_303 = tpu.memref_squeeze %dma_start3A_302 : memref<1x80xi32, #tpu.memory_space<vmem>> -> memref<80xi32, #tpu.memory_space<vmem>>
      %dma_start3A_304 = arith.constant 0 : i32
      %dma_start3A_305 = arith.constant 0 : i32
      %dma_start3A_306 = tpu.memref_slice %arg7[%dma_start3A_304, %dma_start3A_305] : memref<10240x128xf32, #tpu.memory_space<vmem_shared>> -> memref<10240x128xf32, #tpu.memory_space<vmem_shared>>
      tpu.enqueue_indirect_dma source(%arg12 : memref<80x128xf32, #tpu.memory_space<vmem>>) target(%dma_start3A_306 : memref<10240x128xf32, #tpu.memory_space<vmem_shared>>) offsets(%dma_start3A_303 : memref<80xi32, #tpu.memory_space<vmem>>) semaphore(%arg28 : memref<!tpu.dma_semaphore, #tpu.memory_space<semaphore_mem>>) {add = true}
      %add3A_307 = arith.constant 3 : i32
      %add3A_308 = arith.addi %mul3A_205, %add3A_307 : i32
      %add3A_309 = arith.constant 4 : i32
      %add3A_310 = arith.addi %add3A_308, %add3A_309 : i32
      %lt3A_311 = arith.constant 128 : i32
      %lt3A_312 = arith.cmpi slt, %add3A_310, %lt3A_311 : i32
      %convert_element_type3A_313 = arith.extui %lt3A_312 : i1 to i32
      %cond3A_314 = arith.constant 0 : i32
      %cond3A_315 = arith.cmpi ne, %convert_element_type3A_313, %cond3A_314 : i32
      scf.if %cond3A_315 {
        %add3A_482 = arith.constant 4 : i32
        %add3A_483 = arith.addi %add3A_308, %add3A_482 : i32
        %dma_start3A_484 = arith.constant 7 : i32
        %dma_start3A_485 = arith.constant 0 : i32
        %dma_start3A_486 = tpu.memref_slice %arg8[%dma_start3A_484, %dma_start3A_485] : memref<8x80xi32, #tpu.memory_space<vmem>> -> memref<1x80xi32, #tpu.memory_space<vmem>>
        %dma_start3A_487 = tpu.memref_squeeze %dma_start3A_486 : memref<1x80xi32, #tpu.memory_space<vmem>> -> memref<80xi32, #tpu.memory_space<vmem>>
        %dma_start3A_488 = arith.constant 0 : i32
        %dma_start3A_489 = tpu.memref_slice %arg3[%add3A, %add3A_483, %dma_start3A_488] : memref<32x128x80xi32, #tpu.memory_space<hbm>> -> memref<1x1x80xi32, #tpu.memory_space<hbm>>
        %dma_start3A_490 = tpu.memref_squeeze %dma_start3A_489 : memref<1x1x80xi32, #tpu.memory_space<hbm>> -> memref<80xi32, #tpu.memory_space<hbm>>
        %dma_start3A_491 = arith.constant 0 : i32
        %dma_start3A_492 = tpu.memref_slice %arg8[%dma_start3A_484, %dma_start3A_491] : memref<8x80xi32, #tpu.memory_space<vmem>> -> memref<1x80xi32, #tpu.memory_space<vmem>>
        %dma_start3A_493 = tpu.memref_squeeze %dma_start3A_492 : memref<1x80xi32, #tpu.memory_space<vmem>> -> memref<80xi32, #tpu.memory_space<vmem>>
        %dma_start3A_494 = arith.constant 0 : i32
        %dma_start3A_495 = tpu.memref_slice %arg3[%add3A, %add3A_483, %dma_start3A_494] : memref<32x128x80xi32, #tpu.memory_space<hbm>> -> memref<1x1x80xi32, #tpu.memory_space<hbm>>
        %dma_start3A_496 = tpu.memref_squeeze %dma_start3A_495 : memref<1x1x80xi32, #tpu.memory_space<hbm>> -> memref<80xi32, #tpu.memory_space<hbm>>
        tpu.enqueue_dma source(%dma_start3A_496 : memref<80xi32, #tpu.memory_space<hbm>>) target(%dma_start3A_493 : memref<80xi32, #tpu.memory_space<vmem>>) target_semaphore(%arg21 : memref<!tpu.dma_semaphore, #tpu.memory_space<semaphore_mem>>)
        %dma_start3A_497 = arith.constant 7 : i32
        %dma_start3A_498 = arith.constant 0 : i32
        %dma_start3A_499 = tpu.memref_slice %arg9[%dma_start3A_497, %dma_start3A_498] : memref<8x80xi32, #tpu.memory_space<vmem>> -> memref<1x80xi32, #tpu.memory_space<vmem>>
        %dma_start3A_500 = tpu.memref_squeeze %dma_start3A_499 : memref<1x80xi32, #tpu.memory_space<vmem>> -> memref<80xi32, #tpu.memory_space<vmem>>
        %dma_start3A_501 = arith.constant 0 : i32
        %dma_start3A_502 = tpu.memref_slice %arg4[%add3A, %add3A_483, %dma_start3A_501] : memref<32x128x80xi32, #tpu.memory_space<hbm>> -> memref<1x1x80xi32, #tpu.memory_space<hbm>>
        %dma_start3A_503 = tpu.memref_squeeze %dma_start3A_502 : memref<1x1x80xi32, #tpu.memory_space<hbm>> -> memref<80xi32, #tpu.memory_space<hbm>>
        %dma_start3A_504 = arith.constant 0 : i32
        %dma_start3A_505 = tpu.memref_slice %arg9[%dma_start3A_497, %dma_start3A_504] : memref<8x80xi32, #tpu.memory_space<vmem>> -> memref<1x80xi32, #tpu.memory_space<vmem>>
        %dma_start3A_506 = tpu.memref_squeeze %dma_start3A_505 : memref<1x80xi32, #tpu.memory_space<vmem>> -> memref<80xi32, #tpu.memory_space<vmem>>
        %dma_start3A_507 = arith.constant 0 : i32
        %dma_start3A_508 = tpu.memref_slice %arg4[%add3A, %add3A_483, %dma_start3A_507] : memref<32x128x80xi32, #tpu.memory_space<hbm>> -> memref<1x1x80xi32, #tpu.memory_space<hbm>>
        %dma_start3A_509 = tpu.memref_squeeze %dma_start3A_508 : memref<1x1x80xi32, #tpu.memory_space<hbm>> -> memref<80xi32, #tpu.memory_space<hbm>>
        tpu.enqueue_dma source(%dma_start3A_509 : memref<80xi32, #tpu.memory_space<hbm>>) target(%dma_start3A_506 : memref<80xi32, #tpu.memory_space<vmem>>) target_semaphore(%arg21 : memref<!tpu.dma_semaphore, #tpu.memory_space<semaphore_mem>>)
      } else {
      }
      %ge3A_316 = arith.constant 2 : i32
      %ge3A_317 = arith.cmpi sge, %add3A_308, %ge3A_316 : i32
      %convert_element_type3A_318 = arith.extui %ge3A_317 : i1 to i32
      %cond3A_319 = arith.constant 0 : i32
      %cond3A_320 = arith.cmpi ne, %convert_element_type3A_318, %cond3A_319 : i32
      scf.if %cond3A_320 {
        %dma_wait3A_482 = arith.constant 0 : i32
        %dma_wait3A_483 = arith.constant 0 : i32
        %dma_wait3A_484 = tpu.memref_slice %arg9[%dma_wait3A_482, %dma_wait3A_483] : memref<8x80xi32, #tpu.memory_space<vmem>> -> memref<1x80xi32, #tpu.memory_space<vmem>>
        %dma_wait3A_485 = tpu.memref_squeeze %dma_wait3A_484 : memref<1x80xi32, #tpu.memory_space<vmem>> -> memref<80xi32, #tpu.memory_space<vmem>>
        %dma_wait3A_486 = arith.constant 0 : i32
        %dma_wait3A_487 = arith.constant 0 : i32
        %dma_wait3A_488 = tpu.memref_slice %arg7[%dma_wait3A_486, %dma_wait3A_487] : memref<10240x128xf32, #tpu.memory_space<vmem_shared>> -> memref<10240x128xf32, #tpu.memory_space<vmem_shared>>
        tpu.wait_indirect_dma semaphore(%arg27 : memref<!tpu.dma_semaphore, #tpu.memory_space<semaphore_mem>>) src(%arg11 : memref<80x128xf32, #tpu.memory_space<vmem>>) dst(%dma_wait3A_488 : memref<10240x128xf32, #tpu.memory_space<vmem_shared>>)
      } else {
      }
      %add3A_321 = arith.constant 2 : i32
      %add3A_322 = arith.addi %add3A_308, %add3A_321 : i32
      %lt3A_323 = arith.constant 128 : i32
      %lt3A_324 = arith.cmpi slt, %add3A_322, %lt3A_323 : i32
      %convert_element_type3A_325 = arith.extui %lt3A_324 : i1 to i32
      %cond3A_326 = arith.constant 0 : i32
      %cond3A_327 = arith.cmpi ne, %convert_element_type3A_325, %cond3A_326 : i32
      scf.if %cond3A_327 {
        %add3A_482 = arith.constant 2 : i32
        %add3A_483 = arith.addi %add3A_308, %add3A_482 : i32
        %dma_wait3A_484 = arith.constant 5 : i32
        %dma_wait3A_485 = arith.constant 0 : i32
        %dma_wait3A_486 = tpu.memref_slice %arg8[%dma_wait3A_484, %dma_wait3A_485] : memref<8x80xi32, #tpu.memory_space<vmem>> -> memref<1x80xi32, #tpu.memory_space<vmem>>
        %dma_wait3A_487 = tpu.memref_squeeze %dma_wait3A_486 : memref<1x80xi32, #tpu.memory_space<vmem>> -> memref<80xi32, #tpu.memory_space<vmem>>
        %dma_wait3A_488 = arith.constant 0 : i32
        %dma_wait3A_489 = tpu.memref_slice %arg3[%add3A, %add3A_483, %dma_wait3A_488] : memref<32x128x80xi32, #tpu.memory_space<hbm>> -> memref<1x1x80xi32, #tpu.memory_space<hbm>>
        %dma_wait3A_490 = tpu.memref_squeeze %dma_wait3A_489 : memref<1x1x80xi32, #tpu.memory_space<hbm>> -> memref<80xi32, #tpu.memory_space<hbm>>
        %dma_wait3A_491 = arith.constant 0 : i32
        %dma_wait3A_492 = tpu.memref_slice %arg8[%dma_wait3A_484, %dma_wait3A_491] : memref<8x80xi32, #tpu.memory_space<vmem>> -> memref<1x80xi32, #tpu.memory_space<vmem>>
        %dma_wait3A_493 = tpu.memref_squeeze %dma_wait3A_492 : memref<1x80xi32, #tpu.memory_space<vmem>> -> memref<80xi32, #tpu.memory_space<vmem>>
        %dma_wait3A_494 = arith.constant 0 : i32
        %dma_wait3A_495 = tpu.memref_slice %arg3[%add3A, %add3A_483, %dma_wait3A_494] : memref<32x128x80xi32, #tpu.memory_space<hbm>> -> memref<1x1x80xi32, #tpu.memory_space<hbm>>
        %dma_wait3A_496 = tpu.memref_squeeze %dma_wait3A_495 : memref<1x1x80xi32, #tpu.memory_space<hbm>> -> memref<80xi32, #tpu.memory_space<hbm>>
        tpu.wait_dma2 semaphore(%arg19 : memref<!tpu.dma_semaphore, #tpu.memory_space<semaphore_mem>>) src(%dma_wait3A_496 : memref<80xi32, #tpu.memory_space<hbm>>) dst(%dma_wait3A_493 : memref<80xi32, #tpu.memory_space<vmem>>)
        %dma_wait3A_497 = arith.constant 5 : i32
        %dma_wait3A_498 = arith.constant 0 : i32
        %dma_wait3A_499 = tpu.memref_slice %arg9[%dma_wait3A_497, %dma_wait3A_498] : memref<8x80xi32, #tpu.memory_space<vmem>> -> memref<1x80xi32, #tpu.memory_space<vmem>>
        %dma_wait3A_500 = tpu.memref_squeeze %dma_wait3A_499 : memref<1x80xi32, #tpu.memory_space<vmem>> -> memref<80xi32, #tpu.memory_space<vmem>>
        %dma_wait3A_501 = arith.constant 0 : i32
        %dma_wait3A_502 = tpu.memref_slice %arg4[%add3A, %add3A_483, %dma_wait3A_501] : memref<32x128x80xi32, #tpu.memory_space<hbm>> -> memref<1x1x80xi32, #tpu.memory_space<hbm>>
        %dma_wait3A_503 = tpu.memref_squeeze %dma_wait3A_502 : memref<1x1x80xi32, #tpu.memory_space<hbm>> -> memref<80xi32, #tpu.memory_space<hbm>>
        %dma_wait3A_504 = arith.constant 0 : i32
        %dma_wait3A_505 = tpu.memref_slice %arg9[%dma_wait3A_497, %dma_wait3A_504] : memref<8x80xi32, #tpu.memory_space<vmem>> -> memref<1x80xi32, #tpu.memory_space<vmem>>
        %dma_wait3A_506 = tpu.memref_squeeze %dma_wait3A_505 : memref<1x80xi32, #tpu.memory_space<vmem>> -> memref<80xi32, #tpu.memory_space<vmem>>
        %dma_wait3A_507 = arith.constant 0 : i32
        %dma_wait3A_508 = tpu.memref_slice %arg4[%add3A, %add3A_483, %dma_wait3A_507] : memref<32x128x80xi32, #tpu.memory_space<hbm>> -> memref<1x1x80xi32, #tpu.memory_space<hbm>>
        %dma_wait3A_509 = tpu.memref_squeeze %dma_wait3A_508 : memref<1x1x80xi32, #tpu.memory_space<hbm>> -> memref<80xi32, #tpu.memory_space<hbm>>
        tpu.wait_dma2 semaphore(%arg19 : memref<!tpu.dma_semaphore, #tpu.memory_space<semaphore_mem>>) src(%dma_wait3A_509 : memref<80xi32, #tpu.memory_space<hbm>>) dst(%dma_wait3A_506 : memref<80xi32, #tpu.memory_space<vmem>>)
        %dma_start3A_510 = arith.constant 5 : i32
        %dma_start3A_511 = arith.constant 0 : i32
        %dma_start3A_512 = tpu.memref_slice %arg8[%dma_start3A_510, %dma_start3A_511] : memref<8x80xi32, #tpu.memory_space<vmem>> -> memref<1x80xi32, #tpu.memory_space<vmem>>
        %dma_start3A_513 = tpu.memref_squeeze %dma_start3A_512 : memref<1x80xi32, #tpu.memory_space<vmem>> -> memref<80xi32, #tpu.memory_space<vmem>>
        %dma_start3A_514 = arith.constant 0 : i32
        %dma_start3A_515 = arith.constant 0 : i32
        %dma_start3A_516 = tpu.memref_slice %arg2[%dma_start3A_514, %dma_start3A_515] : memref<10240x128xf32, #tpu.memory_space<hbm>> -> memref<10240x128xf32, #tpu.memory_space<hbm>>
        tpu.enqueue_indirect_dma source(%dma_start3A_516 : memref<10240x128xf32, #tpu.memory_space<hbm>>) target(%arg11 : memref<80x128xf32, #tpu.memory_space<vmem>>) offsets(%dma_start3A_513 : memref<80xi32, #tpu.memory_space<vmem>>) semaphore(%arg23 : memref<!tpu.dma_semaphore, #tpu.memory_space<semaphore_mem>>)
      } else {
      }
      %dma_wait3A_328 = arith.constant 0 : i32
      %dma_wait3A_329 = arith.constant 0 : i32
      %dma_wait3A_330 = tpu.memref_slice %arg8[%dma_wait3A_328, %dma_wait3A_329] : memref<8x80xi32, #tpu.memory_space<vmem>> -> memref<1x80xi32, #tpu.memory_space<vmem>>
      %dma_wait3A_331 = tpu.memref_squeeze %dma_wait3A_330 : memref<1x80xi32, #tpu.memory_space<vmem>> -> memref<80xi32, #tpu.memory_space<vmem>>
      %dma_wait3A_332 = arith.constant 0 : i32
      %dma_wait3A_333 = arith.constant 0 : i32
      %dma_wait3A_334 = tpu.memref_slice %arg2[%dma_wait3A_332, %dma_wait3A_333] : memref<10240x128xf32, #tpu.memory_space<hbm>> -> memref<10240x128xf32, #tpu.memory_space<hbm>>
      tpu.wait_indirect_dma semaphore(%arg25 : memref<!tpu.dma_semaphore, #tpu.memory_space<semaphore_mem>>) src(%dma_wait3A_334 : memref<10240x128xf32, #tpu.memory_space<hbm>>) dst(%arg13 : memref<80x128xf32, #tpu.memory_space<vmem>>)
      %dma_start3A_335 = arith.constant 3 : i32
      %dma_start3A_336 = arith.constant 0 : i32
      %dma_start3A_337 = tpu.memref_slice %arg9[%dma_start3A_335, %dma_start3A_336] : memref<8x80xi32, #tpu.memory_space<vmem>> -> memref<1x80xi32, #tpu.memory_space<vmem>>
      %dma_start3A_338 = tpu.memref_squeeze %dma_start3A_337 : memref<1x80xi32, #tpu.memory_space<vmem>> -> memref<80xi32, #tpu.memory_space<vmem>>
      %dma_start3A_339 = arith.constant 0 : i32
      %dma_start3A_340 = arith.constant 0 : i32
      %dma_start3A_341 = tpu.memref_slice %arg7[%dma_start3A_339, %dma_start3A_340] : memref<10240x128xf32, #tpu.memory_space<vmem_shared>> -> memref<10240x128xf32, #tpu.memory_space<vmem_shared>>
      tpu.enqueue_indirect_dma source(%arg13 : memref<80x128xf32, #tpu.memory_space<vmem>>) target(%dma_start3A_341 : memref<10240x128xf32, #tpu.memory_space<vmem_shared>>) offsets(%dma_start3A_338 : memref<80xi32, #tpu.memory_space<vmem>>) semaphore(%arg29 : memref<!tpu.dma_semaphore, #tpu.memory_space<semaphore_mem>>) {add = true}
      %add3A_342 = arith.constant 4 : i32
      %add3A_343 = arith.addi %mul3A_205, %add3A_342 : i32
      %add3A_344 = arith.constant 4 : i32
      %add3A_345 = arith.addi %add3A_343, %add3A_344 : i32
      %lt3A_346 = arith.constant 128 : i32
      %lt3A_347 = arith.cmpi slt, %add3A_345, %lt3A_346 : i32
      %convert_element_type3A_348 = arith.extui %lt3A_347 : i1 to i32
      %cond3A_349 = arith.constant 0 : i32
      %cond3A_350 = arith.cmpi ne, %convert_element_type3A_348, %cond3A_349 : i32
      scf.if %cond3A_350 {
        %add3A_482 = arith.constant 4 : i32
        %add3A_483 = arith.addi %add3A_343, %add3A_482 : i32
        %dma_start3A_484 = arith.constant 0 : i32
        %dma_start3A_485 = arith.constant 0 : i32
        %dma_start3A_486 = tpu.memref_slice %arg8[%dma_start3A_484, %dma_start3A_485] : memref<8x80xi32, #tpu.memory_space<vmem>> -> memref<1x80xi32, #tpu.memory_space<vmem>>
        %dma_start3A_487 = tpu.memref_squeeze %dma_start3A_486 : memref<1x80xi32, #tpu.memory_space<vmem>> -> memref<80xi32, #tpu.memory_space<vmem>>
        %dma_start3A_488 = arith.constant 0 : i32
        %dma_start3A_489 = tpu.memref_slice %arg3[%add3A, %add3A_483, %dma_start3A_488] : memref<32x128x80xi32, #tpu.memory_space<hbm>> -> memref<1x1x80xi32, #tpu.memory_space<hbm>>
        %dma_start3A_490 = tpu.memref_squeeze %dma_start3A_489 : memref<1x1x80xi32, #tpu.memory_space<hbm>> -> memref<80xi32, #tpu.memory_space<hbm>>
        %dma_start3A_491 = arith.constant 0 : i32
        %dma_start3A_492 = tpu.memref_slice %arg8[%dma_start3A_484, %dma_start3A_491] : memref<8x80xi32, #tpu.memory_space<vmem>> -> memref<1x80xi32, #tpu.memory_space<vmem>>
        %dma_start3A_493 = tpu.memref_squeeze %dma_start3A_492 : memref<1x80xi32, #tpu.memory_space<vmem>> -> memref<80xi32, #tpu.memory_space<vmem>>
        %dma_start3A_494 = arith.constant 0 : i32
        %dma_start3A_495 = tpu.memref_slice %arg3[%add3A, %add3A_483, %dma_start3A_494] : memref<32x128x80xi32, #tpu.memory_space<hbm>> -> memref<1x1x80xi32, #tpu.memory_space<hbm>>
        %dma_start3A_496 = tpu.memref_squeeze %dma_start3A_495 : memref<1x1x80xi32, #tpu.memory_space<hbm>> -> memref<80xi32, #tpu.memory_space<hbm>>
        tpu.enqueue_dma source(%dma_start3A_496 : memref<80xi32, #tpu.memory_space<hbm>>) target(%dma_start3A_493 : memref<80xi32, #tpu.memory_space<vmem>>) target_semaphore(%arg14 : memref<!tpu.dma_semaphore, #tpu.memory_space<semaphore_mem>>)
        %dma_start3A_497 = arith.constant 0 : i32
        %dma_start3A_498 = arith.constant 0 : i32
        %dma_start3A_499 = tpu.memref_slice %arg9[%dma_start3A_497, %dma_start3A_498] : memref<8x80xi32, #tpu.memory_space<vmem>> -> memref<1x80xi32, #tpu.memory_space<vmem>>
        %dma_start3A_500 = tpu.memref_squeeze %dma_start3A_499 : memref<1x80xi32, #tpu.memory_space<vmem>> -> memref<80xi32, #tpu.memory_space<vmem>>
        %dma_start3A_501 = arith.constant 0 : i32
        %dma_start3A_502 = tpu.memref_slice %arg4[%add3A, %add3A_483, %dma_start3A_501] : memref<32x128x80xi32, #tpu.memory_space<hbm>> -> memref<1x1x80xi32, #tpu.memory_space<hbm>>
        %dma_start3A_503 = tpu.memref_squeeze %dma_start3A_502 : memref<1x1x80xi32, #tpu.memory_space<hbm>> -> memref<80xi32, #tpu.memory_space<hbm>>
        %dma_start3A_504 = arith.constant 0 : i32
        %dma_start3A_505 = tpu.memref_slice %arg9[%dma_start3A_497, %dma_start3A_504] : memref<8x80xi32, #tpu.memory_space<vmem>> -> memref<1x80xi32, #tpu.memory_space<vmem>>
        %dma_start3A_506 = tpu.memref_squeeze %dma_start3A_505 : memref<1x80xi32, #tpu.memory_space<vmem>> -> memref<80xi32, #tpu.memory_space<vmem>>
        %dma_start3A_507 = arith.constant 0 : i32
        %dma_start3A_508 = tpu.memref_slice %arg4[%add3A, %add3A_483, %dma_start3A_507] : memref<32x128x80xi32, #tpu.memory_space<hbm>> -> memref<1x1x80xi32, #tpu.memory_space<hbm>>
        %dma_start3A_509 = tpu.memref_squeeze %dma_start3A_508 : memref<1x1x80xi32, #tpu.memory_space<hbm>> -> memref<80xi32, #tpu.memory_space<hbm>>
        tpu.enqueue_dma source(%dma_start3A_509 : memref<80xi32, #tpu.memory_space<hbm>>) target(%dma_start3A_506 : memref<80xi32, #tpu.memory_space<vmem>>) target_semaphore(%arg14 : memref<!tpu.dma_semaphore, #tpu.memory_space<semaphore_mem>>)
      } else {
      }
      %ge3A_351 = arith.constant 2 : i32
      %ge3A_352 = arith.cmpi sge, %add3A_343, %ge3A_351 : i32
      %convert_element_type3A_353 = arith.extui %ge3A_352 : i1 to i32
      %cond3A_354 = arith.constant 0 : i32
      %cond3A_355 = arith.cmpi ne, %convert_element_type3A_353, %cond3A_354 : i32
      scf.if %cond3A_355 {
        %dma_wait3A_482 = arith.constant 0 : i32
        %dma_wait3A_483 = arith.constant 0 : i32
        %dma_wait3A_484 = tpu.memref_slice %arg9[%dma_wait3A_482, %dma_wait3A_483] : memref<8x80xi32, #tpu.memory_space<vmem>> -> memref<1x80xi32, #tpu.memory_space<vmem>>
        %dma_wait3A_485 = tpu.memref_squeeze %dma_wait3A_484 : memref<1x80xi32, #tpu.memory_space<vmem>> -> memref<80xi32, #tpu.memory_space<vmem>>
        %dma_wait3A_486 = arith.constant 0 : i32
        %dma_wait3A_487 = arith.constant 0 : i32
        %dma_wait3A_488 = tpu.memref_slice %arg7[%dma_wait3A_486, %dma_wait3A_487] : memref<10240x128xf32, #tpu.memory_space<vmem_shared>> -> memref<10240x128xf32, #tpu.memory_space<vmem_shared>>
        tpu.wait_indirect_dma semaphore(%arg28 : memref<!tpu.dma_semaphore, #tpu.memory_space<semaphore_mem>>) src(%arg12 : memref<80x128xf32, #tpu.memory_space<vmem>>) dst(%dma_wait3A_488 : memref<10240x128xf32, #tpu.memory_space<vmem_shared>>)
      } else {
      }
      %add3A_356 = arith.constant 2 : i32
      %add3A_357 = arith.addi %add3A_343, %add3A_356 : i32
      %lt3A_358 = arith.constant 128 : i32
      %lt3A_359 = arith.cmpi slt, %add3A_357, %lt3A_358 : i32
      %convert_element_type3A_360 = arith.extui %lt3A_359 : i1 to i32
      %cond3A_361 = arith.constant 0 : i32
      %cond3A_362 = arith.cmpi ne, %convert_element_type3A_360, %cond3A_361 : i32
      scf.if %cond3A_362 {
        %add3A_482 = arith.constant 2 : i32
        %add3A_483 = arith.addi %add3A_343, %add3A_482 : i32
        %dma_wait3A_484 = arith.constant 6 : i32
        %dma_wait3A_485 = arith.constant 0 : i32
        %dma_wait3A_486 = tpu.memref_slice %arg8[%dma_wait3A_484, %dma_wait3A_485] : memref<8x80xi32, #tpu.memory_space<vmem>> -> memref<1x80xi32, #tpu.memory_space<vmem>>
        %dma_wait3A_487 = tpu.memref_squeeze %dma_wait3A_486 : memref<1x80xi32, #tpu.memory_space<vmem>> -> memref<80xi32, #tpu.memory_space<vmem>>
        %dma_wait3A_488 = arith.constant 0 : i32
        %dma_wait3A_489 = tpu.memref_slice %arg3[%add3A, %add3A_483, %dma_wait3A_488] : memref<32x128x80xi32, #tpu.memory_space<hbm>> -> memref<1x1x80xi32, #tpu.memory_space<hbm>>
        %dma_wait3A_490 = tpu.memref_squeeze %dma_wait3A_489 : memref<1x1x80xi32, #tpu.memory_space<hbm>> -> memref<80xi32, #tpu.memory_space<hbm>>
        %dma_wait3A_491 = arith.constant 0 : i32
        %dma_wait3A_492 = tpu.memref_slice %arg8[%dma_wait3A_484, %dma_wait3A_491] : memref<8x80xi32, #tpu.memory_space<vmem>> -> memref<1x80xi32, #tpu.memory_space<vmem>>
        %dma_wait3A_493 = tpu.memref_squeeze %dma_wait3A_492 : memref<1x80xi32, #tpu.memory_space<vmem>> -> memref<80xi32, #tpu.memory_space<vmem>>
        %dma_wait3A_494 = arith.constant 0 : i32
        %dma_wait3A_495 = tpu.memref_slice %arg3[%add3A, %add3A_483, %dma_wait3A_494] : memref<32x128x80xi32, #tpu.memory_space<hbm>> -> memref<1x1x80xi32, #tpu.memory_space<hbm>>
        %dma_wait3A_496 = tpu.memref_squeeze %dma_wait3A_495 : memref<1x1x80xi32, #tpu.memory_space<hbm>> -> memref<80xi32, #tpu.memory_space<hbm>>
        tpu.wait_dma2 semaphore(%arg20 : memref<!tpu.dma_semaphore, #tpu.memory_space<semaphore_mem>>) src(%dma_wait3A_496 : memref<80xi32, #tpu.memory_space<hbm>>) dst(%dma_wait3A_493 : memref<80xi32, #tpu.memory_space<vmem>>)
        %dma_wait3A_497 = arith.constant 6 : i32
        %dma_wait3A_498 = arith.constant 0 : i32
        %dma_wait3A_499 = tpu.memref_slice %arg9[%dma_wait3A_497, %dma_wait3A_498] : memref<8x80xi32, #tpu.memory_space<vmem>> -> memref<1x80xi32, #tpu.memory_space<vmem>>
        %dma_wait3A_500 = tpu.memref_squeeze %dma_wait3A_499 : memref<1x80xi32, #tpu.memory_space<vmem>> -> memref<80xi32, #tpu.memory_space<vmem>>
        %dma_wait3A_501 = arith.constant 0 : i32
        %dma_wait3A_502 = tpu.memref_slice %arg4[%add3A, %add3A_483, %dma_wait3A_501] : memref<32x128x80xi32, #tpu.memory_space<hbm>> -> memref<1x1x80xi32, #tpu.memory_space<hbm>>
        %dma_wait3A_503 = tpu.memref_squeeze %dma_wait3A_502 : memref<1x1x80xi32, #tpu.memory_space<hbm>> -> memref<80xi32, #tpu.memory_space<hbm>>
        %dma_wait3A_504 = arith.constant 0 : i32
        %dma_wait3A_505 = tpu.memref_slice %arg9[%dma_wait3A_497, %dma_wait3A_504] : memref<8x80xi32, #tpu.memory_space<vmem>> -> memref<1x80xi32, #tpu.memory_space<vmem>>
        %dma_wait3A_506 = tpu.memref_squeeze %dma_wait3A_505 : memref<1x80xi32, #tpu.memory_space<vmem>> -> memref<80xi32, #tpu.memory_space<vmem>>
        %dma_wait3A_507 = arith.constant 0 : i32
        %dma_wait3A_508 = tpu.memref_slice %arg4[%add3A, %add3A_483, %dma_wait3A_507] : memref<32x128x80xi32, #tpu.memory_space<hbm>> -> memref<1x1x80xi32, #tpu.memory_space<hbm>>
        %dma_wait3A_509 = tpu.memref_squeeze %dma_wait3A_508 : memref<1x1x80xi32, #tpu.memory_space<hbm>> -> memref<80xi32, #tpu.memory_space<hbm>>
        tpu.wait_dma2 semaphore(%arg20 : memref<!tpu.dma_semaphore, #tpu.memory_space<semaphore_mem>>) src(%dma_wait3A_509 : memref<80xi32, #tpu.memory_space<hbm>>) dst(%dma_wait3A_506 : memref<80xi32, #tpu.memory_space<vmem>>)
        %dma_start3A_510 = arith.constant 6 : i32
        %dma_start3A_511 = arith.constant 0 : i32
        %dma_start3A_512 = tpu.memref_slice %arg8[%dma_start3A_510, %dma_start3A_511] : memref<8x80xi32, #tpu.memory_space<vmem>> -> memref<1x80xi32, #tpu.memory_space<vmem>>
        %dma_start3A_513 = tpu.memref_squeeze %dma_start3A_512 : memref<1x80xi32, #tpu.memory_space<vmem>> -> memref<80xi32, #tpu.memory_space<vmem>>
        %dma_start3A_514 = arith.constant 0 : i32
        %dma_start3A_515 = arith.constant 0 : i32
        %dma_start3A_516 = tpu.memref_slice %arg2[%dma_start3A_514, %dma_start3A_515] : memref<10240x128xf32, #tpu.memory_space<hbm>> -> memref<10240x128xf32, #tpu.memory_space<hbm>>
        tpu.enqueue_indirect_dma source(%dma_start3A_516 : memref<10240x128xf32, #tpu.memory_space<hbm>>) target(%arg12 : memref<80x128xf32, #tpu.memory_space<vmem>>) offsets(%dma_start3A_513 : memref<80xi32, #tpu.memory_space<vmem>>) semaphore(%arg24 : memref<!tpu.dma_semaphore, #tpu.memory_space<semaphore_mem>>)
      } else {
      }
      %dma_wait3A_363 = arith.constant 0 : i32
      %dma_wait3A_364 = arith.constant 0 : i32
      %dma_wait3A_365 = tpu.memref_slice %arg8[%dma_wait3A_363, %dma_wait3A_364] : memref<8x80xi32, #tpu.memory_space<vmem>> -> memref<1x80xi32, #tpu.memory_space<vmem>>
      %dma_wait3A_366 = tpu.memref_squeeze %dma_wait3A_365 : memref<1x80xi32, #tpu.memory_space<vmem>> -> memref<80xi32, #tpu.memory_space<vmem>>
      %dma_wait3A_367 = arith.constant 0 : i32
      %dma_wait3A_368 = arith.constant 0 : i32
      %dma_wait3A_369 = tpu.memref_slice %arg2[%dma_wait3A_367, %dma_wait3A_368] : memref<10240x128xf32, #tpu.memory_space<hbm>> -> memref<10240x128xf32, #tpu.memory_space<hbm>>
      tpu.wait_indirect_dma semaphore(%arg22 : memref<!tpu.dma_semaphore, #tpu.memory_space<semaphore_mem>>) src(%dma_wait3A_369 : memref<10240x128xf32, #tpu.memory_space<hbm>>) dst(%arg10 : memref<80x128xf32, #tpu.memory_space<vmem>>)
      %dma_start3A_370 = arith.constant 4 : i32
      %dma_start3A_371 = arith.constant 0 : i32
      %dma_start3A_372 = tpu.memref_slice %arg9[%dma_start3A_370, %dma_start3A_371] : memref<8x80xi32, #tpu.memory_space<vmem>> -> memref<1x80xi32, #tpu.memory_space<vmem>>
      %dma_start3A_373 = tpu.memref_squeeze %dma_start3A_372 : memref<1x80xi32, #tpu.memory_space<vmem>> -> memref<80xi32, #tpu.memory_space<vmem>>
      %dma_start3A_374 = arith.constant 0 : i32
      %dma_start3A_375 = arith.constant 0 : i32
      %dma_start3A_376 = tpu.memref_slice %arg7[%dma_start3A_374, %dma_start3A_375] : memref<10240x128xf32, #tpu.memory_space<vmem_shared>> -> memref<10240x128xf32, #tpu.memory_space<vmem_shared>>
      tpu.enqueue_indirect_dma source(%arg10 : memref<80x128xf32, #tpu.memory_space<vmem>>) target(%dma_start3A_376 : memref<10240x128xf32, #tpu.memory_space<vmem_shared>>) offsets(%dma_start3A_373 : memref<80xi32, #tpu.memory_space<vmem>>) semaphore(%arg26 : memref<!tpu.dma_semaphore, #tpu.memory_space<semaphore_mem>>) {add = true}
      %add3A_377 = arith.constant 5 : i32
      %add3A_378 = arith.addi %mul3A_205, %add3A_377 : i32
      %add3A_379 = arith.constant 4 : i32
      %add3A_380 = arith.addi %add3A_378, %add3A_379 : i32
      %lt3A_381 = arith.constant 128 : i32
      %lt3A_382 = arith.cmpi slt, %add3A_380, %lt3A_381 : i32
      %convert_element_type3A_383 = arith.extui %lt3A_382 : i1 to i32
      %cond3A_384 = arith.constant 0 : i32
      %cond3A_385 = arith.cmpi ne, %convert_element_type3A_383, %cond3A_384 : i32
      scf.if %cond3A_385 {
        %add3A_482 = arith.constant 4 : i32
        %add3A_483 = arith.addi %add3A_378, %add3A_482 : i32
        %dma_start3A_484 = arith.constant 1 : i32
        %dma_start3A_485 = arith.constant 0 : i32
        %dma_start3A_486 = tpu.memref_slice %arg8[%dma_start3A_484, %dma_start3A_485] : memref<8x80xi32, #tpu.memory_space<vmem>> -> memref<1x80xi32, #tpu.memory_space<vmem>>
        %dma_start3A_487 = tpu.memref_squeeze %dma_start3A_486 : memref<1x80xi32, #tpu.memory_space<vmem>> -> memref<80xi32, #tpu.memory_space<vmem>>
        %dma_start3A_488 = arith.constant 0 : i32
        %dma_start3A_489 = tpu.memref_slice %arg3[%add3A, %add3A_483, %dma_start3A_488] : memref<32x128x80xi32, #tpu.memory_space<hbm>> -> memref<1x1x80xi32, #tpu.memory_space<hbm>>
        %dma_start3A_490 = tpu.memref_squeeze %dma_start3A_489 : memref<1x1x80xi32, #tpu.memory_space<hbm>> -> memref<80xi32, #tpu.memory_space<hbm>>
        %dma_start3A_491 = arith.constant 0 : i32
        %dma_start3A_492 = tpu.memref_slice %arg8[%dma_start3A_484, %dma_start3A_491] : memref<8x80xi32, #tpu.memory_space<vmem>> -> memref<1x80xi32, #tpu.memory_space<vmem>>
        %dma_start3A_493 = tpu.memref_squeeze %dma_start3A_492 : memref<1x80xi32, #tpu.memory_space<vmem>> -> memref<80xi32, #tpu.memory_space<vmem>>
        %dma_start3A_494 = arith.constant 0 : i32
        %dma_start3A_495 = tpu.memref_slice %arg3[%add3A, %add3A_483, %dma_start3A_494] : memref<32x128x80xi32, #tpu.memory_space<hbm>> -> memref<1x1x80xi32, #tpu.memory_space<hbm>>
        %dma_start3A_496 = tpu.memref_squeeze %dma_start3A_495 : memref<1x1x80xi32, #tpu.memory_space<hbm>> -> memref<80xi32, #tpu.memory_space<hbm>>
        tpu.enqueue_dma source(%dma_start3A_496 : memref<80xi32, #tpu.memory_space<hbm>>) target(%dma_start3A_493 : memref<80xi32, #tpu.memory_space<vmem>>) target_semaphore(%arg15 : memref<!tpu.dma_semaphore, #tpu.memory_space<semaphore_mem>>)
        %dma_start3A_497 = arith.constant 1 : i32
        %dma_start3A_498 = arith.constant 0 : i32
        %dma_start3A_499 = tpu.memref_slice %arg9[%dma_start3A_497, %dma_start3A_498] : memref<8x80xi32, #tpu.memory_space<vmem>> -> memref<1x80xi32, #tpu.memory_space<vmem>>
        %dma_start3A_500 = tpu.memref_squeeze %dma_start3A_499 : memref<1x80xi32, #tpu.memory_space<vmem>> -> memref<80xi32, #tpu.memory_space<vmem>>
        %dma_start3A_501 = arith.constant 0 : i32
        %dma_start3A_502 = tpu.memref_slice %arg4[%add3A, %add3A_483, %dma_start3A_501] : memref<32x128x80xi32, #tpu.memory_space<hbm>> -> memref<1x1x80xi32, #tpu.memory_space<hbm>>
        %dma_start3A_503 = tpu.memref_squeeze %dma_start3A_502 : memref<1x1x80xi32, #tpu.memory_space<hbm>> -> memref<80xi32, #tpu.memory_space<hbm>>
        %dma_start3A_504 = arith.constant 0 : i32
        %dma_start3A_505 = tpu.memref_slice %arg9[%dma_start3A_497, %dma_start3A_504] : memref<8x80xi32, #tpu.memory_space<vmem>> -> memref<1x80xi32, #tpu.memory_space<vmem>>
        %dma_start3A_506 = tpu.memref_squeeze %dma_start3A_505 : memref<1x80xi32, #tpu.memory_space<vmem>> -> memref<80xi32, #tpu.memory_space<vmem>>
        %dma_start3A_507 = arith.constant 0 : i32
        %dma_start3A_508 = tpu.memref_slice %arg4[%add3A, %add3A_483, %dma_start3A_507] : memref<32x128x80xi32, #tpu.memory_space<hbm>> -> memref<1x1x80xi32, #tpu.memory_space<hbm>>
        %dma_start3A_509 = tpu.memref_squeeze %dma_start3A_508 : memref<1x1x80xi32, #tpu.memory_space<hbm>> -> memref<80xi32, #tpu.memory_space<hbm>>
        tpu.enqueue_dma source(%dma_start3A_509 : memref<80xi32, #tpu.memory_space<hbm>>) target(%dma_start3A_506 : memref<80xi32, #tpu.memory_space<vmem>>) target_semaphore(%arg15 : memref<!tpu.dma_semaphore, #tpu.memory_space<semaphore_mem>>)
      } else {
      }
      %ge3A_386 = arith.constant 2 : i32
      %ge3A_387 = arith.cmpi sge, %add3A_378, %ge3A_386 : i32
      %convert_element_type3A_388 = arith.extui %ge3A_387 : i1 to i32
      %cond3A_389 = arith.constant 0 : i32
      %cond3A_390 = arith.cmpi ne, %convert_element_type3A_388, %cond3A_389 : i32
      scf.if %cond3A_390 {
        %dma_wait3A_482 = arith.constant 0 : i32
        %dma_wait3A_483 = arith.constant 0 : i32
        %dma_wait3A_484 = tpu.memref_slice %arg9[%dma_wait3A_482, %dma_wait3A_483] : memref<8x80xi32, #tpu.memory_space<vmem>> -> memref<1x80xi32, #tpu.memory_space<vmem>>
        %dma_wait3A_485 = tpu.memref_squeeze %dma_wait3A_484 : memref<1x80xi32, #tpu.memory_space<vmem>> -> memref<80xi32, #tpu.memory_space<vmem>>
        %dma_wait3A_486 = arith.constant 0 : i32
        %dma_wait3A_487 = arith.constant 0 : i32
        %dma_wait3A_488 = tpu.memref_slice %arg7[%dma_wait3A_486, %dma_wait3A_487] : memref<10240x128xf32, #tpu.memory_space<vmem_shared>> -> memref<10240x128xf32, #tpu.memory_space<vmem_shared>>
        tpu.wait_indirect_dma semaphore(%arg29 : memref<!tpu.dma_semaphore, #tpu.memory_space<semaphore_mem>>) src(%arg13 : memref<80x128xf32, #tpu.memory_space<vmem>>) dst(%dma_wait3A_488 : memref<10240x128xf32, #tpu.memory_space<vmem_shared>>)
      } else {
      }
      %add3A_391 = arith.constant 2 : i32
      %add3A_392 = arith.addi %add3A_378, %add3A_391 : i32
      %lt3A_393 = arith.constant 128 : i32
      %lt3A_394 = arith.cmpi slt, %add3A_392, %lt3A_393 : i32
      %convert_element_type3A_395 = arith.extui %lt3A_394 : i1 to i32
      %cond3A_396 = arith.constant 0 : i32
      %cond3A_397 = arith.cmpi ne, %convert_element_type3A_395, %cond3A_396 : i32
      scf.if %cond3A_397 {
        %add3A_482 = arith.constant 2 : i32
        %add3A_483 = arith.addi %add3A_378, %add3A_482 : i32
        %dma_wait3A_484 = arith.constant 7 : i32
        %dma_wait3A_485 = arith.constant 0 : i32
        %dma_wait3A_486 = tpu.memref_slice %arg8[%dma_wait3A_484, %dma_wait3A_485] : memref<8x80xi32, #tpu.memory_space<vmem>> -> memref<1x80xi32, #tpu.memory_space<vmem>>
        %dma_wait3A_487 = tpu.memref_squeeze %dma_wait3A_486 : memref<1x80xi32, #tpu.memory_space<vmem>> -> memref<80xi32, #tpu.memory_space<vmem>>
        %dma_wait3A_488 = arith.constant 0 : i32
        %dma_wait3A_489 = tpu.memref_slice %arg3[%add3A, %add3A_483, %dma_wait3A_488] : memref<32x128x80xi32, #tpu.memory_space<hbm>> -> memref<1x1x80xi32, #tpu.memory_space<hbm>>
        %dma_wait3A_490 = tpu.memref_squeeze %dma_wait3A_489 : memref<1x1x80xi32, #tpu.memory_space<hbm>> -> memref<80xi32, #tpu.memory_space<hbm>>
        %dma_wait3A_491 = arith.constant 0 : i32
        %dma_wait3A_492 = tpu.memref_slice %arg8[%dma_wait3A_484, %dma_wait3A_491] : memref<8x80xi32, #tpu.memory_space<vmem>> -> memref<1x80xi32, #tpu.memory_space<vmem>>
        %dma_wait3A_493 = tpu.memref_squeeze %dma_wait3A_492 : memref<1x80xi32, #tpu.memory_space<vmem>> -> memref<80xi32, #tpu.memory_space<vmem>>
        %dma_wait3A_494 = arith.constant 0 : i32
        %dma_wait3A_495 = tpu.memref_slice %arg3[%add3A, %add3A_483, %dma_wait3A_494] : memref<32x128x80xi32, #tpu.memory_space<hbm>> -> memref<1x1x80xi32, #tpu.memory_space<hbm>>
        %dma_wait3A_496 = tpu.memref_squeeze %dma_wait3A_495 : memref<1x1x80xi32, #tpu.memory_space<hbm>> -> memref<80xi32, #tpu.memory_space<hbm>>
        tpu.wait_dma2 semaphore(%arg21 : memref<!tpu.dma_semaphore, #tpu.memory_space<semaphore_mem>>) src(%dma_wait3A_496 : memref<80xi32, #tpu.memory_space<hbm>>) dst(%dma_wait3A_493 : memref<80xi32, #tpu.memory_space<vmem>>)
        %dma_wait3A_497 = arith.constant 7 : i32
        %dma_wait3A_498 = arith.constant 0 : i32
        %dma_wait3A_499 = tpu.memref_slice %arg9[%dma_wait3A_497, %dma_wait3A_498] : memref<8x80xi32, #tpu.memory_space<vmem>> -> memref<1x80xi32, #tpu.memory_space<vmem>>
        %dma_wait3A_500 = tpu.memref_squeeze %dma_wait3A_499 : memref<1x80xi32, #tpu.memory_space<vmem>> -> memref<80xi32, #tpu.memory_space<vmem>>
        %dma_wait3A_501 = arith.constant 0 : i32
        %dma_wait3A_502 = tpu.memref_slice %arg4[%add3A, %add3A_483, %dma_wait3A_501] : memref<32x128x80xi32, #tpu.memory_space<hbm>> -> memref<1x1x80xi32, #tpu.memory_space<hbm>>
        %dma_wait3A_503 = tpu.memref_squeeze %dma_wait3A_502 : memref<1x1x80xi32, #tpu.memory_space<hbm>> -> memref<80xi32, #tpu.memory_space<hbm>>
        %dma_wait3A_504 = arith.constant 0 : i32
        %dma_wait3A_505 = tpu.memref_slice %arg9[%dma_wait3A_497, %dma_wait3A_504] : memref<8x80xi32, #tpu.memory_space<vmem>> -> memref<1x80xi32, #tpu.memory_space<vmem>>
        %dma_wait3A_506 = tpu.memref_squeeze %dma_wait3A_505 : memref<1x80xi32, #tpu.memory_space<vmem>> -> memref<80xi32, #tpu.memory_space<vmem>>
        %dma_wait3A_507 = arith.constant 0 : i32
        %dma_wait3A_508 = tpu.memref_slice %arg4[%add3A, %add3A_483, %dma_wait3A_507] : memref<32x128x80xi32, #tpu.memory_space<hbm>> -> memref<1x1x80xi32, #tpu.memory_space<hbm>>
        %dma_wait3A_509 = tpu.memref_squeeze %dma_wait3A_508 : memref<1x1x80xi32, #tpu.memory_space<hbm>> -> memref<80xi32, #tpu.memory_space<hbm>>
        tpu.wait_dma2 semaphore(%arg21 : memref<!tpu.dma_semaphore, #tpu.memory_space<semaphore_mem>>) src(%dma_wait3A_509 : memref<80xi32, #tpu.memory_space<hbm>>) dst(%dma_wait3A_506 : memref<80xi32, #tpu.memory_space<vmem>>)
        %dma_start3A_510 = arith.constant 7 : i32
        %dma_start3A_511 = arith.constant 0 : i32
        %dma_start3A_512 = tpu.memref_slice %arg8[%dma_start3A_510, %dma_start3A_511] : memref<8x80xi32, #tpu.memory_space<vmem>> -> memref<1x80xi32, #tpu.memory_space<vmem>>
        %dma_start3A_513 = tpu.memref_squeeze %dma_start3A_512 : memref<1x80xi32, #tpu.memory_space<vmem>> -> memref<80xi32, #tpu.memory_space<vmem>>
        %dma_start3A_514 = arith.constant 0 : i32
        %dma_start3A_515 = arith.constant 0 : i32
        %dma_start3A_516 = tpu.memref_slice %arg2[%dma_start3A_514, %dma_start3A_515] : memref<10240x128xf32, #tpu.memory_space<hbm>> -> memref<10240x128xf32, #tpu.memory_space<hbm>>
        tpu.enqueue_indirect_dma source(%dma_start3A_516 : memref<10240x128xf32, #tpu.memory_space<hbm>>) target(%arg13 : memref<80x128xf32, #tpu.memory_space<vmem>>) offsets(%dma_start3A_513 : memref<80xi32, #tpu.memory_space<vmem>>) semaphore(%arg25 : memref<!tpu.dma_semaphore, #tpu.memory_space<semaphore_mem>>)
      } else {
      }
      %dma_wait3A_398 = arith.constant 0 : i32
      %dma_wait3A_399 = arith.constant 0 : i32
      %dma_wait3A_400 = tpu.memref_slice %arg8[%dma_wait3A_398, %dma_wait3A_399] : memref<8x80xi32, #tpu.memory_space<vmem>> -> memref<1x80xi32, #tpu.memory_space<vmem>>
      %dma_wait3A_401 = tpu.memref_squeeze %dma_wait3A_400 : memref<1x80xi32, #tpu.memory_space<vmem>> -> memref<80xi32, #tpu.memory_space<vmem>>
      %dma_wait3A_402 = arith.constant 0 : i32
      %dma_wait3A_403 = arith.constant 0 : i32
      %dma_wait3A_404 = tpu.memref_slice %arg2[%dma_wait3A_402, %dma_wait3A_403] : memref<10240x128xf32, #tpu.memory_space<hbm>> -> memref<10240x128xf32, #tpu.memory_space<hbm>>
      tpu.wait_indirect_dma semaphore(%arg23 : memref<!tpu.dma_semaphore, #tpu.memory_space<semaphore_mem>>) src(%dma_wait3A_404 : memref<10240x128xf32, #tpu.memory_space<hbm>>) dst(%arg11 : memref<80x128xf32, #tpu.memory_space<vmem>>)
      %dma_start3A_405 = arith.constant 5 : i32
      %dma_start3A_406 = arith.constant 0 : i32
      %dma_start3A_407 = tpu.memref_slice %arg9[%dma_start3A_405, %dma_start3A_406] : memref<8x80xi32, #tpu.memory_space<vmem>> -> memref<1x80xi32, #tpu.memory_space<vmem>>
      %dma_start3A_408 = tpu.memref_squeeze %dma_start3A_407 : memref<1x80xi32, #tpu.memory_space<vmem>> -> memref<80xi32, #tpu.memory_space<vmem>>
      %dma_start3A_409 = arith.constant 0 : i32
      %dma_start3A_410 = arith.constant 0 : i32
      %dma_start3A_411 = tpu.memref_slice %arg7[%dma_start3A_409, %dma_start3A_410] : memref<10240x128xf32, #tpu.memory_space<vmem_shared>> -> memref<10240x128xf32, #tpu.memory_space<vmem_shared>>
      tpu.enqueue_indirect_dma source(%arg11 : memref<80x128xf32, #tpu.memory_space<vmem>>) target(%dma_start3A_411 : memref<10240x128xf32, #tpu.memory_space<vmem_shared>>) offsets(%dma_start3A_408 : memref<80xi32, #tpu.memory_space<vmem>>) semaphore(%arg27 : memref<!tpu.dma_semaphore, #tpu.memory_space<semaphore_mem>>) {add = true}
      %add3A_412 = arith.constant 6 : i32
      %add3A_413 = arith.addi %mul3A_205, %add3A_412 : i32
      %add3A_414 = arith.constant 4 : i32
      %add3A_415 = arith.addi %add3A_413, %add3A_414 : i32
      %lt3A_416 = arith.constant 128 : i32
      %lt3A_417 = arith.cmpi slt, %add3A_415, %lt3A_416 : i32
      %convert_element_type3A_418 = arith.extui %lt3A_417 : i1 to i32
      %cond3A_419 = arith.constant 0 : i32
      %cond3A_420 = arith.cmpi ne, %convert_element_type3A_418, %cond3A_419 : i32
      scf.if %cond3A_420 {
        %add3A_482 = arith.constant 4 : i32
        %add3A_483 = arith.addi %add3A_413, %add3A_482 : i32
        %dma_start3A_484 = arith.constant 2 : i32
        %dma_start3A_485 = arith.constant 0 : i32
        %dma_start3A_486 = tpu.memref_slice %arg8[%dma_start3A_484, %dma_start3A_485] : memref<8x80xi32, #tpu.memory_space<vmem>> -> memref<1x80xi32, #tpu.memory_space<vmem>>
        %dma_start3A_487 = tpu.memref_squeeze %dma_start3A_486 : memref<1x80xi32, #tpu.memory_space<vmem>> -> memref<80xi32, #tpu.memory_space<vmem>>
        %dma_start3A_488 = arith.constant 0 : i32
        %dma_start3A_489 = tpu.memref_slice %arg3[%add3A, %add3A_483, %dma_start3A_488] : memref<32x128x80xi32, #tpu.memory_space<hbm>> -> memref<1x1x80xi32, #tpu.memory_space<hbm>>
        %dma_start3A_490 = tpu.memref_squeeze %dma_start3A_489 : memref<1x1x80xi32, #tpu.memory_space<hbm>> -> memref<80xi32, #tpu.memory_space<hbm>>
        %dma_start3A_491 = arith.constant 0 : i32
        %dma_start3A_492 = tpu.memref_slice %arg8[%dma_start3A_484, %dma_start3A_491] : memref<8x80xi32, #tpu.memory_space<vmem>> -> memref<1x80xi32, #tpu.memory_space<vmem>>
        %dma_start3A_493 = tpu.memref_squeeze %dma_start3A_492 : memref<1x80xi32, #tpu.memory_space<vmem>> -> memref<80xi32, #tpu.memory_space<vmem>>
        %dma_start3A_494 = arith.constant 0 : i32
        %dma_start3A_495 = tpu.memref_slice %arg3[%add3A, %add3A_483, %dma_start3A_494] : memref<32x128x80xi32, #tpu.memory_space<hbm>> -> memref<1x1x80xi32, #tpu.memory_space<hbm>>
        %dma_start3A_496 = tpu.memref_squeeze %dma_start3A_495 : memref<1x1x80xi32, #tpu.memory_space<hbm>> -> memref<80xi32, #tpu.memory_space<hbm>>
        tpu.enqueue_dma source(%dma_start3A_496 : memref<80xi32, #tpu.memory_space<hbm>>) target(%dma_start3A_493 : memref<80xi32, #tpu.memory_space<vmem>>) target_semaphore(%arg16 : memref<!tpu.dma_semaphore, #tpu.memory_space<semaphore_mem>>)
        %dma_start3A_497 = arith.constant 2 : i32
        %dma_start3A_498 = arith.constant 0 : i32
        %dma_start3A_499 = tpu.memref_slice %arg9[%dma_start3A_497, %dma_start3A_498] : memref<8x80xi32, #tpu.memory_space<vmem>> -> memref<1x80xi32, #tpu.memory_space<vmem>>
        %dma_start3A_500 = tpu.memref_squeeze %dma_start3A_499 : memref<1x80xi32, #tpu.memory_space<vmem>> -> memref<80xi32, #tpu.memory_space<vmem>>
        %dma_start3A_501 = arith.constant 0 : i32
        %dma_start3A_502 = tpu.memref_slice %arg4[%add3A, %add3A_483, %dma_start3A_501] : memref<32x128x80xi32, #tpu.memory_space<hbm>> -> memref<1x1x80xi32, #tpu.memory_space<hbm>>
        %dma_start3A_503 = tpu.memref_squeeze %dma_start3A_502 : memref<1x1x80xi32, #tpu.memory_space<hbm>> -> memref<80xi32, #tpu.memory_space<hbm>>
        %dma_start3A_504 = arith.constant 0 : i32
        %dma_start3A_505 = tpu.memref_slice %arg9[%dma_start3A_497, %dma_start3A_504] : memref<8x80xi32, #tpu.memory_space<vmem>> -> memref<1x80xi32, #tpu.memory_space<vmem>>
        %dma_start3A_506 = tpu.memref_squeeze %dma_start3A_505 : memref<1x80xi32, #tpu.memory_space<vmem>> -> memref<80xi32, #tpu.memory_space<vmem>>
        %dma_start3A_507 = arith.constant 0 : i32
        %dma_start3A_508 = tpu.memref_slice %arg4[%add3A, %add3A_483, %dma_start3A_507] : memref<32x128x80xi32, #tpu.memory_space<hbm>> -> memref<1x1x80xi32, #tpu.memory_space<hbm>>
        %dma_start3A_509 = tpu.memref_squeeze %dma_start3A_508 : memref<1x1x80xi32, #tpu.memory_space<hbm>> -> memref<80xi32, #tpu.memory_space<hbm>>
        tpu.enqueue_dma source(%dma_start3A_509 : memref<80xi32, #tpu.memory_space<hbm>>) target(%dma_start3A_506 : memref<80xi32, #tpu.memory_space<vmem>>) target_semaphore(%arg16 : memref<!tpu.dma_semaphore, #tpu.memory_space<semaphore_mem>>)
      } else {
      }
      %ge3A_421 = arith.constant 2 : i32
      %ge3A_422 = arith.cmpi sge, %add3A_413, %ge3A_421 : i32
      %convert_element_type3A_423 = arith.extui %ge3A_422 : i1 to i32
      %cond3A_424 = arith.constant 0 : i32
      %cond3A_425 = arith.cmpi ne, %convert_element_type3A_423, %cond3A_424 : i32
      scf.if %cond3A_425 {
        %dma_wait3A_482 = arith.constant 0 : i32
        %dma_wait3A_483 = arith.constant 0 : i32
        %dma_wait3A_484 = tpu.memref_slice %arg9[%dma_wait3A_482, %dma_wait3A_483] : memref<8x80xi32, #tpu.memory_space<vmem>> -> memref<1x80xi32, #tpu.memory_space<vmem>>
        %dma_wait3A_485 = tpu.memref_squeeze %dma_wait3A_484 : memref<1x80xi32, #tpu.memory_space<vmem>> -> memref<80xi32, #tpu.memory_space<vmem>>
        %dma_wait3A_486 = arith.constant 0 : i32
        %dma_wait3A_487 = arith.constant 0 : i32
        %dma_wait3A_488 = tpu.memref_slice %arg7[%dma_wait3A_486, %dma_wait3A_487] : memref<10240x128xf32, #tpu.memory_space<vmem_shared>> -> memref<10240x128xf32, #tpu.memory_space<vmem_shared>>
        tpu.wait_indirect_dma semaphore(%arg26 : memref<!tpu.dma_semaphore, #tpu.memory_space<semaphore_mem>>) src(%arg10 : memref<80x128xf32, #tpu.memory_space<vmem>>) dst(%dma_wait3A_488 : memref<10240x128xf32, #tpu.memory_space<vmem_shared>>)
      } else {
      }
      %add3A_426 = arith.constant 2 : i32
      %add3A_427 = arith.addi %add3A_413, %add3A_426 : i32
      %lt3A_428 = arith.constant 128 : i32
      %lt3A_429 = arith.cmpi slt, %add3A_427, %lt3A_428 : i32
      %convert_element_type3A_430 = arith.extui %lt3A_429 : i1 to i32
      %cond3A_431 = arith.constant 0 : i32
      %cond3A_432 = arith.cmpi ne, %convert_element_type3A_430, %cond3A_431 : i32
      scf.if %cond3A_432 {
        %add3A_482 = arith.constant 2 : i32
        %add3A_483 = arith.addi %add3A_413, %add3A_482 : i32
        %dma_wait3A_484 = arith.constant 0 : i32
        %dma_wait3A_485 = arith.constant 0 : i32
        %dma_wait3A_486 = tpu.memref_slice %arg8[%dma_wait3A_484, %dma_wait3A_485] : memref<8x80xi32, #tpu.memory_space<vmem>> -> memref<1x80xi32, #tpu.memory_space<vmem>>
        %dma_wait3A_487 = tpu.memref_squeeze %dma_wait3A_486 : memref<1x80xi32, #tpu.memory_space<vmem>> -> memref<80xi32, #tpu.memory_space<vmem>>
        %dma_wait3A_488 = arith.constant 0 : i32
        %dma_wait3A_489 = tpu.memref_slice %arg3[%add3A, %add3A_483, %dma_wait3A_488] : memref<32x128x80xi32, #tpu.memory_space<hbm>> -> memref<1x1x80xi32, #tpu.memory_space<hbm>>
        %dma_wait3A_490 = tpu.memref_squeeze %dma_wait3A_489 : memref<1x1x80xi32, #tpu.memory_space<hbm>> -> memref<80xi32, #tpu.memory_space<hbm>>
        %dma_wait3A_491 = arith.constant 0 : i32
        %dma_wait3A_492 = tpu.memref_slice %arg8[%dma_wait3A_484, %dma_wait3A_491] : memref<8x80xi32, #tpu.memory_space<vmem>> -> memref<1x80xi32, #tpu.memory_space<vmem>>
        %dma_wait3A_493 = tpu.memref_squeeze %dma_wait3A_492 : memref<1x80xi32, #tpu.memory_space<vmem>> -> memref<80xi32, #tpu.memory_space<vmem>>
        %dma_wait3A_494 = arith.constant 0 : i32
        %dma_wait3A_495 = tpu.memref_slice %arg3[%add3A, %add3A_483, %dma_wait3A_494] : memref<32x128x80xi32, #tpu.memory_space<hbm>> -> memref<1x1x80xi32, #tpu.memory_space<hbm>>
        %dma_wait3A_496 = tpu.memref_squeeze %dma_wait3A_495 : memref<1x1x80xi32, #tpu.memory_space<hbm>> -> memref<80xi32, #tpu.memory_space<hbm>>
        tpu.wait_dma2 semaphore(%arg14 : memref<!tpu.dma_semaphore, #tpu.memory_space<semaphore_mem>>) src(%dma_wait3A_496 : memref<80xi32, #tpu.memory_space<hbm>>) dst(%dma_wait3A_493 : memref<80xi32, #tpu.memory_space<vmem>>)
        %dma_wait3A_497 = arith.constant 0 : i32
        %dma_wait3A_498 = arith.constant 0 : i32
        %dma_wait3A_499 = tpu.memref_slice %arg9[%dma_wait3A_497, %dma_wait3A_498] : memref<8x80xi32, #tpu.memory_space<vmem>> -> memref<1x80xi32, #tpu.memory_space<vmem>>
        %dma_wait3A_500 = tpu.memref_squeeze %dma_wait3A_499 : memref<1x80xi32, #tpu.memory_space<vmem>> -> memref<80xi32, #tpu.memory_space<vmem>>
        %dma_wait3A_501 = arith.constant 0 : i32
        %dma_wait3A_502 = tpu.memref_slice %arg4[%add3A, %add3A_483, %dma_wait3A_501] : memref<32x128x80xi32, #tpu.memory_space<hbm>> -> memref<1x1x80xi32, #tpu.memory_space<hbm>>
        %dma_wait3A_503 = tpu.memref_squeeze %dma_wait3A_502 : memref<1x1x80xi32, #tpu.memory_space<hbm>> -> memref<80xi32, #tpu.memory_space<hbm>>
        %dma_wait3A_504 = arith.constant 0 : i32
        %dma_wait3A_505 = tpu.memref_slice %arg9[%dma_wait3A_497, %dma_wait3A_504] : memref<8x80xi32, #tpu.memory_space<vmem>> -> memref<1x80xi32, #tpu.memory_space<vmem>>
        %dma_wait3A_506 = tpu.memref_squeeze %dma_wait3A_505 : memref<1x80xi32, #tpu.memory_space<vmem>> -> memref<80xi32, #tpu.memory_space<vmem>>
        %dma_wait3A_507 = arith.constant 0 : i32
        %dma_wait3A_508 = tpu.memref_slice %arg4[%add3A, %add3A_483, %dma_wait3A_507] : memref<32x128x80xi32, #tpu.memory_space<hbm>> -> memref<1x1x80xi32, #tpu.memory_space<hbm>>
        %dma_wait3A_509 = tpu.memref_squeeze %dma_wait3A_508 : memref<1x1x80xi32, #tpu.memory_space<hbm>> -> memref<80xi32, #tpu.memory_space<hbm>>
        tpu.wait_dma2 semaphore(%arg14 : memref<!tpu.dma_semaphore, #tpu.memory_space<semaphore_mem>>) src(%dma_wait3A_509 : memref<80xi32, #tpu.memory_space<hbm>>) dst(%dma_wait3A_506 : memref<80xi32, #tpu.memory_space<vmem>>)
        %dma_start3A_510 = arith.constant 0 : i32
        %dma_start3A_511 = arith.constant 0 : i32
        %dma_start3A_512 = tpu.memref_slice %arg8[%dma_start3A_510, %dma_start3A_511] : memref<8x80xi32, #tpu.memory_space<vmem>> -> memref<1x80xi32, #tpu.memory_space<vmem>>
        %dma_start3A_513 = tpu.memref_squeeze %dma_start3A_512 : memref<1x80xi32, #tpu.memory_space<vmem>> -> memref<80xi32, #tpu.memory_space<vmem>>
        %dma_start3A_514 = arith.constant 0 : i32
        %dma_start3A_515 = arith.constant 0 : i32
        %dma_start3A_516 = tpu.memref_slice %arg2[%dma_start3A_514, %dma_start3A_515] : memref<10240x128xf32, #tpu.memory_space<hbm>> -> memref<10240x128xf32, #tpu.memory_space<hbm>>
        tpu.enqueue_indirect_dma source(%dma_start3A_516 : memref<10240x128xf32, #tpu.memory_space<hbm>>) target(%arg10 : memref<80x128xf32, #tpu.memory_space<vmem>>) offsets(%dma_start3A_513 : memref<80xi32, #tpu.memory_space<vmem>>) semaphore(%arg22 : memref<!tpu.dma_semaphore, #tpu.memory_space<semaphore_mem>>)
      } else {
      }
      %dma_wait3A_433 = arith.constant 0 : i32
      %dma_wait3A_434 = arith.constant 0 : i32
      %dma_wait3A_435 = tpu.memref_slice %arg8[%dma_wait3A_433, %dma_wait3A_434] : memref<8x80xi32, #tpu.memory_space<vmem>> -> memref<1x80xi32, #tpu.memory_space<vmem>>
      %dma_wait3A_436 = tpu.memref_squeeze %dma_wait3A_435 : memref<1x80xi32, #tpu.memory_space<vmem>> -> memref<80xi32, #tpu.memory_space<vmem>>
      %dma_wait3A_437 = arith.constant 0 : i32
      %dma_wait3A_438 = arith.constant 0 : i32
      %dma_wait3A_439 = tpu.memref_slice %arg2[%dma_wait3A_437, %dma_wait3A_438] : memref<10240x128xf32, #tpu.memory_space<hbm>> -> memref<10240x128xf32, #tpu.memory_space<hbm>>
      tpu.wait_indirect_dma semaphore(%arg24 : memref<!tpu.dma_semaphore, #tpu.memory_space<semaphore_mem>>) src(%dma_wait3A_439 : memref<10240x128xf32, #tpu.memory_space<hbm>>) dst(%arg12 : memref<80x128xf32, #tpu.memory_space<vmem>>)
      %dma_start3A_440 = arith.constant 6 : i32
      %dma_start3A_441 = arith.constant 0 : i32
      %dma_start3A_442 = tpu.memref_slice %arg9[%dma_start3A_440, %dma_start3A_441] : memref<8x80xi32, #tpu.memory_space<vmem>> -> memref<1x80xi32, #tpu.memory_space<vmem>>
      %dma_start3A_443 = tpu.memref_squeeze %dma_start3A_442 : memref<1x80xi32, #tpu.memory_space<vmem>> -> memref<80xi32, #tpu.memory_space<vmem>>
      %dma_start3A_444 = arith.constant 0 : i32
      %dma_start3A_445 = arith.constant 0 : i32
      %dma_start3A_446 = tpu.memref_slice %arg7[%dma_start3A_444, %dma_start3A_445] : memref<10240x128xf32, #tpu.memory_space<vmem_shared>> -> memref<10240x128xf32, #tpu.memory_space<vmem_shared>>
      tpu.enqueue_indirect_dma source(%arg12 : memref<80x128xf32, #tpu.memory_space<vmem>>) target(%dma_start3A_446 : memref<10240x128xf32, #tpu.memory_space<vmem_shared>>) offsets(%dma_start3A_443 : memref<80xi32, #tpu.memory_space<vmem>>) semaphore(%arg28 : memref<!tpu.dma_semaphore, #tpu.memory_space<semaphore_mem>>) {add = true}
      %add3A_447 = arith.constant 7 : i32
      %add3A_448 = arith.addi %mul3A_205, %add3A_447 : i32
      %add3A_449 = arith.constant 4 : i32
      %add3A_450 = arith.addi %add3A_448, %add3A_449 : i32
      %lt3A_451 = arith.constant 128 : i32
      %lt3A_452 = arith.cmpi slt, %add3A_450, %lt3A_451 : i32
      %convert_element_type3A_453 = arith.extui %lt3A_452 : i1 to i32
      %cond3A_454 = arith.constant 0 : i32
      %cond3A_455 = arith.cmpi ne, %convert_element_type3A_453, %cond3A_454 : i32
      scf.if %cond3A_455 {
        %add3A_482 = arith.constant 4 : i32
        %add3A_483 = arith.addi %add3A_448, %add3A_482 : i32
        %dma_start3A_484 = arith.constant 3 : i32
        %dma_start3A_485 = arith.constant 0 : i32
        %dma_start3A_486 = tpu.memref_slice %arg8[%dma_start3A_484, %dma_start3A_485] : memref<8x80xi32, #tpu.memory_space<vmem>> -> memref<1x80xi32, #tpu.memory_space<vmem>>
        %dma_start3A_487 = tpu.memref_squeeze %dma_start3A_486 : memref<1x80xi32, #tpu.memory_space<vmem>> -> memref<80xi32, #tpu.memory_space<vmem>>
        %dma_start3A_488 = arith.constant 0 : i32
        %dma_start3A_489 = tpu.memref_slice %arg3[%add3A, %add3A_483, %dma_start3A_488] : memref<32x128x80xi32, #tpu.memory_space<hbm>> -> memref<1x1x80xi32, #tpu.memory_space<hbm>>
        %dma_start3A_490 = tpu.memref_squeeze %dma_start3A_489 : memref<1x1x80xi32, #tpu.memory_space<hbm>> -> memref<80xi32, #tpu.memory_space<hbm>>
        %dma_start3A_491 = arith.constant 0 : i32
        %dma_start3A_492 = tpu.memref_slice %arg8[%dma_start3A_484, %dma_start3A_491] : memref<8x80xi32, #tpu.memory_space<vmem>> -> memref<1x80xi32, #tpu.memory_space<vmem>>
        %dma_start3A_493 = tpu.memref_squeeze %dma_start3A_492 : memref<1x80xi32, #tpu.memory_space<vmem>> -> memref<80xi32, #tpu.memory_space<vmem>>
        %dma_start3A_494 = arith.constant 0 : i32
        %dma_start3A_495 = tpu.memref_slice %arg3[%add3A, %add3A_483, %dma_start3A_494] : memref<32x128x80xi32, #tpu.memory_space<hbm>> -> memref<1x1x80xi32, #tpu.memory_space<hbm>>
        %dma_start3A_496 = tpu.memref_squeeze %dma_start3A_495 : memref<1x1x80xi32, #tpu.memory_space<hbm>> -> memref<80xi32, #tpu.memory_space<hbm>>
        tpu.enqueue_dma source(%dma_start3A_496 : memref<80xi32, #tpu.memory_space<hbm>>) target(%dma_start3A_493 : memref<80xi32, #tpu.memory_space<vmem>>) target_semaphore(%arg17 : memref<!tpu.dma_semaphore, #tpu.memory_space<semaphore_mem>>)
        %dma_start3A_497 = arith.constant 3 : i32
        %dma_start3A_498 = arith.constant 0 : i32
        %dma_start3A_499 = tpu.memref_slice %arg9[%dma_start3A_497, %dma_start3A_498] : memref<8x80xi32, #tpu.memory_space<vmem>> -> memref<1x80xi32, #tpu.memory_space<vmem>>
        %dma_start3A_500 = tpu.memref_squeeze %dma_start3A_499 : memref<1x80xi32, #tpu.memory_space<vmem>> -> memref<80xi32, #tpu.memory_space<vmem>>
        %dma_start3A_501 = arith.constant 0 : i32
        %dma_start3A_502 = tpu.memref_slice %arg4[%add3A, %add3A_483, %dma_start3A_501] : memref<32x128x80xi32, #tpu.memory_space<hbm>> -> memref<1x1x80xi32, #tpu.memory_space<hbm>>
        %dma_start3A_503 = tpu.memref_squeeze %dma_start3A_502 : memref<1x1x80xi32, #tpu.memory_space<hbm>> -> memref<80xi32, #tpu.memory_space<hbm>>
        %dma_start3A_504 = arith.constant 0 : i32
        %dma_start3A_505 = tpu.memref_slice %arg9[%dma_start3A_497, %dma_start3A_504] : memref<8x80xi32, #tpu.memory_space<vmem>> -> memref<1x80xi32, #tpu.memory_space<vmem>>
        %dma_start3A_506 = tpu.memref_squeeze %dma_start3A_505 : memref<1x80xi32, #tpu.memory_space<vmem>> -> memref<80xi32, #tpu.memory_space<vmem>>
        %dma_start3A_507 = arith.constant 0 : i32
        %dma_start3A_508 = tpu.memref_slice %arg4[%add3A, %add3A_483, %dma_start3A_507] : memref<32x128x80xi32, #tpu.memory_space<hbm>> -> memref<1x1x80xi32, #tpu.memory_space<hbm>>
        %dma_start3A_509 = tpu.memref_squeeze %dma_start3A_508 : memref<1x1x80xi32, #tpu.memory_space<hbm>> -> memref<80xi32, #tpu.memory_space<hbm>>
        tpu.enqueue_dma source(%dma_start3A_509 : memref<80xi32, #tpu.memory_space<hbm>>) target(%dma_start3A_506 : memref<80xi32, #tpu.memory_space<vmem>>) target_semaphore(%arg17 : memref<!tpu.dma_semaphore, #tpu.memory_space<semaphore_mem>>)
      } else {
      }
      %ge3A_456 = arith.constant 2 : i32
      %ge3A_457 = arith.cmpi sge, %add3A_448, %ge3A_456 : i32
      %convert_element_type3A_458 = arith.extui %ge3A_457 : i1 to i32
      %cond3A_459 = arith.constant 0 : i32
      %cond3A_460 = arith.cmpi ne, %convert_element_type3A_458, %cond3A_459 : i32
      scf.if %cond3A_460 {
        %dma_wait3A_482 = arith.constant 0 : i32
        %dma_wait3A_483 = arith.constant 0 : i32
        %dma_wait3A_484 = tpu.memref_slice %arg9[%dma_wait3A_482, %dma_wait3A_483] : memref<8x80xi32, #tpu.memory_space<vmem>> -> memref<1x80xi32, #tpu.memory_space<vmem>>
        %dma_wait3A_485 = tpu.memref_squeeze %dma_wait3A_484 : memref<1x80xi32, #tpu.memory_space<vmem>> -> memref<80xi32, #tpu.memory_space<vmem>>
        %dma_wait3A_486 = arith.constant 0 : i32
        %dma_wait3A_487 = arith.constant 0 : i32
        %dma_wait3A_488 = tpu.memref_slice %arg7[%dma_wait3A_486, %dma_wait3A_487] : memref<10240x128xf32, #tpu.memory_space<vmem_shared>> -> memref<10240x128xf32, #tpu.memory_space<vmem_shared>>
        tpu.wait_indirect_dma semaphore(%arg27 : memref<!tpu.dma_semaphore, #tpu.memory_space<semaphore_mem>>) src(%arg11 : memref<80x128xf32, #tpu.memory_space<vmem>>) dst(%dma_wait3A_488 : memref<10240x128xf32, #tpu.memory_space<vmem_shared>>)
      } else {
      }
      %add3A_461 = arith.constant 2 : i32
      %add3A_462 = arith.addi %add3A_448, %add3A_461 : i32
      %lt3A_463 = arith.constant 128 : i32
      %lt3A_464 = arith.cmpi slt, %add3A_462, %lt3A_463 : i32
      %convert_element_type3A_465 = arith.extui %lt3A_464 : i1 to i32
      %cond3A_466 = arith.constant 0 : i32
      %cond3A_467 = arith.cmpi ne, %convert_element_type3A_465, %cond3A_466 : i32
      scf.if %cond3A_467 {
        %add3A_482 = arith.constant 2 : i32
        %add3A_483 = arith.addi %add3A_448, %add3A_482 : i32
        %dma_wait3A_484 = arith.constant 1 : i32
        %dma_wait3A_485 = arith.constant 0 : i32
        %dma_wait3A_486 = tpu.memref_slice %arg8[%dma_wait3A_484, %dma_wait3A_485] : memref<8x80xi32, #tpu.memory_space<vmem>> -> memref<1x80xi32, #tpu.memory_space<vmem>>
        %dma_wait3A_487 = tpu.memref_squeeze %dma_wait3A_486 : memref<1x80xi32, #tpu.memory_space<vmem>> -> memref<80xi32, #tpu.memory_space<vmem>>
        %dma_wait3A_488 = arith.constant 0 : i32
        %dma_wait3A_489 = tpu.memref_slice %arg3[%add3A, %add3A_483, %dma_wait3A_488] : memref<32x128x80xi32, #tpu.memory_space<hbm>> -> memref<1x1x80xi32, #tpu.memory_space<hbm>>
        %dma_wait3A_490 = tpu.memref_squeeze %dma_wait3A_489 : memref<1x1x80xi32, #tpu.memory_space<hbm>> -> memref<80xi32, #tpu.memory_space<hbm>>
        %dma_wait3A_491 = arith.constant 0 : i32
        %dma_wait3A_492 = tpu.memref_slice %arg8[%dma_wait3A_484, %dma_wait3A_491] : memref<8x80xi32, #tpu.memory_space<vmem>> -> memref<1x80xi32, #tpu.memory_space<vmem>>
        %dma_wait3A_493 = tpu.memref_squeeze %dma_wait3A_492 : memref<1x80xi32, #tpu.memory_space<vmem>> -> memref<80xi32, #tpu.memory_space<vmem>>
        %dma_wait3A_494 = arith.constant 0 : i32
        %dma_wait3A_495 = tpu.memref_slice %arg3[%add3A, %add3A_483, %dma_wait3A_494] : memref<32x128x80xi32, #tpu.memory_space<hbm>> -> memref<1x1x80xi32, #tpu.memory_space<hbm>>
        %dma_wait3A_496 = tpu.memref_squeeze %dma_wait3A_495 : memref<1x1x80xi32, #tpu.memory_space<hbm>> -> memref<80xi32, #tpu.memory_space<hbm>>
        tpu.wait_dma2 semaphore(%arg15 : memref<!tpu.dma_semaphore, #tpu.memory_space<semaphore_mem>>) src(%dma_wait3A_496 : memref<80xi32, #tpu.memory_space<hbm>>) dst(%dma_wait3A_493 : memref<80xi32, #tpu.memory_space<vmem>>)
        %dma_wait3A_497 = arith.constant 1 : i32
        %dma_wait3A_498 = arith.constant 0 : i32
        %dma_wait3A_499 = tpu.memref_slice %arg9[%dma_wait3A_497, %dma_wait3A_498] : memref<8x80xi32, #tpu.memory_space<vmem>> -> memref<1x80xi32, #tpu.memory_space<vmem>>
        %dma_wait3A_500 = tpu.memref_squeeze %dma_wait3A_499 : memref<1x80xi32, #tpu.memory_space<vmem>> -> memref<80xi32, #tpu.memory_space<vmem>>
        %dma_wait3A_501 = arith.constant 0 : i32
        %dma_wait3A_502 = tpu.memref_slice %arg4[%add3A, %add3A_483, %dma_wait3A_501] : memref<32x128x80xi32, #tpu.memory_space<hbm>> -> memref<1x1x80xi32, #tpu.memory_space<hbm>>
        %dma_wait3A_503 = tpu.memref_squeeze %dma_wait3A_502 : memref<1x1x80xi32, #tpu.memory_space<hbm>> -> memref<80xi32, #tpu.memory_space<hbm>>
        %dma_wait3A_504 = arith.constant 0 : i32
        %dma_wait3A_505 = tpu.memref_slice %arg9[%dma_wait3A_497, %dma_wait3A_504] : memref<8x80xi32, #tpu.memory_space<vmem>> -> memref<1x80xi32, #tpu.memory_space<vmem>>
        %dma_wait3A_506 = tpu.memref_squeeze %dma_wait3A_505 : memref<1x80xi32, #tpu.memory_space<vmem>> -> memref<80xi32, #tpu.memory_space<vmem>>
        %dma_wait3A_507 = arith.constant 0 : i32
        %dma_wait3A_508 = tpu.memref_slice %arg4[%add3A, %add3A_483, %dma_wait3A_507] : memref<32x128x80xi32, #tpu.memory_space<hbm>> -> memref<1x1x80xi32, #tpu.memory_space<hbm>>
        %dma_wait3A_509 = tpu.memref_squeeze %dma_wait3A_508 : memref<1x1x80xi32, #tpu.memory_space<hbm>> -> memref<80xi32, #tpu.memory_space<hbm>>
        tpu.wait_dma2 semaphore(%arg15 : memref<!tpu.dma_semaphore, #tpu.memory_space<semaphore_mem>>) src(%dma_wait3A_509 : memref<80xi32, #tpu.memory_space<hbm>>) dst(%dma_wait3A_506 : memref<80xi32, #tpu.memory_space<vmem>>)
        %dma_start3A_510 = arith.constant 1 : i32
        %dma_start3A_511 = arith.constant 0 : i32
        %dma_start3A_512 = tpu.memref_slice %arg8[%dma_start3A_510, %dma_start3A_511] : memref<8x80xi32, #tpu.memory_space<vmem>> -> memref<1x80xi32, #tpu.memory_space<vmem>>
        %dma_start3A_513 = tpu.memref_squeeze %dma_start3A_512 : memref<1x80xi32, #tpu.memory_space<vmem>> -> memref<80xi32, #tpu.memory_space<vmem>>
        %dma_start3A_514 = arith.constant 0 : i32
        %dma_start3A_515 = arith.constant 0 : i32
        %dma_start3A_516 = tpu.memref_slice %arg2[%dma_start3A_514, %dma_start3A_515] : memref<10240x128xf32, #tpu.memory_space<hbm>> -> memref<10240x128xf32, #tpu.memory_space<hbm>>
        tpu.enqueue_indirect_dma source(%dma_start3A_516 : memref<10240x128xf32, #tpu.memory_space<hbm>>) target(%arg11 : memref<80x128xf32, #tpu.memory_space<vmem>>) offsets(%dma_start3A_513 : memref<80xi32, #tpu.memory_space<vmem>>) semaphore(%arg23 : memref<!tpu.dma_semaphore, #tpu.memory_space<semaphore_mem>>)
      } else {
      }
      %dma_wait3A_468 = arith.constant 0 : i32
      %dma_wait3A_469 = arith.constant 0 : i32
      %dma_wait3A_470 = tpu.memref_slice %arg8[%dma_wait3A_468, %dma_wait3A_469] : memref<8x80xi32, #tpu.memory_space<vmem>> -> memref<1x80xi32, #tpu.memory_space<vmem>>
      %dma_wait3A_471 = tpu.memref_squeeze %dma_wait3A_470 : memref<1x80xi32, #tpu.memory_space<vmem>> -> memref<80xi32, #tpu.memory_space<vmem>>
      %dma_wait3A_472 = arith.constant 0 : i32
      %dma_wait3A_473 = arith.constant 0 : i32
      %dma_wait3A_474 = tpu.memref_slice %arg2[%dma_wait3A_472, %dma_wait3A_473] : memref<10240x128xf32, #tpu.memory_space<hbm>> -> memref<10240x128xf32, #tpu.memory_space<hbm>>
      tpu.wait_indirect_dma semaphore(%arg25 : memref<!tpu.dma_semaphore, #tpu.memory_space<semaphore_mem>>) src(%dma_wait3A_474 : memref<10240x128xf32, #tpu.memory_space<hbm>>) dst(%arg13 : memref<80x128xf32, #tpu.memory_space<vmem>>)
      %dma_start3A_475 = arith.constant 7 : i32
      %dma_start3A_476 = arith.constant 0 : i32
      %dma_start3A_477 = tpu.memref_slice %arg9[%dma_start3A_475, %dma_start3A_476] : memref<8x80xi32, #tpu.memory_space<vmem>> -> memref<1x80xi32, #tpu.memory_space<vmem>>
      %dma_start3A_478 = tpu.memref_squeeze %dma_start3A_477 : memref<1x80xi32, #tpu.memory_space<vmem>> -> memref<80xi32, #tpu.memory_space<vmem>>
      %dma_start3A_479 = arith.constant 0 : i32
      %dma_start3A_480 = arith.constant 0 : i32
      %dma_start3A_481 = tpu.memref_slice %arg7[%dma_start3A_479, %dma_start3A_480] : memref<10240x128xf32, #tpu.memory_space<vmem_shared>> -> memref<10240x128xf32, #tpu.memory_space<vmem_shared>>
      tpu.enqueue_indirect_dma source(%arg13 : memref<80x128xf32, #tpu.memory_space<vmem>>) target(%dma_start3A_481 : memref<10240x128xf32, #tpu.memory_space<vmem_shared>>) offsets(%dma_start3A_478 : memref<80xi32, #tpu.memory_space<vmem>>) semaphore(%arg29 : memref<!tpu.dma_semaphore, #tpu.memory_space<semaphore_mem>>) {add = true}
    }
    %scan3A_187 = arith.constant 16 : i32
    %dma_wait3A_188 = arith.constant 0 : i32
    %dma_wait3A_189 = arith.constant 0 : i32
    %dma_wait3A_190 = tpu.memref_slice %arg9[%dma_wait3A_188, %dma_wait3A_189] : memref<8x80xi32, #tpu.memory_space<vmem>> -> memref<1x80xi32, #tpu.memory_space<vmem>>
    %dma_wait3A_191 = tpu.memref_squeeze %dma_wait3A_190 : memref<1x80xi32, #tpu.memory_space<vmem>> -> memref<80xi32, #tpu.memory_space<vmem>>
    %dma_wait3A_192 = arith.constant 0 : i32
    %dma_wait3A_193 = arith.constant 0 : i32
    %dma_wait3A_194 = tpu.memref_slice %arg7[%dma_wait3A_192, %dma_wait3A_193] : memref<10240x128xf32, #tpu.memory_space<vmem_shared>> -> memref<10240x128xf32, #tpu.memory_space<vmem_shared>>
    tpu.wait_indirect_dma semaphore(%arg28 : memref<!tpu.dma_semaphore, #tpu.memory_space<semaphore_mem>>) src(%arg12 : memref<80x128xf32, #tpu.memory_space<vmem>>) dst(%dma_wait3A_194 : memref<10240x128xf32, #tpu.memory_space<vmem_shared>>)
    %dma_wait3A_195 = arith.constant 0 : i32
    %dma_wait3A_196 = arith.constant 0 : i32
    %dma_wait3A_197 = tpu.memref_slice %arg9[%dma_wait3A_195, %dma_wait3A_196] : memref<8x80xi32, #tpu.memory_space<vmem>> -> memref<1x80xi32, #tpu.memory_space<vmem>>
    %dma_wait3A_198 = tpu.memref_squeeze %dma_wait3A_197 : memref<1x80xi32, #tpu.memory_space<vmem>> -> memref<80xi32, #tpu.memory_space<vmem>>
    %dma_wait3A_199 = arith.constant 0 : i32
    %dma_wait3A_200 = arith.constant 0 : i32
    %dma_wait3A_201 = tpu.memref_slice %arg7[%dma_wait3A_199, %dma_wait3A_200] : memref<10240x128xf32, #tpu.memory_space<vmem_shared>> -> memref<10240x128xf32, #tpu.memory_space<vmem_shared>>
    tpu.wait_indirect_dma semaphore(%arg29 : memref<!tpu.dma_semaphore, #tpu.memory_space<semaphore_mem>>) src(%arg13 : memref<80x128xf32, #tpu.memory_space<vmem>>) dst(%dma_wait3A_201 : memref<10240x128xf32, #tpu.memory_space<vmem_shared>>)
    %barrier3A_202 = arith.constant 0 : index
    tpu.barrier barrier_id(%barrier3A_202)
    "tpu.region"() ({
      %run_scoped3A = tpu.sem_alloc : memref<!tpu.dma_semaphore, #tpu.memory_space<semaphore_mem>>
      %dma_start3A_203 = arith.constant 0 : i32
      %dma_start3A_204 = tpu.memref_slice %arg6[%arg0, %mul3A_2, %dma_start3A_203] : memref<2x10240x128xf32, #tpu.memory_space<hbm>> -> memref<1x640x128xf32, #tpu.memory_space<hbm>>
      %dma_start3A_205 = tpu.memref_squeeze %dma_start3A_204 : memref<1x640x128xf32, #tpu.memory_space<hbm>> -> memref<640x128xf32, #tpu.memory_space<hbm>>
      %dma_start3A_206 = arith.constant 0 : i32
      %dma_start3A_207 = tpu.memref_slice %arg7[%mul3A_2, %dma_start3A_206] : memref<10240x128xf32, #tpu.memory_space<vmem_shared>> -> memref<640x128xf32, #tpu.memory_space<vmem_shared>>
      tpu.enqueue_dma source(%dma_start3A_207 : memref<640x128xf32, #tpu.memory_space<vmem_shared>>) target(%dma_start3A_205 : memref<640x128xf32, #tpu.memory_space<hbm>>) target_semaphore(%run_scoped3A : memref<!tpu.dma_semaphore, #tpu.memory_space<semaphore_mem>>)
      %dma_wait3A_208 = arith.constant 0 : i32
      %dma_wait3A_209 = tpu.memref_slice %arg6[%arg0, %mul3A_2, %dma_wait3A_208] : memref<2x10240x128xf32, #tpu.memory_space<hbm>> -> memref<1x640x128xf32, #tpu.memory_space<hbm>>
      %dma_wait3A_210 = tpu.memref_squeeze %dma_wait3A_209 : memref<1x640x128xf32, #tpu.memory_space<hbm>> -> memref<640x128xf32, #tpu.memory_space<hbm>>
      %dma_wait3A_211 = arith.constant 0 : i32
      %dma_wait3A_212 = tpu.memref_slice %arg7[%mul3A_2, %dma_wait3A_211] : memref<10240x128xf32, #tpu.memory_space<vmem_shared>> -> memref<640x128xf32, #tpu.memory_space<vmem_shared>>
      tpu.wait_dma2 semaphore(%run_scoped3A : memref<!tpu.dma_semaphore, #tpu.memory_space<semaphore_mem>>) src(%dma_wait3A_212 : memref<640x128xf32, #tpu.memory_space<vmem_shared>>) dst(%dma_wait3A_210 : memref<640x128xf32, #tpu.memory_space<hbm>>)
      tpu.yield
    }) : () -> ()
    return
  }
}

#map = affine_map<(d0, d1) -> (0, 0)>
#map1 = affine_map<(d0, d1) -> (0)>
module attributes {stable_mosaic.version = 14 : i64} {
  func.func @_deg_body(%arg0: i32, %arg1: i32, %arg2: memref<32x10240xi32, #tpu.memory_space<hbm>>, %arg3: memref<10240xi32, #tpu.memory_space<hbm>>, %arg4: memref<32x10240xi32, #tpu.memory_space<hbm>>, %arg5: memref<10240xi32, #tpu.memory_space<vmem>>, %arg6: memref<10240xi32, #tpu.memory_space<vmem>>) attributes {dimension_semantics = [#tpu.dimension_semantics<core_parallel>, #tpu.dimension_semantics<subcore_parallel>], iteration_bounds = array<i64: 2, 16>, scalar_prefetch = 0 : i64, scratch_operands = 2 : i64, tpu.core_type = #tpu.core_type<sc_vector_subcore>, window_params = [{transform_indices = #map}, {transform_indices = #map1}, {transform_indices = #map}]} {
    %mul3A = arith.constant 2 : i32
    %mul3A_0 = arith.muli %arg1, %mul3A : i32
    %add3A = arith.addi %mul3A_0, %arg0 : i32
    "tpu.region"() ({
      %run_scoped3A = tpu.sem_alloc : memref<!tpu.dma_semaphore, #tpu.memory_space<semaphore_mem>>
      tpu.enqueue_dma source(%arg3 : memref<10240xi32, #tpu.memory_space<hbm>>) target(%arg5 : memref<10240xi32, #tpu.memory_space<vmem>>) target_semaphore(%run_scoped3A : memref<!tpu.dma_semaphore, #tpu.memory_space<semaphore_mem>>)
      tpu.wait_dma2 semaphore(%run_scoped3A : memref<!tpu.dma_semaphore, #tpu.memory_space<semaphore_mem>>) src(%arg3 : memref<10240xi32, #tpu.memory_space<hbm>>) dst(%arg5 : memref<10240xi32, #tpu.memory_space<vmem>>)
      tpu.yield
    }) : () -> ()
    "tpu.region"() ({
      %run_scoped3A = tpu.sem_alloc : memref<!tpu.dma_semaphore, #tpu.memory_space<semaphore_mem>>
      %dma_start3A = arith.constant 0 : i32
      %dma_start3A_6 = tpu.memref_slice %arg2[%add3A, %dma_start3A] : memref<32x10240xi32, #tpu.memory_space<hbm>> -> memref<1x10240xi32, #tpu.memory_space<hbm>>
      %dma_start3A_7 = tpu.memref_squeeze %dma_start3A_6 : memref<1x10240xi32, #tpu.memory_space<hbm>> -> memref<10240xi32, #tpu.memory_space<hbm>>
      %dma_start3A_8 = arith.constant 0 : i32
      %dma_start3A_9 = tpu.memref_slice %arg2[%add3A, %dma_start3A_8] : memref<32x10240xi32, #tpu.memory_space<hbm>> -> memref<1x10240xi32, #tpu.memory_space<hbm>>
      %dma_start3A_10 = tpu.memref_squeeze %dma_start3A_9 : memref<1x10240xi32, #tpu.memory_space<hbm>> -> memref<10240xi32, #tpu.memory_space<hbm>>
      tpu.enqueue_dma source(%dma_start3A_10 : memref<10240xi32, #tpu.memory_space<hbm>>) target(%arg6 : memref<10240xi32, #tpu.memory_space<vmem>>) target_semaphore(%run_scoped3A : memref<!tpu.dma_semaphore, #tpu.memory_space<semaphore_mem>>)
      %dma_wait3A = arith.constant 0 : i32
      %dma_wait3A_11 = tpu.memref_slice %arg2[%add3A, %dma_wait3A] : memref<32x10240xi32, #tpu.memory_space<hbm>> -> memref<1x10240xi32, #tpu.memory_space<hbm>>
      %dma_wait3A_12 = tpu.memref_squeeze %dma_wait3A_11 : memref<1x10240xi32, #tpu.memory_space<hbm>> -> memref<10240xi32, #tpu.memory_space<hbm>>
      %dma_wait3A_13 = arith.constant 0 : i32
      %dma_wait3A_14 = tpu.memref_slice %arg2[%add3A, %dma_wait3A_13] : memref<32x10240xi32, #tpu.memory_space<hbm>> -> memref<1x10240xi32, #tpu.memory_space<hbm>>
      %dma_wait3A_15 = tpu.memref_squeeze %dma_wait3A_14 : memref<1x10240xi32, #tpu.memory_space<hbm>> -> memref<10240xi32, #tpu.memory_space<hbm>>
      tpu.wait_dma2 semaphore(%run_scoped3A : memref<!tpu.dma_semaphore, #tpu.memory_space<semaphore_mem>>) src(%dma_wait3A_15 : memref<10240xi32, #tpu.memory_space<hbm>>) dst(%arg6 : memref<10240xi32, #tpu.memory_space<vmem>>)
      tpu.yield
    }) : () -> ()
    %scan3A = arith.constant 0 : i32
    %scan3A_1 = arith.constant 0 : i32
    %scan3A_2 = arith.constant 160 : i32
    %scan3A_3 = arith.addi %scan3A_1, %scan3A_2 : i32
    %scan3A_4 = arith.constant 1 : i32
    scf.for %scan3A_6 = %scan3A_1 to %scan3A_3 step %scan3A_4  : i32 {
      %mul3A_7 = arith.constant 4 : i32
      %mul3A_8 = arith.muli %scan3A_6, %mul3A_7 : i32
      %add3A_9 = arith.constant 0 : i32
      %add3A_10 = arith.addi %mul3A_8, %add3A_9 : i32
      %mul3A_11 = arith.constant 16 : i32
      %mul3A_12 = arith.muli %add3A_10, %mul3A_11 : i32
      %get3A = arith.index_cast %mul3A_12 : i32 to index
      %get3A_13 = tpu.vector_load %arg6[%get3A] {strides = array<i32>} : memref<10240xi32, #tpu.memory_space<vmem>>, vector<16xi32>,
      %broadcast_in_dim3A = arith.constant true
      %broadcast_in_dim3A_14 = vector.broadcast %broadcast_in_dim3A : i1 to vector<16xi1>
      %unique3A, %unique3A_15 = tpu.scan_count mask(%broadcast_in_dim3A_14 : vector<16xi1>) value(%get3A_13 : vector<16xi32>) : vector<16xi1>, vector<16xi32>
      tpu.vector_store_idx %arg5[%get3A_13], %unique3A_15 masked %unique3A {add = true} : memref<10240xi32, #tpu.memory_space<vmem>>[vector<16xi32>], vector<16xi32>, vector<16xi1>
      %mul3A_16 = arith.constant 4 : i32
      %mul3A_17 = arith.muli %scan3A_6, %mul3A_16 : i32
      %add3A_18 = arith.constant 1 : i32
      %add3A_19 = arith.addi %mul3A_17, %add3A_18 : i32
      %mul3A_20 = arith.constant 16 : i32
      %mul3A_21 = arith.muli %add3A_19, %mul3A_20 : i32
      %get3A_22 = arith.index_cast %mul3A_21 : i32 to index
      %get3A_23 = tpu.vector_load %arg6[%get3A_22] {strides = array<i32>} : memref<10240xi32, #tpu.memory_space<vmem>>, vector<16xi32>,
      %broadcast_in_dim3A_24 = arith.constant true
      %broadcast_in_dim3A_25 = vector.broadcast %broadcast_in_dim3A_24 : i1 to vector<16xi1>
      %unique3A_26, %unique3A_27 = tpu.scan_count mask(%broadcast_in_dim3A_25 : vector<16xi1>) value(%get3A_23 : vector<16xi32>) : vector<16xi1>, vector<16xi32>
      tpu.vector_store_idx %arg5[%get3A_23], %unique3A_27 masked %unique3A_26 {add = true} : memref<10240xi32, #tpu.memory_space<vmem>>[vector<16xi32>], vector<16xi32>, vector<16xi1>
      %mul3A_28 = arith.constant 4 : i32
      %mul3A_29 = arith.muli %scan3A_6, %mul3A_28 : i32
      %add3A_30 = arith.constant 2 : i32
      %add3A_31 = arith.addi %mul3A_29, %add3A_30 : i32
      %mul3A_32 = arith.constant 16 : i32
      %mul3A_33 = arith.muli %add3A_31, %mul3A_32 : i32
      %get3A_34 = arith.index_cast %mul3A_33 : i32 to index
      %get3A_35 = tpu.vector_load %arg6[%get3A_34] {strides = array<i32>} : memref<10240xi32, #tpu.memory_space<vmem>>, vector<16xi32>,
      %broadcast_in_dim3A_36 = arith.constant true
      %broadcast_in_dim3A_37 = vector.broadcast %broadcast_in_dim3A_36 : i1 to vector<16xi1>
      %unique3A_38, %unique3A_39 = tpu.scan_count mask(%broadcast_in_dim3A_37 : vector<16xi1>) value(%get3A_35 : vector<16xi32>) : vector<16xi1>, vector<16xi32>
      tpu.vector_store_idx %arg5[%get3A_35], %unique3A_39 masked %unique3A_38 {add = true} : memref<10240xi32, #tpu.memory_space<vmem>>[vector<16xi32>], vector<16xi32>, vector<16xi1>
      %mul3A_40 = arith.constant 4 : i32
      %mul3A_41 = arith.muli %scan3A_6, %mul3A_40 : i32
      %add3A_42 = arith.constant 3 : i32
      %add3A_43 = arith.addi %mul3A_41, %add3A_42 : i32
      %mul3A_44 = arith.constant 16 : i32
      %mul3A_45 = arith.muli %add3A_43, %mul3A_44 : i32
      %get3A_46 = arith.index_cast %mul3A_45 : i32 to index
      %get3A_47 = tpu.vector_load %arg6[%get3A_46] {strides = array<i32>} : memref<10240xi32, #tpu.memory_space<vmem>>, vector<16xi32>,
      %broadcast_in_dim3A_48 = arith.constant true
      %broadcast_in_dim3A_49 = vector.broadcast %broadcast_in_dim3A_48 : i1 to vector<16xi1>
      %unique3A_50, %unique3A_51 = tpu.scan_count mask(%broadcast_in_dim3A_49 : vector<16xi1>) value(%get3A_47 : vector<16xi32>) : vector<16xi1>, vector<16xi32>
      tpu.vector_store_idx %arg5[%get3A_47], %unique3A_51 masked %unique3A_50 {add = true} : memref<10240xi32, #tpu.memory_space<vmem>>[vector<16xi32>], vector<16xi32>, vector<16xi1>
    }
    %scan3A_5 = arith.constant 160 : i32
    "tpu.region"() ({
      %run_scoped3A = tpu.sem_alloc : memref<!tpu.dma_semaphore, #tpu.memory_space<semaphore_mem>>
      %dma_start3A = arith.constant 0 : i32
      %dma_start3A_6 = tpu.memref_slice %arg4[%add3A, %dma_start3A] : memref<32x10240xi32, #tpu.memory_space<hbm>> -> memref<1x10240xi32, #tpu.memory_space<hbm>>
      %dma_start3A_7 = tpu.memref_squeeze %dma_start3A_6 : memref<1x10240xi32, #tpu.memory_space<hbm>> -> memref<10240xi32, #tpu.memory_space<hbm>>
      %dma_start3A_8 = arith.constant 0 : i32
      %dma_start3A_9 = tpu.memref_slice %arg4[%add3A, %dma_start3A_8] : memref<32x10240xi32, #tpu.memory_space<hbm>> -> memref<1x10240xi32, #tpu.memory_space<hbm>>
      %dma_start3A_10 = tpu.memref_squeeze %dma_start3A_9 : memref<1x10240xi32, #tpu.memory_space<hbm>> -> memref<10240xi32, #tpu.memory_space<hbm>>
      tpu.enqueue_dma source(%arg5 : memref<10240xi32, #tpu.memory_space<vmem>>) target(%dma_start3A_10 : memref<10240xi32, #tpu.memory_space<hbm>>) target_semaphore(%run_scoped3A : memref<!tpu.dma_semaphore, #tpu.memory_space<semaphore_mem>>)
      %dma_wait3A = arith.constant 0 : i32
      %dma_wait3A_11 = tpu.memref_slice %arg4[%add3A, %dma_wait3A] : memref<32x10240xi32, #tpu.memory_space<hbm>> -> memref<1x10240xi32, #tpu.memory_space<hbm>>
      %dma_wait3A_12 = tpu.memref_squeeze %dma_wait3A_11 : memref<1x10240xi32, #tpu.memory_space<hbm>> -> memref<10240xi32, #tpu.memory_space<hbm>>
      %dma_wait3A_13 = arith.constant 0 : i32
      %dma_wait3A_14 = tpu.memref_slice %arg4[%add3A, %dma_wait3A_13] : memref<32x10240xi32, #tpu.memory_space<hbm>> -> memref<1x10240xi32, #tpu.memory_space<hbm>>
      %dma_wait3A_15 = tpu.memref_squeeze %dma_wait3A_14 : memref<1x10240xi32, #tpu.memory_space<hbm>> -> memref<10240xi32, #tpu.memory_space<hbm>>
      tpu.wait_dma2 semaphore(%run_scoped3A : memref<!tpu.dma_semaphore, #tpu.memory_space<semaphore_mem>>) src(%arg5 : memref<10240xi32, #tpu.memory_space<vmem>>) dst(%dma_wait3A_15 : memref<10240xi32, #tpu.memory_space<hbm>>)
      tpu.yield
    }) : () -> ()
    return
  }
}

#map = affine_map<(d0, d1) -> (0, 0)>
#map1 = affine_map<(d0, d1) -> (0, 0, 0)>
module attributes {stable_mosaic.version = 14 : i64} {
  func.func @_agg_body(%arg0: i32, %arg1: i32, %arg2: memref<10240x128xf32, #tpu.memory_space<hbm>>, %arg3: memref<32x128x80xi32, #tpu.memory_space<hbm>>, %arg4: memref<32x128x80xi32, #tpu.memory_space<hbm>>, %arg5: memref<10240x128xf32, #tpu.memory_space<hbm>>, %arg6: memref<2x10240x128xf32, #tpu.memory_space<hbm>>, %arg7: memref<10240x128xf32, #tpu.memory_space<vmem_shared>>, %arg8: memref<8x80xi32, #tpu.memory_space<vmem>>, %arg9: memref<8x80xi32, #tpu.memory_space<vmem>>, %arg10: memref<80x128xf32, #tpu.memory_space<vmem>>, %arg11: memref<80x128xf32, #tpu.memory_space<vmem>>, %arg12: memref<80x128xf32, #tpu.memory_space<vmem>>, %arg13: memref<80x128xf32, #tpu.memory_space<vmem>>, %arg14: memref<!tpu.dma_semaphore, #tpu.memory_space<semaphore_mem>>, %arg15: memref<!tpu.dma_semaphore, #tpu.memory_space<semaphore_mem>>, %arg16: memref<!tpu.dma_semaphore, #tpu.memory_space<semaphore_mem>>, %arg17: memref<!tpu.dma_semaphore, #tpu.memory_space<semaphore_mem>>, %arg18: memref<!tpu.dma_semaphore, #tpu.memory_space<semaphore_mem>>, %arg19: memref<!tpu.dma_semaphore, #tpu.memory_space<semaphore_mem>>, %arg20: memref<!tpu.dma_semaphore, #tpu.memory_space<semaphore_mem>>, %arg21: memref<!tpu.dma_semaphore, #tpu.memory_space<semaphore_mem>>, %arg22: memref<!tpu.dma_semaphore, #tpu.memory_space<semaphore_mem>>, %arg23: memref<!tpu.dma_semaphore, #tpu.memory_space<semaphore_mem>>, %arg24: memref<!tpu.dma_semaphore, #tpu.memory_space<semaphore_mem>>, %arg25: memref<!tpu.dma_semaphore, #tpu.memory_space<semaphore_mem>>, %arg26: memref<!tpu.dma_semaphore, #tpu.memory_space<semaphore_mem>>, %arg27: memref<!tpu.dma_semaphore, #tpu.memory_space<semaphore_mem>>, %arg28: memref<!tpu.dma_semaphore, #tpu.memory_space<semaphore_mem>>, %arg29: memref<!tpu.dma_semaphore, #tpu.memory_space<semaphore_mem>>) attributes {dimension_semantics = [#tpu.dimension_semantics<core_parallel>, #tpu.dimension_semantics<subcore_parallel>], iteration_bounds = array<i64: 2, 16>, scalar_prefetch = 0 : i64, scratch_operands = 23 : i64, tpu.core_type = #tpu.core_type<sc_vector_subcore>, window_params = [{transform_indices = #map}, {transform_indices = #map1}, {transform_indices = #map1}, {transform_indices = #map}, {transform_indices = #map1}]} {
    %mul3A = arith.constant 2 : i32
    %mul3A_0 = arith.muli %arg1, %mul3A : i32
    %add3A = arith.addi %mul3A_0, %arg0 : i32
    %mul3A_1 = arith.constant 640 : i32
    %mul3A_2 = arith.muli %arg1, %mul3A_1 : i32
    %dma_start3A = arith.constant 0 : i32
    %dma_start3A_3 = arith.constant 0 : i32
    %dma_start3A_4 = arith.constant 0 : i32
    %dma_start3A_5 = tpu.memref_slice %arg8[%dma_start3A_3, %dma_start3A_4] : memref<8x80xi32, #tpu.memory_space<vmem>> -> memref<1x80xi32, #tpu.memory_space<vmem>>
    %dma_start3A_6 = tpu.memref_squeeze %dma_start3A_5 : memref<1x80xi32, #tpu.memory_space<vmem>> -> memref<80xi32, #tpu.memory_space<vmem>>
    %dma_start3A_7 = arith.constant 0 : i32
    %dma_start3A_8 = tpu.memref_slice %arg3[%add3A, %dma_start3A, %dma_start3A_7] : memref<32x128x80xi32, #tpu.memory_space<hbm>> -> memref<1x1x80xi32, #tpu.memory_space<hbm>>
    %dma_start3A_9 = tpu.memref_squeeze %dma_start3A_8 : memref<1x1x80xi32, #tpu.memory_space<hbm>> -> memref<80xi32, #tpu.memory_space<hbm>>
    %dma_start3A_10 = arith.constant 0 : i32
    %dma_start3A_11 = tpu.memref_slice %arg8[%dma_start3A_3, %dma_start3A_10] : memref<8x80xi32, #tpu.memory_space<vmem>> -> memref<1x80xi32, #tpu.memory_space<vmem>>
    %dma_start3A_12 = tpu.memref_squeeze %dma_start3A_11 : memref<1x80xi32, #tpu.memory_space<vmem>> -> memref<80xi32, #tpu.memory_space<vmem>>
    %dma_start3A_13 = arith.constant 0 : i32
    %dma_start3A_14 = tpu.memref_slice %arg3[%add3A, %dma_start3A, %dma_start3A_13] : memref<32x128x80xi32, #tpu.memory_space<hbm>> -> memref<1x1x80xi32, #tpu.memory_space<hbm>>
    %dma_start3A_15 = tpu.memref_squeeze %dma_start3A_14 : memref<1x1x80xi32, #tpu.memory_space<hbm>> -> memref<80xi32, #tpu.memory_space<hbm>>
    tpu.enqueue_dma source(%dma_start3A_15 : memref<80xi32, #tpu.memory_space<hbm>>) target(%dma_start3A_12 : memref<80xi32, #tpu.memory_space<vmem>>) target_semaphore(%arg14 : memref<!tpu.dma_semaphore, #tpu.memory_space<semaphore_mem>>)
    %dma_start3A_16 = arith.constant 0 : i32
    %dma_start3A_17 = arith.constant 0 : i32
    %dma_start3A_18 = arith.constant 0 : i32
    %dma_start3A_19 = tpu.memref_slice %arg9[%dma_start3A_17, %dma_start3A_18] : memref<8x80xi32, #tpu.memory_space<vmem>> -> memref<1x80xi32, #tpu.memory_space<vmem>>
    %dma_start3A_20 = tpu.memref_squeeze %dma_start3A_19 : memref<1x80xi32, #tpu.memory_space<vmem>> -> memref<80xi32, #tpu.memory_space<vmem>>
    %dma_start3A_21 = arith.constant 0 : i32
    %dma_start3A_22 = tpu.memref_slice %arg4[%add3A, %dma_start3A_16, %dma_start3A_21] : memref<32x128x80xi32, #tpu.memory_space<hbm>> -> memref<1x1x80xi32, #tpu.memory_space<hbm>>
    %dma_start3A_23 = tpu.memref_squeeze %dma_start3A_22 : memref<1x1x80xi32, #tpu.memory_space<hbm>> -> memref<80xi32, #tpu.memory_space<hbm>>
    %dma_start3A_24 = arith.constant 0 : i32
    %dma_start3A_25 = tpu.memref_slice %arg9[%dma_start3A_17, %dma_start3A_24] : memref<8x80xi32, #tpu.memory_space<vmem>> -> memref<1x80xi32, #tpu.memory_space<vmem>>
    %dma_start3A_26 = tpu.memref_squeeze %dma_start3A_25 : memref<1x80xi32, #tpu.memory_space<vmem>> -> memref<80xi32, #tpu.memory_space<vmem>>
    %dma_start3A_27 = arith.constant 0 : i32
    %dma_start3A_28 = tpu.memref_slice %arg4[%add3A, %dma_start3A_16, %dma_start3A_27] : memref<32x128x80xi32, #tpu.memory_space<hbm>> -> memref<1x1x80xi32, #tpu.memory_space<hbm>>
    %dma_start3A_29 = tpu.memref_squeeze %dma_start3A_28 : memref<1x1x80xi32, #tpu.memory_space<hbm>> -> memref<80xi32, #tpu.memory_space<hbm>>
    tpu.enqueue_dma source(%dma_start3A_29 : memref<80xi32, #tpu.memory_space<hbm>>) target(%dma_start3A_26 : memref<80xi32, #tpu.memory_space<vmem>>) target_semaphore(%arg14 : memref<!tpu.dma_semaphore, #tpu.memory_space<semaphore_mem>>)
    %dma_start3A_30 = arith.constant 1 : i32
    %dma_start3A_31 = arith.constant 1 : i32
    %dma_start3A_32 = arith.constant 0 : i32
    %dma_start3A_33 = tpu.memref_slice %arg8[%dma_start3A_31, %dma_start3A_32] : memref<8x80xi32, #tpu.memory_space<vmem>> -> memref<1x80xi32, #tpu.memory_space<vmem>>
    %dma_start3A_34 = tpu.memref_squeeze %dma_start3A_33 : memref<1x80xi32, #tpu.memory_space<vmem>> -> memref<80xi32, #tpu.memory_space<vmem>>
    %dma_start3A_35 = arith.constant 0 : i32
    %dma_start3A_36 = tpu.memref_slice %arg3[%add3A, %dma_start3A_30, %dma_start3A_35] : memref<32x128x80xi32, #tpu.memory_space<hbm>> -> memref<1x1x80xi32, #tpu.memory_space<hbm>>
    %dma_start3A_37 = tpu.memref_squeeze %dma_start3A_36 : memref<1x1x80xi32, #tpu.memory_space<hbm>> -> memref<80xi32, #tpu.memory_space<hbm>>
    %dma_start3A_38 = arith.constant 0 : i32
    %dma_start3A_39 = tpu.memref_slice %arg8[%dma_start3A_31, %dma_start3A_38] : memref<8x80xi32, #tpu.memory_space<vmem>> -> memref<1x80xi32, #tpu.memory_space<vmem>>
    %dma_start3A_40 = tpu.memref_squeeze %dma_start3A_39 : memref<1x80xi32, #tpu.memory_space<vmem>> -> memref<80xi32, #tpu.memory_space<vmem>>
    %dma_start3A_41 = arith.constant 0 : i32
    %dma_start3A_42 = tpu.memref_slice %arg3[%add3A, %dma_start3A_30, %dma_start3A_41] : memref<32x128x80xi32, #tpu.memory_space<hbm>> -> memref<1x1x80xi32, #tpu.memory_space<hbm>>
    %dma_start3A_43 = tpu.memref_squeeze %dma_start3A_42 : memref<1x1x80xi32, #tpu.memory_space<hbm>> -> memref<80xi32, #tpu.memory_space<hbm>>
    tpu.enqueue_dma source(%dma_start3A_43 : memref<80xi32, #tpu.memory_space<hbm>>) target(%dma_start3A_40 : memref<80xi32, #tpu.memory_space<vmem>>) target_semaphore(%arg15 : memref<!tpu.dma_semaphore, #tpu.memory_space<semaphore_mem>>)
    %dma_start3A_44 = arith.constant 1 : i32
    %dma_start3A_45 = arith.constant 1 : i32
    %dma_start3A_46 = arith.constant 0 : i32
    %dma_start3A_47 = tpu.memref_slice %arg9[%dma_start3A_45, %dma_start3A_46] : memref<8x80xi32, #tpu.memory_space<vmem>> -> memref<1x80xi32, #tpu.memory_space<vmem>>
    %dma_start3A_48 = tpu.memref_squeeze %dma_start3A_47 : memref<1x80xi32, #tpu.memory_space<vmem>> -> memref<80xi32, #tpu.memory_space<vmem>>
    %dma_start3A_49 = arith.constant 0 : i32
    %dma_start3A_50 = tpu.memref_slice %arg4[%add3A, %dma_start3A_44, %dma_start3A_49] : memref<32x128x80xi32, #tpu.memory_space<hbm>> -> memref<1x1x80xi32, #tpu.memory_space<hbm>>
    %dma_start3A_51 = tpu.memref_squeeze %dma_start3A_50 : memref<1x1x80xi32, #tpu.memory_space<hbm>> -> memref<80xi32, #tpu.memory_space<hbm>>
    %dma_start3A_52 = arith.constant 0 : i32
    %dma_start3A_53 = tpu.memref_slice %arg9[%dma_start3A_45, %dma_start3A_52] : memref<8x80xi32, #tpu.memory_space<vmem>> -> memref<1x80xi32, #tpu.memory_space<vmem>>
    %dma_start3A_54 = tpu.memref_squeeze %dma_start3A_53 : memref<1x80xi32, #tpu.memory_space<vmem>> -> memref<80xi32, #tpu.memory_space<vmem>>
    %dma_start3A_55 = arith.constant 0 : i32
    %dma_start3A_56 = tpu.memref_slice %arg4[%add3A, %dma_start3A_44, %dma_start3A_55] : memref<32x128x80xi32, #tpu.memory_space<hbm>> -> memref<1x1x80xi32, #tpu.memory_space<hbm>>
    %dma_start3A_57 = tpu.memref_squeeze %dma_start3A_56 : memref<1x1x80xi32, #tpu.memory_space<hbm>> -> memref<80xi32, #tpu.memory_space<hbm>>
    tpu.enqueue_dma source(%dma_start3A_57 : memref<80xi32, #tpu.memory_space<hbm>>) target(%dma_start3A_54 : memref<80xi32, #tpu.memory_space<vmem>>) target_semaphore(%arg15 : memref<!tpu.dma_semaphore, #tpu.memory_space<semaphore_mem>>)
    %dma_start3A_58 = arith.constant 2 : i32
    %dma_start3A_59 = arith.constant 2 : i32
    %dma_start3A_60 = arith.constant 0 : i32
    %dma_start3A_61 = tpu.memref_slice %arg8[%dma_start3A_59, %dma_start3A_60] : memref<8x80xi32, #tpu.memory_space<vmem>> -> memref<1x80xi32, #tpu.memory_space<vmem>>
    %dma_start3A_62 = tpu.memref_squeeze %dma_start3A_61 : memref<1x80xi32, #tpu.memory_space<vmem>> -> memref<80xi32, #tpu.memory_space<vmem>>
    %dma_start3A_63 = arith.constant 0 : i32
    %dma_start3A_64 = tpu.memref_slice %arg3[%add3A, %dma_start3A_58, %dma_start3A_63] : memref<32x128x80xi32, #tpu.memory_space<hbm>> -> memref<1x1x80xi32, #tpu.memory_space<hbm>>
    %dma_start3A_65 = tpu.memref_squeeze %dma_start3A_64 : memref<1x1x80xi32, #tpu.memory_space<hbm>> -> memref<80xi32, #tpu.memory_space<hbm>>
    %dma_start3A_66 = arith.constant 0 : i32
    %dma_start3A_67 = tpu.memref_slice %arg8[%dma_start3A_59, %dma_start3A_66] : memref<8x80xi32, #tpu.memory_space<vmem>> -> memref<1x80xi32, #tpu.memory_space<vmem>>
    %dma_start3A_68 = tpu.memref_squeeze %dma_start3A_67 : memref<1x80xi32, #tpu.memory_space<vmem>> -> memref<80xi32, #tpu.memory_space<vmem>>
    %dma_start3A_69 = arith.constant 0 : i32
    %dma_start3A_70 = tpu.memref_slice %arg3[%add3A, %dma_start3A_58, %dma_start3A_69] : memref<32x128x80xi32, #tpu.memory_space<hbm>> -> memref<1x1x80xi32, #tpu.memory_space<hbm>>
    %dma_start3A_71 = tpu.memref_squeeze %dma_start3A_70 : memref<1x1x80xi32, #tpu.memory_space<hbm>> -> memref<80xi32, #tpu.memory_space<hbm>>
    tpu.enqueue_dma source(%dma_start3A_71 : memref<80xi32, #tpu.memory_space<hbm>>) target(%dma_start3A_68 : memref<80xi32, #tpu.memory_space<vmem>>) target_semaphore(%arg16 : memref<!tpu.dma_semaphore, #tpu.memory_space<semaphore_mem>>)
    %dma_start3A_72 = arith.constant 2 : i32
    %dma_start3A_73 = arith.constant 2 : i32
    %dma_start3A_74 = arith.constant 0 : i32
    %dma_start3A_75 = tpu.memref_slice %arg9[%dma_start3A_73, %dma_start3A_74] : memref<8x80xi32, #tpu.memory_space<vmem>> -> memref<1x80xi32, #tpu.memory_space<vmem>>
    %dma_start3A_76 = tpu.memref_squeeze %dma_start3A_75 : memref<1x80xi32, #tpu.memory_space<vmem>> -> memref<80xi32, #tpu.memory_space<vmem>>
    %dma_start3A_77 = arith.constant 0 : i32
    %dma_start3A_78 = tpu.memref_slice %arg4[%add3A, %dma_start3A_72, %dma_start3A_77] : memref<32x128x80xi32, #tpu.memory_space<hbm>> -> memref<1x1x80xi32, #tpu.memory_space<hbm>>
    %dma_start3A_79 = tpu.memref_squeeze %dma_start3A_78 : memref<1x1x80xi32, #tpu.memory_space<hbm>> -> memref<80xi32, #tpu.memory_space<hbm>>
    %dma_start3A_80 = arith.constant 0 : i32
    %dma_start3A_81 = tpu.memref_slice %arg9[%dma_start3A_73, %dma_start3A_80] : memref<8x80xi32, #tpu.memory_space<vmem>> -> memref<1x80xi32, #tpu.memory_space<vmem>>
    %dma_start3A_82 = tpu.memref_squeeze %dma_start3A_81 : memref<1x80xi32, #tpu.memory_space<vmem>> -> memref<80xi32, #tpu.memory_space<vmem>>
    %dma_start3A_83 = arith.constant 0 : i32
    %dma_start3A_84 = tpu.memref_slice %arg4[%add3A, %dma_start3A_72, %dma_start3A_83] : memref<32x128x80xi32, #tpu.memory_space<hbm>> -> memref<1x1x80xi32, #tpu.memory_space<hbm>>
    %dma_start3A_85 = tpu.memref_squeeze %dma_start3A_84 : memref<1x1x80xi32, #tpu.memory_space<hbm>> -> memref<80xi32, #tpu.memory_space<hbm>>
    tpu.enqueue_dma source(%dma_start3A_85 : memref<80xi32, #tpu.memory_space<hbm>>) target(%dma_start3A_82 : memref<80xi32, #tpu.memory_space<vmem>>) target_semaphore(%arg16 : memref<!tpu.dma_semaphore, #tpu.memory_space<semaphore_mem>>)
    %dma_start3A_86 = arith.constant 3 : i32
    %dma_start3A_87 = arith.constant 3 : i32
    %dma_start3A_88 = arith.constant 0 : i32
    %dma_start3A_89 = tpu.memref_slice %arg8[%dma_start3A_87, %dma_start3A_88] : memref<8x80xi32, #tpu.memory_space<vmem>> -> memref<1x80xi32, #tpu.memory_space<vmem>>
    %dma_start3A_90 = tpu.memref_squeeze %dma_start3A_89 : memref<1x80xi32, #tpu.memory_space<vmem>> -> memref<80xi32, #tpu.memory_space<vmem>>
    %dma_start3A_91 = arith.constant 0 : i32
    %dma_start3A_92 = tpu.memref_slice %arg3[%add3A, %dma_start3A_86, %dma_start3A_91] : memref<32x128x80xi32, #tpu.memory_space<hbm>> -> memref<1x1x80xi32, #tpu.memory_space<hbm>>
    %dma_start3A_93 = tpu.memref_squeeze %dma_start3A_92 : memref<1x1x80xi32, #tpu.memory_space<hbm>> -> memref<80xi32, #tpu.memory_space<hbm>>
    %dma_start3A_94 = arith.constant 0 : i32
    %dma_start3A_95 = tpu.memref_slice %arg8[%dma_start3A_87, %dma_start3A_94] : memref<8x80xi32, #tpu.memory_space<vmem>> -> memref<1x80xi32, #tpu.memory_space<vmem>>
    %dma_start3A_96 = tpu.memref_squeeze %dma_start3A_95 : memref<1x80xi32, #tpu.memory_space<vmem>> -> memref<80xi32, #tpu.memory_space<vmem>>
    %dma_start3A_97 = arith.constant 0 : i32
    %dma_start3A_98 = tpu.memref_slice %arg3[%add3A, %dma_start3A_86, %dma_start3A_97] : memref<32x128x80xi32, #tpu.memory_space<hbm>> -> memref<1x1x80xi32, #tpu.memory_space<hbm>>
    %dma_start3A_99 = tpu.memref_squeeze %dma_start3A_98 : memref<1x1x80xi32, #tpu.memory_space<hbm>> -> memref<80xi32, #tpu.memory_space<hbm>>
    tpu.enqueue_dma source(%dma_start3A_99 : memref<80xi32, #tpu.memory_space<hbm>>) target(%dma_start3A_96 : memref<80xi32, #tpu.memory_space<vmem>>) target_semaphore(%arg17 : memref<!tpu.dma_semaphore, #tpu.memory_space<semaphore_mem>>)
    %dma_start3A_100 = arith.constant 3 : i32
    %dma_start3A_101 = arith.constant 3 : i32
    %dma_start3A_102 = arith.constant 0 : i32
    %dma_start3A_103 = tpu.memref_slice %arg9[%dma_start3A_101, %dma_start3A_102] : memref<8x80xi32, #tpu.memory_space<vmem>> -> memref<1x80xi32, #tpu.memory_space<vmem>>
    %dma_start3A_104 = tpu.memref_squeeze %dma_start3A_103 : memref<1x80xi32, #tpu.memory_space<vmem>> -> memref<80xi32, #tpu.memory_space<vmem>>
    %dma_start3A_105 = arith.constant 0 : i32
    %dma_start3A_106 = tpu.memref_slice %arg4[%add3A, %dma_start3A_100, %dma_start3A_105] : memref<32x128x80xi32, #tpu.memory_space<hbm>> -> memref<1x1x80xi32, #tpu.memory_space<hbm>>
    %dma_start3A_107 = tpu.memref_squeeze %dma_start3A_106 : memref<1x1x80xi32, #tpu.memory_space<hbm>> -> memref<80xi32, #tpu.memory_space<hbm>>
    %dma_start3A_108 = arith.constant 0 : i32
    %dma_start3A_109 = tpu.memref_slice %arg9[%dma_start3A_101, %dma_start3A_108] : memref<8x80xi32, #tpu.memory_space<vmem>> -> memref<1x80xi32, #tpu.memory_space<vmem>>
    %dma_start3A_110 = tpu.memref_squeeze %dma_start3A_109 : memref<1x80xi32, #tpu.memory_space<vmem>> -> memref<80xi32, #tpu.memory_space<vmem>>
    %dma_start3A_111 = arith.constant 0 : i32
    %dma_start3A_112 = tpu.memref_slice %arg4[%add3A, %dma_start3A_100, %dma_start3A_111] : memref<32x128x80xi32, #tpu.memory_space<hbm>> -> memref<1x1x80xi32, #tpu.memory_space<hbm>>
    %dma_start3A_113 = tpu.memref_squeeze %dma_start3A_112 : memref<1x1x80xi32, #tpu.memory_space<hbm>> -> memref<80xi32, #tpu.memory_space<hbm>>
    tpu.enqueue_dma source(%dma_start3A_113 : memref<80xi32, #tpu.memory_space<hbm>>) target(%dma_start3A_110 : memref<80xi32, #tpu.memory_space<vmem>>) target_semaphore(%arg17 : memref<!tpu.dma_semaphore, #tpu.memory_space<semaphore_mem>>)
    "tpu.region"() ({
      %run_scoped3A = tpu.sem_alloc : memref<!tpu.dma_semaphore, #tpu.memory_space<semaphore_mem>>
      %dma_start3A_203 = arith.constant 0 : i32
      %dma_start3A_204 = tpu.memref_slice %arg7[%mul3A_2, %dma_start3A_203] : memref<10240x128xf32, #tpu.memory_space<vmem_shared>> -> memref<640x128xf32, #tpu.memory_space<vmem_shared>>
      %dma_start3A_205 = arith.constant 0 : i32
      %dma_start3A_206 = tpu.memref_slice %arg5[%mul3A_2, %dma_start3A_205] : memref<10240x128xf32, #tpu.memory_space<hbm>> -> memref<640x128xf32, #tpu.memory_space<hbm>>
      tpu.enqueue_dma source(%dma_start3A_206 : memref<640x128xf32, #tpu.memory_space<hbm>>) target(%dma_start3A_204 : memref<640x128xf32, #tpu.memory_space<vmem_shared>>) target_semaphore(%run_scoped3A : memref<!tpu.dma_semaphore, #tpu.memory_space<semaphore_mem>>)
      %dma_wait3A_207 = arith.constant 0 : i32
      %dma_wait3A_208 = tpu.memref_slice %arg7[%mul3A_2, %dma_wait3A_207] : memref<10240x128xf32, #tpu.memory_space<vmem_shared>> -> memref<640x128xf32, #tpu.memory_space<vmem_shared>>
      %dma_wait3A_209 = arith.constant 0 : i32
      %dma_wait3A_210 = tpu.memref_slice %arg5[%mul3A_2, %dma_wait3A_209] : memref<10240x128xf32, #tpu.memory_space<hbm>> -> memref<640x128xf32, #tpu.memory_space<hbm>>
      tpu.wait_dma2 semaphore(%run_scoped3A : memref<!tpu.dma_semaphore, #tpu.memory_space<semaphore_mem>>) src(%dma_wait3A_210 : memref<640x128xf32, #tpu.memory_space<hbm>>) dst(%dma_wait3A_208 : memref<640x128xf32, #tpu.memory_space<vmem_shared>>)
      tpu.yield
    }) : () -> ()
    %dma_wait3A = arith.constant 0 : i32
    %dma_wait3A_114 = arith.constant 0 : i32
    %dma_wait3A_115 = arith.constant 0 : i32
    %dma_wait3A_116 = tpu.memref_slice %arg8[%dma_wait3A_114, %dma_wait3A_115] : memref<8x80xi32, #tpu.memory_space<vmem>> -> memref<1x80xi32, #tpu.memory_space<vmem>>
    %dma_wait3A_117 = tpu.memref_squeeze %dma_wait3A_116 : memref<1x80xi32, #tpu.memory_space<vmem>> -> memref<80xi32, #tpu.memory_space<vmem>>
    %dma_wait3A_118 = arith.constant 0 : i32
    %dma_wait3A_119 = tpu.memref_slice %arg3[%add3A, %dma_wait3A, %dma_wait3A_118] : memref<32x128x80xi32, #tpu.memory_space<hbm>> -> memref<1x1x80xi32, #tpu.memory_space<hbm>>
    %dma_wait3A_120 = tpu.memref_squeeze %dma_wait3A_119 : memref<1x1x80xi32, #tpu.memory_space<hbm>> -> memref<80xi32, #tpu.memory_space<hbm>>
    %dma_wait3A_121 = arith.constant 0 : i32
    %dma_wait3A_122 = tpu.memref_slice %arg8[%dma_wait3A_114, %dma_wait3A_121] : memref<8x80xi32, #tpu.memory_space<vmem>> -> memref<1x80xi32, #tpu.memory_space<vmem>>
    %dma_wait3A_123 = tpu.memref_squeeze %dma_wait3A_122 : memref<1x80xi32, #tpu.memory_space<vmem>> -> memref<80xi32, #tpu.memory_space<vmem>>
    %dma_wait3A_124 = arith.constant 0 : i32
    %dma_wait3A_125 = tpu.memref_slice %arg3[%add3A, %dma_wait3A, %dma_wait3A_124] : memref<32x128x80xi32, #tpu.memory_space<hbm>> -> memref<1x1x80xi32, #tpu.memory_space<hbm>>
    %dma_wait3A_126 = tpu.memref_squeeze %dma_wait3A_125 : memref<1x1x80xi32, #tpu.memory_space<hbm>> -> memref<80xi32, #tpu.memory_space<hbm>>
    tpu.wait_dma2 semaphore(%arg14 : memref<!tpu.dma_semaphore, #tpu.memory_space<semaphore_mem>>) src(%dma_wait3A_126 : memref<80xi32, #tpu.memory_space<hbm>>) dst(%dma_wait3A_123 : memref<80xi32, #tpu.memory_space<vmem>>)
    %dma_wait3A_127 = arith.constant 0 : i32
    %dma_wait3A_128 = arith.constant 0 : i32
    %dma_wait3A_129 = arith.constant 0 : i32
    %dma_wait3A_130 = tpu.memref_slice %arg9[%dma_wait3A_128, %dma_wait3A_129] : memref<8x80xi32, #tpu.memory_space<vmem>> -> memref<1x80xi32, #tpu.memory_space<vmem>>
    %dma_wait3A_131 = tpu.memref_squeeze %dma_wait3A_130 : memref<1x80xi32, #tpu.memory_space<vmem>> -> memref<80xi32, #tpu.memory_space<vmem>>
    %dma_wait3A_132 = arith.constant 0 : i32
    %dma_wait3A_133 = tpu.memref_slice %arg4[%add3A, %dma_wait3A_127, %dma_wait3A_132] : memref<32x128x80xi32, #tpu.memory_space<hbm>> -> memref<1x1x80xi32, #tpu.memory_space<hbm>>
    %dma_wait3A_134 = tpu.memref_squeeze %dma_wait3A_133 : memref<1x1x80xi32, #tpu.memory_space<hbm>> -> memref<80xi32, #tpu.memory_space<hbm>>
    %dma_wait3A_135 = arith.constant 0 : i32
    %dma_wait3A_136 = tpu.memref_slice %arg9[%dma_wait3A_128, %dma_wait3A_135] : memref<8x80xi32, #tpu.memory_space<vmem>> -> memref<1x80xi32, #tpu.memory_space<vmem>>
    %dma_wait3A_137 = tpu.memref_squeeze %dma_wait3A_136 : memref<1x80xi32, #tpu.memory_space<vmem>> -> memref<80xi32, #tpu.memory_space<vmem>>
    %dma_wait3A_138 = arith.constant 0 : i32
    %dma_wait3A_139 = tpu.memref_slice %arg4[%add3A, %dma_wait3A_127, %dma_wait3A_138] : memref<32x128x80xi32, #tpu.memory_space<hbm>> -> memref<1x1x80xi32, #tpu.memory_space<hbm>>
    %dma_wait3A_140 = tpu.memref_squeeze %dma_wait3A_139 : memref<1x1x80xi32, #tpu.memory_space<hbm>> -> memref<80xi32, #tpu.memory_space<hbm>>
    tpu.wait_dma2 semaphore(%arg14 : memref<!tpu.dma_semaphore, #tpu.memory_space<semaphore_mem>>) src(%dma_wait3A_140 : memref<80xi32, #tpu.memory_space<hbm>>) dst(%dma_wait3A_137 : memref<80xi32, #tpu.memory_space<vmem>>)
    %dma_start3A_141 = arith.constant 0 : i32
    %dma_start3A_142 = arith.constant 0 : i32
    %dma_start3A_143 = tpu.memref_slice %arg8[%dma_start3A_141, %dma_start3A_142] : memref<8x80xi32, #tpu.memory_space<vmem>> -> memref<1x80xi32, #tpu.memory_space<vmem>>
    %dma_start3A_144 = tpu.memref_squeeze %dma_start3A_143 : memref<1x80xi32, #tpu.memory_space<vmem>> -> memref<80xi32, #tpu.memory_space<vmem>>
    %dma_start3A_145 = arith.constant 0 : i32
    %dma_start3A_146 = arith.constant 0 : i32
    %dma_start3A_147 = tpu.memref_slice %arg2[%dma_start3A_145, %dma_start3A_146] : memref<10240x128xf32, #tpu.memory_space<hbm>> -> memref<10240x128xf32, #tpu.memory_space<hbm>>
    tpu.enqueue_indirect_dma source(%dma_start3A_147 : memref<10240x128xf32, #tpu.memory_space<hbm>>) target(%arg10 : memref<80x128xf32, #tpu.memory_space<vmem>>) offsets(%dma_start3A_144 : memref<80xi32, #tpu.memory_space<vmem>>) semaphore(%arg22 : memref<!tpu.dma_semaphore, #tpu.memory_space<semaphore_mem>>)
    %dma_wait3A_148 = arith.constant 1 : i32
    %dma_wait3A_149 = arith.constant 1 : i32
    %dma_wait3A_150 = arith.constant 0 : i32
    %dma_wait3A_151 = tpu.memref_slice %arg8[%dma_wait3A_149, %dma_wait3A_150] : memref<8x80xi32, #tpu.memory_space<vmem>> -> memref<1x80xi32, #tpu.memory_space<vmem>>
    %dma_wait3A_152 = tpu.memref_squeeze %dma_wait3A_151 : memref<1x80xi32, #tpu.memory_space<vmem>> -> memref<80xi32, #tpu.memory_space<vmem>>
    %dma_wait3A_153 = arith.constant 0 : i32
    %dma_wait3A_154 = tpu.memref_slice %arg3[%add3A, %dma_wait3A_148, %dma_wait3A_153] : memref<32x128x80xi32, #tpu.memory_space<hbm>> -> memref<1x1x80xi32, #tpu.memory_space<hbm>>
    %dma_wait3A_155 = tpu.memref_squeeze %dma_wait3A_154 : memref<1x1x80xi32, #tpu.memory_space<hbm>> -> memref<80xi32, #tpu.memory_space<hbm>>
    %dma_wait3A_156 = arith.constant 0 : i32
    %dma_wait3A_157 = tpu.memref_slice %arg8[%dma_wait3A_149, %dma_wait3A_156] : memref<8x80xi32, #tpu.memory_space<vmem>> -> memref<1x80xi32, #tpu.memory_space<vmem>>
    %dma_wait3A_158 = tpu.memref_squeeze %dma_wait3A_157 : memref<1x80xi32, #tpu.memory_space<vmem>> -> memref<80xi32, #tpu.memory_space<vmem>>
    %dma_wait3A_159 = arith.constant 0 : i32
    %dma_wait3A_160 = tpu.memref_slice %arg3[%add3A, %dma_wait3A_148, %dma_wait3A_159] : memref<32x128x80xi32, #tpu.memory_space<hbm>> -> memref<1x1x80xi32, #tpu.memory_space<hbm>>
    %dma_wait3A_161 = tpu.memref_squeeze %dma_wait3A_160 : memref<1x1x80xi32, #tpu.memory_space<hbm>> -> memref<80xi32, #tpu.memory_space<hbm>>
    tpu.wait_dma2 semaphore(%arg15 : memref<!tpu.dma_semaphore, #tpu.memory_space<semaphore_mem>>) src(%dma_wait3A_161 : memref<80xi32, #tpu.memory_space<hbm>>) dst(%dma_wait3A_158 : memref<80xi32, #tpu.memory_space<vmem>>)
    %dma_wait3A_162 = arith.constant 1 : i32
    %dma_wait3A_163 = arith.constant 1 : i32
    %dma_wait3A_164 = arith.constant 0 : i32
    %dma_wait3A_165 = tpu.memref_slice %arg9[%dma_wait3A_163, %dma_wait3A_164] : memref<8x80xi32, #tpu.memory_space<vmem>> -> memref<1x80xi32, #tpu.memory_space<vmem>>
    %dma_wait3A_166 = tpu.memref_squeeze %dma_wait3A_165 : memref<1x80xi32, #tpu.memory_space<vmem>> -> memref<80xi32, #tpu.memory_space<vmem>>
    %dma_wait3A_167 = arith.constant 0 : i32
    %dma_wait3A_168 = tpu.memref_slice %arg4[%add3A, %dma_wait3A_162, %dma_wait3A_167] : memref<32x128x80xi32, #tpu.memory_space<hbm>> -> memref<1x1x80xi32, #tpu.memory_space<hbm>>
    %dma_wait3A_169 = tpu.memref_squeeze %dma_wait3A_168 : memref<1x1x80xi32, #tpu.memory_space<hbm>> -> memref<80xi32, #tpu.memory_space<hbm>>
    %dma_wait3A_170 = arith.constant 0 : i32
    %dma_wait3A_171 = tpu.memref_slice %arg9[%dma_wait3A_163, %dma_wait3A_170] : memref<8x80xi32, #tpu.memory_space<vmem>> -> memref<1x80xi32, #tpu.memory_space<vmem>>
    %dma_wait3A_172 = tpu.memref_squeeze %dma_wait3A_171 : memref<1x80xi32, #tpu.memory_space<vmem>> -> memref<80xi32, #tpu.memory_space<vmem>>
    %dma_wait3A_173 = arith.constant 0 : i32
    %dma_wait3A_174 = tpu.memref_slice %arg4[%add3A, %dma_wait3A_162, %dma_wait3A_173] : memref<32x128x80xi32, #tpu.memory_space<hbm>> -> memref<1x1x80xi32, #tpu.memory_space<hbm>>
    %dma_wait3A_175 = tpu.memref_squeeze %dma_wait3A_174 : memref<1x1x80xi32, #tpu.memory_space<hbm>> -> memref<80xi32, #tpu.memory_space<hbm>>
    tpu.wait_dma2 semaphore(%arg15 : memref<!tpu.dma_semaphore, #tpu.memory_space<semaphore_mem>>) src(%dma_wait3A_175 : memref<80xi32, #tpu.memory_space<hbm>>) dst(%dma_wait3A_172 : memref<80xi32, #tpu.memory_space<vmem>>)
    %dma_start3A_176 = arith.constant 1 : i32
    %dma_start3A_177 = arith.constant 0 : i32
    %dma_start3A_178 = tpu.memref_slice %arg8[%dma_start3A_176, %dma_start3A_177] : memref<8x80xi32, #tpu.memory_space<vmem>> -> memref<1x80xi32, #tpu.memory_space<vmem>>
    %dma_start3A_179 = tpu.memref_squeeze %dma_start3A_178 : memref<1x80xi32, #tpu.memory_space<vmem>> -> memref<80xi32, #tpu.memory_space<vmem>>
    %dma_start3A_180 = arith.constant 0 : i32
    %dma_start3A_181 = arith.constant 0 : i32
    %dma_start3A_182 = tpu.memref_slice %arg2[%dma_start3A_180, %dma_start3A_181] : memref<10240x128xf32, #tpu.memory_space<hbm>> -> memref<10240x128xf32, #tpu.memory_space<hbm>>
    tpu.enqueue_indirect_dma source(%dma_start3A_182 : memref<10240x128xf32, #tpu.memory_space<hbm>>) target(%arg11 : memref<80x128xf32, #tpu.memory_space<vmem>>) offsets(%dma_start3A_179 : memref<80xi32, #tpu.memory_space<vmem>>) semaphore(%arg23 : memref<!tpu.dma_semaphore, #tpu.memory_space<semaphore_mem>>)
    %barrier3A = arith.constant 0 : index
    tpu.barrier barrier_id(%barrier3A)
    %scan3A = arith.constant 0 : i32
    %scan3A_183 = arith.constant 0 : i32
    %scan3A_184 = arith.constant 16 : i32
    %scan3A_185 = arith.addi %scan3A_183, %scan3A_184 : i32
    %scan3A_186 = arith.constant 1 : i32
    scf.for %scan3A_203 = %scan3A_183 to %scan3A_185 step %scan3A_186  : i32 {
      %mul3A_204 = arith.constant 8 : i32
      %mul3A_205 = arith.muli %scan3A_203, %mul3A_204 : i32
      %add3A_206 = arith.constant 0 : i32
      %add3A_207 = arith.addi %mul3A_205, %add3A_206 : i32
      %add3A_208 = arith.constant 4 : i32
      %add3A_209 = arith.addi %add3A_207, %add3A_208 : i32
      %lt3A = arith.constant 128 : i32
      %lt3A_210 = arith.cmpi slt, %add3A_209, %lt3A : i32
      %convert_element_type3A = arith.extui %lt3A_210 : i1 to i32
      %cond3A = arith.constant 0 : i32
      %cond3A_211 = arith.cmpi ne, %convert_element_type3A, %cond3A : i32
      scf.if %cond3A_211 {
        %add3A_482 = arith.constant 4 : i32
        %add3A_483 = arith.addi %add3A_207, %add3A_482 : i32
        %dma_start3A_484 = arith.constant 4 : i32
        %dma_start3A_485 = arith.constant 0 : i32
        %dma_start3A_486 = tpu.memref_slice %arg8[%dma_start3A_484, %dma_start3A_485] : memref<8x80xi32, #tpu.memory_space<vmem>> -> memref<1x80xi32, #tpu.memory_space<vmem>>
        %dma_start3A_487 = tpu.memref_squeeze %dma_start3A_486 : memref<1x80xi32, #tpu.memory_space<vmem>> -> memref<80xi32, #tpu.memory_space<vmem>>
        %dma_start3A_488 = arith.constant 0 : i32
        %dma_start3A_489 = tpu.memref_slice %arg3[%add3A, %add3A_483, %dma_start3A_488] : memref<32x128x80xi32, #tpu.memory_space<hbm>> -> memref<1x1x80xi32, #tpu.memory_space<hbm>>
        %dma_start3A_490 = tpu.memref_squeeze %dma_start3A_489 : memref<1x1x80xi32, #tpu.memory_space<hbm>> -> memref<80xi32, #tpu.memory_space<hbm>>
        %dma_start3A_491 = arith.constant 0 : i32
        %dma_start3A_492 = tpu.memref_slice %arg8[%dma_start3A_484, %dma_start3A_491] : memref<8x80xi32, #tpu.memory_space<vmem>> -> memref<1x80xi32, #tpu.memory_space<vmem>>
        %dma_start3A_493 = tpu.memref_squeeze %dma_start3A_492 : memref<1x80xi32, #tpu.memory_space<vmem>> -> memref<80xi32, #tpu.memory_space<vmem>>
        %dma_start3A_494 = arith.constant 0 : i32
        %dma_start3A_495 = tpu.memref_slice %arg3[%add3A, %add3A_483, %dma_start3A_494] : memref<32x128x80xi32, #tpu.memory_space<hbm>> -> memref<1x1x80xi32, #tpu.memory_space<hbm>>
        %dma_start3A_496 = tpu.memref_squeeze %dma_start3A_495 : memref<1x1x80xi32, #tpu.memory_space<hbm>> -> memref<80xi32, #tpu.memory_space<hbm>>
        tpu.enqueue_dma source(%dma_start3A_496 : memref<80xi32, #tpu.memory_space<hbm>>) target(%dma_start3A_493 : memref<80xi32, #tpu.memory_space<vmem>>) target_semaphore(%arg18 : memref<!tpu.dma_semaphore, #tpu.memory_space<semaphore_mem>>)
        %dma_start3A_497 = arith.constant 4 : i32
        %dma_start3A_498 = arith.constant 0 : i32
        %dma_start3A_499 = tpu.memref_slice %arg9[%dma_start3A_497, %dma_start3A_498] : memref<8x80xi32, #tpu.memory_space<vmem>> -> memref<1x80xi32, #tpu.memory_space<vmem>>
        %dma_start3A_500 = tpu.memref_squeeze %dma_start3A_499 : memref<1x80xi32, #tpu.memory_space<vmem>> -> memref<80xi32, #tpu.memory_space<vmem>>
        %dma_start3A_501 = arith.constant 0 : i32
        %dma_start3A_502 = tpu.memref_slice %arg4[%add3A, %add3A_483, %dma_start3A_501] : memref<32x128x80xi32, #tpu.memory_space<hbm>> -> memref<1x1x80xi32, #tpu.memory_space<hbm>>
        %dma_start3A_503 = tpu.memref_squeeze %dma_start3A_502 : memref<1x1x80xi32, #tpu.memory_space<hbm>> -> memref<80xi32, #tpu.memory_space<hbm>>
        %dma_start3A_504 = arith.constant 0 : i32
        %dma_start3A_505 = tpu.memref_slice %arg9[%dma_start3A_497, %dma_start3A_504] : memref<8x80xi32, #tpu.memory_space<vmem>> -> memref<1x80xi32, #tpu.memory_space<vmem>>
        %dma_start3A_506 = tpu.memref_squeeze %dma_start3A_505 : memref<1x80xi32, #tpu.memory_space<vmem>> -> memref<80xi32, #tpu.memory_space<vmem>>
        %dma_start3A_507 = arith.constant 0 : i32
        %dma_start3A_508 = tpu.memref_slice %arg4[%add3A, %add3A_483, %dma_start3A_507] : memref<32x128x80xi32, #tpu.memory_space<hbm>> -> memref<1x1x80xi32, #tpu.memory_space<hbm>>
        %dma_start3A_509 = tpu.memref_squeeze %dma_start3A_508 : memref<1x1x80xi32, #tpu.memory_space<hbm>> -> memref<80xi32, #tpu.memory_space<hbm>>
        tpu.enqueue_dma source(%dma_start3A_509 : memref<80xi32, #tpu.memory_space<hbm>>) target(%dma_start3A_506 : memref<80xi32, #tpu.memory_space<vmem>>) target_semaphore(%arg18 : memref<!tpu.dma_semaphore, #tpu.memory_space<semaphore_mem>>)
      } else {
      }
      %ge3A = arith.constant 2 : i32
      %ge3A_212 = arith.cmpi sge, %add3A_207, %ge3A : i32
      %convert_element_type3A_213 = arith.extui %ge3A_212 : i1 to i32
      %cond3A_214 = arith.constant 0 : i32
      %cond3A_215 = arith.cmpi ne, %convert_element_type3A_213, %cond3A_214 : i32
      scf.if %cond3A_215 {
        %dma_wait3A_482 = arith.constant 0 : i32
        %dma_wait3A_483 = arith.constant 0 : i32
        %dma_wait3A_484 = tpu.memref_slice %arg9[%dma_wait3A_482, %dma_wait3A_483] : memref<8x80xi32, #tpu.memory_space<vmem>> -> memref<1x80xi32, #tpu.memory_space<vmem>>
        %dma_wait3A_485 = tpu.memref_squeeze %dma_wait3A_484 : memref<1x80xi32, #tpu.memory_space<vmem>> -> memref<80xi32, #tpu.memory_space<vmem>>
        %dma_wait3A_486 = arith.constant 0 : i32
        %dma_wait3A_487 = arith.constant 0 : i32
        %dma_wait3A_488 = tpu.memref_slice %arg7[%dma_wait3A_486, %dma_wait3A_487] : memref<10240x128xf32, #tpu.memory_space<vmem_shared>> -> memref<10240x128xf32, #tpu.memory_space<vmem_shared>>
        tpu.wait_indirect_dma semaphore(%arg28 : memref<!tpu.dma_semaphore, #tpu.memory_space<semaphore_mem>>) src(%arg12 : memref<80x128xf32, #tpu.memory_space<vmem>>) dst(%dma_wait3A_488 : memref<10240x128xf32, #tpu.memory_space<vmem_shared>>)
      } else {
      }
      %add3A_216 = arith.constant 2 : i32
      %add3A_217 = arith.addi %add3A_207, %add3A_216 : i32
      %lt3A_218 = arith.constant 128 : i32
      %lt3A_219 = arith.cmpi slt, %add3A_217, %lt3A_218 : i32
      %convert_element_type3A_220 = arith.extui %lt3A_219 : i1 to i32
      %cond3A_221 = arith.constant 0 : i32
      %cond3A_222 = arith.cmpi ne, %convert_element_type3A_220, %cond3A_221 : i32
      scf.if %cond3A_222 {
        %add3A_482 = arith.constant 2 : i32
        %add3A_483 = arith.addi %add3A_207, %add3A_482 : i32
        %dma_wait3A_484 = arith.constant 2 : i32
        %dma_wait3A_485 = arith.constant 0 : i32
        %dma_wait3A_486 = tpu.memref_slice %arg8[%dma_wait3A_484, %dma_wait3A_485] : memref<8x80xi32, #tpu.memory_space<vmem>> -> memref<1x80xi32, #tpu.memory_space<vmem>>
        %dma_wait3A_487 = tpu.memref_squeeze %dma_wait3A_486 : memref<1x80xi32, #tpu.memory_space<vmem>> -> memref<80xi32, #tpu.memory_space<vmem>>
        %dma_wait3A_488 = arith.constant 0 : i32
        %dma_wait3A_489 = tpu.memref_slice %arg3[%add3A, %add3A_483, %dma_wait3A_488] : memref<32x128x80xi32, #tpu.memory_space<hbm>> -> memref<1x1x80xi32, #tpu.memory_space<hbm>>
        %dma_wait3A_490 = tpu.memref_squeeze %dma_wait3A_489 : memref<1x1x80xi32, #tpu.memory_space<hbm>> -> memref<80xi32, #tpu.memory_space<hbm>>
        %dma_wait3A_491 = arith.constant 0 : i32
        %dma_wait3A_492 = tpu.memref_slice %arg8[%dma_wait3A_484, %dma_wait3A_491] : memref<8x80xi32, #tpu.memory_space<vmem>> -> memref<1x80xi32, #tpu.memory_space<vmem>>
        %dma_wait3A_493 = tpu.memref_squeeze %dma_wait3A_492 : memref<1x80xi32, #tpu.memory_space<vmem>> -> memref<80xi32, #tpu.memory_space<vmem>>
        %dma_wait3A_494 = arith.constant 0 : i32
        %dma_wait3A_495 = tpu.memref_slice %arg3[%add3A, %add3A_483, %dma_wait3A_494] : memref<32x128x80xi32, #tpu.memory_space<hbm>> -> memref<1x1x80xi32, #tpu.memory_space<hbm>>
        %dma_wait3A_496 = tpu.memref_squeeze %dma_wait3A_495 : memref<1x1x80xi32, #tpu.memory_space<hbm>> -> memref<80xi32, #tpu.memory_space<hbm>>
        tpu.wait_dma2 semaphore(%arg16 : memref<!tpu.dma_semaphore, #tpu.memory_space<semaphore_mem>>) src(%dma_wait3A_496 : memref<80xi32, #tpu.memory_space<hbm>>) dst(%dma_wait3A_493 : memref<80xi32, #tpu.memory_space<vmem>>)
        %dma_wait3A_497 = arith.constant 2 : i32
        %dma_wait3A_498 = arith.constant 0 : i32
        %dma_wait3A_499 = tpu.memref_slice %arg9[%dma_wait3A_497, %dma_wait3A_498] : memref<8x80xi32, #tpu.memory_space<vmem>> -> memref<1x80xi32, #tpu.memory_space<vmem>>
        %dma_wait3A_500 = tpu.memref_squeeze %dma_wait3A_499 : memref<1x80xi32, #tpu.memory_space<vmem>> -> memref<80xi32, #tpu.memory_space<vmem>>
        %dma_wait3A_501 = arith.constant 0 : i32
        %dma_wait3A_502 = tpu.memref_slice %arg4[%add3A, %add3A_483, %dma_wait3A_501] : memref<32x128x80xi32, #tpu.memory_space<hbm>> -> memref<1x1x80xi32, #tpu.memory_space<hbm>>
        %dma_wait3A_503 = tpu.memref_squeeze %dma_wait3A_502 : memref<1x1x80xi32, #tpu.memory_space<hbm>> -> memref<80xi32, #tpu.memory_space<hbm>>
        %dma_wait3A_504 = arith.constant 0 : i32
        %dma_wait3A_505 = tpu.memref_slice %arg9[%dma_wait3A_497, %dma_wait3A_504] : memref<8x80xi32, #tpu.memory_space<vmem>> -> memref<1x80xi32, #tpu.memory_space<vmem>>
        %dma_wait3A_506 = tpu.memref_squeeze %dma_wait3A_505 : memref<1x80xi32, #tpu.memory_space<vmem>> -> memref<80xi32, #tpu.memory_space<vmem>>
        %dma_wait3A_507 = arith.constant 0 : i32
        %dma_wait3A_508 = tpu.memref_slice %arg4[%add3A, %add3A_483, %dma_wait3A_507] : memref<32x128x80xi32, #tpu.memory_space<hbm>> -> memref<1x1x80xi32, #tpu.memory_space<hbm>>
        %dma_wait3A_509 = tpu.memref_squeeze %dma_wait3A_508 : memref<1x1x80xi32, #tpu.memory_space<hbm>> -> memref<80xi32, #tpu.memory_space<hbm>>
        tpu.wait_dma2 semaphore(%arg16 : memref<!tpu.dma_semaphore, #tpu.memory_space<semaphore_mem>>) src(%dma_wait3A_509 : memref<80xi32, #tpu.memory_space<hbm>>) dst(%dma_wait3A_506 : memref<80xi32, #tpu.memory_space<vmem>>)
        %dma_start3A_510 = arith.constant 2 : i32
        %dma_start3A_511 = arith.constant 0 : i32
        %dma_start3A_512 = tpu.memref_slice %arg8[%dma_start3A_510, %dma_start3A_511] : memref<8x80xi32, #tpu.memory_space<vmem>> -> memref<1x80xi32, #tpu.memory_space<vmem>>
        %dma_start3A_513 = tpu.memref_squeeze %dma_start3A_512 : memref<1x80xi32, #tpu.memory_space<vmem>> -> memref<80xi32, #tpu.memory_space<vmem>>
        %dma_start3A_514 = arith.constant 0 : i32
        %dma_start3A_515 = arith.constant 0 : i32
        %dma_start3A_516 = tpu.memref_slice %arg2[%dma_start3A_514, %dma_start3A_515] : memref<10240x128xf32, #tpu.memory_space<hbm>> -> memref<10240x128xf32, #tpu.memory_space<hbm>>
        tpu.enqueue_indirect_dma source(%dma_start3A_516 : memref<10240x128xf32, #tpu.memory_space<hbm>>) target(%arg12 : memref<80x128xf32, #tpu.memory_space<vmem>>) offsets(%dma_start3A_513 : memref<80xi32, #tpu.memory_space<vmem>>) semaphore(%arg24 : memref<!tpu.dma_semaphore, #tpu.memory_space<semaphore_mem>>)
      } else {
      }
      %dma_wait3A_223 = arith.constant 0 : i32
      %dma_wait3A_224 = arith.constant 0 : i32
      %dma_wait3A_225 = tpu.memref_slice %arg8[%dma_wait3A_223, %dma_wait3A_224] : memref<8x80xi32, #tpu.memory_space<vmem>> -> memref<1x80xi32, #tpu.memory_space<vmem>>
      %dma_wait3A_226 = tpu.memref_squeeze %dma_wait3A_225 : memref<1x80xi32, #tpu.memory_space<vmem>> -> memref<80xi32, #tpu.memory_space<vmem>>
      %dma_wait3A_227 = arith.constant 0 : i32
      %dma_wait3A_228 = arith.constant 0 : i32
      %dma_wait3A_229 = tpu.memref_slice %arg2[%dma_wait3A_227, %dma_wait3A_228] : memref<10240x128xf32, #tpu.memory_space<hbm>> -> memref<10240x128xf32, #tpu.memory_space<hbm>>
      tpu.wait_indirect_dma semaphore(%arg22 : memref<!tpu.dma_semaphore, #tpu.memory_space<semaphore_mem>>) src(%dma_wait3A_229 : memref<10240x128xf32, #tpu.memory_space<hbm>>) dst(%arg10 : memref<80x128xf32, #tpu.memory_space<vmem>>)
      %dma_start3A_230 = arith.constant 0 : i32
      %dma_start3A_231 = arith.constant 0 : i32
      %dma_start3A_232 = tpu.memref_slice %arg9[%dma_start3A_230, %dma_start3A_231] : memref<8x80xi32, #tpu.memory_space<vmem>> -> memref<1x80xi32, #tpu.memory_space<vmem>>
      %dma_start3A_233 = tpu.memref_squeeze %dma_start3A_232 : memref<1x80xi32, #tpu.memory_space<vmem>> -> memref<80xi32, #tpu.memory_space<vmem>>
      %dma_start3A_234 = arith.constant 0 : i32
      %dma_start3A_235 = arith.constant 0 : i32
      %dma_start3A_236 = tpu.memref_slice %arg7[%dma_start3A_234, %dma_start3A_235] : memref<10240x128xf32, #tpu.memory_space<vmem_shared>> -> memref<10240x128xf32, #tpu.memory_space<vmem_shared>>
      tpu.enqueue_indirect_dma source(%arg10 : memref<80x128xf32, #tpu.memory_space<vmem>>) target(%dma_start3A_236 : memref<10240x128xf32, #tpu.memory_space<vmem_shared>>) offsets(%dma_start3A_233 : memref<80xi32, #tpu.memory_space<vmem>>) semaphore(%arg26 : memref<!tpu.dma_semaphore, #tpu.memory_space<semaphore_mem>>) {add = true}
      %add3A_237 = arith.constant 1 : i32
      %add3A_238 = arith.addi %mul3A_205, %add3A_237 : i32
      %add3A_239 = arith.constant 4 : i32
      %add3A_240 = arith.addi %add3A_238, %add3A_239 : i32
      %lt3A_241 = arith.constant 128 : i32
      %lt3A_242 = arith.cmpi slt, %add3A_240, %lt3A_241 : i32
      %convert_element_type3A_243 = arith.extui %lt3A_242 : i1 to i32
      %cond3A_244 = arith.constant 0 : i32
      %cond3A_245 = arith.cmpi ne, %convert_element_type3A_243, %cond3A_244 : i32
      scf.if %cond3A_245 {
        %add3A_482 = arith.constant 4 : i32
        %add3A_483 = arith.addi %add3A_238, %add3A_482 : i32
        %dma_start3A_484 = arith.constant 5 : i32
        %dma_start3A_485 = arith.constant 0 : i32
        %dma_start3A_486 = tpu.memref_slice %arg8[%dma_start3A_484, %dma_start3A_485] : memref<8x80xi32, #tpu.memory_space<vmem>> -> memref<1x80xi32, #tpu.memory_space<vmem>>
        %dma_start3A_487 = tpu.memref_squeeze %dma_start3A_486 : memref<1x80xi32, #tpu.memory_space<vmem>> -> memref<80xi32, #tpu.memory_space<vmem>>
        %dma_start3A_488 = arith.constant 0 : i32
        %dma_start3A_489 = tpu.memref_slice %arg3[%add3A, %add3A_483, %dma_start3A_488] : memref<32x128x80xi32, #tpu.memory_space<hbm>> -> memref<1x1x80xi32, #tpu.memory_space<hbm>>
        %dma_start3A_490 = tpu.memref_squeeze %dma_start3A_489 : memref<1x1x80xi32, #tpu.memory_space<hbm>> -> memref<80xi32, #tpu.memory_space<hbm>>
        %dma_start3A_491 = arith.constant 0 : i32
        %dma_start3A_492 = tpu.memref_slice %arg8[%dma_start3A_484, %dma_start3A_491] : memref<8x80xi32, #tpu.memory_space<vmem>> -> memref<1x80xi32, #tpu.memory_space<vmem>>
        %dma_start3A_493 = tpu.memref_squeeze %dma_start3A_492 : memref<1x80xi32, #tpu.memory_space<vmem>> -> memref<80xi32, #tpu.memory_space<vmem>>
        %dma_start3A_494 = arith.constant 0 : i32
        %dma_start3A_495 = tpu.memref_slice %arg3[%add3A, %add3A_483, %dma_start3A_494] : memref<32x128x80xi32, #tpu.memory_space<hbm>> -> memref<1x1x80xi32, #tpu.memory_space<hbm>>
        %dma_start3A_496 = tpu.memref_squeeze %dma_start3A_495 : memref<1x1x80xi32, #tpu.memory_space<hbm>> -> memref<80xi32, #tpu.memory_space<hbm>>
        tpu.enqueue_dma source(%dma_start3A_496 : memref<80xi32, #tpu.memory_space<hbm>>) target(%dma_start3A_493 : memref<80xi32, #tpu.memory_space<vmem>>) target_semaphore(%arg19 : memref<!tpu.dma_semaphore, #tpu.memory_space<semaphore_mem>>)
        %dma_start3A_497 = arith.constant 5 : i32
        %dma_start3A_498 = arith.constant 0 : i32
        %dma_start3A_499 = tpu.memref_slice %arg9[%dma_start3A_497, %dma_start3A_498] : memref<8x80xi32, #tpu.memory_space<vmem>> -> memref<1x80xi32, #tpu.memory_space<vmem>>
        %dma_start3A_500 = tpu.memref_squeeze %dma_start3A_499 : memref<1x80xi32, #tpu.memory_space<vmem>> -> memref<80xi32, #tpu.memory_space<vmem>>
        %dma_start3A_501 = arith.constant 0 : i32
        %dma_start3A_502 = tpu.memref_slice %arg4[%add3A, %add3A_483, %dma_start3A_501] : memref<32x128x80xi32, #tpu.memory_space<hbm>> -> memref<1x1x80xi32, #tpu.memory_space<hbm>>
        %dma_start3A_503 = tpu.memref_squeeze %dma_start3A_502 : memref<1x1x80xi32, #tpu.memory_space<hbm>> -> memref<80xi32, #tpu.memory_space<hbm>>
        %dma_start3A_504 = arith.constant 0 : i32
        %dma_start3A_505 = tpu.memref_slice %arg9[%dma_start3A_497, %dma_start3A_504] : memref<8x80xi32, #tpu.memory_space<vmem>> -> memref<1x80xi32, #tpu.memory_space<vmem>>
        %dma_start3A_506 = tpu.memref_squeeze %dma_start3A_505 : memref<1x80xi32, #tpu.memory_space<vmem>> -> memref<80xi32, #tpu.memory_space<vmem>>
        %dma_start3A_507 = arith.constant 0 : i32
        %dma_start3A_508 = tpu.memref_slice %arg4[%add3A, %add3A_483, %dma_start3A_507] : memref<32x128x80xi32, #tpu.memory_space<hbm>> -> memref<1x1x80xi32, #tpu.memory_space<hbm>>
        %dma_start3A_509 = tpu.memref_squeeze %dma_start3A_508 : memref<1x1x80xi32, #tpu.memory_space<hbm>> -> memref<80xi32, #tpu.memory_space<hbm>>
        tpu.enqueue_dma source(%dma_start3A_509 : memref<80xi32, #tpu.memory_space<hbm>>) target(%dma_start3A_506 : memref<80xi32, #tpu.memory_space<vmem>>) target_semaphore(%arg19 : memref<!tpu.dma_semaphore, #tpu.memory_space<semaphore_mem>>)
      } else {
      }
      %ge3A_246 = arith.constant 2 : i32
      %ge3A_247 = arith.cmpi sge, %add3A_238, %ge3A_246 : i32
      %convert_element_type3A_248 = arith.extui %ge3A_247 : i1 to i32
      %cond3A_249 = arith.constant 0 : i32
      %cond3A_250 = arith.cmpi ne, %convert_element_type3A_248, %cond3A_249 : i32
      scf.if %cond3A_250 {
        %dma_wait3A_482 = arith.constant 0 : i32
        %dma_wait3A_483 = arith.constant 0 : i32
        %dma_wait3A_484 = tpu.memref_slice %arg9[%dma_wait3A_482, %dma_wait3A_483] : memref<8x80xi32, #tpu.memory_space<vmem>> -> memref<1x80xi32, #tpu.memory_space<vmem>>
        %dma_wait3A_485 = tpu.memref_squeeze %dma_wait3A_484 : memref<1x80xi32, #tpu.memory_space<vmem>> -> memref<80xi32, #tpu.memory_space<vmem>>
        %dma_wait3A_486 = arith.constant 0 : i32
        %dma_wait3A_487 = arith.constant 0 : i32
        %dma_wait3A_488 = tpu.memref_slice %arg7[%dma_wait3A_486, %dma_wait3A_487] : memref<10240x128xf32, #tpu.memory_space<vmem_shared>> -> memref<10240x128xf32, #tpu.memory_space<vmem_shared>>
        tpu.wait_indirect_dma semaphore(%arg29 : memref<!tpu.dma_semaphore, #tpu.memory_space<semaphore_mem>>) src(%arg13 : memref<80x128xf32, #tpu.memory_space<vmem>>) dst(%dma_wait3A_488 : memref<10240x128xf32, #tpu.memory_space<vmem_shared>>)
      } else {
      }
      %add3A_251 = arith.constant 2 : i32
      %add3A_252 = arith.addi %add3A_238, %add3A_251 : i32
      %lt3A_253 = arith.constant 128 : i32
      %lt3A_254 = arith.cmpi slt, %add3A_252, %lt3A_253 : i32
      %convert_element_type3A_255 = arith.extui %lt3A_254 : i1 to i32
      %cond3A_256 = arith.constant 0 : i32
      %cond3A_257 = arith.cmpi ne, %convert_element_type3A_255, %cond3A_256 : i32
      scf.if %cond3A_257 {
        %add3A_482 = arith.constant 2 : i32
        %add3A_483 = arith.addi %add3A_238, %add3A_482 : i32
        %dma_wait3A_484 = arith.constant 3 : i32
        %dma_wait3A_485 = arith.constant 0 : i32
        %dma_wait3A_486 = tpu.memref_slice %arg8[%dma_wait3A_484, %dma_wait3A_485] : memref<8x80xi32, #tpu.memory_space<vmem>> -> memref<1x80xi32, #tpu.memory_space<vmem>>
        %dma_wait3A_487 = tpu.memref_squeeze %dma_wait3A_486 : memref<1x80xi32, #tpu.memory_space<vmem>> -> memref<80xi32, #tpu.memory_space<vmem>>
        %dma_wait3A_488 = arith.constant 0 : i32
        %dma_wait3A_489 = tpu.memref_slice %arg3[%add3A, %add3A_483, %dma_wait3A_488] : memref<32x128x80xi32, #tpu.memory_space<hbm>> -> memref<1x1x80xi32, #tpu.memory_space<hbm>>
        %dma_wait3A_490 = tpu.memref_squeeze %dma_wait3A_489 : memref<1x1x80xi32, #tpu.memory_space<hbm>> -> memref<80xi32, #tpu.memory_space<hbm>>
        %dma_wait3A_491 = arith.constant 0 : i32
        %dma_wait3A_492 = tpu.memref_slice %arg8[%dma_wait3A_484, %dma_wait3A_491] : memref<8x80xi32, #tpu.memory_space<vmem>> -> memref<1x80xi32, #tpu.memory_space<vmem>>
        %dma_wait3A_493 = tpu.memref_squeeze %dma_wait3A_492 : memref<1x80xi32, #tpu.memory_space<vmem>> -> memref<80xi32, #tpu.memory_space<vmem>>
        %dma_wait3A_494 = arith.constant 0 : i32
        %dma_wait3A_495 = tpu.memref_slice %arg3[%add3A, %add3A_483, %dma_wait3A_494] : memref<32x128x80xi32, #tpu.memory_space<hbm>> -> memref<1x1x80xi32, #tpu.memory_space<hbm>>
        %dma_wait3A_496 = tpu.memref_squeeze %dma_wait3A_495 : memref<1x1x80xi32, #tpu.memory_space<hbm>> -> memref<80xi32, #tpu.memory_space<hbm>>
        tpu.wait_dma2 semaphore(%arg17 : memref<!tpu.dma_semaphore, #tpu.memory_space<semaphore_mem>>) src(%dma_wait3A_496 : memref<80xi32, #tpu.memory_space<hbm>>) dst(%dma_wait3A_493 : memref<80xi32, #tpu.memory_space<vmem>>)
        %dma_wait3A_497 = arith.constant 3 : i32
        %dma_wait3A_498 = arith.constant 0 : i32
        %dma_wait3A_499 = tpu.memref_slice %arg9[%dma_wait3A_497, %dma_wait3A_498] : memref<8x80xi32, #tpu.memory_space<vmem>> -> memref<1x80xi32, #tpu.memory_space<vmem>>
        %dma_wait3A_500 = tpu.memref_squeeze %dma_wait3A_499 : memref<1x80xi32, #tpu.memory_space<vmem>> -> memref<80xi32, #tpu.memory_space<vmem>>
        %dma_wait3A_501 = arith.constant 0 : i32
        %dma_wait3A_502 = tpu.memref_slice %arg4[%add3A, %add3A_483, %dma_wait3A_501] : memref<32x128x80xi32, #tpu.memory_space<hbm>> -> memref<1x1x80xi32, #tpu.memory_space<hbm>>
        %dma_wait3A_503 = tpu.memref_squeeze %dma_wait3A_502 : memref<1x1x80xi32, #tpu.memory_space<hbm>> -> memref<80xi32, #tpu.memory_space<hbm>>
        %dma_wait3A_504 = arith.constant 0 : i32
        %dma_wait3A_505 = tpu.memref_slice %arg9[%dma_wait3A_497, %dma_wait3A_504] : memref<8x80xi32, #tpu.memory_space<vmem>> -> memref<1x80xi32, #tpu.memory_space<vmem>>
        %dma_wait3A_506 = tpu.memref_squeeze %dma_wait3A_505 : memref<1x80xi32, #tpu.memory_space<vmem>> -> memref<80xi32, #tpu.memory_space<vmem>>
        %dma_wait3A_507 = arith.constant 0 : i32
        %dma_wait3A_508 = tpu.memref_slice %arg4[%add3A, %add3A_483, %dma_wait3A_507] : memref<32x128x80xi32, #tpu.memory_space<hbm>> -> memref<1x1x80xi32, #tpu.memory_space<hbm>>
        %dma_wait3A_509 = tpu.memref_squeeze %dma_wait3A_508 : memref<1x1x80xi32, #tpu.memory_space<hbm>> -> memref<80xi32, #tpu.memory_space<hbm>>
        tpu.wait_dma2 semaphore(%arg17 : memref<!tpu.dma_semaphore, #tpu.memory_space<semaphore_mem>>) src(%dma_wait3A_509 : memref<80xi32, #tpu.memory_space<hbm>>) dst(%dma_wait3A_506 : memref<80xi32, #tpu.memory_space<vmem>>)
        %dma_start3A_510 = arith.constant 3 : i32
        %dma_start3A_511 = arith.constant 0 : i32
        %dma_start3A_512 = tpu.memref_slice %arg8[%dma_start3A_510, %dma_start3A_511] : memref<8x80xi32, #tpu.memory_space<vmem>> -> memref<1x80xi32, #tpu.memory_space<vmem>>
        %dma_start3A_513 = tpu.memref_squeeze %dma_start3A_512 : memref<1x80xi32, #tpu.memory_space<vmem>> -> memref<80xi32, #tpu.memory_space<vmem>>
        %dma_start3A_514 = arith.constant 0 : i32
        %dma_start3A_515 = arith.constant 0 : i32
        %dma_start3A_516 = tpu.memref_slice %arg2[%dma_start3A_514, %dma_start3A_515] : memref<10240x128xf32, #tpu.memory_space<hbm>> -> memref<10240x128xf32, #tpu.memory_space<hbm>>
        tpu.enqueue_indirect_dma source(%dma_start3A_516 : memref<10240x128xf32, #tpu.memory_space<hbm>>) target(%arg13 : memref<80x128xf32, #tpu.memory_space<vmem>>) offsets(%dma_start3A_513 : memref<80xi32, #tpu.memory_space<vmem>>) semaphore(%arg25 : memref<!tpu.dma_semaphore, #tpu.memory_space<semaphore_mem>>)
      } else {
      }
      %dma_wait3A_258 = arith.constant 0 : i32
      %dma_wait3A_259 = arith.constant 0 : i32
      %dma_wait3A_260 = tpu.memref_slice %arg8[%dma_wait3A_258, %dma_wait3A_259] : memref<8x80xi32, #tpu.memory_space<vmem>> -> memref<1x80xi32, #tpu.memory_space<vmem>>
      %dma_wait3A_261 = tpu.memref_squeeze %dma_wait3A_260 : memref<1x80xi32, #tpu.memory_space<vmem>> -> memref<80xi32, #tpu.memory_space<vmem>>
      %dma_wait3A_262 = arith.constant 0 : i32
      %dma_wait3A_263 = arith.constant 0 : i32
      %dma_wait3A_264 = tpu.memref_slice %arg2[%dma_wait3A_262, %dma_wait3A_263] : memref<10240x128xf32, #tpu.memory_space<hbm>> -> memref<10240x128xf32, #tpu.memory_space<hbm>>
      tpu.wait_indirect_dma semaphore(%arg23 : memref<!tpu.dma_semaphore, #tpu.memory_space<semaphore_mem>>) src(%dma_wait3A_264 : memref<10240x128xf32, #tpu.memory_space<hbm>>) dst(%arg11 : memref<80x128xf32, #tpu.memory_space<vmem>>)
      %dma_start3A_265 = arith.constant 1 : i32
      %dma_start3A_266 = arith.constant 0 : i32
      %dma_start3A_267 = tpu.memref_slice %arg9[%dma_start3A_265, %dma_start3A_266] : memref<8x80xi32, #tpu.memory_space<vmem>> -> memref<1x80xi32, #tpu.memory_space<vmem>>
      %dma_start3A_268 = tpu.memref_squeeze %dma_start3A_267 : memref<1x80xi32, #tpu.memory_space<vmem>> -> memref<80xi32, #tpu.memory_space<vmem>>
      %dma_start3A_269 = arith.constant 0 : i32
      %dma_start3A_270 = arith.constant 0 : i32
      %dma_start3A_271 = tpu.memref_slice %arg7[%dma_start3A_269, %dma_start3A_270] : memref<10240x128xf32, #tpu.memory_space<vmem_shared>> -> memref<10240x128xf32, #tpu.memory_space<vmem_shared>>
      tpu.enqueue_indirect_dma source(%arg11 : memref<80x128xf32, #tpu.memory_space<vmem>>) target(%dma_start3A_271 : memref<10240x128xf32, #tpu.memory_space<vmem_shared>>) offsets(%dma_start3A_268 : memref<80xi32, #tpu.memory_space<vmem>>) semaphore(%arg27 : memref<!tpu.dma_semaphore, #tpu.memory_space<semaphore_mem>>) {add = true}
      %add3A_272 = arith.constant 2 : i32
      %add3A_273 = arith.addi %mul3A_205, %add3A_272 : i32
      %add3A_274 = arith.constant 4 : i32
      %add3A_275 = arith.addi %add3A_273, %add3A_274 : i32
      %lt3A_276 = arith.constant 128 : i32
      %lt3A_277 = arith.cmpi slt, %add3A_275, %lt3A_276 : i32
      %convert_element_type3A_278 = arith.extui %lt3A_277 : i1 to i32
      %cond3A_279 = arith.constant 0 : i32
      %cond3A_280 = arith.cmpi ne, %convert_element_type3A_278, %cond3A_279 : i32
      scf.if %cond3A_280 {
        %add3A_482 = arith.constant 4 : i32
        %add3A_483 = arith.addi %add3A_273, %add3A_482 : i32
        %dma_start3A_484 = arith.constant 6 : i32
        %dma_start3A_485 = arith.constant 0 : i32
        %dma_start3A_486 = tpu.memref_slice %arg8[%dma_start3A_484, %dma_start3A_485] : memref<8x80xi32, #tpu.memory_space<vmem>> -> memref<1x80xi32, #tpu.memory_space<vmem>>
        %dma_start3A_487 = tpu.memref_squeeze %dma_start3A_486 : memref<1x80xi32, #tpu.memory_space<vmem>> -> memref<80xi32, #tpu.memory_space<vmem>>
        %dma_start3A_488 = arith.constant 0 : i32
        %dma_start3A_489 = tpu.memref_slice %arg3[%add3A, %add3A_483, %dma_start3A_488] : memref<32x128x80xi32, #tpu.memory_space<hbm>> -> memref<1x1x80xi32, #tpu.memory_space<hbm>>
        %dma_start3A_490 = tpu.memref_squeeze %dma_start3A_489 : memref<1x1x80xi32, #tpu.memory_space<hbm>> -> memref<80xi32, #tpu.memory_space<hbm>>
        %dma_start3A_491 = arith.constant 0 : i32
        %dma_start3A_492 = tpu.memref_slice %arg8[%dma_start3A_484, %dma_start3A_491] : memref<8x80xi32, #tpu.memory_space<vmem>> -> memref<1x80xi32, #tpu.memory_space<vmem>>
        %dma_start3A_493 = tpu.memref_squeeze %dma_start3A_492 : memref<1x80xi32, #tpu.memory_space<vmem>> -> memref<80xi32, #tpu.memory_space<vmem>>
        %dma_start3A_494 = arith.constant 0 : i32
        %dma_start3A_495 = tpu.memref_slice %arg3[%add3A, %add3A_483, %dma_start3A_494] : memref<32x128x80xi32, #tpu.memory_space<hbm>> -> memref<1x1x80xi32, #tpu.memory_space<hbm>>
        %dma_start3A_496 = tpu.memref_squeeze %dma_start3A_495 : memref<1x1x80xi32, #tpu.memory_space<hbm>> -> memref<80xi32, #tpu.memory_space<hbm>>
        tpu.enqueue_dma source(%dma_start3A_496 : memref<80xi32, #tpu.memory_space<hbm>>) target(%dma_start3A_493 : memref<80xi32, #tpu.memory_space<vmem>>) target_semaphore(%arg20 : memref<!tpu.dma_semaphore, #tpu.memory_space<semaphore_mem>>)
        %dma_start3A_497 = arith.constant 6 : i32
        %dma_start3A_498 = arith.constant 0 : i32
        %dma_start3A_499 = tpu.memref_slice %arg9[%dma_start3A_497, %dma_start3A_498] : memref<8x80xi32, #tpu.memory_space<vmem>> -> memref<1x80xi32, #tpu.memory_space<vmem>>
        %dma_start3A_500 = tpu.memref_squeeze %dma_start3A_499 : memref<1x80xi32, #tpu.memory_space<vmem>> -> memref<80xi32, #tpu.memory_space<vmem>>
        %dma_start3A_501 = arith.constant 0 : i32
        %dma_start3A_502 = tpu.memref_slice %arg4[%add3A, %add3A_483, %dma_start3A_501] : memref<32x128x80xi32, #tpu.memory_space<hbm>> -> memref<1x1x80xi32, #tpu.memory_space<hbm>>
        %dma_start3A_503 = tpu.memref_squeeze %dma_start3A_502 : memref<1x1x80xi32, #tpu.memory_space<hbm>> -> memref<80xi32, #tpu.memory_space<hbm>>
        %dma_start3A_504 = arith.constant 0 : i32
        %dma_start3A_505 = tpu.memref_slice %arg9[%dma_start3A_497, %dma_start3A_504] : memref<8x80xi32, #tpu.memory_space<vmem>> -> memref<1x80xi32, #tpu.memory_space<vmem>>
        %dma_start3A_506 = tpu.memref_squeeze %dma_start3A_505 : memref<1x80xi32, #tpu.memory_space<vmem>> -> memref<80xi32, #tpu.memory_space<vmem>>
        %dma_start3A_507 = arith.constant 0 : i32
        %dma_start3A_508 = tpu.memref_slice %arg4[%add3A, %add3A_483, %dma_start3A_507] : memref<32x128x80xi32, #tpu.memory_space<hbm>> -> memref<1x1x80xi32, #tpu.memory_space<hbm>>
        %dma_start3A_509 = tpu.memref_squeeze %dma_start3A_508 : memref<1x1x80xi32, #tpu.memory_space<hbm>> -> memref<80xi32, #tpu.memory_space<hbm>>
        tpu.enqueue_dma source(%dma_start3A_509 : memref<80xi32, #tpu.memory_space<hbm>>) target(%dma_start3A_506 : memref<80xi32, #tpu.memory_space<vmem>>) target_semaphore(%arg20 : memref<!tpu.dma_semaphore, #tpu.memory_space<semaphore_mem>>)
      } else {
      }
      %ge3A_281 = arith.constant 2 : i32
      %ge3A_282 = arith.cmpi sge, %add3A_273, %ge3A_281 : i32
      %convert_element_type3A_283 = arith.extui %ge3A_282 : i1 to i32
      %cond3A_284 = arith.constant 0 : i32
      %cond3A_285 = arith.cmpi ne, %convert_element_type3A_283, %cond3A_284 : i32
      scf.if %cond3A_285 {
        %dma_wait3A_482 = arith.constant 0 : i32
        %dma_wait3A_483 = arith.constant 0 : i32
        %dma_wait3A_484 = tpu.memref_slice %arg9[%dma_wait3A_482, %dma_wait3A_483] : memref<8x80xi32, #tpu.memory_space<vmem>> -> memref<1x80xi32, #tpu.memory_space<vmem>>
        %dma_wait3A_485 = tpu.memref_squeeze %dma_wait3A_484 : memref<1x80xi32, #tpu.memory_space<vmem>> -> memref<80xi32, #tpu.memory_space<vmem>>
        %dma_wait3A_486 = arith.constant 0 : i32
        %dma_wait3A_487 = arith.constant 0 : i32
        %dma_wait3A_488 = tpu.memref_slice %arg7[%dma_wait3A_486, %dma_wait3A_487] : memref<10240x128xf32, #tpu.memory_space<vmem_shared>> -> memref<10240x128xf32, #tpu.memory_space<vmem_shared>>
        tpu.wait_indirect_dma semaphore(%arg26 : memref<!tpu.dma_semaphore, #tpu.memory_space<semaphore_mem>>) src(%arg10 : memref<80x128xf32, #tpu.memory_space<vmem>>) dst(%dma_wait3A_488 : memref<10240x128xf32, #tpu.memory_space<vmem_shared>>)
      } else {
      }
      %add3A_286 = arith.constant 2 : i32
      %add3A_287 = arith.addi %add3A_273, %add3A_286 : i32
      %lt3A_288 = arith.constant 128 : i32
      %lt3A_289 = arith.cmpi slt, %add3A_287, %lt3A_288 : i32
      %convert_element_type3A_290 = arith.extui %lt3A_289 : i1 to i32
      %cond3A_291 = arith.constant 0 : i32
      %cond3A_292 = arith.cmpi ne, %convert_element_type3A_290, %cond3A_291 : i32
      scf.if %cond3A_292 {
        %add3A_482 = arith.constant 2 : i32
        %add3A_483 = arith.addi %add3A_273, %add3A_482 : i32
        %dma_wait3A_484 = arith.constant 4 : i32
        %dma_wait3A_485 = arith.constant 0 : i32
        %dma_wait3A_486 = tpu.memref_slice %arg8[%dma_wait3A_484, %dma_wait3A_485] : memref<8x80xi32, #tpu.memory_space<vmem>> -> memref<1x80xi32, #tpu.memory_space<vmem>>
        %dma_wait3A_487 = tpu.memref_squeeze %dma_wait3A_486 : memref<1x80xi32, #tpu.memory_space<vmem>> -> memref<80xi32, #tpu.memory_space<vmem>>
        %dma_wait3A_488 = arith.constant 0 : i32
        %dma_wait3A_489 = tpu.memref_slice %arg3[%add3A, %add3A_483, %dma_wait3A_488] : memref<32x128x80xi32, #tpu.memory_space<hbm>> -> memref<1x1x80xi32, #tpu.memory_space<hbm>>
        %dma_wait3A_490 = tpu.memref_squeeze %dma_wait3A_489 : memref<1x1x80xi32, #tpu.memory_space<hbm>> -> memref<80xi32, #tpu.memory_space<hbm>>
        %dma_wait3A_491 = arith.constant 0 : i32
        %dma_wait3A_492 = tpu.memref_slice %arg8[%dma_wait3A_484, %dma_wait3A_491] : memref<8x80xi32, #tpu.memory_space<vmem>> -> memref<1x80xi32, #tpu.memory_space<vmem>>
        %dma_wait3A_493 = tpu.memref_squeeze %dma_wait3A_492 : memref<1x80xi32, #tpu.memory_space<vmem>> -> memref<80xi32, #tpu.memory_space<vmem>>
        %dma_wait3A_494 = arith.constant 0 : i32
        %dma_wait3A_495 = tpu.memref_slice %arg3[%add3A, %add3A_483, %dma_wait3A_494] : memref<32x128x80xi32, #tpu.memory_space<hbm>> -> memref<1x1x80xi32, #tpu.memory_space<hbm>>
        %dma_wait3A_496 = tpu.memref_squeeze %dma_wait3A_495 : memref<1x1x80xi32, #tpu.memory_space<hbm>> -> memref<80xi32, #tpu.memory_space<hbm>>
        tpu.wait_dma2 semaphore(%arg18 : memref<!tpu.dma_semaphore, #tpu.memory_space<semaphore_mem>>) src(%dma_wait3A_496 : memref<80xi32, #tpu.memory_space<hbm>>) dst(%dma_wait3A_493 : memref<80xi32, #tpu.memory_space<vmem>>)
        %dma_wait3A_497 = arith.constant 4 : i32
        %dma_wait3A_498 = arith.constant 0 : i32
        %dma_wait3A_499 = tpu.memref_slice %arg9[%dma_wait3A_497, %dma_wait3A_498] : memref<8x80xi32, #tpu.memory_space<vmem>> -> memref<1x80xi32, #tpu.memory_space<vmem>>
        %dma_wait3A_500 = tpu.memref_squeeze %dma_wait3A_499 : memref<1x80xi32, #tpu.memory_space<vmem>> -> memref<80xi32, #tpu.memory_space<vmem>>
        %dma_wait3A_501 = arith.constant 0 : i32
        %dma_wait3A_502 = tpu.memref_slice %arg4[%add3A, %add3A_483, %dma_wait3A_501] : memref<32x128x80xi32, #tpu.memory_space<hbm>> -> memref<1x1x80xi32, #tpu.memory_space<hbm>>
        %dma_wait3A_503 = tpu.memref_squeeze %dma_wait3A_502 : memref<1x1x80xi32, #tpu.memory_space<hbm>> -> memref<80xi32, #tpu.memory_space<hbm>>
        %dma_wait3A_504 = arith.constant 0 : i32
        %dma_wait3A_505 = tpu.memref_slice %arg9[%dma_wait3A_497, %dma_wait3A_504] : memref<8x80xi32, #tpu.memory_space<vmem>> -> memref<1x80xi32, #tpu.memory_space<vmem>>
        %dma_wait3A_506 = tpu.memref_squeeze %dma_wait3A_505 : memref<1x80xi32, #tpu.memory_space<vmem>> -> memref<80xi32, #tpu.memory_space<vmem>>
        %dma_wait3A_507 = arith.constant 0 : i32
        %dma_wait3A_508 = tpu.memref_slice %arg4[%add3A, %add3A_483, %dma_wait3A_507] : memref<32x128x80xi32, #tpu.memory_space<hbm>> -> memref<1x1x80xi32, #tpu.memory_space<hbm>>
        %dma_wait3A_509 = tpu.memref_squeeze %dma_wait3A_508 : memref<1x1x80xi32, #tpu.memory_space<hbm>> -> memref<80xi32, #tpu.memory_space<hbm>>
        tpu.wait_dma2 semaphore(%arg18 : memref<!tpu.dma_semaphore, #tpu.memory_space<semaphore_mem>>) src(%dma_wait3A_509 : memref<80xi32, #tpu.memory_space<hbm>>) dst(%dma_wait3A_506 : memref<80xi32, #tpu.memory_space<vmem>>)
        %dma_start3A_510 = arith.constant 4 : i32
        %dma_start3A_511 = arith.constant 0 : i32
        %dma_start3A_512 = tpu.memref_slice %arg8[%dma_start3A_510, %dma_start3A_511] : memref<8x80xi32, #tpu.memory_space<vmem>> -> memref<1x80xi32, #tpu.memory_space<vmem>>
        %dma_start3A_513 = tpu.memref_squeeze %dma_start3A_512 : memref<1x80xi32, #tpu.memory_space<vmem>> -> memref<80xi32, #tpu.memory_space<vmem>>
        %dma_start3A_514 = arith.constant 0 : i32
        %dma_start3A_515 = arith.constant 0 : i32
        %dma_start3A_516 = tpu.memref_slice %arg2[%dma_start3A_514, %dma_start3A_515] : memref<10240x128xf32, #tpu.memory_space<hbm>> -> memref<10240x128xf32, #tpu.memory_space<hbm>>
        tpu.enqueue_indirect_dma source(%dma_start3A_516 : memref<10240x128xf32, #tpu.memory_space<hbm>>) target(%arg10 : memref<80x128xf32, #tpu.memory_space<vmem>>) offsets(%dma_start3A_513 : memref<80xi32, #tpu.memory_space<vmem>>) semaphore(%arg22 : memref<!tpu.dma_semaphore, #tpu.memory_space<semaphore_mem>>)
      } else {
      }
      %dma_wait3A_293 = arith.constant 0 : i32
      %dma_wait3A_294 = arith.constant 0 : i32
      %dma_wait3A_295 = tpu.memref_slice %arg8[%dma_wait3A_293, %dma_wait3A_294] : memref<8x80xi32, #tpu.memory_space<vmem>> -> memref<1x80xi32, #tpu.memory_space<vmem>>
      %dma_wait3A_296 = tpu.memref_squeeze %dma_wait3A_295 : memref<1x80xi32, #tpu.memory_space<vmem>> -> memref<80xi32, #tpu.memory_space<vmem>>
      %dma_wait3A_297 = arith.constant 0 : i32
      %dma_wait3A_298 = arith.constant 0 : i32
      %dma_wait3A_299 = tpu.memref_slice %arg2[%dma_wait3A_297, %dma_wait3A_298] : memref<10240x128xf32, #tpu.memory_space<hbm>> -> memref<10240x128xf32, #tpu.memory_space<hbm>>
      tpu.wait_indirect_dma semaphore(%arg24 : memref<!tpu.dma_semaphore, #tpu.memory_space<semaphore_mem>>) src(%dma_wait3A_299 : memref<10240x128xf32, #tpu.memory_space<hbm>>) dst(%arg12 : memref<80x128xf32, #tpu.memory_space<vmem>>)
      %dma_start3A_300 = arith.constant 2 : i32
      %dma_start3A_301 = arith.constant 0 : i32
      %dma_start3A_302 = tpu.memref_slice %arg9[%dma_start3A_300, %dma_start3A_301] : memref<8x80xi32, #tpu.memory_space<vmem>> -> memref<1x80xi32, #tpu.memory_space<vmem>>
      %dma_start3A_303 = tpu.memref_squeeze %dma_start3A_302 : memref<1x80xi32, #tpu.memory_space<vmem>> -> memref<80xi32, #tpu.memory_space<vmem>>
      %dma_start3A_304 = arith.constant 0 : i32
      %dma_start3A_305 = arith.constant 0 : i32
      %dma_start3A_306 = tpu.memref_slice %arg7[%dma_start3A_304, %dma_start3A_305] : memref<10240x128xf32, #tpu.memory_space<vmem_shared>> -> memref<10240x128xf32, #tpu.memory_space<vmem_shared>>
      tpu.enqueue_indirect_dma source(%arg12 : memref<80x128xf32, #tpu.memory_space<vmem>>) target(%dma_start3A_306 : memref<10240x128xf32, #tpu.memory_space<vmem_shared>>) offsets(%dma_start3A_303 : memref<80xi32, #tpu.memory_space<vmem>>) semaphore(%arg28 : memref<!tpu.dma_semaphore, #tpu.memory_space<semaphore_mem>>) {add = true}
      %add3A_307 = arith.constant 3 : i32
      %add3A_308 = arith.addi %mul3A_205, %add3A_307 : i32
      %add3A_309 = arith.constant 4 : i32
      %add3A_310 = arith.addi %add3A_308, %add3A_309 : i32
      %lt3A_311 = arith.constant 128 : i32
      %lt3A_312 = arith.cmpi slt, %add3A_310, %lt3A_311 : i32
      %convert_element_type3A_313 = arith.extui %lt3A_312 : i1 to i32
      %cond3A_314 = arith.constant 0 : i32
      %cond3A_315 = arith.cmpi ne, %convert_element_type3A_313, %cond3A_314 : i32
      scf.if %cond3A_315 {
        %add3A_482 = arith.constant 4 : i32
        %add3A_483 = arith.addi %add3A_308, %add3A_482 : i32
        %dma_start3A_484 = arith.constant 7 : i32
        %dma_start3A_485 = arith.constant 0 : i32
        %dma_start3A_486 = tpu.memref_slice %arg8[%dma_start3A_484, %dma_start3A_485] : memref<8x80xi32, #tpu.memory_space<vmem>> -> memref<1x80xi32, #tpu.memory_space<vmem>>
        %dma_start3A_487 = tpu.memref_squeeze %dma_start3A_486 : memref<1x80xi32, #tpu.memory_space<vmem>> -> memref<80xi32, #tpu.memory_space<vmem>>
        %dma_start3A_488 = arith.constant 0 : i32
        %dma_start3A_489 = tpu.memref_slice %arg3[%add3A, %add3A_483, %dma_start3A_488] : memref<32x128x80xi32, #tpu.memory_space<hbm>> -> memref<1x1x80xi32, #tpu.memory_space<hbm>>
        %dma_start3A_490 = tpu.memref_squeeze %dma_start3A_489 : memref<1x1x80xi32, #tpu.memory_space<hbm>> -> memref<80xi32, #tpu.memory_space<hbm>>
        %dma_start3A_491 = arith.constant 0 : i32
        %dma_start3A_492 = tpu.memref_slice %arg8[%dma_start3A_484, %dma_start3A_491] : memref<8x80xi32, #tpu.memory_space<vmem>> -> memref<1x80xi32, #tpu.memory_space<vmem>>
        %dma_start3A_493 = tpu.memref_squeeze %dma_start3A_492 : memref<1x80xi32, #tpu.memory_space<vmem>> -> memref<80xi32, #tpu.memory_space<vmem>>
        %dma_start3A_494 = arith.constant 0 : i32
        %dma_start3A_495 = tpu.memref_slice %arg3[%add3A, %add3A_483, %dma_start3A_494] : memref<32x128x80xi32, #tpu.memory_space<hbm>> -> memref<1x1x80xi32, #tpu.memory_space<hbm>>
        %dma_start3A_496 = tpu.memref_squeeze %dma_start3A_495 : memref<1x1x80xi32, #tpu.memory_space<hbm>> -> memref<80xi32, #tpu.memory_space<hbm>>
        tpu.enqueue_dma source(%dma_start3A_496 : memref<80xi32, #tpu.memory_space<hbm>>) target(%dma_start3A_493 : memref<80xi32, #tpu.memory_space<vmem>>) target_semaphore(%arg21 : memref<!tpu.dma_semaphore, #tpu.memory_space<semaphore_mem>>)
        %dma_start3A_497 = arith.constant 7 : i32
        %dma_start3A_498 = arith.constant 0 : i32
        %dma_start3A_499 = tpu.memref_slice %arg9[%dma_start3A_497, %dma_start3A_498] : memref<8x80xi32, #tpu.memory_space<vmem>> -> memref<1x80xi32, #tpu.memory_space<vmem>>
        %dma_start3A_500 = tpu.memref_squeeze %dma_start3A_499 : memref<1x80xi32, #tpu.memory_space<vmem>> -> memref<80xi32, #tpu.memory_space<vmem>>
        %dma_start3A_501 = arith.constant 0 : i32
        %dma_start3A_502 = tpu.memref_slice %arg4[%add3A, %add3A_483, %dma_start3A_501] : memref<32x128x80xi32, #tpu.memory_space<hbm>> -> memref<1x1x80xi32, #tpu.memory_space<hbm>>
        %dma_start3A_503 = tpu.memref_squeeze %dma_start3A_502 : memref<1x1x80xi32, #tpu.memory_space<hbm>> -> memref<80xi32, #tpu.memory_space<hbm>>
        %dma_start3A_504 = arith.constant 0 : i32
        %dma_start3A_505 = tpu.memref_slice %arg9[%dma_start3A_497, %dma_start3A_504] : memref<8x80xi32, #tpu.memory_space<vmem>> -> memref<1x80xi32, #tpu.memory_space<vmem>>
        %dma_start3A_506 = tpu.memref_squeeze %dma_start3A_505 : memref<1x80xi32, #tpu.memory_space<vmem>> -> memref<80xi32, #tpu.memory_space<vmem>>
        %dma_start3A_507 = arith.constant 0 : i32
        %dma_start3A_508 = tpu.memref_slice %arg4[%add3A, %add3A_483, %dma_start3A_507] : memref<32x128x80xi32, #tpu.memory_space<hbm>> -> memref<1x1x80xi32, #tpu.memory_space<hbm>>
        %dma_start3A_509 = tpu.memref_squeeze %dma_start3A_508 : memref<1x1x80xi32, #tpu.memory_space<hbm>> -> memref<80xi32, #tpu.memory_space<hbm>>
        tpu.enqueue_dma source(%dma_start3A_509 : memref<80xi32, #tpu.memory_space<hbm>>) target(%dma_start3A_506 : memref<80xi32, #tpu.memory_space<vmem>>) target_semaphore(%arg21 : memref<!tpu.dma_semaphore, #tpu.memory_space<semaphore_mem>>)
      } else {
      }
      %ge3A_316 = arith.constant 2 : i32
      %ge3A_317 = arith.cmpi sge, %add3A_308, %ge3A_316 : i32
      %convert_element_type3A_318 = arith.extui %ge3A_317 : i1 to i32
      %cond3A_319 = arith.constant 0 : i32
      %cond3A_320 = arith.cmpi ne, %convert_element_type3A_318, %cond3A_319 : i32
      scf.if %cond3A_320 {
        %dma_wait3A_482 = arith.constant 0 : i32
        %dma_wait3A_483 = arith.constant 0 : i32
        %dma_wait3A_484 = tpu.memref_slice %arg9[%dma_wait3A_482, %dma_wait3A_483] : memref<8x80xi32, #tpu.memory_space<vmem>> -> memref<1x80xi32, #tpu.memory_space<vmem>>
        %dma_wait3A_485 = tpu.memref_squeeze %dma_wait3A_484 : memref<1x80xi32, #tpu.memory_space<vmem>> -> memref<80xi32, #tpu.memory_space<vmem>>
        %dma_wait3A_486 = arith.constant 0 : i32
        %dma_wait3A_487 = arith.constant 0 : i32
        %dma_wait3A_488 = tpu.memref_slice %arg7[%dma_wait3A_486, %dma_wait3A_487] : memref<10240x128xf32, #tpu.memory_space<vmem_shared>> -> memref<10240x128xf32, #tpu.memory_space<vmem_shared>>
        tpu.wait_indirect_dma semaphore(%arg27 : memref<!tpu.dma_semaphore, #tpu.memory_space<semaphore_mem>>) src(%arg11 : memref<80x128xf32, #tpu.memory_space<vmem>>) dst(%dma_wait3A_488 : memref<10240x128xf32, #tpu.memory_space<vmem_shared>>)
      } else {
      }
      %add3A_321 = arith.constant 2 : i32
      %add3A_322 = arith.addi %add3A_308, %add3A_321 : i32
      %lt3A_323 = arith.constant 128 : i32
      %lt3A_324 = arith.cmpi slt, %add3A_322, %lt3A_323 : i32
      %convert_element_type3A_325 = arith.extui %lt3A_324 : i1 to i32
      %cond3A_326 = arith.constant 0 : i32
      %cond3A_327 = arith.cmpi ne, %convert_element_type3A_325, %cond3A_326 : i32
      scf.if %cond3A_327 {
        %add3A_482 = arith.constant 2 : i32
        %add3A_483 = arith.addi %add3A_308, %add3A_482 : i32
        %dma_wait3A_484 = arith.constant 5 : i32
        %dma_wait3A_485 = arith.constant 0 : i32
        %dma_wait3A_486 = tpu.memref_slice %arg8[%dma_wait3A_484, %dma_wait3A_485] : memref<8x80xi32, #tpu.memory_space<vmem>> -> memref<1x80xi32, #tpu.memory_space<vmem>>
        %dma_wait3A_487 = tpu.memref_squeeze %dma_wait3A_486 : memref<1x80xi32, #tpu.memory_space<vmem>> -> memref<80xi32, #tpu.memory_space<vmem>>
        %dma_wait3A_488 = arith.constant 0 : i32
        %dma_wait3A_489 = tpu.memref_slice %arg3[%add3A, %add3A_483, %dma_wait3A_488] : memref<32x128x80xi32, #tpu.memory_space<hbm>> -> memref<1x1x80xi32, #tpu.memory_space<hbm>>
        %dma_wait3A_490 = tpu.memref_squeeze %dma_wait3A_489 : memref<1x1x80xi32, #tpu.memory_space<hbm>> -> memref<80xi32, #tpu.memory_space<hbm>>
        %dma_wait3A_491 = arith.constant 0 : i32
        %dma_wait3A_492 = tpu.memref_slice %arg8[%dma_wait3A_484, %dma_wait3A_491] : memref<8x80xi32, #tpu.memory_space<vmem>> -> memref<1x80xi32, #tpu.memory_space<vmem>>
        %dma_wait3A_493 = tpu.memref_squeeze %dma_wait3A_492 : memref<1x80xi32, #tpu.memory_space<vmem>> -> memref<80xi32, #tpu.memory_space<vmem>>
        %dma_wait3A_494 = arith.constant 0 : i32
        %dma_wait3A_495 = tpu.memref_slice %arg3[%add3A, %add3A_483, %dma_wait3A_494] : memref<32x128x80xi32, #tpu.memory_space<hbm>> -> memref<1x1x80xi32, #tpu.memory_space<hbm>>
        %dma_wait3A_496 = tpu.memref_squeeze %dma_wait3A_495 : memref<1x1x80xi32, #tpu.memory_space<hbm>> -> memref<80xi32, #tpu.memory_space<hbm>>
        tpu.wait_dma2 semaphore(%arg19 : memref<!tpu.dma_semaphore, #tpu.memory_space<semaphore_mem>>) src(%dma_wait3A_496 : memref<80xi32, #tpu.memory_space<hbm>>) dst(%dma_wait3A_493 : memref<80xi32, #tpu.memory_space<vmem>>)
        %dma_wait3A_497 = arith.constant 5 : i32
        %dma_wait3A_498 = arith.constant 0 : i32
        %dma_wait3A_499 = tpu.memref_slice %arg9[%dma_wait3A_497, %dma_wait3A_498] : memref<8x80xi32, #tpu.memory_space<vmem>> -> memref<1x80xi32, #tpu.memory_space<vmem>>
        %dma_wait3A_500 = tpu.memref_squeeze %dma_wait3A_499 : memref<1x80xi32, #tpu.memory_space<vmem>> -> memref<80xi32, #tpu.memory_space<vmem>>
        %dma_wait3A_501 = arith.constant 0 : i32
        %dma_wait3A_502 = tpu.memref_slice %arg4[%add3A, %add3A_483, %dma_wait3A_501] : memref<32x128x80xi32, #tpu.memory_space<hbm>> -> memref<1x1x80xi32, #tpu.memory_space<hbm>>
        %dma_wait3A_503 = tpu.memref_squeeze %dma_wait3A_502 : memref<1x1x80xi32, #tpu.memory_space<hbm>> -> memref<80xi32, #tpu.memory_space<hbm>>
        %dma_wait3A_504 = arith.constant 0 : i32
        %dma_wait3A_505 = tpu.memref_slice %arg9[%dma_wait3A_497, %dma_wait3A_504] : memref<8x80xi32, #tpu.memory_space<vmem>> -> memref<1x80xi32, #tpu.memory_space<vmem>>
        %dma_wait3A_506 = tpu.memref_squeeze %dma_wait3A_505 : memref<1x80xi32, #tpu.memory_space<vmem>> -> memref<80xi32, #tpu.memory_space<vmem>>
        %dma_wait3A_507 = arith.constant 0 : i32
        %dma_wait3A_508 = tpu.memref_slice %arg4[%add3A, %add3A_483, %dma_wait3A_507] : memref<32x128x80xi32, #tpu.memory_space<hbm>> -> memref<1x1x80xi32, #tpu.memory_space<hbm>>
        %dma_wait3A_509 = tpu.memref_squeeze %dma_wait3A_508 : memref<1x1x80xi32, #tpu.memory_space<hbm>> -> memref<80xi32, #tpu.memory_space<hbm>>
        tpu.wait_dma2 semaphore(%arg19 : memref<!tpu.dma_semaphore, #tpu.memory_space<semaphore_mem>>) src(%dma_wait3A_509 : memref<80xi32, #tpu.memory_space<hbm>>) dst(%dma_wait3A_506 : memref<80xi32, #tpu.memory_space<vmem>>)
        %dma_start3A_510 = arith.constant 5 : i32
        %dma_start3A_511 = arith.constant 0 : i32
        %dma_start3A_512 = tpu.memref_slice %arg8[%dma_start3A_510, %dma_start3A_511] : memref<8x80xi32, #tpu.memory_space<vmem>> -> memref<1x80xi32, #tpu.memory_space<vmem>>
        %dma_start3A_513 = tpu.memref_squeeze %dma_start3A_512 : memref<1x80xi32, #tpu.memory_space<vmem>> -> memref<80xi32, #tpu.memory_space<vmem>>
        %dma_start3A_514 = arith.constant 0 : i32
        %dma_start3A_515 = arith.constant 0 : i32
        %dma_start3A_516 = tpu.memref_slice %arg2[%dma_start3A_514, %dma_start3A_515] : memref<10240x128xf32, #tpu.memory_space<hbm>> -> memref<10240x128xf32, #tpu.memory_space<hbm>>
        tpu.enqueue_indirect_dma source(%dma_start3A_516 : memref<10240x128xf32, #tpu.memory_space<hbm>>) target(%arg11 : memref<80x128xf32, #tpu.memory_space<vmem>>) offsets(%dma_start3A_513 : memref<80xi32, #tpu.memory_space<vmem>>) semaphore(%arg23 : memref<!tpu.dma_semaphore, #tpu.memory_space<semaphore_mem>>)
      } else {
      }
      %dma_wait3A_328 = arith.constant 0 : i32
      %dma_wait3A_329 = arith.constant 0 : i32
      %dma_wait3A_330 = tpu.memref_slice %arg8[%dma_wait3A_328, %dma_wait3A_329] : memref<8x80xi32, #tpu.memory_space<vmem>> -> memref<1x80xi32, #tpu.memory_space<vmem>>
      %dma_wait3A_331 = tpu.memref_squeeze %dma_wait3A_330 : memref<1x80xi32, #tpu.memory_space<vmem>> -> memref<80xi32, #tpu.memory_space<vmem>>
      %dma_wait3A_332 = arith.constant 0 : i32
      %dma_wait3A_333 = arith.constant 0 : i32
      %dma_wait3A_334 = tpu.memref_slice %arg2[%dma_wait3A_332, %dma_wait3A_333] : memref<10240x128xf32, #tpu.memory_space<hbm>> -> memref<10240x128xf32, #tpu.memory_space<hbm>>
      tpu.wait_indirect_dma semaphore(%arg25 : memref<!tpu.dma_semaphore, #tpu.memory_space<semaphore_mem>>) src(%dma_wait3A_334 : memref<10240x128xf32, #tpu.memory_space<hbm>>) dst(%arg13 : memref<80x128xf32, #tpu.memory_space<vmem>>)
      %dma_start3A_335 = arith.constant 3 : i32
      %dma_start3A_336 = arith.constant 0 : i32
      %dma_start3A_337 = tpu.memref_slice %arg9[%dma_start3A_335, %dma_start3A_336] : memref<8x80xi32, #tpu.memory_space<vmem>> -> memref<1x80xi32, #tpu.memory_space<vmem>>
      %dma_start3A_338 = tpu.memref_squeeze %dma_start3A_337 : memref<1x80xi32, #tpu.memory_space<vmem>> -> memref<80xi32, #tpu.memory_space<vmem>>
      %dma_start3A_339 = arith.constant 0 : i32
      %dma_start3A_340 = arith.constant 0 : i32
      %dma_start3A_341 = tpu.memref_slice %arg7[%dma_start3A_339, %dma_start3A_340] : memref<10240x128xf32, #tpu.memory_space<vmem_shared>> -> memref<10240x128xf32, #tpu.memory_space<vmem_shared>>
      tpu.enqueue_indirect_dma source(%arg13 : memref<80x128xf32, #tpu.memory_space<vmem>>) target(%dma_start3A_341 : memref<10240x128xf32, #tpu.memory_space<vmem_shared>>) offsets(%dma_start3A_338 : memref<80xi32, #tpu.memory_space<vmem>>) semaphore(%arg29 : memref<!tpu.dma_semaphore, #tpu.memory_space<semaphore_mem>>) {add = true}
      %add3A_342 = arith.constant 4 : i32
      %add3A_343 = arith.addi %mul3A_205, %add3A_342 : i32
      %add3A_344 = arith.constant 4 : i32
      %add3A_345 = arith.addi %add3A_343, %add3A_344 : i32
      %lt3A_346 = arith.constant 128 : i32
      %lt3A_347 = arith.cmpi slt, %add3A_345, %lt3A_346 : i32
      %convert_element_type3A_348 = arith.extui %lt3A_347 : i1 to i32
      %cond3A_349 = arith.constant 0 : i32
      %cond3A_350 = arith.cmpi ne, %convert_element_type3A_348, %cond3A_349 : i32
      scf.if %cond3A_350 {
        %add3A_482 = arith.constant 4 : i32
        %add3A_483 = arith.addi %add3A_343, %add3A_482 : i32
        %dma_start3A_484 = arith.constant 0 : i32
        %dma_start3A_485 = arith.constant 0 : i32
        %dma_start3A_486 = tpu.memref_slice %arg8[%dma_start3A_484, %dma_start3A_485] : memref<8x80xi32, #tpu.memory_space<vmem>> -> memref<1x80xi32, #tpu.memory_space<vmem>>
        %dma_start3A_487 = tpu.memref_squeeze %dma_start3A_486 : memref<1x80xi32, #tpu.memory_space<vmem>> -> memref<80xi32, #tpu.memory_space<vmem>>
        %dma_start3A_488 = arith.constant 0 : i32
        %dma_start3A_489 = tpu.memref_slice %arg3[%add3A, %add3A_483, %dma_start3A_488] : memref<32x128x80xi32, #tpu.memory_space<hbm>> -> memref<1x1x80xi32, #tpu.memory_space<hbm>>
        %dma_start3A_490 = tpu.memref_squeeze %dma_start3A_489 : memref<1x1x80xi32, #tpu.memory_space<hbm>> -> memref<80xi32, #tpu.memory_space<hbm>>
        %dma_start3A_491 = arith.constant 0 : i32
        %dma_start3A_492 = tpu.memref_slice %arg8[%dma_start3A_484, %dma_start3A_491] : memref<8x80xi32, #tpu.memory_space<vmem>> -> memref<1x80xi32, #tpu.memory_space<vmem>>
        %dma_start3A_493 = tpu.memref_squeeze %dma_start3A_492 : memref<1x80xi32, #tpu.memory_space<vmem>> -> memref<80xi32, #tpu.memory_space<vmem>>
        %dma_start3A_494 = arith.constant 0 : i32
        %dma_start3A_495 = tpu.memref_slice %arg3[%add3A, %add3A_483, %dma_start3A_494] : memref<32x128x80xi32, #tpu.memory_space<hbm>> -> memref<1x1x80xi32, #tpu.memory_space<hbm>>
        %dma_start3A_496 = tpu.memref_squeeze %dma_start3A_495 : memref<1x1x80xi32, #tpu.memory_space<hbm>> -> memref<80xi32, #tpu.memory_space<hbm>>
        tpu.enqueue_dma source(%dma_start3A_496 : memref<80xi32, #tpu.memory_space<hbm>>) target(%dma_start3A_493 : memref<80xi32, #tpu.memory_space<vmem>>) target_semaphore(%arg14 : memref<!tpu.dma_semaphore, #tpu.memory_space<semaphore_mem>>)
        %dma_start3A_497 = arith.constant 0 : i32
        %dma_start3A_498 = arith.constant 0 : i32
        %dma_start3A_499 = tpu.memref_slice %arg9[%dma_start3A_497, %dma_start3A_498] : memref<8x80xi32, #tpu.memory_space<vmem>> -> memref<1x80xi32, #tpu.memory_space<vmem>>
        %dma_start3A_500 = tpu.memref_squeeze %dma_start3A_499 : memref<1x80xi32, #tpu.memory_space<vmem>> -> memref<80xi32, #tpu.memory_space<vmem>>
        %dma_start3A_501 = arith.constant 0 : i32
        %dma_start3A_502 = tpu.memref_slice %arg4[%add3A, %add3A_483, %dma_start3A_501] : memref<32x128x80xi32, #tpu.memory_space<hbm>> -> memref<1x1x80xi32, #tpu.memory_space<hbm>>
        %dma_start3A_503 = tpu.memref_squeeze %dma_start3A_502 : memref<1x1x80xi32, #tpu.memory_space<hbm>> -> memref<80xi32, #tpu.memory_space<hbm>>
        %dma_start3A_504 = arith.constant 0 : i32
        %dma_start3A_505 = tpu.memref_slice %arg9[%dma_start3A_497, %dma_start3A_504] : memref<8x80xi32, #tpu.memory_space<vmem>> -> memref<1x80xi32, #tpu.memory_space<vmem>>
        %dma_start3A_506 = tpu.memref_squeeze %dma_start3A_505 : memref<1x80xi32, #tpu.memory_space<vmem>> -> memref<80xi32, #tpu.memory_space<vmem>>
        %dma_start3A_507 = arith.constant 0 : i32
        %dma_start3A_508 = tpu.memref_slice %arg4[%add3A, %add3A_483, %dma_start3A_507] : memref<32x128x80xi32, #tpu.memory_space<hbm>> -> memref<1x1x80xi32, #tpu.memory_space<hbm>>
        %dma_start3A_509 = tpu.memref_squeeze %dma_start3A_508 : memref<1x1x80xi32, #tpu.memory_space<hbm>> -> memref<80xi32, #tpu.memory_space<hbm>>
        tpu.enqueue_dma source(%dma_start3A_509 : memref<80xi32, #tpu.memory_space<hbm>>) target(%dma_start3A_506 : memref<80xi32, #tpu.memory_space<vmem>>) target_semaphore(%arg14 : memref<!tpu.dma_semaphore, #tpu.memory_space<semaphore_mem>>)
      } else {
      }
      %ge3A_351 = arith.constant 2 : i32
      %ge3A_352 = arith.cmpi sge, %add3A_343, %ge3A_351 : i32
      %convert_element_type3A_353 = arith.extui %ge3A_352 : i1 to i32
      %cond3A_354 = arith.constant 0 : i32
      %cond3A_355 = arith.cmpi ne, %convert_element_type3A_353, %cond3A_354 : i32
      scf.if %cond3A_355 {
        %dma_wait3A_482 = arith.constant 0 : i32
        %dma_wait3A_483 = arith.constant 0 : i32
        %dma_wait3A_484 = tpu.memref_slice %arg9[%dma_wait3A_482, %dma_wait3A_483] : memref<8x80xi32, #tpu.memory_space<vmem>> -> memref<1x80xi32, #tpu.memory_space<vmem>>
        %dma_wait3A_485 = tpu.memref_squeeze %dma_wait3A_484 : memref<1x80xi32, #tpu.memory_space<vmem>> -> memref<80xi32, #tpu.memory_space<vmem>>
        %dma_wait3A_486 = arith.constant 0 : i32
        %dma_wait3A_487 = arith.constant 0 : i32
        %dma_wait3A_488 = tpu.memref_slice %arg7[%dma_wait3A_486, %dma_wait3A_487] : memref<10240x128xf32, #tpu.memory_space<vmem_shared>> -> memref<10240x128xf32, #tpu.memory_space<vmem_shared>>
        tpu.wait_indirect_dma semaphore(%arg28 : memref<!tpu.dma_semaphore, #tpu.memory_space<semaphore_mem>>) src(%arg12 : memref<80x128xf32, #tpu.memory_space<vmem>>) dst(%dma_wait3A_488 : memref<10240x128xf32, #tpu.memory_space<vmem_shared>>)
      } else {
      }
      %add3A_356 = arith.constant 2 : i32
      %add3A_357 = arith.addi %add3A_343, %add3A_356 : i32
      %lt3A_358 = arith.constant 128 : i32
      %lt3A_359 = arith.cmpi slt, %add3A_357, %lt3A_358 : i32
      %convert_element_type3A_360 = arith.extui %lt3A_359 : i1 to i32
      %cond3A_361 = arith.constant 0 : i32
      %cond3A_362 = arith.cmpi ne, %convert_element_type3A_360, %cond3A_361 : i32
      scf.if %cond3A_362 {
        %add3A_482 = arith.constant 2 : i32
        %add3A_483 = arith.addi %add3A_343, %add3A_482 : i32
        %dma_wait3A_484 = arith.constant 6 : i32
        %dma_wait3A_485 = arith.constant 0 : i32
        %dma_wait3A_486 = tpu.memref_slice %arg8[%dma_wait3A_484, %dma_wait3A_485] : memref<8x80xi32, #tpu.memory_space<vmem>> -> memref<1x80xi32, #tpu.memory_space<vmem>>
        %dma_wait3A_487 = tpu.memref_squeeze %dma_wait3A_486 : memref<1x80xi32, #tpu.memory_space<vmem>> -> memref<80xi32, #tpu.memory_space<vmem>>
        %dma_wait3A_488 = arith.constant 0 : i32
        %dma_wait3A_489 = tpu.memref_slice %arg3[%add3A, %add3A_483, %dma_wait3A_488] : memref<32x128x80xi32, #tpu.memory_space<hbm>> -> memref<1x1x80xi32, #tpu.memory_space<hbm>>
        %dma_wait3A_490 = tpu.memref_squeeze %dma_wait3A_489 : memref<1x1x80xi32, #tpu.memory_space<hbm>> -> memref<80xi32, #tpu.memory_space<hbm>>
        %dma_wait3A_491 = arith.constant 0 : i32
        %dma_wait3A_492 = tpu.memref_slice %arg8[%dma_wait3A_484, %dma_wait3A_491] : memref<8x80xi32, #tpu.memory_space<vmem>> -> memref<1x80xi32, #tpu.memory_space<vmem>>
        %dma_wait3A_493 = tpu.memref_squeeze %dma_wait3A_492 : memref<1x80xi32, #tpu.memory_space<vmem>> -> memref<80xi32, #tpu.memory_space<vmem>>
        %dma_wait3A_494 = arith.constant 0 : i32
        %dma_wait3A_495 = tpu.memref_slice %arg3[%add3A, %add3A_483, %dma_wait3A_494] : memref<32x128x80xi32, #tpu.memory_space<hbm>> -> memref<1x1x80xi32, #tpu.memory_space<hbm>>
        %dma_wait3A_496 = tpu.memref_squeeze %dma_wait3A_495 : memref<1x1x80xi32, #tpu.memory_space<hbm>> -> memref<80xi32, #tpu.memory_space<hbm>>
        tpu.wait_dma2 semaphore(%arg20 : memref<!tpu.dma_semaphore, #tpu.memory_space<semaphore_mem>>) src(%dma_wait3A_496 : memref<80xi32, #tpu.memory_space<hbm>>) dst(%dma_wait3A_493 : memref<80xi32, #tpu.memory_space<vmem>>)
        %dma_wait3A_497 = arith.constant 6 : i32
        %dma_wait3A_498 = arith.constant 0 : i32
        %dma_wait3A_499 = tpu.memref_slice %arg9[%dma_wait3A_497, %dma_wait3A_498] : memref<8x80xi32, #tpu.memory_space<vmem>> -> memref<1x80xi32, #tpu.memory_space<vmem>>
        %dma_wait3A_500 = tpu.memref_squeeze %dma_wait3A_499 : memref<1x80xi32, #tpu.memory_space<vmem>> -> memref<80xi32, #tpu.memory_space<vmem>>
        %dma_wait3A_501 = arith.constant 0 : i32
        %dma_wait3A_502 = tpu.memref_slice %arg4[%add3A, %add3A_483, %dma_wait3A_501] : memref<32x128x80xi32, #tpu.memory_space<hbm>> -> memref<1x1x80xi32, #tpu.memory_space<hbm>>
        %dma_wait3A_503 = tpu.memref_squeeze %dma_wait3A_502 : memref<1x1x80xi32, #tpu.memory_space<hbm>> -> memref<80xi32, #tpu.memory_space<hbm>>
        %dma_wait3A_504 = arith.constant 0 : i32
        %dma_wait3A_505 = tpu.memref_slice %arg9[%dma_wait3A_497, %dma_wait3A_504] : memref<8x80xi32, #tpu.memory_space<vmem>> -> memref<1x80xi32, #tpu.memory_space<vmem>>
        %dma_wait3A_506 = tpu.memref_squeeze %dma_wait3A_505 : memref<1x80xi32, #tpu.memory_space<vmem>> -> memref<80xi32, #tpu.memory_space<vmem>>
        %dma_wait3A_507 = arith.constant 0 : i32
        %dma_wait3A_508 = tpu.memref_slice %arg4[%add3A, %add3A_483, %dma_wait3A_507] : memref<32x128x80xi32, #tpu.memory_space<hbm>> -> memref<1x1x80xi32, #tpu.memory_space<hbm>>
        %dma_wait3A_509 = tpu.memref_squeeze %dma_wait3A_508 : memref<1x1x80xi32, #tpu.memory_space<hbm>> -> memref<80xi32, #tpu.memory_space<hbm>>
        tpu.wait_dma2 semaphore(%arg20 : memref<!tpu.dma_semaphore, #tpu.memory_space<semaphore_mem>>) src(%dma_wait3A_509 : memref<80xi32, #tpu.memory_space<hbm>>) dst(%dma_wait3A_506 : memref<80xi32, #tpu.memory_space<vmem>>)
        %dma_start3A_510 = arith.constant 6 : i32
        %dma_start3A_511 = arith.constant 0 : i32
        %dma_start3A_512 = tpu.memref_slice %arg8[%dma_start3A_510, %dma_start3A_511] : memref<8x80xi32, #tpu.memory_space<vmem>> -> memref<1x80xi32, #tpu.memory_space<vmem>>
        %dma_start3A_513 = tpu.memref_squeeze %dma_start3A_512 : memref<1x80xi32, #tpu.memory_space<vmem>> -> memref<80xi32, #tpu.memory_space<vmem>>
        %dma_start3A_514 = arith.constant 0 : i32
        %dma_start3A_515 = arith.constant 0 : i32
        %dma_start3A_516 = tpu.memref_slice %arg2[%dma_start3A_514, %dma_start3A_515] : memref<10240x128xf32, #tpu.memory_space<hbm>> -> memref<10240x128xf32, #tpu.memory_space<hbm>>
        tpu.enqueue_indirect_dma source(%dma_start3A_516 : memref<10240x128xf32, #tpu.memory_space<hbm>>) target(%arg12 : memref<80x128xf32, #tpu.memory_space<vmem>>) offsets(%dma_start3A_513 : memref<80xi32, #tpu.memory_space<vmem>>) semaphore(%arg24 : memref<!tpu.dma_semaphore, #tpu.memory_space<semaphore_mem>>)
      } else {
      }
      %dma_wait3A_363 = arith.constant 0 : i32
      %dma_wait3A_364 = arith.constant 0 : i32
      %dma_wait3A_365 = tpu.memref_slice %arg8[%dma_wait3A_363, %dma_wait3A_364] : memref<8x80xi32, #tpu.memory_space<vmem>> -> memref<1x80xi32, #tpu.memory_space<vmem>>
      %dma_wait3A_366 = tpu.memref_squeeze %dma_wait3A_365 : memref<1x80xi32, #tpu.memory_space<vmem>> -> memref<80xi32, #tpu.memory_space<vmem>>
      %dma_wait3A_367 = arith.constant 0 : i32
      %dma_wait3A_368 = arith.constant 0 : i32
      %dma_wait3A_369 = tpu.memref_slice %arg2[%dma_wait3A_367, %dma_wait3A_368] : memref<10240x128xf32, #tpu.memory_space<hbm>> -> memref<10240x128xf32, #tpu.memory_space<hbm>>
      tpu.wait_indirect_dma semaphore(%arg22 : memref<!tpu.dma_semaphore, #tpu.memory_space<semaphore_mem>>) src(%dma_wait3A_369 : memref<10240x128xf32, #tpu.memory_space<hbm>>) dst(%arg10 : memref<80x128xf32, #tpu.memory_space<vmem>>)
      %dma_start3A_370 = arith.constant 4 : i32
      %dma_start3A_371 = arith.constant 0 : i32
      %dma_start3A_372 = tpu.memref_slice %arg9[%dma_start3A_370, %dma_start3A_371] : memref<8x80xi32, #tpu.memory_space<vmem>> -> memref<1x80xi32, #tpu.memory_space<vmem>>
      %dma_start3A_373 = tpu.memref_squeeze %dma_start3A_372 : memref<1x80xi32, #tpu.memory_space<vmem>> -> memref<80xi32, #tpu.memory_space<vmem>>
      %dma_start3A_374 = arith.constant 0 : i32
      %dma_start3A_375 = arith.constant 0 : i32
      %dma_start3A_376 = tpu.memref_slice %arg7[%dma_start3A_374, %dma_start3A_375] : memref<10240x128xf32, #tpu.memory_space<vmem_shared>> -> memref<10240x128xf32, #tpu.memory_space<vmem_shared>>
      tpu.enqueue_indirect_dma source(%arg10 : memref<80x128xf32, #tpu.memory_space<vmem>>) target(%dma_start3A_376 : memref<10240x128xf32, #tpu.memory_space<vmem_shared>>) offsets(%dma_start3A_373 : memref<80xi32, #tpu.memory_space<vmem>>) semaphore(%arg26 : memref<!tpu.dma_semaphore, #tpu.memory_space<semaphore_mem>>) {add = true}
      %add3A_377 = arith.constant 5 : i32
      %add3A_378 = arith.addi %mul3A_205, %add3A_377 : i32
      %add3A_379 = arith.constant 4 : i32
      %add3A_380 = arith.addi %add3A_378, %add3A_379 : i32
      %lt3A_381 = arith.constant 128 : i32
      %lt3A_382 = arith.cmpi slt, %add3A_380, %lt3A_381 : i32
      %convert_element_type3A_383 = arith.extui %lt3A_382 : i1 to i32
      %cond3A_384 = arith.constant 0 : i32
      %cond3A_385 = arith.cmpi ne, %convert_element_type3A_383, %cond3A_384 : i32
      scf.if %cond3A_385 {
        %add3A_482 = arith.constant 4 : i32
        %add3A_483 = arith.addi %add3A_378, %add3A_482 : i32
        %dma_start3A_484 = arith.constant 1 : i32
        %dma_start3A_485 = arith.constant 0 : i32
        %dma_start3A_486 = tpu.memref_slice %arg8[%dma_start3A_484, %dma_start3A_485] : memref<8x80xi32, #tpu.memory_space<vmem>> -> memref<1x80xi32, #tpu.memory_space<vmem>>
        %dma_start3A_487 = tpu.memref_squeeze %dma_start3A_486 : memref<1x80xi32, #tpu.memory_space<vmem>> -> memref<80xi32, #tpu.memory_space<vmem>>
        %dma_start3A_488 = arith.constant 0 : i32
        %dma_start3A_489 = tpu.memref_slice %arg3[%add3A, %add3A_483, %dma_start3A_488] : memref<32x128x80xi32, #tpu.memory_space<hbm>> -> memref<1x1x80xi32, #tpu.memory_space<hbm>>
        %dma_start3A_490 = tpu.memref_squeeze %dma_start3A_489 : memref<1x1x80xi32, #tpu.memory_space<hbm>> -> memref<80xi32, #tpu.memory_space<hbm>>
        %dma_start3A_491 = arith.constant 0 : i32
        %dma_start3A_492 = tpu.memref_slice %arg8[%dma_start3A_484, %dma_start3A_491] : memref<8x80xi32, #tpu.memory_space<vmem>> -> memref<1x80xi32, #tpu.memory_space<vmem>>
        %dma_start3A_493 = tpu.memref_squeeze %dma_start3A_492 : memref<1x80xi32, #tpu.memory_space<vmem>> -> memref<80xi32, #tpu.memory_space<vmem>>
        %dma_start3A_494 = arith.constant 0 : i32
        %dma_start3A_495 = tpu.memref_slice %arg3[%add3A, %add3A_483, %dma_start3A_494] : memref<32x128x80xi32, #tpu.memory_space<hbm>> -> memref<1x1x80xi32, #tpu.memory_space<hbm>>
        %dma_start3A_496 = tpu.memref_squeeze %dma_start3A_495 : memref<1x1x80xi32, #tpu.memory_space<hbm>> -> memref<80xi32, #tpu.memory_space<hbm>>
        tpu.enqueue_dma source(%dma_start3A_496 : memref<80xi32, #tpu.memory_space<hbm>>) target(%dma_start3A_493 : memref<80xi32, #tpu.memory_space<vmem>>) target_semaphore(%arg15 : memref<!tpu.dma_semaphore, #tpu.memory_space<semaphore_mem>>)
        %dma_start3A_497 = arith.constant 1 : i32
        %dma_start3A_498 = arith.constant 0 : i32
        %dma_start3A_499 = tpu.memref_slice %arg9[%dma_start3A_497, %dma_start3A_498] : memref<8x80xi32, #tpu.memory_space<vmem>> -> memref<1x80xi32, #tpu.memory_space<vmem>>
        %dma_start3A_500 = tpu.memref_squeeze %dma_start3A_499 : memref<1x80xi32, #tpu.memory_space<vmem>> -> memref<80xi32, #tpu.memory_space<vmem>>
        %dma_start3A_501 = arith.constant 0 : i32
        %dma_start3A_502 = tpu.memref_slice %arg4[%add3A, %add3A_483, %dma_start3A_501] : memref<32x128x80xi32, #tpu.memory_space<hbm>> -> memref<1x1x80xi32, #tpu.memory_space<hbm>>
        %dma_start3A_503 = tpu.memref_squeeze %dma_start3A_502 : memref<1x1x80xi32, #tpu.memory_space<hbm>> -> memref<80xi32, #tpu.memory_space<hbm>>
        %dma_start3A_504 = arith.constant 0 : i32
        %dma_start3A_505 = tpu.memref_slice %arg9[%dma_start3A_497, %dma_start3A_504] : memref<8x80xi32, #tpu.memory_space<vmem>> -> memref<1x80xi32, #tpu.memory_space<vmem>>
        %dma_start3A_506 = tpu.memref_squeeze %dma_start3A_505 : memref<1x80xi32, #tpu.memory_space<vmem>> -> memref<80xi32, #tpu.memory_space<vmem>>
        %dma_start3A_507 = arith.constant 0 : i32
        %dma_start3A_508 = tpu.memref_slice %arg4[%add3A, %add3A_483, %dma_start3A_507] : memref<32x128x80xi32, #tpu.memory_space<hbm>> -> memref<1x1x80xi32, #tpu.memory_space<hbm>>
        %dma_start3A_509 = tpu.memref_squeeze %dma_start3A_508 : memref<1x1x80xi32, #tpu.memory_space<hbm>> -> memref<80xi32, #tpu.memory_space<hbm>>
        tpu.enqueue_dma source(%dma_start3A_509 : memref<80xi32, #tpu.memory_space<hbm>>) target(%dma_start3A_506 : memref<80xi32, #tpu.memory_space<vmem>>) target_semaphore(%arg15 : memref<!tpu.dma_semaphore, #tpu.memory_space<semaphore_mem>>)
      } else {
      }
      %ge3A_386 = arith.constant 2 : i32
      %ge3A_387 = arith.cmpi sge, %add3A_378, %ge3A_386 : i32
      %convert_element_type3A_388 = arith.extui %ge3A_387 : i1 to i32
      %cond3A_389 = arith.constant 0 : i32
      %cond3A_390 = arith.cmpi ne, %convert_element_type3A_388, %cond3A_389 : i32
      scf.if %cond3A_390 {
        %dma_wait3A_482 = arith.constant 0 : i32
        %dma_wait3A_483 = arith.constant 0 : i32
        %dma_wait3A_484 = tpu.memref_slice %arg9[%dma_wait3A_482, %dma_wait3A_483] : memref<8x80xi32, #tpu.memory_space<vmem>> -> memref<1x80xi32, #tpu.memory_space<vmem>>
        %dma_wait3A_485 = tpu.memref_squeeze %dma_wait3A_484 : memref<1x80xi32, #tpu.memory_space<vmem>> -> memref<80xi32, #tpu.memory_space<vmem>>
        %dma_wait3A_486 = arith.constant 0 : i32
        %dma_wait3A_487 = arith.constant 0 : i32
        %dma_wait3A_488 = tpu.memref_slice %arg7[%dma_wait3A_486, %dma_wait3A_487] : memref<10240x128xf32, #tpu.memory_space<vmem_shared>> -> memref<10240x128xf32, #tpu.memory_space<vmem_shared>>
        tpu.wait_indirect_dma semaphore(%arg29 : memref<!tpu.dma_semaphore, #tpu.memory_space<semaphore_mem>>) src(%arg13 : memref<80x128xf32, #tpu.memory_space<vmem>>) dst(%dma_wait3A_488 : memref<10240x128xf32, #tpu.memory_space<vmem_shared>>)
      } else {
      }
      %add3A_391 = arith.constant 2 : i32
      %add3A_392 = arith.addi %add3A_378, %add3A_391 : i32
      %lt3A_393 = arith.constant 128 : i32
      %lt3A_394 = arith.cmpi slt, %add3A_392, %lt3A_393 : i32
      %convert_element_type3A_395 = arith.extui %lt3A_394 : i1 to i32
      %cond3A_396 = arith.constant 0 : i32
      %cond3A_397 = arith.cmpi ne, %convert_element_type3A_395, %cond3A_396 : i32
      scf.if %cond3A_397 {
        %add3A_482 = arith.constant 2 : i32
        %add3A_483 = arith.addi %add3A_378, %add3A_482 : i32
        %dma_wait3A_484 = arith.constant 7 : i32
        %dma_wait3A_485 = arith.constant 0 : i32
        %dma_wait3A_486 = tpu.memref_slice %arg8[%dma_wait3A_484, %dma_wait3A_485] : memref<8x80xi32, #tpu.memory_space<vmem>> -> memref<1x80xi32, #tpu.memory_space<vmem>>
        %dma_wait3A_487 = tpu.memref_squeeze %dma_wait3A_486 : memref<1x80xi32, #tpu.memory_space<vmem>> -> memref<80xi32, #tpu.memory_space<vmem>>
        %dma_wait3A_488 = arith.constant 0 : i32
        %dma_wait3A_489 = tpu.memref_slice %arg3[%add3A, %add3A_483, %dma_wait3A_488] : memref<32x128x80xi32, #tpu.memory_space<hbm>> -> memref<1x1x80xi32, #tpu.memory_space<hbm>>
        %dma_wait3A_490 = tpu.memref_squeeze %dma_wait3A_489 : memref<1x1x80xi32, #tpu.memory_space<hbm>> -> memref<80xi32, #tpu.memory_space<hbm>>
        %dma_wait3A_491 = arith.constant 0 : i32
        %dma_wait3A_492 = tpu.memref_slice %arg8[%dma_wait3A_484, %dma_wait3A_491] : memref<8x80xi32, #tpu.memory_space<vmem>> -> memref<1x80xi32, #tpu.memory_space<vmem>>
        %dma_wait3A_493 = tpu.memref_squeeze %dma_wait3A_492 : memref<1x80xi32, #tpu.memory_space<vmem>> -> memref<80xi32, #tpu.memory_space<vmem>>
        %dma_wait3A_494 = arith.constant 0 : i32
        %dma_wait3A_495 = tpu.memref_slice %arg3[%add3A, %add3A_483, %dma_wait3A_494] : memref<32x128x80xi32, #tpu.memory_space<hbm>> -> memref<1x1x80xi32, #tpu.memory_space<hbm>>
        %dma_wait3A_496 = tpu.memref_squeeze %dma_wait3A_495 : memref<1x1x80xi32, #tpu.memory_space<hbm>> -> memref<80xi32, #tpu.memory_space<hbm>>
        tpu.wait_dma2 semaphore(%arg21 : memref<!tpu.dma_semaphore, #tpu.memory_space<semaphore_mem>>) src(%dma_wait3A_496 : memref<80xi32, #tpu.memory_space<hbm>>) dst(%dma_wait3A_493 : memref<80xi32, #tpu.memory_space<vmem>>)
        %dma_wait3A_497 = arith.constant 7 : i32
        %dma_wait3A_498 = arith.constant 0 : i32
        %dma_wait3A_499 = tpu.memref_slice %arg9[%dma_wait3A_497, %dma_wait3A_498] : memref<8x80xi32, #tpu.memory_space<vmem>> -> memref<1x80xi32, #tpu.memory_space<vmem>>
        %dma_wait3A_500 = tpu.memref_squeeze %dma_wait3A_499 : memref<1x80xi32, #tpu.memory_space<vmem>> -> memref<80xi32, #tpu.memory_space<vmem>>
        %dma_wait3A_501 = arith.constant 0 : i32
        %dma_wait3A_502 = tpu.memref_slice %arg4[%add3A, %add3A_483, %dma_wait3A_501] : memref<32x128x80xi32, #tpu.memory_space<hbm>> -> memref<1x1x80xi32, #tpu.memory_space<hbm>>
        %dma_wait3A_503 = tpu.memref_squeeze %dma_wait3A_502 : memref<1x1x80xi32, #tpu.memory_space<hbm>> -> memref<80xi32, #tpu.memory_space<hbm>>
        %dma_wait3A_504 = arith.constant 0 : i32
        %dma_wait3A_505 = tpu.memref_slice %arg9[%dma_wait3A_497, %dma_wait3A_504] : memref<8x80xi32, #tpu.memory_space<vmem>> -> memref<1x80xi32, #tpu.memory_space<vmem>>
        %dma_wait3A_506 = tpu.memref_squeeze %dma_wait3A_505 : memref<1x80xi32, #tpu.memory_space<vmem>> -> memref<80xi32, #tpu.memory_space<vmem>>
        %dma_wait3A_507 = arith.constant 0 : i32
        %dma_wait3A_508 = tpu.memref_slice %arg4[%add3A, %add3A_483, %dma_wait3A_507] : memref<32x128x80xi32, #tpu.memory_space<hbm>> -> memref<1x1x80xi32, #tpu.memory_space<hbm>>
        %dma_wait3A_509 = tpu.memref_squeeze %dma_wait3A_508 : memref<1x1x80xi32, #tpu.memory_space<hbm>> -> memref<80xi32, #tpu.memory_space<hbm>>
        tpu.wait_dma2 semaphore(%arg21 : memref<!tpu.dma_semaphore, #tpu.memory_space<semaphore_mem>>) src(%dma_wait3A_509 : memref<80xi32, #tpu.memory_space<hbm>>) dst(%dma_wait3A_506 : memref<80xi32, #tpu.memory_space<vmem>>)
        %dma_start3A_510 = arith.constant 7 : i32
        %dma_start3A_511 = arith.constant 0 : i32
        %dma_start3A_512 = tpu.memref_slice %arg8[%dma_start3A_510, %dma_start3A_511] : memref<8x80xi32, #tpu.memory_space<vmem>> -> memref<1x80xi32, #tpu.memory_space<vmem>>
        %dma_start3A_513 = tpu.memref_squeeze %dma_start3A_512 : memref<1x80xi32, #tpu.memory_space<vmem>> -> memref<80xi32, #tpu.memory_space<vmem>>
        %dma_start3A_514 = arith.constant 0 : i32
        %dma_start3A_515 = arith.constant 0 : i32
        %dma_start3A_516 = tpu.memref_slice %arg2[%dma_start3A_514, %dma_start3A_515] : memref<10240x128xf32, #tpu.memory_space<hbm>> -> memref<10240x128xf32, #tpu.memory_space<hbm>>
        tpu.enqueue_indirect_dma source(%dma_start3A_516 : memref<10240x128xf32, #tpu.memory_space<hbm>>) target(%arg13 : memref<80x128xf32, #tpu.memory_space<vmem>>) offsets(%dma_start3A_513 : memref<80xi32, #tpu.memory_space<vmem>>) semaphore(%arg25 : memref<!tpu.dma_semaphore, #tpu.memory_space<semaphore_mem>>)
      } else {
      }
      %dma_wait3A_398 = arith.constant 0 : i32
      %dma_wait3A_399 = arith.constant 0 : i32
      %dma_wait3A_400 = tpu.memref_slice %arg8[%dma_wait3A_398, %dma_wait3A_399] : memref<8x80xi32, #tpu.memory_space<vmem>> -> memref<1x80xi32, #tpu.memory_space<vmem>>
      %dma_wait3A_401 = tpu.memref_squeeze %dma_wait3A_400 : memref<1x80xi32, #tpu.memory_space<vmem>> -> memref<80xi32, #tpu.memory_space<vmem>>
      %dma_wait3A_402 = arith.constant 0 : i32
      %dma_wait3A_403 = arith.constant 0 : i32
      %dma_wait3A_404 = tpu.memref_slice %arg2[%dma_wait3A_402, %dma_wait3A_403] : memref<10240x128xf32, #tpu.memory_space<hbm>> -> memref<10240x128xf32, #tpu.memory_space<hbm>>
      tpu.wait_indirect_dma semaphore(%arg23 : memref<!tpu.dma_semaphore, #tpu.memory_space<semaphore_mem>>) src(%dma_wait3A_404 : memref<10240x128xf32, #tpu.memory_space<hbm>>) dst(%arg11 : memref<80x128xf32, #tpu.memory_space<vmem>>)
      %dma_start3A_405 = arith.constant 5 : i32
      %dma_start3A_406 = arith.constant 0 : i32
      %dma_start3A_407 = tpu.memref_slice %arg9[%dma_start3A_405, %dma_start3A_406] : memref<8x80xi32, #tpu.memory_space<vmem>> -> memref<1x80xi32, #tpu.memory_space<vmem>>
      %dma_start3A_408 = tpu.memref_squeeze %dma_start3A_407 : memref<1x80xi32, #tpu.memory_space<vmem>> -> memref<80xi32, #tpu.memory_space<vmem>>
      %dma_start3A_409 = arith.constant 0 : i32
      %dma_start3A_410 = arith.constant 0 : i32
      %dma_start3A_411 = tpu.memref_slice %arg7[%dma_start3A_409, %dma_start3A_410] : memref<10240x128xf32, #tpu.memory_space<vmem_shared>> -> memref<10240x128xf32, #tpu.memory_space<vmem_shared>>
      tpu.enqueue_indirect_dma source(%arg11 : memref<80x128xf32, #tpu.memory_space<vmem>>) target(%dma_start3A_411 : memref<10240x128xf32, #tpu.memory_space<vmem_shared>>) offsets(%dma_start3A_408 : memref<80xi32, #tpu.memory_space<vmem>>) semaphore(%arg27 : memref<!tpu.dma_semaphore, #tpu.memory_space<semaphore_mem>>) {add = true}
      %add3A_412 = arith.constant 6 : i32
      %add3A_413 = arith.addi %mul3A_205, %add3A_412 : i32
      %add3A_414 = arith.constant 4 : i32
      %add3A_415 = arith.addi %add3A_413, %add3A_414 : i32
      %lt3A_416 = arith.constant 128 : i32
      %lt3A_417 = arith.cmpi slt, %add3A_415, %lt3A_416 : i32
      %convert_element_type3A_418 = arith.extui %lt3A_417 : i1 to i32
      %cond3A_419 = arith.constant 0 : i32
      %cond3A_420 = arith.cmpi ne, %convert_element_type3A_418, %cond3A_419 : i32
      scf.if %cond3A_420 {
        %add3A_482 = arith.constant 4 : i32
        %add3A_483 = arith.addi %add3A_413, %add3A_482 : i32
        %dma_start3A_484 = arith.constant 2 : i32
        %dma_start3A_485 = arith.constant 0 : i32
        %dma_start3A_486 = tpu.memref_slice %arg8[%dma_start3A_484, %dma_start3A_485] : memref<8x80xi32, #tpu.memory_space<vmem>> -> memref<1x80xi32, #tpu.memory_space<vmem>>
        %dma_start3A_487 = tpu.memref_squeeze %dma_start3A_486 : memref<1x80xi32, #tpu.memory_space<vmem>> -> memref<80xi32, #tpu.memory_space<vmem>>
        %dma_start3A_488 = arith.constant 0 : i32
        %dma_start3A_489 = tpu.memref_slice %arg3[%add3A, %add3A_483, %dma_start3A_488] : memref<32x128x80xi32, #tpu.memory_space<hbm>> -> memref<1x1x80xi32, #tpu.memory_space<hbm>>
        %dma_start3A_490 = tpu.memref_squeeze %dma_start3A_489 : memref<1x1x80xi32, #tpu.memory_space<hbm>> -> memref<80xi32, #tpu.memory_space<hbm>>
        %dma_start3A_491 = arith.constant 0 : i32
        %dma_start3A_492 = tpu.memref_slice %arg8[%dma_start3A_484, %dma_start3A_491] : memref<8x80xi32, #tpu.memory_space<vmem>> -> memref<1x80xi32, #tpu.memory_space<vmem>>
        %dma_start3A_493 = tpu.memref_squeeze %dma_start3A_492 : memref<1x80xi32, #tpu.memory_space<vmem>> -> memref<80xi32, #tpu.memory_space<vmem>>
        %dma_start3A_494 = arith.constant 0 : i32
        %dma_start3A_495 = tpu.memref_slice %arg3[%add3A, %add3A_483, %dma_start3A_494] : memref<32x128x80xi32, #tpu.memory_space<hbm>> -> memref<1x1x80xi32, #tpu.memory_space<hbm>>
        %dma_start3A_496 = tpu.memref_squeeze %dma_start3A_495 : memref<1x1x80xi32, #tpu.memory_space<hbm>> -> memref<80xi32, #tpu.memory_space<hbm>>
        tpu.enqueue_dma source(%dma_start3A_496 : memref<80xi32, #tpu.memory_space<hbm>>) target(%dma_start3A_493 : memref<80xi32, #tpu.memory_space<vmem>>) target_semaphore(%arg16 : memref<!tpu.dma_semaphore, #tpu.memory_space<semaphore_mem>>)
        %dma_start3A_497 = arith.constant 2 : i32
        %dma_start3A_498 = arith.constant 0 : i32
        %dma_start3A_499 = tpu.memref_slice %arg9[%dma_start3A_497, %dma_start3A_498] : memref<8x80xi32, #tpu.memory_space<vmem>> -> memref<1x80xi32, #tpu.memory_space<vmem>>
        %dma_start3A_500 = tpu.memref_squeeze %dma_start3A_499 : memref<1x80xi32, #tpu.memory_space<vmem>> -> memref<80xi32, #tpu.memory_space<vmem>>
        %dma_start3A_501 = arith.constant 0 : i32
        %dma_start3A_502 = tpu.memref_slice %arg4[%add3A, %add3A_483, %dma_start3A_501] : memref<32x128x80xi32, #tpu.memory_space<hbm>> -> memref<1x1x80xi32, #tpu.memory_space<hbm>>
        %dma_start3A_503 = tpu.memref_squeeze %dma_start3A_502 : memref<1x1x80xi32, #tpu.memory_space<hbm>> -> memref<80xi32, #tpu.memory_space<hbm>>
        %dma_start3A_504 = arith.constant 0 : i32
        %dma_start3A_505 = tpu.memref_slice %arg9[%dma_start3A_497, %dma_start3A_504] : memref<8x80xi32, #tpu.memory_space<vmem>> -> memref<1x80xi32, #tpu.memory_space<vmem>>
        %dma_start3A_506 = tpu.memref_squeeze %dma_start3A_505 : memref<1x80xi32, #tpu.memory_space<vmem>> -> memref<80xi32, #tpu.memory_space<vmem>>
        %dma_start3A_507 = arith.constant 0 : i32
        %dma_start3A_508 = tpu.memref_slice %arg4[%add3A, %add3A_483, %dma_start3A_507] : memref<32x128x80xi32, #tpu.memory_space<hbm>> -> memref<1x1x80xi32, #tpu.memory_space<hbm>>
        %dma_start3A_509 = tpu.memref_squeeze %dma_start3A_508 : memref<1x1x80xi32, #tpu.memory_space<hbm>> -> memref<80xi32, #tpu.memory_space<hbm>>
        tpu.enqueue_dma source(%dma_start3A_509 : memref<80xi32, #tpu.memory_space<hbm>>) target(%dma_start3A_506 : memref<80xi32, #tpu.memory_space<vmem>>) target_semaphore(%arg16 : memref<!tpu.dma_semaphore, #tpu.memory_space<semaphore_mem>>)
      } else {
      }
      %ge3A_421 = arith.constant 2 : i32
      %ge3A_422 = arith.cmpi sge, %add3A_413, %ge3A_421 : i32
      %convert_element_type3A_423 = arith.extui %ge3A_422 : i1 to i32
      %cond3A_424 = arith.constant 0 : i32
      %cond3A_425 = arith.cmpi ne, %convert_element_type3A_423, %cond3A_424 : i32
      scf.if %cond3A_425 {
        %dma_wait3A_482 = arith.constant 0 : i32
        %dma_wait3A_483 = arith.constant 0 : i32
        %dma_wait3A_484 = tpu.memref_slice %arg9[%dma_wait3A_482, %dma_wait3A_483] : memref<8x80xi32, #tpu.memory_space<vmem>> -> memref<1x80xi32, #tpu.memory_space<vmem>>
        %dma_wait3A_485 = tpu.memref_squeeze %dma_wait3A_484 : memref<1x80xi32, #tpu.memory_space<vmem>> -> memref<80xi32, #tpu.memory_space<vmem>>
        %dma_wait3A_486 = arith.constant 0 : i32
        %dma_wait3A_487 = arith.constant 0 : i32
        %dma_wait3A_488 = tpu.memref_slice %arg7[%dma_wait3A_486, %dma_wait3A_487] : memref<10240x128xf32, #tpu.memory_space<vmem_shared>> -> memref<10240x128xf32, #tpu.memory_space<vmem_shared>>
        tpu.wait_indirect_dma semaphore(%arg26 : memref<!tpu.dma_semaphore, #tpu.memory_space<semaphore_mem>>) src(%arg10 : memref<80x128xf32, #tpu.memory_space<vmem>>) dst(%dma_wait3A_488 : memref<10240x128xf32, #tpu.memory_space<vmem_shared>>)
      } else {
      }
      %add3A_426 = arith.constant 2 : i32
      %add3A_427 = arith.addi %add3A_413, %add3A_426 : i32
      %lt3A_428 = arith.constant 128 : i32
      %lt3A_429 = arith.cmpi slt, %add3A_427, %lt3A_428 : i32
      %convert_element_type3A_430 = arith.extui %lt3A_429 : i1 to i32
      %cond3A_431 = arith.constant 0 : i32
      %cond3A_432 = arith.cmpi ne, %convert_element_type3A_430, %cond3A_431 : i32
      scf.if %cond3A_432 {
        %add3A_482 = arith.constant 2 : i32
        %add3A_483 = arith.addi %add3A_413, %add3A_482 : i32
        %dma_wait3A_484 = arith.constant 0 : i32
        %dma_wait3A_485 = arith.constant 0 : i32
        %dma_wait3A_486 = tpu.memref_slice %arg8[%dma_wait3A_484, %dma_wait3A_485] : memref<8x80xi32, #tpu.memory_space<vmem>> -> memref<1x80xi32, #tpu.memory_space<vmem>>
        %dma_wait3A_487 = tpu.memref_squeeze %dma_wait3A_486 : memref<1x80xi32, #tpu.memory_space<vmem>> -> memref<80xi32, #tpu.memory_space<vmem>>
        %dma_wait3A_488 = arith.constant 0 : i32
        %dma_wait3A_489 = tpu.memref_slice %arg3[%add3A, %add3A_483, %dma_wait3A_488] : memref<32x128x80xi32, #tpu.memory_space<hbm>> -> memref<1x1x80xi32, #tpu.memory_space<hbm>>
        %dma_wait3A_490 = tpu.memref_squeeze %dma_wait3A_489 : memref<1x1x80xi32, #tpu.memory_space<hbm>> -> memref<80xi32, #tpu.memory_space<hbm>>
        %dma_wait3A_491 = arith.constant 0 : i32
        %dma_wait3A_492 = tpu.memref_slice %arg8[%dma_wait3A_484, %dma_wait3A_491] : memref<8x80xi32, #tpu.memory_space<vmem>> -> memref<1x80xi32, #tpu.memory_space<vmem>>
        %dma_wait3A_493 = tpu.memref_squeeze %dma_wait3A_492 : memref<1x80xi32, #tpu.memory_space<vmem>> -> memref<80xi32, #tpu.memory_space<vmem>>
        %dma_wait3A_494 = arith.constant 0 : i32
        %dma_wait3A_495 = tpu.memref_slice %arg3[%add3A, %add3A_483, %dma_wait3A_494] : memref<32x128x80xi32, #tpu.memory_space<hbm>> -> memref<1x1x80xi32, #tpu.memory_space<hbm>>
        %dma_wait3A_496 = tpu.memref_squeeze %dma_wait3A_495 : memref<1x1x80xi32, #tpu.memory_space<hbm>> -> memref<80xi32, #tpu.memory_space<hbm>>
        tpu.wait_dma2 semaphore(%arg14 : memref<!tpu.dma_semaphore, #tpu.memory_space<semaphore_mem>>) src(%dma_wait3A_496 : memref<80xi32, #tpu.memory_space<hbm>>) dst(%dma_wait3A_493 : memref<80xi32, #tpu.memory_space<vmem>>)
        %dma_wait3A_497 = arith.constant 0 : i32
        %dma_wait3A_498 = arith.constant 0 : i32
        %dma_wait3A_499 = tpu.memref_slice %arg9[%dma_wait3A_497, %dma_wait3A_498] : memref<8x80xi32, #tpu.memory_space<vmem>> -> memref<1x80xi32, #tpu.memory_space<vmem>>
        %dma_wait3A_500 = tpu.memref_squeeze %dma_wait3A_499 : memref<1x80xi32, #tpu.memory_space<vmem>> -> memref<80xi32, #tpu.memory_space<vmem>>
        %dma_wait3A_501 = arith.constant 0 : i32
        %dma_wait3A_502 = tpu.memref_slice %arg4[%add3A, %add3A_483, %dma_wait3A_501] : memref<32x128x80xi32, #tpu.memory_space<hbm>> -> memref<1x1x80xi32, #tpu.memory_space<hbm>>
        %dma_wait3A_503 = tpu.memref_squeeze %dma_wait3A_502 : memref<1x1x80xi32, #tpu.memory_space<hbm>> -> memref<80xi32, #tpu.memory_space<hbm>>
        %dma_wait3A_504 = arith.constant 0 : i32
        %dma_wait3A_505 = tpu.memref_slice %arg9[%dma_wait3A_497, %dma_wait3A_504] : memref<8x80xi32, #tpu.memory_space<vmem>> -> memref<1x80xi32, #tpu.memory_space<vmem>>
        %dma_wait3A_506 = tpu.memref_squeeze %dma_wait3A_505 : memref<1x80xi32, #tpu.memory_space<vmem>> -> memref<80xi32, #tpu.memory_space<vmem>>
        %dma_wait3A_507 = arith.constant 0 : i32
        %dma_wait3A_508 = tpu.memref_slice %arg4[%add3A, %add3A_483, %dma_wait3A_507] : memref<32x128x80xi32, #tpu.memory_space<hbm>> -> memref<1x1x80xi32, #tpu.memory_space<hbm>>
        %dma_wait3A_509 = tpu.memref_squeeze %dma_wait3A_508 : memref<1x1x80xi32, #tpu.memory_space<hbm>> -> memref<80xi32, #tpu.memory_space<hbm>>
        tpu.wait_dma2 semaphore(%arg14 : memref<!tpu.dma_semaphore, #tpu.memory_space<semaphore_mem>>) src(%dma_wait3A_509 : memref<80xi32, #tpu.memory_space<hbm>>) dst(%dma_wait3A_506 : memref<80xi32, #tpu.memory_space<vmem>>)
        %dma_start3A_510 = arith.constant 0 : i32
        %dma_start3A_511 = arith.constant 0 : i32
        %dma_start3A_512 = tpu.memref_slice %arg8[%dma_start3A_510, %dma_start3A_511] : memref<8x80xi32, #tpu.memory_space<vmem>> -> memref<1x80xi32, #tpu.memory_space<vmem>>
        %dma_start3A_513 = tpu.memref_squeeze %dma_start3A_512 : memref<1x80xi32, #tpu.memory_space<vmem>> -> memref<80xi32, #tpu.memory_space<vmem>>
        %dma_start3A_514 = arith.constant 0 : i32
        %dma_start3A_515 = arith.constant 0 : i32
        %dma_start3A_516 = tpu.memref_slice %arg2[%dma_start3A_514, %dma_start3A_515] : memref<10240x128xf32, #tpu.memory_space<hbm>> -> memref<10240x128xf32, #tpu.memory_space<hbm>>
        tpu.enqueue_indirect_dma source(%dma_start3A_516 : memref<10240x128xf32, #tpu.memory_space<hbm>>) target(%arg10 : memref<80x128xf32, #tpu.memory_space<vmem>>) offsets(%dma_start3A_513 : memref<80xi32, #tpu.memory_space<vmem>>) semaphore(%arg22 : memref<!tpu.dma_semaphore, #tpu.memory_space<semaphore_mem>>)
      } else {
      }
      %dma_wait3A_433 = arith.constant 0 : i32
      %dma_wait3A_434 = arith.constant 0 : i32
      %dma_wait3A_435 = tpu.memref_slice %arg8[%dma_wait3A_433, %dma_wait3A_434] : memref<8x80xi32, #tpu.memory_space<vmem>> -> memref<1x80xi32, #tpu.memory_space<vmem>>
      %dma_wait3A_436 = tpu.memref_squeeze %dma_wait3A_435 : memref<1x80xi32, #tpu.memory_space<vmem>> -> memref<80xi32, #tpu.memory_space<vmem>>
      %dma_wait3A_437 = arith.constant 0 : i32
      %dma_wait3A_438 = arith.constant 0 : i32
      %dma_wait3A_439 = tpu.memref_slice %arg2[%dma_wait3A_437, %dma_wait3A_438] : memref<10240x128xf32, #tpu.memory_space<hbm>> -> memref<10240x128xf32, #tpu.memory_space<hbm>>
      tpu.wait_indirect_dma semaphore(%arg24 : memref<!tpu.dma_semaphore, #tpu.memory_space<semaphore_mem>>) src(%dma_wait3A_439 : memref<10240x128xf32, #tpu.memory_space<hbm>>) dst(%arg12 : memref<80x128xf32, #tpu.memory_space<vmem>>)
      %dma_start3A_440 = arith.constant 6 : i32
      %dma_start3A_441 = arith.constant 0 : i32
      %dma_start3A_442 = tpu.memref_slice %arg9[%dma_start3A_440, %dma_start3A_441] : memref<8x80xi32, #tpu.memory_space<vmem>> -> memref<1x80xi32, #tpu.memory_space<vmem>>
      %dma_start3A_443 = tpu.memref_squeeze %dma_start3A_442 : memref<1x80xi32, #tpu.memory_space<vmem>> -> memref<80xi32, #tpu.memory_space<vmem>>
      %dma_start3A_444 = arith.constant 0 : i32
      %dma_start3A_445 = arith.constant 0 : i32
      %dma_start3A_446 = tpu.memref_slice %arg7[%dma_start3A_444, %dma_start3A_445] : memref<10240x128xf32, #tpu.memory_space<vmem_shared>> -> memref<10240x128xf32, #tpu.memory_space<vmem_shared>>
      tpu.enqueue_indirect_dma source(%arg12 : memref<80x128xf32, #tpu.memory_space<vmem>>) target(%dma_start3A_446 : memref<10240x128xf32, #tpu.memory_space<vmem_shared>>) offsets(%dma_start3A_443 : memref<80xi32, #tpu.memory_space<vmem>>) semaphore(%arg28 : memref<!tpu.dma_semaphore, #tpu.memory_space<semaphore_mem>>) {add = true}
      %add3A_447 = arith.constant 7 : i32
      %add3A_448 = arith.addi %mul3A_205, %add3A_447 : i32
      %add3A_449 = arith.constant 4 : i32
      %add3A_450 = arith.addi %add3A_448, %add3A_449 : i32
      %lt3A_451 = arith.constant 128 : i32
      %lt3A_452 = arith.cmpi slt, %add3A_450, %lt3A_451 : i32
      %convert_element_type3A_453 = arith.extui %lt3A_452 : i1 to i32
      %cond3A_454 = arith.constant 0 : i32
      %cond3A_455 = arith.cmpi ne, %convert_element_type3A_453, %cond3A_454 : i32
      scf.if %cond3A_455 {
        %add3A_482 = arith.constant 4 : i32
        %add3A_483 = arith.addi %add3A_448, %add3A_482 : i32
        %dma_start3A_484 = arith.constant 3 : i32
        %dma_start3A_485 = arith.constant 0 : i32
        %dma_start3A_486 = tpu.memref_slice %arg8[%dma_start3A_484, %dma_start3A_485] : memref<8x80xi32, #tpu.memory_space<vmem>> -> memref<1x80xi32, #tpu.memory_space<vmem>>
        %dma_start3A_487 = tpu.memref_squeeze %dma_start3A_486 : memref<1x80xi32, #tpu.memory_space<vmem>> -> memref<80xi32, #tpu.memory_space<vmem>>
        %dma_start3A_488 = arith.constant 0 : i32
        %dma_start3A_489 = tpu.memref_slice %arg3[%add3A, %add3A_483, %dma_start3A_488] : memref<32x128x80xi32, #tpu.memory_space<hbm>> -> memref<1x1x80xi32, #tpu.memory_space<hbm>>
        %dma_start3A_490 = tpu.memref_squeeze %dma_start3A_489 : memref<1x1x80xi32, #tpu.memory_space<hbm>> -> memref<80xi32, #tpu.memory_space<hbm>>
        %dma_start3A_491 = arith.constant 0 : i32
        %dma_start3A_492 = tpu.memref_slice %arg8[%dma_start3A_484, %dma_start3A_491] : memref<8x80xi32, #tpu.memory_space<vmem>> -> memref<1x80xi32, #tpu.memory_space<vmem>>
        %dma_start3A_493 = tpu.memref_squeeze %dma_start3A_492 : memref<1x80xi32, #tpu.memory_space<vmem>> -> memref<80xi32, #tpu.memory_space<vmem>>
        %dma_start3A_494 = arith.constant 0 : i32
        %dma_start3A_495 = tpu.memref_slice %arg3[%add3A, %add3A_483, %dma_start3A_494] : memref<32x128x80xi32, #tpu.memory_space<hbm>> -> memref<1x1x80xi32, #tpu.memory_space<hbm>>
        %dma_start3A_496 = tpu.memref_squeeze %dma_start3A_495 : memref<1x1x80xi32, #tpu.memory_space<hbm>> -> memref<80xi32, #tpu.memory_space<hbm>>
        tpu.enqueue_dma source(%dma_start3A_496 : memref<80xi32, #tpu.memory_space<hbm>>) target(%dma_start3A_493 : memref<80xi32, #tpu.memory_space<vmem>>) target_semaphore(%arg17 : memref<!tpu.dma_semaphore, #tpu.memory_space<semaphore_mem>>)
        %dma_start3A_497 = arith.constant 3 : i32
        %dma_start3A_498 = arith.constant 0 : i32
        %dma_start3A_499 = tpu.memref_slice %arg9[%dma_start3A_497, %dma_start3A_498] : memref<8x80xi32, #tpu.memory_space<vmem>> -> memref<1x80xi32, #tpu.memory_space<vmem>>
        %dma_start3A_500 = tpu.memref_squeeze %dma_start3A_499 : memref<1x80xi32, #tpu.memory_space<vmem>> -> memref<80xi32, #tpu.memory_space<vmem>>
        %dma_start3A_501 = arith.constant 0 : i32
        %dma_start3A_502 = tpu.memref_slice %arg4[%add3A, %add3A_483, %dma_start3A_501] : memref<32x128x80xi32, #tpu.memory_space<hbm>> -> memref<1x1x80xi32, #tpu.memory_space<hbm>>
        %dma_start3A_503 = tpu.memref_squeeze %dma_start3A_502 : memref<1x1x80xi32, #tpu.memory_space<hbm>> -> memref<80xi32, #tpu.memory_space<hbm>>
        %dma_start3A_504 = arith.constant 0 : i32
        %dma_start3A_505 = tpu.memref_slice %arg9[%dma_start3A_497, %dma_start3A_504] : memref<8x80xi32, #tpu.memory_space<vmem>> -> memref<1x80xi32, #tpu.memory_space<vmem>>
        %dma_start3A_506 = tpu.memref_squeeze %dma_start3A_505 : memref<1x80xi32, #tpu.memory_space<vmem>> -> memref<80xi32, #tpu.memory_space<vmem>>
        %dma_start3A_507 = arith.constant 0 : i32
        %dma_start3A_508 = tpu.memref_slice %arg4[%add3A, %add3A_483, %dma_start3A_507] : memref<32x128x80xi32, #tpu.memory_space<hbm>> -> memref<1x1x80xi32, #tpu.memory_space<hbm>>
        %dma_start3A_509 = tpu.memref_squeeze %dma_start3A_508 : memref<1x1x80xi32, #tpu.memory_space<hbm>> -> memref<80xi32, #tpu.memory_space<hbm>>
        tpu.enqueue_dma source(%dma_start3A_509 : memref<80xi32, #tpu.memory_space<hbm>>) target(%dma_start3A_506 : memref<80xi32, #tpu.memory_space<vmem>>) target_semaphore(%arg17 : memref<!tpu.dma_semaphore, #tpu.memory_space<semaphore_mem>>)
      } else {
      }
      %ge3A_456 = arith.constant 2 : i32
      %ge3A_457 = arith.cmpi sge, %add3A_448, %ge3A_456 : i32
      %convert_element_type3A_458 = arith.extui %ge3A_457 : i1 to i32
      %cond3A_459 = arith.constant 0 : i32
      %cond3A_460 = arith.cmpi ne, %convert_element_type3A_458, %cond3A_459 : i32
      scf.if %cond3A_460 {
        %dma_wait3A_482 = arith.constant 0 : i32
        %dma_wait3A_483 = arith.constant 0 : i32
        %dma_wait3A_484 = tpu.memref_slice %arg9[%dma_wait3A_482, %dma_wait3A_483] : memref<8x80xi32, #tpu.memory_space<vmem>> -> memref<1x80xi32, #tpu.memory_space<vmem>>
        %dma_wait3A_485 = tpu.memref_squeeze %dma_wait3A_484 : memref<1x80xi32, #tpu.memory_space<vmem>> -> memref<80xi32, #tpu.memory_space<vmem>>
        %dma_wait3A_486 = arith.constant 0 : i32
        %dma_wait3A_487 = arith.constant 0 : i32
        %dma_wait3A_488 = tpu.memref_slice %arg7[%dma_wait3A_486, %dma_wait3A_487] : memref<10240x128xf32, #tpu.memory_space<vmem_shared>> -> memref<10240x128xf32, #tpu.memory_space<vmem_shared>>
        tpu.wait_indirect_dma semaphore(%arg27 : memref<!tpu.dma_semaphore, #tpu.memory_space<semaphore_mem>>) src(%arg11 : memref<80x128xf32, #tpu.memory_space<vmem>>) dst(%dma_wait3A_488 : memref<10240x128xf32, #tpu.memory_space<vmem_shared>>)
      } else {
      }
      %add3A_461 = arith.constant 2 : i32
      %add3A_462 = arith.addi %add3A_448, %add3A_461 : i32
      %lt3A_463 = arith.constant 128 : i32
      %lt3A_464 = arith.cmpi slt, %add3A_462, %lt3A_463 : i32
      %convert_element_type3A_465 = arith.extui %lt3A_464 : i1 to i32
      %cond3A_466 = arith.constant 0 : i32
      %cond3A_467 = arith.cmpi ne, %convert_element_type3A_465, %cond3A_466 : i32
      scf.if %cond3A_467 {
        %add3A_482 = arith.constant 2 : i32
        %add3A_483 = arith.addi %add3A_448, %add3A_482 : i32
        %dma_wait3A_484 = arith.constant 1 : i32
        %dma_wait3A_485 = arith.constant 0 : i32
        %dma_wait3A_486 = tpu.memref_slice %arg8[%dma_wait3A_484, %dma_wait3A_485] : memref<8x80xi32, #tpu.memory_space<vmem>> -> memref<1x80xi32, #tpu.memory_space<vmem>>
        %dma_wait3A_487 = tpu.memref_squeeze %dma_wait3A_486 : memref<1x80xi32, #tpu.memory_space<vmem>> -> memref<80xi32, #tpu.memory_space<vmem>>
        %dma_wait3A_488 = arith.constant 0 : i32
        %dma_wait3A_489 = tpu.memref_slice %arg3[%add3A, %add3A_483, %dma_wait3A_488] : memref<32x128x80xi32, #tpu.memory_space<hbm>> -> memref<1x1x80xi32, #tpu.memory_space<hbm>>
        %dma_wait3A_490 = tpu.memref_squeeze %dma_wait3A_489 : memref<1x1x80xi32, #tpu.memory_space<hbm>> -> memref<80xi32, #tpu.memory_space<hbm>>
        %dma_wait3A_491 = arith.constant 0 : i32
        %dma_wait3A_492 = tpu.memref_slice %arg8[%dma_wait3A_484, %dma_wait3A_491] : memref<8x80xi32, #tpu.memory_space<vmem>> -> memref<1x80xi32, #tpu.memory_space<vmem>>
        %dma_wait3A_493 = tpu.memref_squeeze %dma_wait3A_492 : memref<1x80xi32, #tpu.memory_space<vmem>> -> memref<80xi32, #tpu.memory_space<vmem>>
        %dma_wait3A_494 = arith.constant 0 : i32
        %dma_wait3A_495 = tpu.memref_slice %arg3[%add3A, %add3A_483, %dma_wait3A_494] : memref<32x128x80xi32, #tpu.memory_space<hbm>> -> memref<1x1x80xi32, #tpu.memory_space<hbm>>
        %dma_wait3A_496 = tpu.memref_squeeze %dma_wait3A_495 : memref<1x1x80xi32, #tpu.memory_space<hbm>> -> memref<80xi32, #tpu.memory_space<hbm>>
        tpu.wait_dma2 semaphore(%arg15 : memref<!tpu.dma_semaphore, #tpu.memory_space<semaphore_mem>>) src(%dma_wait3A_496 : memref<80xi32, #tpu.memory_space<hbm>>) dst(%dma_wait3A_493 : memref<80xi32, #tpu.memory_space<vmem>>)
        %dma_wait3A_497 = arith.constant 1 : i32
        %dma_wait3A_498 = arith.constant 0 : i32
        %dma_wait3A_499 = tpu.memref_slice %arg9[%dma_wait3A_497, %dma_wait3A_498] : memref<8x80xi32, #tpu.memory_space<vmem>> -> memref<1x80xi32, #tpu.memory_space<vmem>>
        %dma_wait3A_500 = tpu.memref_squeeze %dma_wait3A_499 : memref<1x80xi32, #tpu.memory_space<vmem>> -> memref<80xi32, #tpu.memory_space<vmem>>
        %dma_wait3A_501 = arith.constant 0 : i32
        %dma_wait3A_502 = tpu.memref_slice %arg4[%add3A, %add3A_483, %dma_wait3A_501] : memref<32x128x80xi32, #tpu.memory_space<hbm>> -> memref<1x1x80xi32, #tpu.memory_space<hbm>>
        %dma_wait3A_503 = tpu.memref_squeeze %dma_wait3A_502 : memref<1x1x80xi32, #tpu.memory_space<hbm>> -> memref<80xi32, #tpu.memory_space<hbm>>
        %dma_wait3A_504 = arith.constant 0 : i32
        %dma_wait3A_505 = tpu.memref_slice %arg9[%dma_wait3A_497, %dma_wait3A_504] : memref<8x80xi32, #tpu.memory_space<vmem>> -> memref<1x80xi32, #tpu.memory_space<vmem>>
        %dma_wait3A_506 = tpu.memref_squeeze %dma_wait3A_505 : memref<1x80xi32, #tpu.memory_space<vmem>> -> memref<80xi32, #tpu.memory_space<vmem>>
        %dma_wait3A_507 = arith.constant 0 : i32
        %dma_wait3A_508 = tpu.memref_slice %arg4[%add3A, %add3A_483, %dma_wait3A_507] : memref<32x128x80xi32, #tpu.memory_space<hbm>> -> memref<1x1x80xi32, #tpu.memory_space<hbm>>
        %dma_wait3A_509 = tpu.memref_squeeze %dma_wait3A_508 : memref<1x1x80xi32, #tpu.memory_space<hbm>> -> memref<80xi32, #tpu.memory_space<hbm>>
        tpu.wait_dma2 semaphore(%arg15 : memref<!tpu.dma_semaphore, #tpu.memory_space<semaphore_mem>>) src(%dma_wait3A_509 : memref<80xi32, #tpu.memory_space<hbm>>) dst(%dma_wait3A_506 : memref<80xi32, #tpu.memory_space<vmem>>)
        %dma_start3A_510 = arith.constant 1 : i32
        %dma_start3A_511 = arith.constant 0 : i32
        %dma_start3A_512 = tpu.memref_slice %arg8[%dma_start3A_510, %dma_start3A_511] : memref<8x80xi32, #tpu.memory_space<vmem>> -> memref<1x80xi32, #tpu.memory_space<vmem>>
        %dma_start3A_513 = tpu.memref_squeeze %dma_start3A_512 : memref<1x80xi32, #tpu.memory_space<vmem>> -> memref<80xi32, #tpu.memory_space<vmem>>
        %dma_start3A_514 = arith.constant 0 : i32
        %dma_start3A_515 = arith.constant 0 : i32
        %dma_start3A_516 = tpu.memref_slice %arg2[%dma_start3A_514, %dma_start3A_515] : memref<10240x128xf32, #tpu.memory_space<hbm>> -> memref<10240x128xf32, #tpu.memory_space<hbm>>
        tpu.enqueue_indirect_dma source(%dma_start3A_516 : memref<10240x128xf32, #tpu.memory_space<hbm>>) target(%arg11 : memref<80x128xf32, #tpu.memory_space<vmem>>) offsets(%dma_start3A_513 : memref<80xi32, #tpu.memory_space<vmem>>) semaphore(%arg23 : memref<!tpu.dma_semaphore, #tpu.memory_space<semaphore_mem>>)
      } else {
      }
      %dma_wait3A_468 = arith.constant 0 : i32
      %dma_wait3A_469 = arith.constant 0 : i32
      %dma_wait3A_470 = tpu.memref_slice %arg8[%dma_wait3A_468, %dma_wait3A_469] : memref<8x80xi32, #tpu.memory_space<vmem>> -> memref<1x80xi32, #tpu.memory_space<vmem>>
      %dma_wait3A_471 = tpu.memref_squeeze %dma_wait3A_470 : memref<1x80xi32, #tpu.memory_space<vmem>> -> memref<80xi32, #tpu.memory_space<vmem>>
      %dma_wait3A_472 = arith.constant 0 : i32
      %dma_wait3A_473 = arith.constant 0 : i32
      %dma_wait3A_474 = tpu.memref_slice %arg2[%dma_wait3A_472, %dma_wait3A_473] : memref<10240x128xf32, #tpu.memory_space<hbm>> -> memref<10240x128xf32, #tpu.memory_space<hbm>>
      tpu.wait_indirect_dma semaphore(%arg25 : memref<!tpu.dma_semaphore, #tpu.memory_space<semaphore_mem>>) src(%dma_wait3A_474 : memref<10240x128xf32, #tpu.memory_space<hbm>>) dst(%arg13 : memref<80x128xf32, #tpu.memory_space<vmem>>)
      %dma_start3A_475 = arith.constant 7 : i32
      %dma_start3A_476 = arith.constant 0 : i32
      %dma_start3A_477 = tpu.memref_slice %arg9[%dma_start3A_475, %dma_start3A_476] : memref<8x80xi32, #tpu.memory_space<vmem>> -> memref<1x80xi32, #tpu.memory_space<vmem>>
      %dma_start3A_478 = tpu.memref_squeeze %dma_start3A_477 : memref<1x80xi32, #tpu.memory_space<vmem>> -> memref<80xi32, #tpu.memory_space<vmem>>
      %dma_start3A_479 = arith.constant 0 : i32
      %dma_start3A_480 = arith.constant 0 : i32
      %dma_start3A_481 = tpu.memref_slice %arg7[%dma_start3A_479, %dma_start3A_480] : memref<10240x128xf32, #tpu.memory_space<vmem_shared>> -> memref<10240x128xf32, #tpu.memory_space<vmem_shared>>
      tpu.enqueue_indirect_dma source(%arg13 : memref<80x128xf32, #tpu.memory_space<vmem>>) target(%dma_start3A_481 : memref<10240x128xf32, #tpu.memory_space<vmem_shared>>) offsets(%dma_start3A_478 : memref<80xi32, #tpu.memory_space<vmem>>) semaphore(%arg29 : memref<!tpu.dma_semaphore, #tpu.memory_space<semaphore_mem>>) {add = true}
    }
    %scan3A_187 = arith.constant 16 : i32
    %dma_wait3A_188 = arith.constant 0 : i32
    %dma_wait3A_189 = arith.constant 0 : i32
    %dma_wait3A_190 = tpu.memref_slice %arg9[%dma_wait3A_188, %dma_wait3A_189] : memref<8x80xi32, #tpu.memory_space<vmem>> -> memref<1x80xi32, #tpu.memory_space<vmem>>
    %dma_wait3A_191 = tpu.memref_squeeze %dma_wait3A_190 : memref<1x80xi32, #tpu.memory_space<vmem>> -> memref<80xi32, #tpu.memory_space<vmem>>
    %dma_wait3A_192 = arith.constant 0 : i32
    %dma_wait3A_193 = arith.constant 0 : i32
    %dma_wait3A_194 = tpu.memref_slice %arg7[%dma_wait3A_192, %dma_wait3A_193] : memref<10240x128xf32, #tpu.memory_space<vmem_shared>> -> memref<10240x128xf32, #tpu.memory_space<vmem_shared>>
    tpu.wait_indirect_dma semaphore(%arg28 : memref<!tpu.dma_semaphore, #tpu.memory_space<semaphore_mem>>) src(%arg12 : memref<80x128xf32, #tpu.memory_space<vmem>>) dst(%dma_wait3A_194 : memref<10240x128xf32, #tpu.memory_space<vmem_shared>>)
    %dma_wait3A_195 = arith.constant 0 : i32
    %dma_wait3A_196 = arith.constant 0 : i32
    %dma_wait3A_197 = tpu.memref_slice %arg9[%dma_wait3A_195, %dma_wait3A_196] : memref<8x80xi32, #tpu.memory_space<vmem>> -> memref<1x80xi32, #tpu.memory_space<vmem>>
    %dma_wait3A_198 = tpu.memref_squeeze %dma_wait3A_197 : memref<1x80xi32, #tpu.memory_space<vmem>> -> memref<80xi32, #tpu.memory_space<vmem>>
    %dma_wait3A_199 = arith.constant 0 : i32
    %dma_wait3A_200 = arith.constant 0 : i32
    %dma_wait3A_201 = tpu.memref_slice %arg7[%dma_wait3A_199, %dma_wait3A_200] : memref<10240x128xf32, #tpu.memory_space<vmem_shared>> -> memref<10240x128xf32, #tpu.memory_space<vmem_shared>>
    tpu.wait_indirect_dma semaphore(%arg29 : memref<!tpu.dma_semaphore, #tpu.memory_space<semaphore_mem>>) src(%arg13 : memref<80x128xf32, #tpu.memory_space<vmem>>) dst(%dma_wait3A_201 : memref<10240x128xf32, #tpu.memory_space<vmem_shared>>)
    %barrier3A_202 = arith.constant 0 : index
    tpu.barrier barrier_id(%barrier3A_202)
    "tpu.region"() ({
      %run_scoped3A = tpu.sem_alloc : memref<!tpu.dma_semaphore, #tpu.memory_space<semaphore_mem>>
      %dma_start3A_203 = arith.constant 0 : i32
      %dma_start3A_204 = tpu.memref_slice %arg6[%arg0, %mul3A_2, %dma_start3A_203] : memref<2x10240x128xf32, #tpu.memory_space<hbm>> -> memref<1x640x128xf32, #tpu.memory_space<hbm>>
      %dma_start3A_205 = tpu.memref_squeeze %dma_start3A_204 : memref<1x640x128xf32, #tpu.memory_space<hbm>> -> memref<640x128xf32, #tpu.memory_space<hbm>>
      %dma_start3A_206 = arith.constant 0 : i32
      %dma_start3A_207 = tpu.memref_slice %arg7[%mul3A_2, %dma_start3A_206] : memref<10240x128xf32, #tpu.memory_space<vmem_shared>> -> memref<640x128xf32, #tpu.memory_space<vmem_shared>>
      tpu.enqueue_dma source(%dma_start3A_207 : memref<640x128xf32, #tpu.memory_space<vmem_shared>>) target(%dma_start3A_205 : memref<640x128xf32, #tpu.memory_space<hbm>>) target_semaphore(%run_scoped3A : memref<!tpu.dma_semaphore, #tpu.memory_space<semaphore_mem>>)
      %dma_wait3A_208 = arith.constant 0 : i32
      %dma_wait3A_209 = tpu.memref_slice %arg6[%arg0, %mul3A_2, %dma_wait3A_208] : memref<2x10240x128xf32, #tpu.memory_space<hbm>> -> memref<1x640x128xf32, #tpu.memory_space<hbm>>
      %dma_wait3A_210 = tpu.memref_squeeze %dma_wait3A_209 : memref<1x640x128xf32, #tpu.memory_space<hbm>> -> memref<640x128xf32, #tpu.memory_space<hbm>>
      %dma_wait3A_211 = arith.constant 0 : i32
      %dma_wait3A_212 = tpu.memref_slice %arg7[%mul3A_2, %dma_wait3A_211] : memref<10240x128xf32, #tpu.memory_space<vmem_shared>> -> memref<640x128xf32, #tpu.memory_space<vmem_shared>>
      tpu.wait_dma2 semaphore(%run_scoped3A : memref<!tpu.dma_semaphore, #tpu.memory_space<semaphore_mem>>) src(%dma_wait3A_212 : memref<640x128xf32, #tpu.memory_space<vmem_shared>>) dst(%dma_wait3A_210 : memref<640x128xf32, #tpu.memory_space<hbm>>)
      tpu.yield
    }) : () -> ()
    return
  }
}

module attributes {stable_mosaic.version = 14 : i64} {
  func.func @_k1_body(%arg0: i32, %arg1: memref<256x128xf32, #tpu.memory_space<vmem>>, %arg2: memref<128x128xf32, #tpu.memory_space<vmem>>, %arg3: memref<32x256xi32, #tpu.memory_space<vmem>>, %arg4: memref<256x128xf32, #tpu.memory_space<vmem>>) attributes {dimension_semantics = [#tpu.dimension_semantics<arbitrary>], iteration_bounds = array<i64: 40>, scalar_prefetch = 0 : i64, scratch_operands = 0 : i64, tpu.core_type = #tpu.core_type<tc>, window_params = [{transform_indices = @transform_0, window_bounds = array<i64: 256, 128>}, {pipeline_mode = #tpu.pipeline_mode<synchronous>, transform_indices = @transform_1, window_bounds = array<i64: 128, 128>}, {transform_indices = @transform_2, window_bounds = array<i64: 32, 256>}, {transform_indices = @transform_3, window_bounds = array<i64: 256, 128>}]} {
    %get3A = arith.constant 0 : index
    %get3A_0 = arith.constant 0 : index
    %get3A_1 = vector.load %arg3[%get3A, %get3A_0] : memref<32x256xi32, #tpu.memory_space<vmem>>, vector<32x256xi32>
    %reduce_sum3A = arith.constant dense<0> : vector<256xi32>
    %reduce_sum3A_2 = vector.multi_reduction <add>, %get3A_1, %reduce_sum3A [0] : vector<32x256xi32> to vector<256xi32>
    %convert_element_type3A = arith.sitofp %reduce_sum3A_2 : vector<256xi32> to vector<256xf32>
    %add3A = arith.constant 1.000000e+00 : f32
    %add3A_3 = vector.broadcast %add3A : f32 to vector<256xf32>
    %add3A_4 = arith.addf %add3A_3, %convert_element_type3A : vector<256xf32>
    %rsqrt3A = math.rsqrt %add3A_4 : vector<256xf32>
    %get3A_5 = arith.constant 0 : index
    %get3A_6 = arith.constant 0 : index
    %get3A_7 = vector.load %arg1[%get3A_5, %get3A_6] : memref<256x128xf32, #tpu.memory_space<vmem>>, vector<256x128xf32>
    %get3A_8 = arith.constant 0 : index
    %get3A_9 = arith.constant 0 : index
    %get3A_10 = vector.load %arg2[%get3A_8, %get3A_9] : memref<128x128xf32, #tpu.memory_space<vmem>>, vector<128x128xf32>
    %dot_general3A = arith.constant dense<0.000000e+00> : vector<256x128xf32>
    %dot_general3A_11 = tpu.matmul %get3A_7, %get3A_10, %dot_general3A {dimension_numbers = #tpu.dot_dimension_numbers<[1], [0], [0], [1], [0, 0, 1, 1], [], []>, transpose_lhs_hint = false} : vector<256x128xf32>, vector<128x128xf32>, vector<256x128xf32> -> vector<256x128xf32>
    %mul3A = arith.constant 256 : i32
    %mul3A_12 = arith.muli %arg0, %mul3A : i32
    %iota3A = tpu.iota {dimensions = array<i32: 0>} : vector<256x1xi32>
    %add3A_13 = vector.broadcast %mul3A_12 : i32 to vector<256x1xi32>
    %add3A_14 = arith.addi %add3A_13, %iota3A : vector<256x1xi32>
    %lt3A = arith.constant 10000 : i32
    %lt3A_15 = vector.broadcast %lt3A : i32 to vector<256x1xi32>
    %lt3A_16 = arith.cmpi slt, %add3A_14, %lt3A_15 : vector<256x1xi32>
    %broadcast_in_dim3A = vector.shape_cast %rsqrt3A : vector<256xf32> to vector<256x1xf32>
    %mul3A_17 = vector.broadcast %broadcast_in_dim3A : vector<256x1xf32> to vector<256x128xf32>
    %mul3A_18 = arith.mulf %dot_general3A_11, %mul3A_17 : vector<256x128xf32>
    %jit3A = arith.constant 0.000000e+00 : f32
    %broadcast_in_dim3A_19 = vector.shape_cast %lt3A_16 : vector<256x1xi1> to vector<256x1xi1>
    %broadcast_in_dim3A_20 = vector.broadcast %broadcast_in_dim3A_19 : vector<256x1xi1> to vector<256x128xi1>
    %broadcast_in_dim3A_21 = vector.broadcast %jit3A : f32 to vector<256x128xf32>
    %select_n3A = arith.select %broadcast_in_dim3A_20, %mul3A_18, %broadcast_in_dim3A_21 : vector<256x128xi1>, vector<256x128xf32>
    %swap3A = arith.constant 0 : index
    %swap3A_22 = arith.constant 0 : index
    %swap3A_23 = vector.load %arg4[%swap3A, %swap3A_22] : memref<256x128xf32, #tpu.memory_space<vmem>>, vector<256x128xf32>
    tpu.vector_store %arg4[%swap3A, %swap3A_22], %select_n3A {strides = array<i32>} : memref<256x128xf32, #tpu.memory_space<vmem>>, vector<256x128xf32>,
    return
  }
  func.func @transform_0(%arg0: i32) -> (i32, i32) {
    %c0_i32 = arith.constant 0 : i32
    %c0_i32_0 = arith.constant 0 : i32
    return %arg0, %c0_i32 : i32, i32
  }
  func.func @transform_1(%arg0: i32) -> (i32, i32) {
    %c0_i32 = arith.constant 0 : i32
    %c0_i32_0 = arith.constant 0 : i32
    %c0_i32_1 = arith.constant 0 : i32
    return %c0_i32, %c0_i32_0 : i32, i32
  }
  func.func @transform_2(%arg0: i32) -> (i32, i32) {
    %c0_i32 = arith.constant 0 : i32
    %c0_i32_0 = arith.constant 0 : i32
    return %c0_i32, %arg0 : i32, i32
  }
  func.func @transform_3(%arg0: i32) -> (i32, i32) {
    %c0_i32 = arith.constant 0 : i32
    %c0_i32_0 = arith.constant 0 : i32
    return %arg0, %c0_i32 : i32, i32
  }
}

module attributes {stable_mosaic.version = 14 : i64} {
  func.func @_k2_body(%arg0: i32, %arg1: memref<2x256x128xf32, #tpu.memory_space<vmem>>, %arg2: memref<256x128xf32, #tpu.memory_space<vmem>>, %arg3: memref<32x256xi32, #tpu.memory_space<vmem>>, %arg4: memref<128x128xf32, #tpu.memory_space<vmem>>, %arg5: memref<1x128xf32, #tpu.memory_space<vmem>>, %arg6: memref<256x128xf32, #tpu.memory_space<vmem>>) attributes {dimension_semantics = [#tpu.dimension_semantics<arbitrary>], iteration_bounds = array<i64: 40>, scalar_prefetch = 0 : i64, scratch_operands = 0 : i64, tpu.core_type = #tpu.core_type<tc>, window_params = [{transform_indices = @transform_0, window_bounds = array<i64: 2, 256, 128>}, {transform_indices = @transform_1, window_bounds = array<i64: 256, 128>}, {transform_indices = @transform_2, window_bounds = array<i64: 32, 256>}, {pipeline_mode = #tpu.pipeline_mode<synchronous>, transform_indices = @transform_3, window_bounds = array<i64: 128, 128>}, {pipeline_mode = #tpu.pipeline_mode<synchronous>, transform_indices = @transform_4, window_bounds = array<i64: 1, 128>}, {transform_indices = @transform_5, window_bounds = array<i64: 256, 128>}]} {
    %get3A = arith.constant 0 : index
    %get3A_0 = arith.constant 0 : index
    %get3A_1 = vector.load %arg3[%get3A, %get3A_0] : memref<32x256xi32, #tpu.memory_space<vmem>>, vector<32x256xi32>
    %reduce_sum3A = arith.constant dense<0> : vector<256xi32>
    %reduce_sum3A_2 = vector.multi_reduction <add>, %get3A_1, %reduce_sum3A [0] : vector<32x256xi32> to vector<256xi32>
    %convert_element_type3A = arith.sitofp %reduce_sum3A_2 : vector<256xi32> to vector<256xf32>
    %add3A = arith.constant 1.000000e+00 : f32
    %add3A_3 = vector.broadcast %add3A : f32 to vector<256xf32>
    %add3A_4 = arith.addf %add3A_3, %convert_element_type3A : vector<256xf32>
    %rsqrt3A = math.rsqrt %add3A_4 : vector<256xf32>
    %get3A_5 = arith.constant 0 : index
    %get3A_6 = arith.constant 0 : index
    %get3A_7 = arith.constant 0 : index
    %get3A_8 = vector.load %arg1[%get3A_5, %get3A_6, %get3A_7] : memref<2x256x128xf32, #tpu.memory_space<vmem>>, vector<1x256x128xf32>
    %get3A_9 = vector.shape_cast %get3A_8 : vector<1x256x128xf32> to vector<256x128xf32>
    %get3A_10 = arith.constant 1 : index
    %get3A_11 = arith.constant 0 : index
    %get3A_12 = arith.constant 0 : index
    %get3A_13 = vector.load %arg1[%get3A_10, %get3A_11, %get3A_12] : memref<2x256x128xf32, #tpu.memory_space<vmem>>, vector<1x256x128xf32>
    %get3A_14 = vector.shape_cast %get3A_13 : vector<1x256x128xf32> to vector<256x128xf32>
    %add3A_15 = arith.addf %get3A_9, %get3A_14 : vector<256x128xf32>
    %get3A_16 = arith.constant 0 : index
    %get3A_17 = arith.constant 0 : index
    %get3A_18 = vector.load %arg2[%get3A_16, %get3A_17] : memref<256x128xf32, #tpu.memory_space<vmem>>, vector<256x128xf32>
    %add3A_19 = arith.addf %add3A_15, %get3A_18 : vector<256x128xf32>
    %broadcast_in_dim3A = vector.shape_cast %rsqrt3A : vector<256xf32> to vector<256x1xf32>
    %mul3A = vector.broadcast %broadcast_in_dim3A : vector<256x1xf32> to vector<256x128xf32>
    %mul3A_20 = arith.mulf %add3A_19, %mul3A : vector<256x128xf32>
    %get3A_21 = arith.constant 0 : index
    %get3A_22 = arith.constant 0 : index
    %get3A_23 = vector.load %arg5[%get3A_21, %get3A_22] : memref<1x128xf32, #tpu.memory_space<vmem>>, vector<1x128xf32>
    %add3A_24 = vector.broadcast %get3A_23 : vector<1x128xf32> to vector<256x128xf32>
    %add3A_25 = arith.addf %mul3A_20, %add3A_24 : vector<256x128xf32>
    %max3A = arith.constant 0.000000e+00 : f32
    %max3A_26 = vector.broadcast %max3A : f32 to vector<256x128xf32>
    %max3A_27 = arith.maximumf %add3A_25, %max3A_26 : vector<256x128xf32>
    %get3A_28 = arith.constant 0 : index
    %get3A_29 = arith.constant 0 : index
    %get3A_30 = vector.load %arg4[%get3A_28, %get3A_29] : memref<128x128xf32, #tpu.memory_space<vmem>>, vector<128x128xf32>
    %dot_general3A = arith.constant dense<0.000000e+00> : vector<256x128xf32>
    %dot_general3A_31 = tpu.matmul %max3A_27, %get3A_30, %dot_general3A {dimension_numbers = #tpu.dot_dimension_numbers<[1], [0], [0], [1], [0, 0, 1, 1], [], []>, transpose_lhs_hint = false} : vector<256x128xf32>, vector<128x128xf32>, vector<256x128xf32> -> vector<256x128xf32>
    %broadcast_in_dim3A_32 = vector.shape_cast %rsqrt3A : vector<256xf32> to vector<256x1xf32>
    %mul3A_33 = vector.broadcast %broadcast_in_dim3A_32 : vector<256x1xf32> to vector<256x128xf32>
    %mul3A_34 = arith.mulf %dot_general3A_31, %mul3A_33 : vector<256x128xf32>
    %mul3A_35 = arith.constant 256 : i32
    %mul3A_36 = arith.muli %arg0, %mul3A_35 : i32
    %iota3A = tpu.iota {dimensions = array<i32: 0>} : vector<256x1xi32>
    %add3A_37 = vector.broadcast %mul3A_36 : i32 to vector<256x1xi32>
    %add3A_38 = arith.addi %add3A_37, %iota3A : vector<256x1xi32>
    %lt3A = arith.constant 10000 : i32
    %lt3A_39 = vector.broadcast %lt3A : i32 to vector<256x1xi32>
    %lt3A_40 = arith.cmpi slt, %add3A_38, %lt3A_39 : vector<256x1xi32>
    %jit3A = arith.constant 0.000000e+00 : f32
    %broadcast_in_dim3A_41 = vector.shape_cast %lt3A_40 : vector<256x1xi1> to vector<256x1xi1>
    %broadcast_in_dim3A_42 = vector.broadcast %broadcast_in_dim3A_41 : vector<256x1xi1> to vector<256x128xi1>
    %broadcast_in_dim3A_43 = vector.broadcast %jit3A : f32 to vector<256x128xf32>
    %select_n3A = arith.select %broadcast_in_dim3A_42, %mul3A_34, %broadcast_in_dim3A_43 : vector<256x128xi1>, vector<256x128xf32>
    %swap3A = arith.constant 0 : index
    %swap3A_44 = arith.constant 0 : index
    %swap3A_45 = vector.load %arg6[%swap3A, %swap3A_44] : memref<256x128xf32, #tpu.memory_space<vmem>>, vector<256x128xf32>
    tpu.vector_store %arg6[%swap3A, %swap3A_44], %select_n3A {strides = array<i32>} : memref<256x128xf32, #tpu.memory_space<vmem>>, vector<256x128xf32>,
    return
  }
  func.func @transform_0(%arg0: i32) -> (i32, i32, i32) {
    %c0_i32 = arith.constant 0 : i32
    %c0_i32_0 = arith.constant 0 : i32
    %c0_i32_1 = arith.constant 0 : i32
    return %c0_i32, %arg0, %c0_i32_0 : i32, i32, i32
  }
  func.func @transform_1(%arg0: i32) -> (i32, i32) {
    %c0_i32 = arith.constant 0 : i32
    %c0_i32_0 = arith.constant 0 : i32
    return %arg0, %c0_i32 : i32, i32
  }
  func.func @transform_2(%arg0: i32) -> (i32, i32) {
    %c0_i32 = arith.constant 0 : i32
    %c0_i32_0 = arith.constant 0 : i32
    return %c0_i32, %arg0 : i32, i32
  }
  func.func @transform_3(%arg0: i32) -> (i32, i32) {
    %c0_i32 = arith.constant 0 : i32
    %c0_i32_0 = arith.constant 0 : i32
    %c0_i32_1 = arith.constant 0 : i32
    return %c0_i32, %c0_i32_0 : i32, i32
  }
  func.func @transform_4(%arg0: i32) -> (i32, i32) {
    %c0_i32 = arith.constant 0 : i32
    %c0_i32_0 = arith.constant 0 : i32
    %c0_i32_1 = arith.constant 0 : i32
    return %c0_i32, %c0_i32_0 : i32, i32
  }
  func.func @transform_5(%arg0: i32) -> (i32, i32) {
    %c0_i32 = arith.constant 0 : i32
    %c0_i32_0 = arith.constant 0 : i32
    return %arg0, %c0_i32 : i32, i32
  }
}

module attributes {stable_mosaic.version = 14 : i64} {
  func.func @_k3_body(%arg0: i32, %arg1: memref<2x256x128xf32, #tpu.memory_space<vmem>>, %arg2: memref<256x128xf32, #tpu.memory_space<vmem>>, %arg3: memref<32x256xi32, #tpu.memory_space<vmem>>, %arg4: memref<1x128xf32, #tpu.memory_space<vmem>>, %arg5: memref<256x128xf32, #tpu.memory_space<vmem>>) attributes {dimension_semantics = [#tpu.dimension_semantics<arbitrary>], iteration_bounds = array<i64: 40>, scalar_prefetch = 0 : i64, scratch_operands = 0 : i64, tpu.core_type = #tpu.core_type<tc>, window_params = [{transform_indices = @transform_0, window_bounds = array<i64: 2, 256, 128>}, {transform_indices = @transform_1, window_bounds = array<i64: 256, 128>}, {transform_indices = @transform_2, window_bounds = array<i64: 32, 256>}, {pipeline_mode = #tpu.pipeline_mode<synchronous>, transform_indices = @transform_3, window_bounds = array<i64: 1, 128>}, {transform_indices = @transform_4, window_bounds = array<i64: 256, 128>}]} {
    %get3A = arith.constant 0 : index
    %get3A_0 = arith.constant 0 : index
    %get3A_1 = vector.load %arg3[%get3A, %get3A_0] : memref<32x256xi32, #tpu.memory_space<vmem>>, vector<32x256xi32>
    %reduce_sum3A = arith.constant dense<0> : vector<256xi32>
    %reduce_sum3A_2 = vector.multi_reduction <add>, %get3A_1, %reduce_sum3A [0] : vector<32x256xi32> to vector<256xi32>
    %convert_element_type3A = arith.sitofp %reduce_sum3A_2 : vector<256xi32> to vector<256xf32>
    %add3A = arith.constant 1.000000e+00 : f32
    %add3A_3 = vector.broadcast %add3A : f32 to vector<256xf32>
    %add3A_4 = arith.addf %add3A_3, %convert_element_type3A : vector<256xf32>
    %rsqrt3A = math.rsqrt %add3A_4 : vector<256xf32>
    %get3A_5 = arith.constant 0 : index
    %get3A_6 = arith.constant 0 : index
    %get3A_7 = arith.constant 0 : index
    %get3A_8 = vector.load %arg1[%get3A_5, %get3A_6, %get3A_7] : memref<2x256x128xf32, #tpu.memory_space<vmem>>, vector<1x256x128xf32>
    %get3A_9 = vector.shape_cast %get3A_8 : vector<1x256x128xf32> to vector<256x128xf32>
    %get3A_10 = arith.constant 1 : index
    %get3A_11 = arith.constant 0 : index
    %get3A_12 = arith.constant 0 : index
    %get3A_13 = vector.load %arg1[%get3A_10, %get3A_11, %get3A_12] : memref<2x256x128xf32, #tpu.memory_space<vmem>>, vector<1x256x128xf32>
    %get3A_14 = vector.shape_cast %get3A_13 : vector<1x256x128xf32> to vector<256x128xf32>
    %add3A_15 = arith.addf %get3A_9, %get3A_14 : vector<256x128xf32>
    %get3A_16 = arith.constant 0 : index
    %get3A_17 = arith.constant 0 : index
    %get3A_18 = vector.load %arg2[%get3A_16, %get3A_17] : memref<256x128xf32, #tpu.memory_space<vmem>>, vector<256x128xf32>
    %add3A_19 = arith.addf %add3A_15, %get3A_18 : vector<256x128xf32>
    %broadcast_in_dim3A = vector.shape_cast %rsqrt3A : vector<256xf32> to vector<256x1xf32>
    %mul3A = vector.broadcast %broadcast_in_dim3A : vector<256x1xf32> to vector<256x128xf32>
    %mul3A_20 = arith.mulf %add3A_19, %mul3A : vector<256x128xf32>
    %get3A_21 = arith.constant 0 : index
    %get3A_22 = arith.constant 0 : index
    %get3A_23 = vector.load %arg4[%get3A_21, %get3A_22] : memref<1x128xf32, #tpu.memory_space<vmem>>, vector<1x128xf32>
    %add3A_24 = vector.broadcast %get3A_23 : vector<1x128xf32> to vector<256x128xf32>
    %add3A_25 = arith.addf %mul3A_20, %add3A_24 : vector<256x128xf32>
    %swap3A = arith.constant 0 : index
    %swap3A_26 = arith.constant 0 : index
    %swap3A_27 = vector.load %arg5[%swap3A, %swap3A_26] : memref<256x128xf32, #tpu.memory_space<vmem>>, vector<256x128xf32>
    tpu.vector_store %arg5[%swap3A, %swap3A_26], %add3A_25 {strides = array<i32>} : memref<256x128xf32, #tpu.memory_space<vmem>>, vector<256x128xf32>,
    return
  }
  func.func @transform_0(%arg0: i32) -> (i32, i32, i32) {
    %c0_i32 = arith.constant 0 : i32
    %c0_i32_0 = arith.constant 0 : i32
    %c0_i32_1 = arith.constant 0 : i32
    return %c0_i32, %arg0, %c0_i32_0 : i32, i32, i32
  }
  func.func @transform_1(%arg0: i32) -> (i32, i32) {
    %c0_i32 = arith.constant 0 : i32
    %c0_i32_0 = arith.constant 0 : i32
    return %arg0, %c0_i32 : i32, i32
  }
  func.func @transform_2(%arg0: i32) -> (i32, i32) {
    %c0_i32 = arith.constant 0 : i32
    %c0_i32_0 = arith.constant 0 : i32
    return %c0_i32, %arg0 : i32, i32
  }
  func.func @transform_3(%arg0: i32) -> (i32, i32) {
    %c0_i32 = arith.constant 0 : i32
    %c0_i32_0 = arith.constant 0 : i32
    %c0_i32_1 = arith.constant 0 : i32
    return %c0_i32, %c0_i32_0 : i32, i32
  }
  func.func @transform_4(%arg0: i32) -> (i32, i32) {
    %c0_i32 = arith.constant 0 : i32
    %c0_i32_0 = arith.constant 0 : i32
    return %arg0, %c0_i32 : i32, i32
  }
}

</mosaic_0001>

<sc_bundles>
// kernel: kernel.11.cloned.1.call-start
scs
__scs_entry_jumppad:
0x0: {  	(pc) =	sbr.rel $0x88, $3  }
0x1: {  	(tag) =	ssettag $0x0;
	lr =	simm.s32 $0x1  }
0x2: {  	[smem:$0x3F9B] =	sst lr;
	_ =	strace $0xD0000000  }
0x3: {  	_ = 	snop  }
0x4: {  	_ = 	snop  }
0x5: {  	_ = 	snop  }
0x6: {  	_ = 	snop  }
0x7: {  	_ = 	snop  }
__scs_overlays_trampoline_lowered:
0x8: {  	[smem:$0x3FAA] =	sst s0  }
0x9: {  	[smem:$0x3FAB] =	sst s1  }
0xa: {  	[smem:$0x3FAC] =	sst s2  }
0xb: {  	[smem:$0x3FAD] =	sst s3  }
0xc: {  	[smem:$0x3FAE] =	sst s4  }
0xd: {  	[smem:$0x3FAF] =	sst s5  }
0xe: {  	[smem:$0x3FB0] =	sst s6  }
0xf: {  	[smem:$0x3FB1] =	sst s7  }
0x10: {  	[smem:$0x3FB2] =	sst s8  }
0x11: {  	[smem:$0x3FB3] =	sst s9;
	s0 =	simm.s32 @!p0 $0x0  }
0x12: {  	s1 =	sld [smem:$0x3F99];
	s0 =	simm.s32 @p0 $0x1  }
0x13: {  	[smem:$0x3FB4] =	sst s0;
	s0 =	simm.s32 @!p1 $0x0  }
0x14: {  	s2 =	sld [smem:$0x3F98];
	s0 =	simm.s32 @p1 $0x1  }
0x15: {  	[smem:$0x3FB5] =	sst s0;
	s0 =	simm.s32 @!p2 $0x0  }
0x16: {  	s3 =	sld [smem:$0x3FDB];
	s0 =	simm.s32 @p2 $0x1  }
0x17: {  	s4 =	simm.s32 $0x1BF5;
	[smem:$0x3FB7] =	sst s0  }
0x18: {  	s0 =	sld [smem:$0x3F9A];
	_ =	swait.ge [sflag:s4], $0x0  }
0x19: {  	s7 =	sld [smem:$0x3F9B]  }
0x1a: {  	s8 =	sadd.s32 $0xFFFFE003, lr  }
0x1b: {  	s9 =	sadd.s32 $0xFFFFFEF7, lr;
	s5 =	simm.s32 $0xFFFFFFFF;
	p2 =	slt.u32 s8, $0xFFFFF086  }
0x1c: {  	p1 =	slt.u32 s9, $0xF7A;
	s5 =	simm.s32 @!p2 $0x0  }
0x1d: {  	s5 =	simm.s32 @p1 $0x1;
	p0 =	seq.s32 s7, s2  }
0x1e: {  	s7 =	smul.u32 @!p0 $0xF7A, s2;
	p2 =	seq.s32 @!p0 s5, $0x0  }
0x1f: {  	s9 =	smul.u32 $0xF7A, s1;
	s8 =	simm.s32 @!p0 $0x1BF5;
	p2 =	por !p2, p0  }
0x20: {  	[sflag:s8] =	ssyncset.s32 @!p0 $0xFFFFF086;
	s6 =	sadd.s32 @!p0 s3, s7;
	s7 =	simm.s32 @!p0 $0x108  }
0x21: {  	s3 =	sadd.s32 s3, s9;
	s6 =	sadd.s32 @!p0 $0x88, s6;
	s7 =	simm.s32 @p2 $0x1082  }
0x22: {  	[simem:s7], [sflag:s8] =	dma.local @!p0 [hbm:s6], $0xF7A  }
0x23: {  	s9 =	sor.u32 $0xD0000000, s2;
	s6 =	simm.s32 $0x108;
	_ =	swait.ge @!p0 [sflag:s8], $0x0  }
0x24: {  	s3 =	sadd.s32 $0x88, s3;
	s6 =	simm.s32 @!p1 $0x1082;
	[sflag:s4] =	ssyncset.s32 $0xFFFFF086  }
0x25: {  	[simem:s6], [sflag:s4] =	dma.local [hbm:s3], $0xF7A  }
0x26: {  	[smem:$0x3F9B] =	sst s1;
	(tag) =	ssettag s2;
	_ =	strace s9  }
0x27: {  	s1 =	sld [smem:$0x3FAB]  }
0x28: {  	s2 =	sld [smem:$0x3FAC]  }
0x29: {  	s4 =	sld [smem:$0x3FAE]  }
0x2a: {  	p0 =	seq.s32 s5, $0x0;
	s5 =	sld [smem:$0x3FAF]  }
0x2b: {  	s6 =	sld [smem:$0x3FB0]  }
0x2c: {  	s7 =	sld [smem:$0x3FB1]  }
0x2d: {  	s3 =	simm.s32 $0x108;
	s8 =	sld [smem:$0x3FB2]  }
0x2e: {  	s3 =	simm.s32 @!p0 $0x1082;
	s9 =	sld [smem:$0x3FB3]  }
0x2f: {  	lr =	sadd.s32 s0, s3;
	s0 =	sld [smem:$0x3FAA]  }
0x30: {  	s3 =	sld [smem:$0x3FAD]  }
0x31: {  	[smem:$0x3FB6] =	sst s10  }
0x32: {  	s10 =	sld [smem:$0x3FB4];
	_ =	sdelay $0x3  }
0x33: {  	p0 =	seq.s32 s10, $0x1;
	s10 =	sld [smem:$0x3FB6];
	_ =	sdelay $0x3  }
0x34: {  	[smem:$0x3FB6] =	sst s10  }
0x35: {  	s10 =	sld [smem:$0x3FB5];
	_ =	sdelay $0x3  }
0x36: {  	p1 =	seq.s32 s10, $0x1;
	s10 =	sld [smem:$0x3FB6];
	_ =	sdelay $0x3  }
0x37: {  	[smem:$0x3FB6] =	sst s10  }
0x38: {  	s10 =	sld [smem:$0x3FB7]  }
0x39: {  	_ = 	snop;
	(pc) =	sbr.ind lr, $3  }
0x3a: {  	_ = 	snop  }
0x3b: {  	_ = 	snop  }
0x3c: {  	p2 =	seq.s32 s10, $0x1;
	s10 =	sld [smem:$0x3FB6]  }
0x3d: {  	_ =	shalt  }
0x3e: {  	_ =	shalt  }
0x3f: {  	_ =	shalt  }
0x40: {  	_ =	shalt  }
0x41: {  	_ =	shalt  }
0x42: {  	_ =	shalt  }
0x43: {  	_ =	shalt  }
0x44: {  	_ =	shalt  }
0x45: {  	_ =	shalt  }
0x46: {  	_ =	shalt  }
0x47: {  	_ =	shalt  }
0x48: {  	_ =	shalt  }
0x49: {  	_ =	shalt  }
0x4a: {  	_ =	shalt  }
0x4b: {  	_ =	shalt  }
0x4c: {  	_ =	shalt  }
0x4d: {  	_ =	shalt  }
0x4e: {  	_ =	shalt  }
0x4f: {  	_ =	shalt  }
0x50: {  	_ =	shalt  }
0x51: {  	_ =	shalt  }
0x52: {  	_ =	shalt  }
0x53: {  	_ =	shalt  }
0x54: {  	_ =	shalt  }
0x55: {  	_ =	shalt  }
0x56: {  	_ =	shalt  }
0x57: {  	_ =	shalt  }
0x58: {  	_ =	shalt  }
0x59: {  	_ =	shalt  }
0x5a: {  	_ =	shalt  }
0x5b: {  	_ =	shalt  }
0x5c: {  	_ =	shalt  }
0x5d: {  	_ =	shalt  }
0x5e: {  	_ =	shalt  }
0x5f: {  	_ =	shalt  }
0x60: {  	_ =	shalt  }
0x61: {  	_ =	shalt  }
0x62: {  	_ =	shalt  }
0x63: {  	_ =	shalt  }
0x64: {  	_ =	shalt  }
0x65: {  	_ =	shalt  }
0x66: {  	_ =	shalt  }
0x67: {  	_ =	shalt  }
0x68: {  	_ =	shalt  }
0x69: {  	_ =	shalt  }
0x6a: {  	_ =	shalt  }
0x6b: {  	_ =	shalt  }
0x6c: {  	_ =	shalt  }
0x6d: {  	_ =	shalt  }
0x6e: {  	_ =	shalt  }
0x6f: {  	_ =	shalt  }
0x70: {  	_ =	shalt  }
0x71: {  	_ =	shalt  }
0x72: {  	_ =	shalt  }
0x73: {  	_ =	shalt  }
0x74: {  	_ =	shalt  }
0x75: {  	_ =	shalt  }
0x76: {  	_ =	shalt  }
0x77: {  	_ =	shalt  }
0x78: {  	_ =	shalt  }
0x79: {  	_ =	shalt  }
0x7a: {  	_ =	shalt  }
0x7b: {  	_ =	shalt  }
0x7c: {  	_ =	shalt  }
0x7d: {  	_ =	shalt  }
0x7e: {  	_ =	shalt  }
0x7f: {  	_ =	shalt  }
0x80: {  	_ =	shalt  }
0x81: {  	_ =	shalt  }
0x82: {  	_ =	shalt  }
0x83: {  	_ =	shalt  }
0x84: {  	_ =	shalt  }
0x85: {  	_ =	shalt  }
0x86: {  	_ =	shalt  }
0x87: {  	_ =	shalt  }
.Lfunc_end0:
.L_simem_size_0:
called_computation.1_lowered:
.L_overlay_start_0:
0x88: {  	s2 =	sld [smem:$0x3FD9]  }
0x89: {  	s3 =	sld [smem:$0x3FFE];
	_ =	sdelay $0x1  }
0x8a: {  	s1 =	srdreg.scid  }
0x8b: {  	s0 =	sand.u32 $0x1, s1  }
0x8c: {  	s17 =	sshll.u32 s0, $0xA;
	s2 =	sadd.s32 s3, s2  }
0x8d: {  	s2 =	sadd.s32 s2, s17  }
0x8e: {  	[smem:$0x3FC2] =	sst s2  }
0x8f: {  	_ = 	snop  }
0x90: {  	s2 =	sld [smem:$0x3FD0];
	(tm) =	ssettm $0x1  }
0x91: {  	s18 =	sld [smem:$0x3FFB];
	_ =	sdelay $0x3  }
0x92: {  	_ =	strace s18  }
0x93: {  	s3 =	sld [smem:$0x3FFC];
	_ =	sdelay $0x3  }
0x94: {  	_ =	strace s3  }
0x95: {  	s3 =	sld [smem:$0x3FFD];
	_ =	sdelay $0x3  }
0x96: {  	_ =	strace s3  }
0x97: {  	_ =	strace $0x8FFFFFFF  }
0x98: {  	s19 =	sld [smem:$0x3FDB];
	_ =	sdelay $0x1  }
0x99: {  	s4 =	simm.s32 $_scs_section_size  }
0x9a: {  	s5 =	simm.s32 $_size__tile_overlayer_lowered;
	s6 =	simm.s32 $_tile_overlayer_lowered  }
0x9b: {  	s22 =	simm.s32 $0x1BFF;
	s21 =	sshll.u32 s6, $0x1;
	s3 =	sadd.s32 s4, s19  }
0x9c: {  	s7 =	simm.s32 $0x0;
	s20 =	sshll.u32 s5, $0x1;
	s5 =	sadd.s32 s21, s3  }
0x9d: {  	[timem:s7], [sflag:s22] =	dma.local [hbm:s5], s20  }
0x9e: {  	_ =	swait.ge [sflag:s22], s20  }
0x9f: {  	s4 =	ssub.s32 $0x0, s20;
	[sflag:s22] =	ssyncset.done $0x0  }
0xa0: {  	[sflag:s22] =	ssyncadd.s32 s4;
	_ =	sdelay $0x1  }
0xa1: {  	s23 =	simm.s32 $0x1B8B  }
0xa2: {  	_ =	swait.ge [sflag:s23], $0x1  }
0xa3: {  	[sflag:s23] =	ssyncset.done $0x0  }
0xa4: {  	s25 =	simm.s32 $0x1B8E;
	s24 =	sld [smem:$0x3FFE];
	[sflag:s23] =	ssyncadd.s32 $0xFFFFFFFF  }
0xa5: {  	s26 =	simm.s32 $execute0_lowered;
	[smem:$0x3FD2] =	sst s25  }
0xa6: {  	s5 =	sshll.u32 s26, $0x1;
	_ =	strace $0x80000049;
	[dreg:$0x1] =	wrdreg $0xFFFFFFFF  }
0xa7: {  	s28 =	simm.s32 $_size_execute0_lowered;
	s3 =	sadd.s32 s3, s5;
	[dreg:$0x0] =	wrdreg $0x0  }
0xa8: {  	s5 =	sshll.u32 s28, $0x1;
	[dreg:$0x2] =	wrdreg s3  }
0xa9: {  	[dreg:$0x3] =	wrdreg s5  }
0xaa: {  	[dreg:$0x4] =	wrdreg $0xC0  }
0xab: {  	_ =	task [dreg:s7], $0x5FFFF  }
0xac: {  	[dreg:$0x1] =	wrdreg $0xFFFFFFFF  }
0xad: {  	[dreg:$0x0] =	wrdreg $0x60  }
0xae: {  	[dreg:$0x2] =	wrdreg s24  }
0xaf: {  	[dreg:$0x3] =	wrdreg s2  }
0xb0: {  	[dreg:$0x4] =	wrdreg $0x0  }
0xb1: {  	[dreg:$0x5] =	wrdreg $0x9  }
0xb2: {  	_ =	task.clear_ibuf [dreg:s7], $0x6FFFF;
	_ =	strace $0x90000049  }
0xb3: {  	s29 =	simm.s32 $0x9;
	_ =	strace $0x8000004B  }
0xb4: {  	_ =	swait.ge [sflag:s29], $0x1  }
0xb5: {  	[sflag:s29] =	ssyncadd.s32 $0xFFFFFFFF  }
0xb6: {  	_ =	strace $0x9000004B  }
0xb7: {  	_ =	sfence  }
0xb8: {  	s30 =	sld [smem:$0x0];
	_ =	sdelay $0x2  }
0xb9: {  	s31 =	sshll.u32 s1, $0xD;
	s1 =	sshrl.u32 s1, $0x2  }
0xba: {  	s3 =	sand.u32 $0x4000, s31;
	s1 =	sadd.s32 s1, s30  }
0xbb: {  	s0 =	sor.u32 s3, s0;
	s1 =	sshll.u32 s1, $0x11  }
0xbc: {  	s0 =	sor.u32 s1, s0  }
0xbd: {  	s0 =	sadd.s32 $0x8F2B, s0  }
0xbe: {  	[sflag:s0] =	ssyncadd.remote.s32 $0x1  }
0xbf: {  	_ =	sfence.sel $0xFFFF  }
0xc0: {  	[dreg:$0x0] =	wrdreg $0xFFFFFFFF;
	(pc) =	sbr.abs _section_cstart, $3  }
0xc1: {  	[dreg:$0x1] =	wrdreg $0xFFFFFFFF  }
0xc2: {  	_ =	task.clear_ibuf [dreg:s7], $0x2FFFF;
	_ =	strace $0x9FFFFFFF  }
0xc3: {  	(tm) =	ssettm $0x7FFFFFFF  }
tec
execute0_lowered:
.L_overlay_start_1:
0x0: {  	(tag) =	ssettag $0x1  }
0x1: {  	s0 =	rddreg [dreg:$0x0]  }
0x2: {  	s1 =	rddreg [dreg:$0x1]  }
0x3: {  	s2 =	rddreg [dreg:$0x2]  }
0x4: {  	s13 =	stileid.u32;
	s26 =	simm.s32 $0x0;
	s4 =	srdreg.scid  }
0x5: {  	s29 =	simm.s32 $0x14480;
	s31 =	simm.s32 $0x50;
	s5 =	smul.u32 $0x14000, s13  }
0x6: {  	[smem:$0x7FF] =	sst s26;
	s6 =	sand.u32 $0x1, s4;
	s4 =	sadd.s32 $0x26A00, s0  }
0x7: {  	s9 =	sadd.s32 $0x16A00, s0;
	s14 =	sshll.u32 s13, $0xF;
	s12 =	smul.u32 $0x50000, s13  }
0x8: {  	s25 =	sshll.u32 s13, $0x6;
	_ =	strace $0x8000004A;
	s8 =	smul.u32 $0x140000, s6  }
0x9: {  	s10 =	sshll.u32 s6, $0xE;
	s6 =	ssub.s32 $0x2, s6;
	s13 =	sor.u32 $0x1C11, s25  }
0xa: {  	s25 =	simm.s32 $0xB;
	s7 =	sshrl.u32 s5, $0x3;
	s15 =	sshrl.u32 s6, $0x1  }
0xb: {  	s20 =	sshrl.u32 s12, $0x2;
	s12 =	simm.s32 $0x4;
	[dreg:$0xe] =	wrdreg s13  }
0xc: {  	s7 =	sadd.s32 s7, s0;
	s5 =	sadd.s32 s5, s8;
	s8 =	sor.u32 s10, s14  }
0xd: {  	s23 =	sadd.s32 s20, s2;
	s20 =	simm.s32 $0x14100;
	s5 =	sshrl.u32 s5, $0x3  }
0xe: {  	s10 =	sshrl.u32 s8, $0x3;
	[dreg:$0xc] =	wrdreg s23;
	s24 =	sadd.s32 $0x4EA00, s7  }
0xf: {  	s28 =	sor.u32 $0x400, s8;
	s23 =	simm.s32 $0x14400;
	s0 =	sadd.s32 s5, s0  }
0x10: {  	s5 =	ssub.s32 s6, s15;
	s15 =	sadd.s32 s10, s1;
	s16 =	sor.u32 $0x10, s10  }
0x11: {  	s21 =	sadd.s32 s10, s9;
	[dreg:$0xd] =	wrdreg s24;
	s14 =	sadd.s32 s1, s16  }
0x12: {  	s11 =	sor.u32 $0x20, s10;
	s6 =	sadd.s32 s9, s16;
	[dreg:$0x6] =	wrdreg s14  }
0x13: {  	s19 =	sor.u32 $0x30, s10;
	s17 =	sadd.s32 s1, s11;
	[dreg:$0x7] =	wrdreg s6  }
0x14: {  	s30 =	sshrl.u32 s28, $0x3;
	s18 =	sadd.s32 s9, s11;
	[dreg:$0x8] =	wrdreg s17  }
0x15: {  	s10 =	simm.s32 $0x3;
	s22 =	sadd.s32 s1, s19;
	[dreg:$0x9] =	wrdreg s18  }
0x16: {  	s24 =	simm.s32 $0x14780;
	s0 =	sadd.s32 $0x76A00, s0;
	[dreg:$0xa] =	wrdreg s22  }
0x17: {  	s5 =	smax.u32 s5, $0x1;
	s1 =	sadd.s32 s30, s1;
	[dreg:$0xf] =	wrdreg s0  }
0x18: {  	s11 =	simm.s32 $0x9;
	s6 =	sadd.s32 s9, s19;
	[dreg:$0x10] =	wrdreg s5  }
0x19: {  	[dreg:$0x4] =	wrdreg s1;
	s0 =	sadd.s32 s30, s9;
	s17 =	simm.s32 $0x14500  }
0x1a: {  	s18 =	simm.s32 $0x19800;
	s14 =	simm.s32 $0xA;
	[dreg:$0xb] =	wrdreg s6  }
0x1b: {  	s5 =	simm.s32 $0x7;
	[dreg:$0x5] =	wrdreg s0;
	s6 =	simm.s32 $0x0  }
.LBB2_1:
0x1c: {  	[dreg:$0x11] =	wrdreg s6  }
0x1d: {  	s9 =	simm.s32 $0x14000;
	s0 =	rddreg [dreg:$0x6]  }
0x1e: {  	[tilespmem:s9], [sflag:$0x1] =	stream.linear.gather [hbm4b:s15+s26], $0x80, $0x38;
	[tilespmem:$0x1E800] =	vst v63  }
0x1f: {  	s30 =	rddreg [dreg:$0x7]  }
0x20: {  	[tilespmem:s23], [sflag:$0x1] =	stream.linear.gather [hbm4b:s21+s26], $0x80, $0x38;
	[tilespmem:$0x1E800] =	vst v63  }
0x21: {  	s1 =	simm.s32 $0x14080;
	s2 =	rddreg [dreg:$0x8]  }
0x22: {  	[tilespmem:s1], [sflag:$0x2] =	stream.linear.gather [hbm4b:s0+s26], $0x80, $0x38;
	[tilespmem:$0x1E800] =	vst v63  }
0x23: {  	s3 =	rddreg [dreg:$0x9]  }
0x24: {  	[tilespmem:s29], [sflag:$0x2] =	stream.linear.gather [hbm4b:s30+s26], $0x80, $0x38;
	[tilespmem:$0x1E800] =	vst v63  }
0x25: {  	s6 =	rddreg [dreg:$0xa]  }
0x26: {  	[tilespmem:s20], [sflag:$0x3] =	stream.linear.gather [hbm4b:s2+s26], $0x80, $0x38;
	[tilespmem:$0x1E800] =	vst v63  }
0x27: {  	s8 =	rddreg [dreg:$0xb]  }
0x28: {  	[tilespmem:s17], [sflag:$0x3] =	stream.linear.gather [hbm4b:s3+s26], $0x80, $0x38;
	[tilespmem:$0x1E800] =	vst v63  }
0x29: {  	s17 =	rddreg [dreg:$0xc]  }
0x2a: {  	s28 =	simm.s32 $0x14180;
	s22 =	rddreg [dreg:$0xd];
	s19 =	sshrl.u32 s17, $0x3  }
0x2b: {  	[tilespmem:s28], [sflag:$0x4] =	stream.linear.gather [hbm4b:s6+s26], $0x80, $0x38;
	[tilespmem:$0x1E800] =	vst v63  }
0x2c: {  	s7 =	simm.s32 $0x11;
	s16 =	simm.s32 $0x14580;
	[dreg:$0x12] =	wrdreg s19  }
0x2d: {  	[tilespmem:s16], [sflag:$0x4] =	stream.linear.gather [hbm4b:s8+s26], $0x80, $0x38;
	[tilespmem:$0x1E800] =	vst v63  }
0x2e: {  	[spmem:s19], [sflag:s13] =	dma.local [hbm:s22], $0x2800  }
0x2f: {  	_ =	swait.ge [sflag:s7], $0x2800  }
0x30: {  	[sflag:s7] =	ssyncset.done $0x0  }
0x31: {  	s30 =	simm.s32 $0x1;
	[sflag:s7] =	ssyncadd.s32 $0xFFFFD800  }
0x32: {  	_ =	swait.ge [sflag:s30], $0x80  }
0x33: {  	[sflag:s30] =	ssyncset.done $0x0  }
0x34: {  	[sflag:s30] =	ssyncadd.s32 $0xFFFFFF80  }
0x35: {  	_ =	swait.ge [sflag:s30], $0x80  }
0x36: {  	[sflag:s30] =	ssyncset.done $0x0  }
0x37: {  	s2 =	simm.s32 $0x2;
	s6 =	simm.s32 $0x14800;
	[sflag:s30] =	ssyncadd.s32 $0xFFFFFF80  }
0x38: {  	[tilespmem:s6], [sflag:$0x9] =	stream.indirect.gather [hbm4b:s4+s31], $0x80, s9, s31, $0xb8;
	[tilespmem:$0x1E800] =	vst v63  }
0x39: {  	_ =	swait.ge [sflag:s2], $0x80  }
0x3a: {  	[sflag:s2] =	ssyncset.done $0x0  }
0x3b: {  	[sflag:s2] =	ssyncadd.s32 $0xFFFFFF80  }
0x3c: {  	_ =	swait.ge [sflag:s2], $0x80  }
0x3d: {  	p0 =	por $0x1, $0x1;
	s0 =	simm.s32 $0x14200;
	[sflag:s2] =	ssyncset.done $0x0  }
0x3e: {  	s7 =	simm.s32 $0x17000;
	s9 =	sadd.s32 $0x0, s15;
	[sflag:s2] =	ssyncadd.s32 $0xFFFFFF80  }
0x3f: {  	[tilespmem:s7], [sflag:$0xA] =	stream.indirect.gather [hbm4b:s4+s31], $0x80, s1, s31, $0xb8;
	[tilespmem:$0x1E800] =	vst v63  }
0x40: {  	s17 =	sadd.s32 $0x0, s21;
	s3 =	sadd.s32 $0x40, s9;
	[bflag:$0x0] =	sbarrier.arrive $0xFFFF  }
0x41: {  	[tilespmem:s0], [sflag:$0x5] =	stream.linear.gather [hbm4b:s3+s26], $0x80, $0x38;
	[tilespmem:$0x1E800] =	vst v63  }
0x42: {  	s8 =	sadd.s32 $0x40, s17;
	s13 =	simm.s32 @!p0 $0xF;
	s30 =	simm.s32 $0x14600  }
0x43: {  	[tilespmem:s30], [sflag:$0x5] =	stream.linear.gather [hbm4b:s8+s26], $0x80, $0x38;
	[tilespmem:$0x1E800] =	vst v63  }
0x44: {  	_ =	swait.ge @!p0 [sflag:s13], $0x2800  }
0x45: {  	[sflag:s13] =	ssyncset.done @!p0 $0x0  }
0x46: {  	[sflag:s13] =	ssyncadd.s32 @!p0 $0xFFFFD800  }
0x47: {  	_ =	swait.ge [sflag:s10], $0x80  }
0x48: {  	[sflag:s10] =	ssyncset.done $0x0  }
0x49: {  	[sflag:s10] =	ssyncadd.s32 $0xFFFFFF80  }
0x4a: {  	_ =	swait.ge [sflag:s10], $0x80  }
0x4b: {  	[sflag:s10] =	ssyncset.done $0x0  }
0x4c: {  	[sflag:s10] =	ssyncadd.s32 $0xFFFFFF80  }
0x4d: {  	[tilespmem:s18], [sflag:$0xB] =	stream.indirect.gather [hbm4b:s4+s31], $0x80, s20, s31, $0xb8;
	[tilespmem:$0x1E800] =	vst v63  }
0x4e: {  	_ =	swait.ge [sflag:s11], $0x2800  }
0x4f: {  	[sflag:s11] =	ssyncset.done $0x0  }
0x50: {  	[sflag:s11] =	ssyncadd.s32 $0xFFFFD800  }
0x51: {  	s3 =	rddreg [dreg:$0x2]  }
0x52: {  	[spmem:s3] =	stream.indirect.scatter.add.f32 [tilespmem:s6], [sflag:$0xD], $0x80, s23, s31, $0xb8;
	[tilespmem:$0x1E800] =	vst v63  }
0x53: {  	s10 =	sadd.s32 $0x50, s9;
	s18 =	simm.s32 $0x14280  }
0x54: {  	[tilespmem:s18], [sflag:$0x6] =	stream.linear.gather [hbm4b:s10+s26], $0x80, $0x38;
	[tilespmem:$0x1E800] =	vst v63  }
0x55: {  	s19 =	sadd.s32 $0x50, s17;
	s22 =	simm.s32 $0x14680;
	s20 =	simm.s32 @!p0 $0x10  }
0x56: {  	[tilespmem:s22], [sflag:$0x6] =	stream.linear.gather [hbm4b:s19+s26], $0x80, $0x38;
	[tilespmem:$0x1E800] =	vst v63  }
0x57: {  	_ =	swait.ge @!p0 [sflag:s20], $0x2800  }
0x58: {  	[sflag:s20] =	ssyncset.done @!p0 $0x0  }
0x59: {  	[sflag:s20] =	ssyncadd.s32 @!p0 $0xFFFFD800  }
0x5a: {  	_ =	swait.ge [sflag:s12], $0x80  }
0x5b: {  	[sflag:s12] =	ssyncset.done $0x0  }
0x5c: {  	[sflag:s12] =	ssyncadd.s32 $0xFFFFFF80  }
0x5d: {  	_ =	swait.ge [sflag:s12], $0x80  }
0x5e: {  	[sflag:s12] =	ssyncset.done $0x0  }
0x5f: {  	s19 =	simm.s32 $0x1C000;
	[sflag:s12] =	ssyncadd.s32 $0xFFFFFF80  }
0x60: {  	[tilespmem:s19], [sflag:$0xC] =	stream.indirect.gather [hbm4b:s4+s31], $0x80, s28, s31, $0xb8;
	[tilespmem:$0x1E800] =	vst v63  }
0x61: {  	_ =	swait.ge [sflag:s14], $0x2800  }
0x62: {  	[sflag:s14] =	ssyncset.done $0x0  }
0x63: {  	[sflag:s14] =	ssyncadd.s32 $0xFFFFD800  }
0x64: {  	[spmem:s3] =	stream.indirect.scatter.add.f32 [tilespmem:s7], [sflag:$0xE], $0x80, s29, s31, $0xb8;
	[tilespmem:$0x1E800] =	vst v63  }
0x65: {  	s10 =	simm.s32 $0x14300;
	s20 =	sadd.s32 $0x60, s9  }
0x66: {  	[tilespmem:s10], [sflag:$0x7] =	stream.linear.gather [hbm4b:s20+s26], $0x80, $0x38;
	[tilespmem:$0x1E800] =	vst v63  }
0x67: {  	s8 =	simm.s32 $0x14700;
	s28 =	sadd.s32 $0x60, s17;
	s29 =	simm.s32 $0xD  }
0x68: {  	[tilespmem:s8], [sflag:$0x7] =	stream.linear.gather [hbm4b:s28+s26], $0x80, $0x38;
	[tilespmem:$0x1E800] =	vst v63  }
0x69: {  	_ =	swait.ge [sflag:s29], $0x2800  }
0x6a: {  	[sflag:s29] =	ssyncset.done $0x0  }
0x6b: {  	s12 =	simm.s32 $0x5;
	[sflag:s29] =	ssyncadd.s32 $0xFFFFD800  }
0x6c: {  	_ =	swait.ge [sflag:s12], $0x80  }
0x6d: {  	[sflag:s12] =	ssyncset.done $0x0  }
0x6e: {  	[sflag:s12] =	ssyncadd.s32 $0xFFFFFF80  }
0x6f: {  	_ =	swait.ge [sflag:s12], $0x80  }
0x70: {  	[sflag:s12] =	ssyncset.done $0x0  }
0x71: {  	[sflag:s12] =	ssyncadd.s32 $0xFFFFFF80  }
0x72: {  	[tilespmem:s6], [sflag:$0x9] =	stream.indirect.gather [hbm4b:s4+s31], $0x80, s0, s31, $0xb8;
	[tilespmem:$0x1E800] =	vst v63  }
0x73: {  	_ =	swait.ge [sflag:s25], $0x2800  }
0x74: {  	[sflag:s25] =	ssyncset.done $0x0  }
0x75: {  	s13 =	simm.s32 $0x14500;
	s11 =	simm.s32 $0x19800;
	[sflag:s25] =	ssyncadd.s32 $0xFFFFD800  }
0x76: {  	[spmem:s3] =	stream.indirect.scatter.add.f32 [tilespmem:s11], [sflag:$0xF], $0x80, s13, s31, $0xb8;
	[tilespmem:$0x1E800] =	vst v63  }
0x77: {  	s9 =	sadd.s32 $0x70, s9;
	s11 =	simm.s32 $0x14380  }
0x78: {  	[tilespmem:s11], [sflag:$0x8] =	stream.linear.gather [hbm4b:s9+s26], $0x80, $0x38;
	[tilespmem:$0x1E800] =	vst v63  }
0x79: {  	s20 =	sadd.s32 $0x70, s17  }
0x7a: {  	[tilespmem:s24], [sflag:$0x8] =	stream.linear.gather [hbm4b:s20+s26], $0x80, $0x38;
	[tilespmem:$0x1E800] =	vst v63  }
0x7b: {  	s26 =	simm.s32 $0xE  }
0x7c: {  	_ =	swait.ge [sflag:s26], $0x2800  }
0x7d: {  	[sflag:s26] =	ssyncset.done $0x0  }
0x7e: {  	[sflag:s26] =	ssyncadd.s32 $0xFFFFD800;
	s26 =	simm.s32 $0x6  }
0x7f: {  	_ =	swait.ge [sflag:s26], $0x80  }
0x80: {  	[sflag:s26] =	ssyncset.done $0x0  }
0x81: {  	[sflag:s26] =	ssyncadd.s32 $0xFFFFFF80  }
0x82: {  	_ =	swait.ge [sflag:s26], $0x80  }
0x83: {  	[sflag:s26] =	ssyncset.done $0x0  }
0x84: {  	s28 =	simm.s32 $0xC;
	[sflag:s26] =	ssyncadd.s32 $0xFFFFFF80  }
0x85: {  	[tilespmem:s7], [sflag:$0xA] =	stream.indirect.gather [hbm4b:s4+s31], $0x80, s18, s31, $0xb8;
	[tilespmem:$0x1E800] =	vst v63  }
0x86: {  	_ =	swait.ge [sflag:s28], $0x2800  }
0x87: {  	p0 =	por $0x0, $0x0;
	[sflag:s28] =	ssyncset.done $0x0  }
0x88: {  	s17 =	simm.s32 @!p0 $0x14000;
	s24 =	rddreg [dreg:$0x4];
	[sflag:s28] =	ssyncadd.s32 $0xFFFFD800  }
0x89: {  	[spmem:s3] =	stream.indirect.scatter.add.f32 [tilespmem:s19], [sflag:$0x10], $0x80, s16, s31, $0xb8;
	[tilespmem:$0x1E800] =	vst v63  }
0x8a: {  	s13 =	simm.s32 @!p0 $0x0;
	s1 =	rddreg [dreg:$0x5];
	s9 =	sadd.s32 @!p0 $0x0, s24  }
0x8b: {  	[tilespmem:s17], [sflag:$0x1] =	stream.linear.gather @!p0 [hbm4b:s9+s13], $0x80, $0x38;
	[tilespmem:$0x1E800] =	vst v63  }
0x8c: {  	s29 =	simm.s32 $0xF;
	s20 =	simm.s32 @!p0 $0x14400;
	s17 =	sadd.s32 @!p0 $0x0, s1  }
0x8d: {  	[tilespmem:s20], [sflag:$0x1] =	stream.linear.gather @!p0 [hbm4b:s17+s13], $0x80, $0x38;
	[tilespmem:$0x1E800] =	vst v63  }
0x8e: {  	_ =	swait.ge [sflag:s29], $0x2800  }
0x8f: {  	[sflag:s29] =	ssyncset.done $0x0  }
0x90: {  	[sflag:s29] =	ssyncadd.s32 $0xFFFFD800  }
0x91: {  	_ =	swait.ge [sflag:s5], $0x80  }
0x92: {  	[sflag:s5] =	ssyncset.done $0x0  }
0x93: {  	[sflag:s5] =	ssyncadd.s32 $0xFFFFFF80  }
0x94: {  	_ =	swait.ge [sflag:s5], $0x80  }
0x95: {  	[sflag:s5] =	ssyncset.done $0x0  }
0x96: {  	s2 =	simm.s32 $0x9;
	s18 =	simm.s32 $0x19800;
	[sflag:s5] =	ssyncadd.s32 $0xFFFFFF80  }
0x97: {  	[tilespmem:s18], [sflag:$0xB] =	stream.indirect.gather [hbm4b:s4+s31], $0x80, s10, s31, $0xb8;
	[tilespmem:$0x1E800] =	vst v63  }
0x98: {  	_ =	swait.ge [sflag:s2], $0x2800  }
0x99: {  	[sflag:s2] =	ssyncset.done $0x0  }
0x9a: {  	[sflag:s2] =	ssyncadd.s32 $0xFFFFD800  }
0x9b: {  	[spmem:s3] =	stream.indirect.scatter.add.f32 [tilespmem:s6], [sflag:$0xD], $0x80, s30, s31, $0xb8;
	[tilespmem:$0x1E800] =	vst v63  }
0x9c: {  	s9 =	sadd.s32 @!p0 $0x10, s9;
	s20 =	simm.s32 @!p0 $0x14080  }
0x9d: {  	[tilespmem:s20], [sflag:$0x2] =	stream.linear.gather @!p0 [hbm4b:s9+s13], $0x80, $0x38;
	[tilespmem:$0x1E800] =	vst v63  }
0x9e: {  	s30 =	simm.s32 $0x10;
	s9 =	sadd.s32 @!p0 $0x10, s17;
	s17 =	simm.s32 @!p0 $0x14480  }
0x9f: {  	[tilespmem:s17], [sflag:$0x2] =	stream.linear.gather @!p0 [hbm4b:s9+s13], $0x80, $0x38;
	[tilespmem:$0x1E800] =	vst v63  }
0xa0: {  	_ =	swait.ge [sflag:s30], $0x2800  }
0xa1: {  	[sflag:s30] =	ssyncset.done $0x0  }
0xa2: {  	s2 =	simm.s32 $0x8;
	[sflag:s30] =	ssyncadd.s32 $0xFFFFD800  }
0xa3: {  	_ =	swait.ge [sflag:s2], $0x80  }
0xa4: {  	[sflag:s2] =	ssyncset.done $0x0  }
0xa5: {  	[sflag:s2] =	ssyncadd.s32 $0xFFFFFF80  }
0xa6: {  	_ =	swait.ge [sflag:s2], $0x80  }
0xa7: {  	[sflag:s2] =	ssyncset.done $0x0  }
0xa8: {  	s14 =	simm.s32 $0xA;
	[sflag:s2] =	ssyncadd.s32 $0xFFFFFF80  }
0xa9: {  	[tilespmem:s19], [sflag:$0xC] =	stream.indirect.gather [hbm4b:s4+s31], $0x80, s11, s31, $0xb8;
	[tilespmem:$0x1E800] =	vst v63  }
0xaa: {  	_ =	swait.ge [sflag:s14], $0x2800  }
0xab: {  	p1 =	por $0x1, $0x1;
	[sflag:s14] =	ssyncset.done $0x0  }
0xac: {  	s0 =	simm.s32 @p1 $0x0;
	s20 =	sadd.s32 @p1 $0x0, s24;
	[sflag:s14] =	ssyncadd.s32 $0xFFFFD800  }
0xad: {  	[spmem:s3] =	stream.indirect.scatter.add.f32 [tilespmem:s7], [sflag:$0xE], $0x80, s22, s31, $0xb8;
	[tilespmem:$0x1E800] =	vst v63  }
0xae: {  	s5 =	simm.s32 @p1 $0x14100;
	s17 =	sadd.s32 @p1 $0x20, s20;
	s13 =	sadd.s32 @p1 $0x0, s1  }
0xaf: {  	[tilespmem:s5], [sflag:$0x3] =	stream.linear.gather @p1 [hbm4b:s17+s0], $0x80, $0x38;
	[tilespmem:$0x1E800] =	vst v63  }
0xb0: {  	s1 =	simm.s32 @p1 $0x14500;
	s9 =	simm.s32 @p1 $0xD;
	s17 =	sadd.s32 @p1 $0x20, s13  }
0xb1: {  	[tilespmem:s1], [sflag:$0x3] =	stream.linear.gather @p1 [hbm4b:s17+s0], $0x80, $0x38;
	[tilespmem:$0x1E800] =	vst v63  }
0xb2: {  	_ =	swait.ge @p1 [sflag:s9], $0x2800  }
0xb3: {  	[sflag:s9] =	ssyncset.done @p1 $0x0  }
0xb4: {  	[sflag:s9] =	ssyncadd.s32 @p1 $0xFFFFD800;
	s9 =	simm.s32 @p1 $0x1  }
0xb5: {  	_ =	swait.ge @p1 [sflag:s9], $0x80  }
0xb6: {  	[sflag:s9] =	ssyncset.done @p1 $0x0  }
0xb7: {  	[sflag:s9] =	ssyncadd.s32 @p1 $0xFFFFFF80  }
0xb8: {  	_ =	swait.ge @p1 [sflag:s9], $0x80  }
0xb9: {  	s17 =	simm.s32 @p1 $0x14800;
	[sflag:s9] =	ssyncset.done @p1 $0x0  }
0xba: {  	s1 =	simm.s32 @p1 $0x50;
	[sflag:s9] =	ssyncadd.s32 @p1 $0xFFFFFF80;
	s9 =	simm.s32 @p1 $0x14000  }
0xbb: {  	[tilespmem:s17], [sflag:$0x9] =	stream.indirect.gather @p1 [hbm4b:s4+s1], $0x80, s9, s1, $0xb8;
	[tilespmem:$0x1E800] =	vst v63  }
0xbc: {  	s9 =	simm.s32 @!p1 $0xD  }
0xbd: {  	_ =	swait.ge @!p1 [sflag:s9], $0x2800  }
0xbe: {  	[sflag:s9] =	ssyncset.done @!p1 $0x0  }
0xbf: {  	[sflag:s9] =	ssyncadd.s32 @!p1 $0xFFFFD800  }
0xc0: {  	_ =	swait.ge [sflag:s25], $0x2800  }
0xc1: {  	[sflag:s25] =	ssyncset.done $0x0  }
0xc2: {  	[sflag:s25] =	ssyncadd.s32 $0xFFFFD800  }
0xc3: {  	[spmem:s3] =	stream.indirect.scatter.add.f32 [tilespmem:s18], [sflag:$0xF], $0x80, s8, s31, $0xb8;
	[tilespmem:$0x1E800] =	vst v63  }
0xc4: {  	s17 =	simm.s32 @p1 $0x14180;
	s9 =	sadd.s32 @p1 $0x30, s20  }
0xc5: {  	[tilespmem:s17], [sflag:$0x4] =	stream.linear.gather @p1 [hbm4b:s9+s0], $0x80, $0x38;
	[tilespmem:$0x1E800] =	vst v63  }
0xc6: {  	s9 =	sadd.s32 @p1 $0x30, s13;
	s13 =	simm.s32 @p1 $0x14580  }
0xc7: {  	[tilespmem:s13], [sflag:$0x4] =	stream.linear.gather @p1 [hbm4b:s9+s0], $0x80, $0x38;
	[tilespmem:$0x1E800] =	vst v63  }
0xc8: {  	s9 =	simm.s32 @p1 $0xE  }
0xc9: {  	_ =	swait.ge @p1 [sflag:s9], $0x2800  }
0xca: {  	[sflag:s9] =	ssyncset.done @p1 $0x0  }
0xcb: {  	[sflag:s9] =	ssyncadd.s32 @p1 $0xFFFFD800;
	s9 =	simm.s32 @p1 $0x2  }
0xcc: {  	_ =	swait.ge @p1 [sflag:s9], $0x80  }
0xcd: {  	[sflag:s9] =	ssyncset.done @p1 $0x0  }
0xce: {  	[sflag:s9] =	ssyncadd.s32 @p1 $0xFFFFFF80  }
0xcf: {  	_ =	swait.ge @p1 [sflag:s9], $0x80  }
0xd0: {  	s17 =	simm.s32 @!p1 $0xE;
	[sflag:s9] =	ssyncset.done @p1 $0x0  }
0xd1: {  	s13 =	simm.s32 @p1 $0x17000;
	[sflag:s9] =	ssyncadd.s32 @p1 $0xFFFFFF80;
	s9 =	simm.s32 @p1 $0x14080  }
0xd2: {  	[tilespmem:s13], [sflag:$0xA] =	stream.indirect.gather @p1 [hbm4b:s4+s1], $0x80, s9, s1, $0xb8;
	[tilespmem:$0x1E800] =	vst v63  }
0xd3: {  	s12 =	simm.s32 $0x0;
	s9 =	simm.s32 $0x80;
	_ =	swait.ge @!p1 [sflag:s17], $0x2800  }
.LBB2_2:
0xd4: {  	[sflag:s17] =	ssyncset.done @!p1 $0x0  }
0xd5: {  	s5 =	simm.s32 $0xC;
	[sflag:s17] =	ssyncadd.s32 @!p1 $0xFFFFD800  }
0xd6: {  	_ =	swait.ge [sflag:s5], $0x2800  }
0xd7: {  	s20 =	sadd.s32 s9, s15;
	s13 =	smov.u32 s9;
	[sflag:s5] =	ssyncset.done $0x0  }
0xd8: {  	s0 =	simm.s32 $0x14780;
	s19 =	simm.s32 $0x1C000;
	[sflag:s5] =	ssyncadd.s32 $0xFFFFD800  }
0xd9: {  	s7 =	smov.u32 s15;
	s24 =	simm.s32 $0x14200;
	s3 =	rddreg [dreg:$0x2]  }
0xda: {  	[spmem:s3] =	stream.indirect.scatter.add.f32 [tilespmem:s19], [sflag:$0x10], $0x80, s0, s31, $0xb8;
	[tilespmem:$0x1E800] =	vst v63  }
0xdb: {  	s29 =	sadd.s32 $0x40, s20;
	s17 =	sadd.s32 s13, s21;
	p1 =	seq.s32 s13, $0x0  }
0xdc: {  	[tilespmem:s24], [sflag:$0x5] =	stream.linear.gather [hbm4b:s29+s12], $0x80, $0x38;
	[tilespmem:$0x1E800] =	vst v63  }
0xdd: {  	s28 =	simm.s32 $0x14600;
	s30 =	sadd.s32 $0x40, s17;
	s15 =	simm.s32 @!p1 $0xF  }
0xde: {  	[tilespmem:s28], [sflag:$0x5] =	stream.linear.gather [hbm4b:s30+s12], $0x80, $0x38;
	[tilespmem:$0x1E800] =	vst v63  }
0xdf: {  	_ =	swait.ge @!p1 [sflag:s15], $0x2800  }
0xe0: {  	[sflag:s15] =	ssyncset.done @!p1 $0x0  }
0xe1: {  	s6 =	simm.s32 $0x3;
	[sflag:s15] =	ssyncadd.s32 @!p1 $0xFFFFD800  }
0xe2: {  	_ =	swait.ge [sflag:s6], $0x80  }
0xe3: {  	[sflag:s6] =	ssyncset.done $0x0  }
0xe4: {  	[sflag:s6] =	ssyncadd.s32 $0xFFFFFF80  }
0xe5: {  	_ =	swait.ge [sflag:s6], $0x80  }
0xe6: {  	[sflag:s6] =	ssyncset.done $0x0  }
0xe7: {  	s1 =	simm.s32 $0x14100;
	s16 =	simm.s32 $0x9;
	[sflag:s6] =	ssyncadd.s32 $0xFFFFFF80  }
0xe8: {  	[tilespmem:s18], [sflag:$0xB] =	stream.indirect.gather [hbm4b:s4+s31], $0x80, s1, s31, $0xb8;
	[tilespmem:$0x1E800] =	vst v63  }
0xe9: {  	_ =	swait.ge [sflag:s16], $0x2800  }
0xea: {  	[sflag:s16] =	ssyncset.done $0x0  }
0xeb: {  	s6 =	simm.s32 $0x14800;
	[sflag:s16] =	ssyncadd.s32 $0xFFFFD800  }
0xec: {  	[spmem:s3] =	stream.indirect.scatter.add.f32 [tilespmem:s6], [sflag:$0xD], $0x80, s23, s31, $0xb8;
	[tilespmem:$0x1E800] =	vst v63  }
0xed: {  	s11 =	simm.s32 $0x14680;
	s8 =	sadd.s32 $0x50, s20;
	s18 =	simm.s32 $0x14280  }
0xee: {  	[tilespmem:s18], [sflag:$0x6] =	stream.linear.gather [hbm4b:s8+s12], $0x80, $0x38;
	[tilespmem:$0x1E800] =	vst v63  }
0xef: {  	s10 =	sadd.s32 $0x50, s17;
	s29 =	smov.u32 s21;
	s21 =	simm.s32 @!p1 $0x10  }
0xf0: {  	[tilespmem:s11], [sflag:$0x6] =	stream.linear.gather [hbm4b:s10+s12], $0x80, $0x38;
	[tilespmem:$0x1E800] =	vst v63  }
0xf1: {  	_ =	swait.ge @!p1 [sflag:s21], $0x2800  }
0xf2: {  	[sflag:s21] =	ssyncset.done @!p1 $0x0  }
0xf3: {  	s8 =	simm.s32 $0x4;
	[sflag:s21] =	ssyncadd.s32 @!p1 $0xFFFFD800  }
0xf4: {  	_ =	swait.ge [sflag:s8], $0x80  }
0xf5: {  	[sflag:s8] =	ssyncset.done $0x0  }
0xf6: {  	[sflag:s8] =	ssyncadd.s32 $0xFFFFFF80  }
0xf7: {  	_ =	swait.ge [sflag:s8], $0x80  }
0xf8: {  	[sflag:s8] =	ssyncset.done $0x0  }
0xf9: {  	s14 =	simm.s32 $0x14180;
	[sflag:s8] =	ssyncadd.s32 $0xFFFFFF80  }
0xfa: {  	[tilespmem:s19], [sflag:$0xC] =	stream.indirect.gather [hbm4b:s4+s31], $0x80, s14, s31, $0xb8;
	[tilespmem:$0x1E800] =	vst v63  }
0xfb: {  	s14 =	simm.s32 $0xA  }
0xfc: {  	_ =	swait.ge [sflag:s14], $0x2800  }
0xfd: {  	[sflag:s14] =	ssyncset.done $0x0  }
0xfe: {  	s1 =	simm.s32 $0x14480;
	s23 =	simm.s32 $0x17000;
	[sflag:s14] =	ssyncadd.s32 $0xFFFFD800  }
0xff: {  	[spmem:s3] =	stream.indirect.scatter.add.f32 [tilespmem:s23], [sflag:$0xE], $0x80, s1, s31, $0xb8;
	[tilespmem:$0x1E800] =	vst v63  }
0x100: {  	s10 =	simm.s32 $0x14300;
	s21 =	sadd.s32 $0x60, s20  }
0x101: {  	[tilespmem:s10], [sflag:$0x7] =	stream.linear.gather [hbm4b:s21+s12], $0x80, $0x38;
	[tilespmem:$0x1E800] =	vst v63  }
0x102: {  	s30 =	sadd.s32 $0x60, s17;
	s8 =	simm.s32 $0x14700;
	s1 =	simm.s32 $0xD  }
0x103: {  	[tilespmem:s8], [sflag:$0x7] =	stream.linear.gather [hbm4b:s30+s12], $0x80, $0x38;
	[tilespmem:$0x1E800] =	vst v63  }
0x104: {  	_ =	swait.ge [sflag:s1], $0x2800  }
0x105: {  	[sflag:s1] =	ssyncset.done $0x0  }
0x106: {  	s21 =	simm.s32 $0x5;
	[sflag:s1] =	ssyncadd.s32 $0xFFFFD800  }
0x107: {  	_ =	swait.ge [sflag:s21], $0x80  }
0x108: {  	[sflag:s21] =	ssyncset.done $0x0  }
0x109: {  	[sflag:s21] =	ssyncadd.s32 $0xFFFFFF80  }
0x10a: {  	_ =	swait.ge [sflag:s21], $0x80  }
0x10b: {  	[sflag:s21] =	ssyncset.done $0x0  }
0x10c: {  	[sflag:s21] =	ssyncadd.s32 $0xFFFFFF80  }
0x10d: {  	[tilespmem:s6], [sflag:$0x9] =	stream.indirect.gather [hbm4b:s4+s31], $0x80, s24, s31, $0xb8;
	[tilespmem:$0x1E800] =	vst v63  }
0x10e: {  	_ =	swait.ge [sflag:s25], $0x2800  }
0x10f: {  	[sflag:s25] =	ssyncset.done $0x0  }
0x110: {  	s22 =	simm.s32 $0x19800;
	s24 =	simm.s32 $0x14500;
	[sflag:s25] =	ssyncadd.s32 $0xFFFFD800  }
0x111: {  	[spmem:s3] =	stream.indirect.scatter.add.f32 [tilespmem:s22], [sflag:$0xF], $0x80, s24, s31, $0xb8;
	[tilespmem:$0x1E800] =	vst v63  }
0x112: {  	s30 =	sadd.s32 $0x70, s20;
	s22 =	simm.s32 $0x14380  }
0x113: {  	[tilespmem:s22], [sflag:$0x8] =	stream.linear.gather [hbm4b:s30+s12], $0x80, $0x38;
	[tilespmem:$0x1E800] =	vst v63  }
0x114: {  	s1 =	sadd.s32 $0x70, s17;
	s17 =	simm.s32 $0xE  }
0x115: {  	[tilespmem:s0], [sflag:$0x8] =	stream.linear.gather [hbm4b:s1+s12], $0x80, $0x38;
	[tilespmem:$0x1E800] =	vst v63  }
0x116: {  	_ =	swait.ge [sflag:s17], $0x2800  }
0x117: {  	[sflag:s17] =	ssyncset.done $0x0  }
0x118: {  	[sflag:s17] =	ssyncadd.s32 $0xFFFFD800  }
0x119: {  	_ =	swait.ge [sflag:s26], $0x80  }
0x11a: {  	[sflag:s26] =	ssyncset.done $0x0  }
0x11b: {  	[sflag:s26] =	ssyncadd.s32 $0xFFFFFF80  }
0x11c: {  	_ =	swait.ge [sflag:s26], $0x80  }
0x11d: {  	[sflag:s26] =	ssyncset.done $0x0  }
0x11e: {  	[sflag:s26] =	ssyncadd.s32 $0xFFFFFF80  }
0x11f: {  	[tilespmem:s23], [sflag:$0xA] =	stream.indirect.gather [hbm4b:s4+s31], $0x80, s18, s31, $0xb8;
	[tilespmem:$0x1E800] =	vst v63  }
0x120: {  	_ =	swait.ge [sflag:s5], $0x2800  }
0x121: {  	p1 =	seq.s32 s13, $0x780;
	s20 =	simm.s32 $0x14580;
	[sflag:s5] =	ssyncset.done $0x0  }
0x122: {  	s17 =	simm.s32 @!p1 $0x0;
	s30 =	rddreg [dreg:$0x4];
	[sflag:s5] =	ssyncadd.s32 $0xFFFFD800  }
0x123: {  	[spmem:s3] =	stream.indirect.scatter.add.f32 [tilespmem:s19], [sflag:$0x10], $0x80, s20, s31, $0xb8;
	[tilespmem:$0x1E800] =	vst v63  }
0x124: {  	s1 =	rddreg [dreg:$0x5];
	s15 =	sadd.s32 @!p1 s13, s30;
	s20 =	simm.s32 @!p1 $0x14000  }
0x125: {  	[tilespmem:s20], [sflag:$0x1] =	stream.linear.gather @!p1 [hbm4b:s15+s17], $0x80, $0x38;
	[tilespmem:$0x1E800] =	vst v63  }
0x126: {  	s21 =	simm.s32 @!p1 $0x14400;
	s20 =	sadd.s32 @!p1 s13, s1  }
0x127: {  	[tilespmem:s21], [sflag:$0x1] =	stream.linear.gather @!p1 [hbm4b:s20+s17], $0x80, $0x38;
	[tilespmem:$0x1E800] =	vst v63  }
0x128: {  	s21 =	simm.s32 $0xF  }
0x129: {  	_ =	swait.ge [sflag:s21], $0x2800  }
0x12a: {  	[sflag:s21] =	ssyncset.done $0x0  }
0x12b: {  	s5 =	simm.s32 $0x7;
	[sflag:s21] =	ssyncadd.s32 $0xFFFFD800  }
0x12c: {  	_ =	swait.ge [sflag:s5], $0x80  }
0x12d: {  	[sflag:s5] =	ssyncset.done $0x0  }
0x12e: {  	[sflag:s5] =	ssyncadd.s32 $0xFFFFFF80  }
0x12f: {  	_ =	swait.ge [sflag:s5], $0x80  }
0x130: {  	[sflag:s5] =	ssyncset.done $0x0  }
0x131: {  	s18 =	simm.s32 $0x19800;
	[sflag:s5] =	ssyncadd.s32 $0xFFFFFF80  }
0x132: {  	[tilespmem:s18], [sflag:$0xB] =	stream.indirect.gather [hbm4b:s4+s31], $0x80, s10, s31, $0xb8;
	[tilespmem:$0x1E800] =	vst v63  }
0x133: {  	_ =	swait.ge [sflag:s16], $0x2800  }
0x134: {  	[sflag:s16] =	ssyncset.done $0x0  }
0x135: {  	[sflag:s16] =	ssyncadd.s32 $0xFFFFD800  }
0x136: {  	[spmem:s3] =	stream.indirect.scatter.add.f32 [tilespmem:s6], [sflag:$0xD], $0x80, s28, s31, $0xb8;
	[tilespmem:$0x1E800] =	vst v63  }
0x137: {  	s15 =	sadd.s32 @!p1 $0x10, s15;
	s21 =	simm.s32 @!p1 $0x14080  }
0x138: {  	[tilespmem:s21], [sflag:$0x2] =	stream.linear.gather @!p1 [hbm4b:s15+s17], $0x80, $0x38;
	[tilespmem:$0x1E800] =	vst v63  }
0x139: {  	s20 =	sadd.s32 @!p1 $0x10, s20;
	s28 =	simm.s32 $0x10;
	s15 =	simm.s32 @!p1 $0x14480  }
0x13a: {  	[tilespmem:s15], [sflag:$0x2] =	stream.linear.gather @!p1 [hbm4b:s20+s17], $0x80, $0x38;
	[tilespmem:$0x1E800] =	vst v63  }
0x13b: {  	_ =	swait.ge [sflag:s28], $0x2800  }
0x13c: {  	[sflag:s28] =	ssyncset.done $0x0  }
0x13d: {  	[sflag:s28] =	ssyncadd.s32 $0xFFFFD800  }
0x13e: {  	_ =	swait.ge [sflag:s2], $0x80  }
0x13f: {  	[sflag:s2] =	ssyncset.done $0x0  }
0x140: {  	[sflag:s2] =	ssyncadd.s32 $0xFFFFFF80  }
0x141: {  	_ =	swait.ge [sflag:s2], $0x80  }
0x142: {  	[sflag:s2] =	ssyncset.done $0x0  }
0x143: {  	[sflag:s2] =	ssyncadd.s32 $0xFFFFFF80  }
0x144: {  	[tilespmem:s19], [sflag:$0xC] =	stream.indirect.gather [hbm4b:s4+s31], $0x80, s22, s31, $0xb8;
	[tilespmem:$0x1E800] =	vst v63  }
0x145: {  	_ =	swait.ge [sflag:s14], $0x2800  }
0x146: {  	p1 =	sne.s32 s13, $0x780;
	[sflag:s14] =	ssyncset.done $0x0  }
0x147: {  	s15 =	sadd.s32 @p1 s13, s30;
	s17 =	simm.s32 @p1 $0x0;
	[sflag:s14] =	ssyncadd.s32 $0xFFFFD800  }
0x148: {  	[spmem:s3] =	stream.indirect.scatter.add.f32 [tilespmem:s23], [sflag:$0xE], $0x80, s11, s31, $0xb8;
	[tilespmem:$0x1E800] =	vst v63  }
0x149: {  	s21 =	simm.s32 @p1 $0x14100;
	s13 =	sadd.s32 @p1 s13, s1;
	s20 =	sadd.s32 @p1 $0x20, s15  }
0x14a: {  	[tilespmem:s21], [sflag:$0x3] =	stream.linear.gather @p1 [hbm4b:s20+s17], $0x80, $0x38;
	[tilespmem:$0x1E800] =	vst v63  }
0x14b: {  	s23 =	sadd.s32 @p1 $0x20, s13;
	s20 =	simm.s32 @p1 $0x14500;
	s21 =	simm.s32 @p1 $0xD  }
0x14c: {  	[tilespmem:s20], [sflag:$0x3] =	stream.linear.gather @p1 [hbm4b:s23+s17], $0x80, $0x38;
	[tilespmem:$0x1E800] =	vst v63  }
0x14d: {  	_ =	swait.ge @p1 [sflag:s21], $0x2800  }
0x14e: {  	[sflag:s21] =	ssyncset.done @p1 $0x0  }
0x14f: {  	s20 =	simm.s32 @p1 $0x1;
	[sflag:s21] =	ssyncadd.s32 @p1 $0xFFFFD800  }
0x150: {  	_ =	swait.ge @p1 [sflag:s20], $0x80  }
0x151: {  	[sflag:s20] =	ssyncset.done @p1 $0x0  }
0x152: {  	[sflag:s20] =	ssyncadd.s32 @p1 $0xFFFFFF80  }
0x153: {  	_ =	swait.ge @p1 [sflag:s20], $0x80  }
0x154: {  	s0 =	simm.s32 @p1 $0x14000;
	s23 =	simm.s32 @!p1 $0xD;
	[sflag:s20] =	ssyncset.done @p1 $0x0  }
0x155: {  	s21 =	simm.s32 @p1 $0x14800;
	[sflag:s20] =	ssyncadd.s32 @p1 $0xFFFFFF80;
	s20 =	simm.s32 @p1 $0x50  }
0x156: {  	[tilespmem:s21], [sflag:$0x9] =	stream.indirect.gather @p1 [hbm4b:s4+s20], $0x80, s0, s20, $0xb8;
	[tilespmem:$0x1E800] =	vst v63  }
0x157: {  	_ =	swait.ge @!p1 [sflag:s23], $0x2800  }
0x158: {  	[sflag:s23] =	ssyncset.done @!p1 $0x0  }
0x159: {  	[sflag:s23] =	ssyncadd.s32 @!p1 $0xFFFFD800  }
0x15a: {  	_ =	swait.ge [sflag:s25], $0x2800  }
0x15b: {  	[sflag:s25] =	ssyncset.done $0x0  }
0x15c: {  	[sflag:s25] =	ssyncadd.s32 $0xFFFFD800  }
0x15d: {  	[spmem:s3] =	stream.indirect.scatter.add.f32 [tilespmem:s18], [sflag:$0xF], $0x80, s8, s31, $0xb8;
	[tilespmem:$0x1E800] =	vst v63  }
0x15e: {  	s0 =	sadd.s32 @p1 $0x30, s15;
	s15 =	simm.s32 @p1 $0x14180  }
0x15f: {  	[tilespmem:s15], [sflag:$0x4] =	stream.linear.gather @p1 [hbm4b:s0+s17], $0x80, $0x38;
	[tilespmem:$0x1E800] =	vst v63  }
0x160: {  	s13 =	sadd.s32 @p1 $0x30, s13;
	s0 =	simm.s32 @p1 $0x14580;
	s15 =	simm.s32 @p1 $0xE  }
0x161: {  	[tilespmem:s0], [sflag:$0x4] =	stream.linear.gather @p1 [hbm4b:s13+s17], $0x80, $0x38;
	[tilespmem:$0x1E800] =	vst v63  }
0x162: {  	_ =	swait.ge @p1 [sflag:s15], $0x2800  }
0x163: {  	[sflag:s15] =	ssyncset.done @p1 $0x0  }
0x164: {  	s0 =	simm.s32 @p1 $0x2;
	[sflag:s15] =	ssyncadd.s32 @p1 $0xFFFFD800  }
0x165: {  	_ =	swait.ge @p1 [sflag:s0], $0x80  }
0x166: {  	s9 =	sadd.s32 $0x80, s9;
	[sflag:s0] =	ssyncset.done @p1 $0x0  }
0x167: {  	p0 =	sne.s32 s9, $0x800;
	s24 =	simm.s32 $0x14780;
	[sflag:s0] =	ssyncadd.s32 @p1 $0xFFFFFF80  }
.Ltmp0:
0x168: {  	s6 =	simm.s32 $0x1C000;
	_ =	swait.ge @p1 [sflag:s0], $0x80;
	(pc) =	sbr.rel @p0 .LBB2_2-.Ltmp0, $4  }
0x169: {  	s21 =	smov.u32 s29;
	s17 =	simm.s32 @!p1 $0xE;
	[sflag:s0] =	ssyncset.done @p1 $0x0  }
0x16a: {  	s13 =	simm.s32 @p1 $0x17000;
	[sflag:s0] =	ssyncadd.s32 @p1 $0xFFFFFF80;
	s0 =	simm.s32 @p1 $0x14080  }
0x16b: {  	[tilespmem:s13], [sflag:$0xA] =	stream.indirect.gather @p1 [hbm4b:s4+s20], $0x80, s0, s20, $0xb8;
	[tilespmem:$0x1E800] =	vst v63  }
0x16c: {  	s23 =	simm.s32 $0x14400;
	s15 =	smov.u32 s7;
	_ =	swait.ge @!p1 [sflag:s17], $0x2800  }
0x16d: {  	[sflag:s17] =	ssyncset.done @!p1 $0x0  }
0x16e: {  	s0 =	simm.s32 $0xC;
	[sflag:s17] =	ssyncadd.s32 @!p1 $0xFFFFD800  }
0x16f: {  	_ =	swait.ge [sflag:s0], $0x2800  }
0x170: {  	[sflag:s0] =	ssyncset.done $0x0  }
0x171: {  	[sflag:s0] =	ssyncadd.s32 $0xFFFFD800  }
0x172: {  	s19 =	simm.s32 $0xF;
	s0 =	rddreg [dreg:$0x2]  }
0x173: {  	[spmem:s0] =	stream.indirect.scatter.add.f32 [tilespmem:s6], [sflag:$0x10], $0x80, s24, s31, $0xb8;
	[tilespmem:$0x1E800] =	vst v63  }
0x174: {  	_ =	swait.ge [sflag:s19], $0x2800  }
0x175: {  	[sflag:s19] =	ssyncset.done $0x0  }
0x176: {  	s20 =	simm.s32 $0x10;
	[sflag:s19] =	ssyncadd.s32 $0xFFFFD800  }
0x177: {  	_ =	swait.ge [sflag:s20], $0x2800  }
0x178: {  	[sflag:s20] =	ssyncset.done $0x0  }
0x179: {  	[sflag:s20] =	ssyncadd.s32 $0xFFFFD800  }
0x17a: {  	[bflag:$0x0] =	sbarrier.arrive $0xFFFF  }
0x17b: {  	s13 =	rddreg [dreg:$0xe]  }
0x17c: {  	s22 =	rddreg [dreg:$0xf]  }
0x17d: {  	s7 =	simm.s32 $0x11;
	s26 =	rddreg [dreg:$0x12]  }
0x17e: {  	[hbm:s22], [sflag:s13] =	dma.local [spmem:s26], $0x2800  }
0x17f: {  	_ =	swait.ge [sflag:s7], $0x2800  }
0x180: {  	s28 =	rddreg [dreg:$0x11]  }
0x181: {  	s30 =	rddreg [dreg:$0x10];
	s6 =	sadd.s32 $0x1, s28  }
0x182: {  	p0 =	sne.s32 s6, s30  }
.Ltmp1:
0x183: {  	_ = 	snop;
	(pc) =	sbr.rel @p0 .LBB2_1-.Ltmp1, $4  }
0x184: {  	s29 =	simm.s32 $0x14480  }
0x185: {  	s10 =	simm.s32 $0x3;
	s11 =	simm.s32 $0x9;
	s12 =	simm.s32 $0x4  }
0x186: {  	s14 =	simm.s32 $0xA;
	s17 =	simm.s32 $0x14500;
	[sflag:s7] =	ssyncset.done $0x0  }
0x187: {  	s20 =	simm.s32 $0x14100;
	s26 =	simm.s32 $0x0;
	[sflag:s7] =	ssyncadd.s32 $0xFFFFD800  }
0x188: {  	_ =	sfence.sel $0x180000  }
0x189: {  	[bflag:$0x0] =	sbarrier.arrive $0xFFFF  }
0x18a: {  	_ =	strace $0x9000004A  }
0x18b: {  	s0 =	stileid.u32;
	[bflag:$0x2] =	sbarrier.arrive $0xFFFF  }
0x18c: {  	p0 =	sne.s32 s0, $0x0;
	s0 =	rddreg [dreg:$0x3]  }
0x18d: {  	s0 =	sadd.s32 @!p0 $0x100000, s0  }
0x18e: {  	[sflag:s0] =	ssyncadd.tile.s32 @!p0 $0x1;
	_ =	shalt  }
.Lfunc_end2:
_tile_overlayer_lowered:
.L_overlay_start_2:
0x18f: {  	(tag) =	ssettag $0x2  }
0x190: {  	s0 =	rddreg [dreg:$0x0];
	s2 =	stileid.u32  }
0x191: {  	s1 =	rddreg [dreg:$0x1];
	p0 =	sne.s32 s2, $0x0  }
0x192: {  	s3 =	rddreg [dreg:$0x2];
	[bflag:$0x3] =	sbarrier.arrive $0xFFFF;
	s2 =	simm.s32 @!p0 $0x1C11  }
0x193: {  	[timem:s3], [sflag:s2] =	dma.local @!p0 [hbm:s0], s1  }
0x194: {  	s0 =	simm.s32 @!p0 $0x11  }
0x195: {  	_ =	swait.ge @!p0 [sflag:s0], s1  }
0x196: {  	s1 =	ssub.s32 @!p0 $0x0, s1;
	[sflag:s0] =	ssyncset.done @!p0 $0x0  }
0x197: {  	[sflag:s0] =	ssyncadd.s32 @!p0 s1  }
0x198: {  	[bflag:$0x3] =	sbarrier.arrive $0xFFFF  }
0x199: {  	_ =	shalt  }

// kernel: kernel.14.cloned.1.call-start
scs
__scs_entry_jumppad:
0x0: {  	(pc) =	sbr.rel $0x88, $3  }
0x1: {  	(tag) =	ssettag $0x0;
	lr =	simm.s32 $0x1  }
0x2: {  	[smem:$0x3F9B] =	sst lr;
	_ =	strace $0xD0000000  }
0x3: {  	_ = 	snop  }
0x4: {  	_ = 	snop  }
0x5: {  	_ = 	snop  }
0x6: {  	_ = 	snop  }
0x7: {  	_ = 	snop  }
__scs_overlays_trampoline_lowered:
0x8: {  	[smem:$0x3FAA] =	sst s0  }
0x9: {  	[smem:$0x3FAB] =	sst s1  }
0xa: {  	[smem:$0x3FAC] =	sst s2  }
0xb: {  	[smem:$0x3FAD] =	sst s3  }
0xc: {  	[smem:$0x3FAE] =	sst s4  }
0xd: {  	[smem:$0x3FAF] =	sst s5  }
0xe: {  	[smem:$0x3FB0] =	sst s6  }
0xf: {  	[smem:$0x3FB1] =	sst s7  }
0x10: {  	[smem:$0x3FB2] =	sst s8  }
0x11: {  	[smem:$0x3FB3] =	sst s9;
	s0 =	simm.s32 @!p0 $0x0  }
0x12: {  	s1 =	sld [smem:$0x3F99];
	s0 =	simm.s32 @p0 $0x1  }
0x13: {  	[smem:$0x3FB4] =	sst s0;
	s0 =	simm.s32 @!p1 $0x0  }
0x14: {  	s2 =	sld [smem:$0x3F98];
	s0 =	simm.s32 @p1 $0x1  }
0x15: {  	[smem:$0x3FB5] =	sst s0;
	s0 =	simm.s32 @!p2 $0x0  }
0x16: {  	s3 =	sld [smem:$0x3FDB];
	s0 =	simm.s32 @p2 $0x1  }
0x17: {  	s4 =	simm.s32 $0x1BF5;
	[smem:$0x3FB7] =	sst s0  }
0x18: {  	s0 =	sld [smem:$0x3F9A];
	_ =	swait.ge [sflag:s4], $0x0  }
0x19: {  	s7 =	sld [smem:$0x3F9B]  }
0x1a: {  	s8 =	sadd.s32 $0xFFFFE003, lr  }
0x1b: {  	s9 =	sadd.s32 $0xFFFFFEF7, lr;
	s5 =	simm.s32 $0xFFFFFFFF;
	p2 =	slt.u32 s8, $0xFFFFF086  }
0x1c: {  	p1 =	slt.u32 s9, $0xF7A;
	s5 =	simm.s32 @!p2 $0x0  }
0x1d: {  	s5 =	simm.s32 @p1 $0x1;
	p0 =	seq.s32 s7, s2  }
0x1e: {  	s7 =	smul.u32 @!p0 $0xF7A, s2;
	p2 =	seq.s32 @!p0 s5, $0x0  }
0x1f: {  	s9 =	smul.u32 $0xF7A, s1;
	s8 =	simm.s32 @!p0 $0x1BF5;
	p2 =	por !p2, p0  }
0x20: {  	[sflag:s8] =	ssyncset.s32 @!p0 $0xFFFFF086;
	s6 =	sadd.s32 @!p0 s3, s7;
	s7 =	simm.s32 @!p0 $0x108  }
0x21: {  	s3 =	sadd.s32 s3, s9;
	s6 =	sadd.s32 @!p0 $0x88, s6;
	s7 =	simm.s32 @p2 $0x1082  }
0x22: {  	[simem:s7], [sflag:s8] =	dma.local @!p0 [hbm:s6], $0xF7A  }
0x23: {  	s9 =	sor.u32 $0xD0000000, s2;
	s6 =	simm.s32 $0x108;
	_ =	swait.ge @!p0 [sflag:s8], $0x0  }
0x24: {  	s3 =	sadd.s32 $0x88, s3;
	s6 =	simm.s32 @!p1 $0x1082;
	[sflag:s4] =	ssyncset.s32 $0xFFFFF086  }
0x25: {  	[simem:s6], [sflag:s4] =	dma.local [hbm:s3], $0xF7A  }
0x26: {  	[smem:$0x3F9B] =	sst s1;
	(tag) =	ssettag s2;
	_ =	strace s9  }
0x27: {  	s1 =	sld [smem:$0x3FAB]  }
0x28: {  	s2 =	sld [smem:$0x3FAC]  }
0x29: {  	s4 =	sld [smem:$0x3FAE]  }
0x2a: {  	p0 =	seq.s32 s5, $0x0;
	s5 =	sld [smem:$0x3FAF]  }
0x2b: {  	s6 =	sld [smem:$0x3FB0]  }
0x2c: {  	s7 =	sld [smem:$0x3FB1]  }
0x2d: {  	s3 =	simm.s32 $0x108;
	s8 =	sld [smem:$0x3FB2]  }
0x2e: {  	s3 =	simm.s32 @!p0 $0x1082;
	s9 =	sld [smem:$0x3FB3]  }
0x2f: {  	lr =	sadd.s32 s0, s3;
	s0 =	sld [smem:$0x3FAA]  }
0x30: {  	s3 =	sld [smem:$0x3FAD]  }
0x31: {  	[smem:$0x3FB6] =	sst s10  }
0x32: {  	s10 =	sld [smem:$0x3FB4];
	_ =	sdelay $0x3  }
0x33: {  	p0 =	seq.s32 s10, $0x1;
	s10 =	sld [smem:$0x3FB6];
	_ =	sdelay $0x3  }
0x34: {  	[smem:$0x3FB6] =	sst s10  }
0x35: {  	s10 =	sld [smem:$0x3FB5];
	_ =	sdelay $0x3  }
0x36: {  	p1 =	seq.s32 s10, $0x1;
	s10 =	sld [smem:$0x3FB6];
	_ =	sdelay $0x3  }
0x37: {  	[smem:$0x3FB6] =	sst s10  }
0x38: {  	s10 =	sld [smem:$0x3FB7]  }
0x39: {  	_ = 	snop;
	(pc) =	sbr.ind lr, $3  }
0x3a: {  	_ = 	snop  }
0x3b: {  	_ = 	snop  }
0x3c: {  	p2 =	seq.s32 s10, $0x1;
	s10 =	sld [smem:$0x3FB6]  }
0x3d: {  	_ =	shalt  }
0x3e: {  	_ =	shalt  }
0x3f: {  	_ =	shalt  }
0x40: {  	_ =	shalt  }
0x41: {  	_ =	shalt  }
0x42: {  	_ =	shalt  }
0x43: {  	_ =	shalt  }
0x44: {  	_ =	shalt  }
0x45: {  	_ =	shalt  }
0x46: {  	_ =	shalt  }
0x47: {  	_ =	shalt  }
0x48: {  	_ =	shalt  }
0x49: {  	_ =	shalt  }
0x4a: {  	_ =	shalt  }
0x4b: {  	_ =	shalt  }
0x4c: {  	_ =	shalt  }
0x4d: {  	_ =	shalt  }
0x4e: {  	_ =	shalt  }
0x4f: {  	_ =	shalt  }
0x50: {  	_ =	shalt  }
0x51: {  	_ =	shalt  }
0x52: {  	_ =	shalt  }
0x53: {  	_ =	shalt  }
0x54: {  	_ =	shalt  }
0x55: {  	_ =	shalt  }
0x56: {  	_ =	shalt  }
0x57: {  	_ =	shalt  }
0x58: {  	_ =	shalt  }
0x59: {  	_ =	shalt  }
0x5a: {  	_ =	shalt  }
0x5b: {  	_ =	shalt  }
0x5c: {  	_ =	shalt  }
0x5d: {  	_ =	shalt  }
0x5e: {  	_ =	shalt  }
0x5f: {  	_ =	shalt  }
0x60: {  	_ =	shalt  }
0x61: {  	_ =	shalt  }
0x62: {  	_ =	shalt  }
0x63: {  	_ =	shalt  }
0x64: {  	_ =	shalt  }
0x65: {  	_ =	shalt  }
0x66: {  	_ =	shalt  }
0x67: {  	_ =	shalt  }
0x68: {  	_ =	shalt  }
0x69: {  	_ =	shalt  }
0x6a: {  	_ =	shalt  }
0x6b: {  	_ =	shalt  }
0x6c: {  	_ =	shalt  }
0x6d: {  	_ =	shalt  }
0x6e: {  	_ =	shalt  }
0x6f: {  	_ =	shalt  }
0x70: {  	_ =	shalt  }
0x71: {  	_ =	shalt  }
0x72: {  	_ =	shalt  }
0x73: {  	_ =	shalt  }
0x74: {  	_ =	shalt  }
0x75: {  	_ =	shalt  }
0x76: {  	_ =	shalt  }
0x77: {  	_ =	shalt  }
0x78: {  	_ =	shalt  }
0x79: {  	_ =	shalt  }
0x7a: {  	_ =	shalt  }
0x7b: {  	_ =	shalt  }
0x7c: {  	_ =	shalt  }
0x7d: {  	_ =	shalt  }
0x7e: {  	_ =	shalt  }
0x7f: {  	_ =	shalt  }
0x80: {  	_ =	shalt  }
0x81: {  	_ =	shalt  }
0x82: {  	_ =	shalt  }
0x83: {  	_ =	shalt  }
0x84: {  	_ =	shalt  }
0x85: {  	_ =	shalt  }
0x86: {  	_ =	shalt  }
0x87: {  	_ =	shalt  }
.Lfunc_end0:
.L_simem_size_0:
called_computation.2_lowered:
.L_overlay_start_0:
0x88: {  	s2 =	sld [smem:$0x3FD9]  }
0x89: {  	s3 =	sld [smem:$0x3FFE];
	_ =	sdelay $0x1  }
0x8a: {  	s1 =	srdreg.scid  }
0x8b: {  	s0 =	sand.u32 $0x1, s1  }
0x8c: {  	s17 =	sshll.u32 s0, $0xA;
	s2 =	sadd.s32 s3, s2  }
0x8d: {  	s2 =	sadd.s32 s2, s17  }
0x8e: {  	[smem:$0x3FC2] =	sst s2  }
0x8f: {  	_ = 	snop  }
0x90: {  	s2 =	sld [smem:$0x3FD0];
	(tm) =	ssettm $0x1  }
0x91: {  	s18 =	sld [smem:$0x3FFB];
	_ =	sdelay $0x3  }
0x92: {  	_ =	strace s18  }
0x93: {  	s3 =	sld [smem:$0x3FFC];
	_ =	sdelay $0x3  }
0x94: {  	_ =	strace s3  }
0x95: {  	s3 =	sld [smem:$0x3FFD];
	_ =	sdelay $0x3  }
0x96: {  	_ =	strace s3  }
0x97: {  	_ =	strace $0x8FFFFFFF  }
0x98: {  	s19 =	sld [smem:$0x3FDB];
	_ =	sdelay $0x1  }
0x99: {  	s4 =	simm.s32 $_scs_section_size  }
0x9a: {  	s5 =	simm.s32 $_size__tile_overlayer_lowered;
	s6 =	simm.s32 $_tile_overlayer_lowered  }
0x9b: {  	s22 =	simm.s32 $0x1BFF;
	s21 =	sshll.u32 s6, $0x1;
	s3 =	sadd.s32 s4, s19  }
0x9c: {  	s7 =	simm.s32 $0x0;
	s20 =	sshll.u32 s5, $0x1;
	s5 =	sadd.s32 s21, s3  }
0x9d: {  	[timem:s7], [sflag:s22] =	dma.local [hbm:s5], s20  }
0x9e: {  	_ =	swait.ge [sflag:s22], s20  }
0x9f: {  	s4 =	ssub.s32 $0x0, s20;
	[sflag:s22] =	ssyncset.done $0x0  }
0xa0: {  	[sflag:s22] =	ssyncadd.s32 s4;
	_ =	sdelay $0x1  }
0xa1: {  	s23 =	simm.s32 $0x1B8B  }
0xa2: {  	_ =	swait.ge [sflag:s23], $0x1  }
0xa3: {  	[sflag:s23] =	ssyncset.done $0x0  }
0xa4: {  	s25 =	simm.s32 $0x1B8E;
	s24 =	sld [smem:$0x3FFE];
	[sflag:s23] =	ssyncadd.s32 $0xFFFFFFFF  }
0xa5: {  	s26 =	simm.s32 $execute0_lowered;
	[smem:$0x3FD2] =	sst s25  }
0xa6: {  	s5 =	sshll.u32 s26, $0x1;
	_ =	strace $0x8000004C;
	[dreg:$0x1] =	wrdreg $0xFFFFFFFF  }
0xa7: {  	s28 =	simm.s32 $_size_execute0_lowered;
	s3 =	sadd.s32 s3, s5;
	[dreg:$0x0] =	wrdreg $0x0  }
0xa8: {  	s5 =	sshll.u32 s28, $0x1;
	[dreg:$0x2] =	wrdreg s3  }
0xa9: {  	[dreg:$0x3] =	wrdreg s5  }
0xaa: {  	[dreg:$0x4] =	wrdreg $0xC0  }
0xab: {  	_ =	task [dreg:s7], $0x5FFFF  }
0xac: {  	[dreg:$0x1] =	wrdreg $0xFFFFFFFF  }
0xad: {  	[dreg:$0x0] =	wrdreg $0x60  }
0xae: {  	[dreg:$0x2] =	wrdreg s24  }
0xaf: {  	[dreg:$0x3] =	wrdreg s2  }
0xb0: {  	[dreg:$0x4] =	wrdreg $0x0  }
0xb1: {  	[dreg:$0x5] =	wrdreg $0x9  }
0xb2: {  	_ =	task.clear_ibuf [dreg:s7], $0x6FFFF;
	_ =	strace $0x9000004C  }
0xb3: {  	s29 =	simm.s32 $0x9;
	_ =	strace $0x8000004E  }
0xb4: {  	_ =	swait.ge [sflag:s29], $0x1  }
0xb5: {  	[sflag:s29] =	ssyncadd.s32 $0xFFFFFFFF  }
0xb6: {  	_ =	strace $0x9000004E  }
0xb7: {  	_ =	sfence  }
0xb8: {  	s30 =	sld [smem:$0x0];
	_ =	sdelay $0x2  }
0xb9: {  	s31 =	sshll.u32 s1, $0xD;
	s1 =	sshrl.u32 s1, $0x2  }
0xba: {  	s3 =	sand.u32 $0x4000, s31;
	s1 =	sadd.s32 s1, s30  }
0xbb: {  	s0 =	sor.u32 s3, s0;
	s1 =	sshll.u32 s1, $0x11  }
0xbc: {  	s0 =	sor.u32 s1, s0  }
0xbd: {  	s0 =	sadd.s32 $0x8F2B, s0  }
0xbe: {  	[sflag:s0] =	ssyncadd.remote.s32 $0x1  }
0xbf: {  	_ =	sfence.sel $0xFFFF  }
0xc0: {  	[dreg:$0x0] =	wrdreg $0xFFFFFFFF;
	(pc) =	sbr.abs _section_cstart, $3  }
0xc1: {  	[dreg:$0x1] =	wrdreg $0xFFFFFFFF  }
0xc2: {  	_ =	task.clear_ibuf [dreg:s7], $0x2FFFF;
	_ =	strace $0x9FFFFFFF  }
0xc3: {  	(tm) =	ssettm $0x7FFFFFFF  }
tec
execute0_lowered:
.L_overlay_start_1:
0x0: {  	(tag) =	ssettag $0x1  }
0x1: {  	s0 =	rddreg [dreg:$0x0]  }
0x2: {  	s1 =	rddreg [dreg:$0x1]  }
0x3: {  	s2 =	rddreg [dreg:$0x2]  }
0x4: {  	s13 =	stileid.u32;
	s26 =	simm.s32 $0x0;
	s4 =	srdreg.scid  }
0x5: {  	s29 =	simm.s32 $0x14480;
	s31 =	simm.s32 $0x50;
	s5 =	smul.u32 $0x14000, s13  }
0x6: {  	[smem:$0x7FF] =	sst s26;
	s6 =	sand.u32 $0x1, s4;
	s4 =	sadd.s32 $0x26A00, s0  }
0x7: {  	s9 =	sadd.s32 $0x16A00, s0;
	s14 =	sshll.u32 s13, $0xF;
	s12 =	smul.u32 $0x50000, s13  }
0x8: {  	s25 =	sshll.u32 s13, $0x6;
	_ =	strace $0x8000004D;
	s8 =	smul.u32 $0x140000, s6  }
0x9: {  	s10 =	sshll.u32 s6, $0xE;
	s6 =	ssub.s32 $0x2, s6;
	s13 =	sor.u32 $0x1C11, s25  }
0xa: {  	s25 =	simm.s32 $0xB;
	s7 =	sshrl.u32 s5, $0x3;
	s15 =	sshrl.u32 s6, $0x1  }
0xb: {  	s20 =	sshrl.u32 s12, $0x2;
	s12 =	simm.s32 $0x4;
	[dreg:$0xe] =	wrdreg s13  }
0xc: {  	s7 =	sadd.s32 s7, s0;
	s5 =	sadd.s32 s5, s8;
	s8 =	sor.u32 s10, s14  }
0xd: {  	s23 =	sadd.s32 s20, s2;
	s20 =	simm.s32 $0x14100;
	s5 =	sshrl.u32 s5, $0x3  }
0xe: {  	s10 =	sshrl.u32 s8, $0x3;
	[dreg:$0xc] =	wrdreg s23;
	s24 =	sadd.s32 $0x4EA00, s7  }
0xf: {  	s28 =	sor.u32 $0x400, s8;
	s23 =	simm.s32 $0x14400;
	s0 =	sadd.s32 s5, s0  }
0x10: {  	s5 =	ssub.s32 s6, s15;
	s15 =	sadd.s32 s10, s1;
	s16 =	sor.u32 $0x10, s10  }
0x11: {  	s21 =	sadd.s32 s10, s9;
	[dreg:$0xd] =	wrdreg s24;
	s14 =	sadd.s32 s1, s16  }
0x12: {  	s11 =	sor.u32 $0x20, s10;
	s6 =	sadd.s32 s9, s16;
	[dreg:$0x6] =	wrdreg s14  }
0x13: {  	s19 =	sor.u32 $0x30, s10;
	s17 =	sadd.s32 s1, s11;
	[dreg:$0x7] =	wrdreg s6  }
0x14: {  	s30 =	sshrl.u32 s28, $0x3;
	s18 =	sadd.s32 s9, s11;
	[dreg:$0x8] =	wrdreg s17  }
0x15: {  	s10 =	simm.s32 $0x3;
	s22 =	sadd.s32 s1, s19;
	[dreg:$0x9] =	wrdreg s18  }
0x16: {  	s24 =	simm.s32 $0x14780;
	s0 =	sadd.s32 $0x76A00, s0;
	[dreg:$0xa] =	wrdreg s22  }
0x17: {  	s5 =	smax.u32 s5, $0x1;
	s1 =	sadd.s32 s30, s1;
	[dreg:$0xf] =	wrdreg s0  }
0x18: {  	s11 =	simm.s32 $0x9;
	s6 =	sadd.s32 s9, s19;
	[dreg:$0x10] =	wrdreg s5  }
0x19: {  	[dreg:$0x4] =	wrdreg s1;
	s0 =	sadd.s32 s30, s9;
	s17 =	simm.s32 $0x14500  }
0x1a: {  	s18 =	simm.s32 $0x19800;
	s14 =	simm.s32 $0xA;
	[dreg:$0xb] =	wrdreg s6  }
0x1b: {  	s5 =	simm.s32 $0x7;
	[dreg:$0x5] =	wrdreg s0;
	s6 =	simm.s32 $0x0  }
.LBB2_1:
0x1c: {  	[dreg:$0x11] =	wrdreg s6  }
0x1d: {  	s9 =	simm.s32 $0x14000;
	s0 =	rddreg [dreg:$0x6]  }
0x1e: {  	[tilespmem:s9], [sflag:$0x1] =	stream.linear.gather [hbm4b:s15+s26], $0x80, $0x38;
	[tilespmem:$0x1E800] =	vst v63  }
0x1f: {  	s30 =	rddreg [dreg:$0x7]  }
0x20: {  	[tilespmem:s23], [sflag:$0x1] =	stream.linear.gather [hbm4b:s21+s26], $0x80, $0x38;
	[tilespmem:$0x1E800] =	vst v63  }
0x21: {  	s1 =	simm.s32 $0x14080;
	s2 =	rddreg [dreg:$0x8]  }
0x22: {  	[tilespmem:s1], [sflag:$0x2] =	stream.linear.gather [hbm4b:s0+s26], $0x80, $0x38;
	[tilespmem:$0x1E800] =	vst v63  }
0x23: {  	s3 =	rddreg [dreg:$0x9]  }
0x24: {  	[tilespmem:s29], [sflag:$0x2] =	stream.linear.gather [hbm4b:s30+s26], $0x80, $0x38;
	[tilespmem:$0x1E800] =	vst v63  }
0x25: {  	s6 =	rddreg [dreg:$0xa]  }
0x26: {  	[tilespmem:s20], [sflag:$0x3] =	stream.linear.gather [hbm4b:s2+s26], $0x80, $0x38;
	[tilespmem:$0x1E800] =	vst v63  }
0x27: {  	s8 =	rddreg [dreg:$0xb]  }
0x28: {  	[tilespmem:s17], [sflag:$0x3] =	stream.linear.gather [hbm4b:s3+s26], $0x80, $0x38;
	[tilespmem:$0x1E800] =	vst v63  }
0x29: {  	s17 =	rddreg [dreg:$0xc]  }
0x2a: {  	s28 =	simm.s32 $0x14180;
	s22 =	rddreg [dreg:$0xd];
	s19 =	sshrl.u32 s17, $0x3  }
0x2b: {  	[tilespmem:s28], [sflag:$0x4] =	stream.linear.gather [hbm4b:s6+s26], $0x80, $0x38;
	[tilespmem:$0x1E800] =	vst v63  }
0x2c: {  	s7 =	simm.s32 $0x11;
	s16 =	simm.s32 $0x14580;
	[dreg:$0x12] =	wrdreg s19  }
0x2d: {  	[tilespmem:s16], [sflag:$0x4] =	stream.linear.gather [hbm4b:s8+s26], $0x80, $0x38;
	[tilespmem:$0x1E800] =	vst v63  }
0x2e: {  	[spmem:s19], [sflag:s13] =	dma.local [hbm:s22], $0x2800  }
0x2f: {  	_ =	swait.ge [sflag:s7], $0x2800  }
0x30: {  	[sflag:s7] =	ssyncset.done $0x0  }
0x31: {  	s30 =	simm.s32 $0x1;
	[sflag:s7] =	ssyncadd.s32 $0xFFFFD800  }
0x32: {  	_ =	swait.ge [sflag:s30], $0x80  }
0x33: {  	[sflag:s30] =	ssyncset.done $0x0  }
0x34: {  	[sflag:s30] =	ssyncadd.s32 $0xFFFFFF80  }
0x35: {  	_ =	swait.ge [sflag:s30], $0x80  }
0x36: {  	[sflag:s30] =	ssyncset.done $0x0  }
0x37: {  	s2 =	simm.s32 $0x2;
	s6 =	simm.s32 $0x14800;
	[sflag:s30] =	ssyncadd.s32 $0xFFFFFF80  }
0x38: {  	[tilespmem:s6], [sflag:$0x9] =	stream.indirect.gather [hbm4b:s4+s31], $0x80, s9, s31, $0xb8;
	[tilespmem:$0x1E800] =	vst v63  }
0x39: {  	_ =	swait.ge [sflag:s2], $0x80  }
0x3a: {  	[sflag:s2] =	ssyncset.done $0x0  }
0x3b: {  	[sflag:s2] =	ssyncadd.s32 $0xFFFFFF80  }
0x3c: {  	_ =	swait.ge [sflag:s2], $0x80  }
0x3d: {  	p0 =	por $0x1, $0x1;
	s0 =	simm.s32 $0x14200;
	[sflag:s2] =	ssyncset.done $0x0  }
0x3e: {  	s7 =	simm.s32 $0x17000;
	s9 =	sadd.s32 $0x0, s15;
	[sflag:s2] =	ssyncadd.s32 $0xFFFFFF80  }
0x3f: {  	[tilespmem:s7], [sflag:$0xA] =	stream.indirect.gather [hbm4b:s4+s31], $0x80, s1, s31, $0xb8;
	[tilespmem:$0x1E800] =	vst v63  }
0x40: {  	s17 =	sadd.s32 $0x0, s21;
	s3 =	sadd.s32 $0x40, s9;
	[bflag:$0x0] =	sbarrier.arrive $0xFFFF  }
0x41: {  	[tilespmem:s0], [sflag:$0x5] =	stream.linear.gather [hbm4b:s3+s26], $0x80, $0x38;
	[tilespmem:$0x1E800] =	vst v63  }
0x42: {  	s8 =	sadd.s32 $0x40, s17;
	s13 =	simm.s32 @!p0 $0xF;
	s30 =	simm.s32 $0x14600  }
0x43: {  	[tilespmem:s30], [sflag:$0x5] =	stream.linear.gather [hbm4b:s8+s26], $0x80, $0x38;
	[tilespmem:$0x1E800] =	vst v63  }
0x44: {  	_ =	swait.ge @!p0 [sflag:s13], $0x2800  }
0x45: {  	[sflag:s13] =	ssyncset.done @!p0 $0x0  }
0x46: {  	[sflag:s13] =	ssyncadd.s32 @!p0 $0xFFFFD800  }
0x47: {  	_ =	swait.ge [sflag:s10], $0x80  }
0x48: {  	[sflag:s10] =	ssyncset.done $0x0  }
0x49: {  	[sflag:s10] =	ssyncadd.s32 $0xFFFFFF80  }
0x4a: {  	_ =	swait.ge [sflag:s10], $0x80  }
0x4b: {  	[sflag:s10] =	ssyncset.done $0x0  }
0x4c: {  	[sflag:s10] =	ssyncadd.s32 $0xFFFFFF80  }
0x4d: {  	[tilespmem:s18], [sflag:$0xB] =	stream.indirect.gather [hbm4b:s4+s31], $0x80, s20, s31, $0xb8;
	[tilespmem:$0x1E800] =	vst v63  }
0x4e: {  	_ =	swait.ge [sflag:s11], $0x2800  }
0x4f: {  	[sflag:s11] =	ssyncset.done $0x0  }
0x50: {  	[sflag:s11] =	ssyncadd.s32 $0xFFFFD800  }
0x51: {  	s3 =	rddreg [dreg:$0x2]  }
0x52: {  	[spmem:s3] =	stream.indirect.scatter.add.f32 [tilespmem:s6], [sflag:$0xD], $0x80, s23, s31, $0xb8;
	[tilespmem:$0x1E800] =	vst v63  }
0x53: {  	s10 =	sadd.s32 $0x50, s9;
	s18 =	simm.s32 $0x14280  }
0x54: {  	[tilespmem:s18], [sflag:$0x6] =	stream.linear.gather [hbm4b:s10+s26], $0x80, $0x38;
	[tilespmem:$0x1E800] =	vst v63  }
0x55: {  	s19 =	sadd.s32 $0x50, s17;
	s22 =	simm.s32 $0x14680;
	s20 =	simm.s32 @!p0 $0x10  }
0x56: {  	[tilespmem:s22], [sflag:$0x6] =	stream.linear.gather [hbm4b:s19+s26], $0x80, $0x38;
	[tilespmem:$0x1E800] =	vst v63  }
0x57: {  	_ =	swait.ge @!p0 [sflag:s20], $0x2800  }
0x58: {  	[sflag:s20] =	ssyncset.done @!p0 $0x0  }
0x59: {  	[sflag:s20] =	ssyncadd.s32 @!p0 $0xFFFFD800  }
0x5a: {  	_ =	swait.ge [sflag:s12], $0x80  }
0x5b: {  	[sflag:s12] =	ssyncset.done $0x0  }
0x5c: {  	[sflag:s12] =	ssyncadd.s32 $0xFFFFFF80  }
0x5d: {  	_ =	swait.ge [sflag:s12], $0x80  }
0x5e: {  	[sflag:s12] =	ssyncset.done $0x0  }
0x5f: {  	s19 =	simm.s32 $0x1C000;
	[sflag:s12] =	ssyncadd.s32 $0xFFFFFF80  }
0x60: {  	[tilespmem:s19], [sflag:$0xC] =	stream.indirect.gather [hbm4b:s4+s31], $0x80, s28, s31, $0xb8;
	[tilespmem:$0x1E800] =	vst v63  }
0x61: {  	_ =	swait.ge [sflag:s14], $0x2800  }
0x62: {  	[sflag:s14] =	ssyncset.done $0x0  }
0x63: {  	[sflag:s14] =	ssyncadd.s32 $0xFFFFD800  }
0x64: {  	[spmem:s3] =	stream.indirect.scatter.add.f32 [tilespmem:s7], [sflag:$0xE], $0x80, s29, s31, $0xb8;
	[tilespmem:$0x1E800] =	vst v63  }
0x65: {  	s10 =	simm.s32 $0x14300;
	s20 =	sadd.s32 $0x60, s9  }
0x66: {  	[tilespmem:s10], [sflag:$0x7] =	stream.linear.gather [hbm4b:s20+s26], $0x80, $0x38;
	[tilespmem:$0x1E800] =	vst v63  }
0x67: {  	s8 =	simm.s32 $0x14700;
	s28 =	sadd.s32 $0x60, s17;
	s29 =	simm.s32 $0xD  }
0x68: {  	[tilespmem:s8], [sflag:$0x7] =	stream.linear.gather [hbm4b:s28+s26], $0x80, $0x38;
	[tilespmem:$0x1E800] =	vst v63  }
0x69: {  	_ =	swait.ge [sflag:s29], $0x2800  }
0x6a: {  	[sflag:s29] =	ssyncset.done $0x0  }
0x6b: {  	s12 =	simm.s32 $0x5;
	[sflag:s29] =	ssyncadd.s32 $0xFFFFD800  }
0x6c: {  	_ =	swait.ge [sflag:s12], $0x80  }
0x6d: {  	[sflag:s12] =	ssyncset.done $0x0  }
0x6e: {  	[sflag:s12] =	ssyncadd.s32 $0xFFFFFF80  }
0x6f: {  	_ =	swait.ge [sflag:s12], $0x80  }
0x70: {  	[sflag:s12] =	ssyncset.done $0x0  }
0x71: {  	[sflag:s12] =	ssyncadd.s32 $0xFFFFFF80  }
0x72: {  	[tilespmem:s6], [sflag:$0x9] =	stream.indirect.gather [hbm4b:s4+s31], $0x80, s0, s31, $0xb8;
	[tilespmem:$0x1E800] =	vst v63  }
0x73: {  	_ =	swait.ge [sflag:s25], $0x2800  }
0x74: {  	[sflag:s25] =	ssyncset.done $0x0  }
0x75: {  	s13 =	simm.s32 $0x14500;
	s11 =	simm.s32 $0x19800;
	[sflag:s25] =	ssyncadd.s32 $0xFFFFD800  }
0x76: {  	[spmem:s3] =	stream.indirect.scatter.add.f32 [tilespmem:s11], [sflag:$0xF], $0x80, s13, s31, $0xb8;
	[tilespmem:$0x1E800] =	vst v63  }
0x77: {  	s9 =	sadd.s32 $0x70, s9;
	s11 =	simm.s32 $0x14380  }
0x78: {  	[tilespmem:s11], [sflag:$0x8] =	stream.linear.gather [hbm4b:s9+s26], $0x80, $0x38;
	[tilespmem:$0x1E800] =	vst v63  }
0x79: {  	s20 =	sadd.s32 $0x70, s17  }
0x7a: {  	[tilespmem:s24], [sflag:$0x8] =	stream.linear.gather [hbm4b:s20+s26], $0x80, $0x38;
	[tilespmem:$0x1E800] =	vst v63  }
0x7b: {  	s26 =	simm.s32 $0xE  }
0x7c: {  	_ =	swait.ge [sflag:s26], $0x2800  }
0x7d: {  	[sflag:s26] =	ssyncset.done $0x0  }
0x7e: {  	[sflag:s26] =	ssyncadd.s32 $0xFFFFD800;
	s26 =	simm.s32 $0x6  }
0x7f: {  	_ =	swait.ge [sflag:s26], $0x80  }
0x80: {  	[sflag:s26] =	ssyncset.done $0x0  }
0x81: {  	[sflag:s26] =	ssyncadd.s32 $0xFFFFFF80  }
0x82: {  	_ =	swait.ge [sflag:s26], $0x80  }
0x83: {  	[sflag:s26] =	ssyncset.done $0x0  }
0x84: {  	s28 =	simm.s32 $0xC;
	[sflag:s26] =	ssyncadd.s32 $0xFFFFFF80  }
0x85: {  	[tilespmem:s7], [sflag:$0xA] =	stream.indirect.gather [hbm4b:s4+s31], $0x80, s18, s31, $0xb8;
	[tilespmem:$0x1E800] =	vst v63  }
0x86: {  	_ =	swait.ge [sflag:s28], $0x2800  }
0x87: {  	p0 =	por $0x0, $0x0;
	[sflag:s28] =	ssyncset.done $0x0  }
0x88: {  	s17 =	simm.s32 @!p0 $0x14000;
	s24 =	rddreg [dreg:$0x4];
	[sflag:s28] =	ssyncadd.s32 $0xFFFFD800  }
0x89: {  	[spmem:s3] =	stream.indirect.scatter.add.f32 [tilespmem:s19], [sflag:$0x10], $0x80, s16, s31, $0xb8;
	[tilespmem:$0x1E800] =	vst v63  }
0x8a: {  	s13 =	simm.s32 @!p0 $0x0;
	s1 =	rddreg [dreg:$0x5];
	s9 =	sadd.s32 @!p0 $0x0, s24  }
0x8b: {  	[tilespmem:s17], [sflag:$0x1] =	stream.linear.gather @!p0 [hbm4b:s9+s13], $0x80, $0x38;
	[tilespmem:$0x1E800] =	vst v63  }
0x8c: {  	s29 =	simm.s32 $0xF;
	s20 =	simm.s32 @!p0 $0x14400;
	s17 =	sadd.s32 @!p0 $0x0, s1  }
0x8d: {  	[tilespmem:s20], [sflag:$0x1] =	stream.linear.gather @!p0 [hbm4b:s17+s13], $0x80, $0x38;
	[tilespmem:$0x1E800] =	vst v63  }
0x8e: {  	_ =	swait.ge [sflag:s29], $0x2800  }
0x8f: {  	[sflag:s29] =	ssyncset.done $0x0  }
0x90: {  	[sflag:s29] =	ssyncadd.s32 $0xFFFFD800  }
0x91: {  	_ =	swait.ge [sflag:s5], $0x80  }
0x92: {  	[sflag:s5] =	ssyncset.done $0x0  }
0x93: {  	[sflag:s5] =	ssyncadd.s32 $0xFFFFFF80  }
0x94: {  	_ =	swait.ge [sflag:s5], $0x80  }
0x95: {  	[sflag:s5] =	ssyncset.done $0x0  }
0x96: {  	s2 =	simm.s32 $0x9;
	s18 =	simm.s32 $0x19800;
	[sflag:s5] =	ssyncadd.s32 $0xFFFFFF80  }
0x97: {  	[tilespmem:s18], [sflag:$0xB] =	stream.indirect.gather [hbm4b:s4+s31], $0x80, s10, s31, $0xb8;
	[tilespmem:$0x1E800] =	vst v63  }
0x98: {  	_ =	swait.ge [sflag:s2], $0x2800  }
0x99: {  	[sflag:s2] =	ssyncset.done $0x0  }
0x9a: {  	[sflag:s2] =	ssyncadd.s32 $0xFFFFD800  }
0x9b: {  	[spmem:s3] =	stream.indirect.scatter.add.f32 [tilespmem:s6], [sflag:$0xD], $0x80, s30, s31, $0xb8;
	[tilespmem:$0x1E800] =	vst v63  }
0x9c: {  	s9 =	sadd.s32 @!p0 $0x10, s9;
	s20 =	simm.s32 @!p0 $0x14080  }
0x9d: {  	[tilespmem:s20], [sflag:$0x2] =	stream.linear.gather @!p0 [hbm4b:s9+s13], $0x80, $0x38;
	[tilespmem:$0x1E800] =	vst v63  }
0x9e: {  	s30 =	simm.s32 $0x10;
	s9 =	sadd.s32 @!p0 $0x10, s17;
	s17 =	simm.s32 @!p0 $0x14480  }
0x9f: {  	[tilespmem:s17], [sflag:$0x2] =	stream.linear.gather @!p0 [hbm4b:s9+s13], $0x80, $0x38;
	[tilespmem:$0x1E800] =	vst v63  }
0xa0: {  	_ =	swait.ge [sflag:s30], $0x2800  }
0xa1: {  	[sflag:s30] =	ssyncset.done $0x0  }
0xa2: {  	s2 =	simm.s32 $0x8;
	[sflag:s30] =	ssyncadd.s32 $0xFFFFD800  }
0xa3: {  	_ =	swait.ge [sflag:s2], $0x80  }
0xa4: {  	[sflag:s2] =	ssyncset.done $0x0  }
0xa5: {  	[sflag:s2] =	ssyncadd.s32 $0xFFFFFF80  }
0xa6: {  	_ =	swait.ge [sflag:s2], $0x80  }
0xa7: {  	[sflag:s2] =	ssyncset.done $0x0  }
0xa8: {  	s14 =	simm.s32 $0xA;
	[sflag:s2] =	ssyncadd.s32 $0xFFFFFF80  }
0xa9: {  	[tilespmem:s19], [sflag:$0xC] =	stream.indirect.gather [hbm4b:s4+s31], $0x80, s11, s31, $0xb8;
	[tilespmem:$0x1E800] =	vst v63  }
0xaa: {  	_ =	swait.ge [sflag:s14], $0x2800  }
0xab: {  	p1 =	por $0x1, $0x1;
	[sflag:s14] =	ssyncset.done $0x0  }
0xac: {  	s0 =	simm.s32 @p1 $0x0;
	s20 =	sadd.s32 @p1 $0x0, s24;
	[sflag:s14] =	ssyncadd.s32 $0xFFFFD800  }
0xad: {  	[spmem:s3] =	stream.indirect.scatter.add.f32 [tilespmem:s7], [sflag:$0xE], $0x80, s22, s31, $0xb8;
	[tilespmem:$0x1E800] =	vst v63  }
0xae: {  	s5 =	simm.s32 @p1 $0x14100;
	s17 =	sadd.s32 @p1 $0x20, s20;
	s13 =	sadd.s32 @p1 $0x0, s1  }
0xaf: {  	[tilespmem:s5], [sflag:$0x3] =	stream.linear.gather @p1 [hbm4b:s17+s0], $0x80, $0x38;
	[tilespmem:$0x1E800] =	vst v63  }
0xb0: {  	s1 =	simm.s32 @p1 $0x14500;
	s9 =	simm.s32 @p1 $0xD;
	s17 =	sadd.s32 @p1 $0x20, s13  }
0xb1: {  	[tilespmem:s1], [sflag:$0x3] =	stream.linear.gather @p1 [hbm4b:s17+s0], $0x80, $0x38;
	[tilespmem:$0x1E800] =	vst v63  }
0xb2: {  	_ =	swait.ge @p1 [sflag:s9], $0x2800  }
0xb3: {  	[sflag:s9] =	ssyncset.done @p1 $0x0  }
0xb4: {  	[sflag:s9] =	ssyncadd.s32 @p1 $0xFFFFD800;
	s9 =	simm.s32 @p1 $0x1  }
0xb5: {  	_ =	swait.ge @p1 [sflag:s9], $0x80  }
0xb6: {  	[sflag:s9] =	ssyncset.done @p1 $0x0  }
0xb7: {  	[sflag:s9] =	ssyncadd.s32 @p1 $0xFFFFFF80  }
0xb8: {  	_ =	swait.ge @p1 [sflag:s9], $0x80  }
0xb9: {  	s17 =	simm.s32 @p1 $0x14800;
	[sflag:s9] =	ssyncset.done @p1 $0x0  }
0xba: {  	s1 =	simm.s32 @p1 $0x50;
	[sflag:s9] =	ssyncadd.s32 @p1 $0xFFFFFF80;
	s9 =	simm.s32 @p1 $0x14000  }
0xbb: {  	[tilespmem:s17], [sflag:$0x9] =	stream.indirect.gather @p1 [hbm4b:s4+s1], $0x80, s9, s1, $0xb8;
	[tilespmem:$0x1E800] =	vst v63  }
0xbc: {  	s9 =	simm.s32 @!p1 $0xD  }
0xbd: {  	_ =	swait.ge @!p1 [sflag:s9], $0x2800  }
0xbe: {  	[sflag:s9] =	ssyncset.done @!p1 $0x0  }
0xbf: {  	[sflag:s9] =	ssyncadd.s32 @!p1 $0xFFFFD800  }
0xc0: {  	_ =	swait.ge [sflag:s25], $0x2800  }
0xc1: {  	[sflag:s25] =	ssyncset.done $0x0  }
0xc2: {  	[sflag:s25] =	ssyncadd.s32 $0xFFFFD800  }
0xc3: {  	[spmem:s3] =	stream.indirect.scatter.add.f32 [tilespmem:s18], [sflag:$0xF], $0x80, s8, s31, $0xb8;
	[tilespmem:$0x1E800] =	vst v63  }
0xc4: {  	s17 =	simm.s32 @p1 $0x14180;
	s9 =	sadd.s32 @p1 $0x30, s20  }
0xc5: {  	[tilespmem:s17], [sflag:$0x4] =	stream.linear.gather @p1 [hbm4b:s9+s0], $0x80, $0x38;
	[tilespmem:$0x1E800] =	vst v63  }
0xc6: {  	s9 =	sadd.s32 @p1 $0x30, s13;
	s13 =	simm.s32 @p1 $0x14580  }
0xc7: {  	[tilespmem:s13], [sflag:$0x4] =	stream.linear.gather @p1 [hbm4b:s9+s0], $0x80, $0x38;
	[tilespmem:$0x1E800] =	vst v63  }
0xc8: {  	s9 =	simm.s32 @p1 $0xE  }
0xc9: {  	_ =	swait.ge @p1 [sflag:s9], $0x2800  }
0xca: {  	[sflag:s9] =	ssyncset.done @p1 $0x0  }
0xcb: {  	[sflag:s9] =	ssyncadd.s32 @p1 $0xFFFFD800;
	s9 =	simm.s32 @p1 $0x2  }
0xcc: {  	_ =	swait.ge @p1 [sflag:s9], $0x80  }
0xcd: {  	[sflag:s9] =	ssyncset.done @p1 $0x0  }
0xce: {  	[sflag:s9] =	ssyncadd.s32 @p1 $0xFFFFFF80  }
0xcf: {  	_ =	swait.ge @p1 [sflag:s9], $0x80  }
0xd0: {  	s17 =	simm.s32 @!p1 $0xE;
	[sflag:s9] =	ssyncset.done @p1 $0x0  }
0xd1: {  	s13 =	simm.s32 @p1 $0x17000;
	[sflag:s9] =	ssyncadd.s32 @p1 $0xFFFFFF80;
	s9 =	simm.s32 @p1 $0x14080  }
0xd2: {  	[tilespmem:s13], [sflag:$0xA] =	stream.indirect.gather @p1 [hbm4b:s4+s1], $0x80, s9, s1, $0xb8;
	[tilespmem:$0x1E800] =	vst v63  }
0xd3: {  	s12 =	simm.s32 $0x0;
	s9 =	simm.s32 $0x80;
	_ =	swait.ge @!p1 [sflag:s17], $0x2800  }
.LBB2_2:
0xd4: {  	[sflag:s17] =	ssyncset.done @!p1 $0x0  }
0xd5: {  	s5 =	simm.s32 $0xC;
	[sflag:s17] =	ssyncadd.s32 @!p1 $0xFFFFD800  }
0xd6: {  	_ =	swait.ge [sflag:s5], $0x2800  }
0xd7: {  	s20 =	sadd.s32 s9, s15;
	s13 =	smov.u32 s9;
	[sflag:s5] =	ssyncset.done $0x0  }
0xd8: {  	s0 =	simm.s32 $0x14780;
	s19 =	simm.s32 $0x1C000;
	[sflag:s5] =	ssyncadd.s32 $0xFFFFD800  }
0xd9: {  	s7 =	smov.u32 s15;
	s24 =	simm.s32 $0x14200;
	s3 =	rddreg [dreg:$0x2]  }
0xda: {  	[spmem:s3] =	stream.indirect.scatter.add.f32 [tilespmem:s19], [sflag:$0x10], $0x80, s0, s31, $0xb8;
	[tilespmem:$0x1E800] =	vst v63  }
0xdb: {  	s29 =	sadd.s32 $0x40, s20;
	s17 =	sadd.s32 s13, s21;
	p1 =	seq.s32 s13, $0x0  }
0xdc: {  	[tilespmem:s24], [sflag:$0x5] =	stream.linear.gather [hbm4b:s29+s12], $0x80, $0x38;
	[tilespmem:$0x1E800] =	vst v63  }
0xdd: {  	s28 =	simm.s32 $0x14600;
	s30 =	sadd.s32 $0x40, s17;
	s15 =	simm.s32 @!p1 $0xF  }
0xde: {  	[tilespmem:s28], [sflag:$0x5] =	stream.linear.gather [hbm4b:s30+s12], $0x80, $0x38;
	[tilespmem:$0x1E800] =	vst v63  }
0xdf: {  	_ =	swait.ge @!p1 [sflag:s15], $0x2800  }
0xe0: {  	[sflag:s15] =	ssyncset.done @!p1 $0x0  }
0xe1: {  	s6 =	simm.s32 $0x3;
	[sflag:s15] =	ssyncadd.s32 @!p1 $0xFFFFD800  }
0xe2: {  	_ =	swait.ge [sflag:s6], $0x80  }
0xe3: {  	[sflag:s6] =	ssyncset.done $0x0  }
0xe4: {  	[sflag:s6] =	ssyncadd.s32 $0xFFFFFF80  }
0xe5: {  	_ =	swait.ge [sflag:s6], $0x80  }
0xe6: {  	[sflag:s6] =	ssyncset.done $0x0  }
0xe7: {  	s1 =	simm.s32 $0x14100;
	s16 =	simm.s32 $0x9;
	[sflag:s6] =	ssyncadd.s32 $0xFFFFFF80  }
0xe8: {  	[tilespmem:s18], [sflag:$0xB] =	stream.indirect.gather [hbm4b:s4+s31], $0x80, s1, s31, $0xb8;
	[tilespmem:$0x1E800] =	vst v63  }
0xe9: {  	_ =	swait.ge [sflag:s16], $0x2800  }
0xea: {  	[sflag:s16] =	ssyncset.done $0x0  }
0xeb: {  	s6 =	simm.s32 $0x14800;
	[sflag:s16] =	ssyncadd.s32 $0xFFFFD800  }
0xec: {  	[spmem:s3] =	stream.indirect.scatter.add.f32 [tilespmem:s6], [sflag:$0xD], $0x80, s23, s31, $0xb8;
	[tilespmem:$0x1E800] =	vst v63  }
0xed: {  	s11 =	simm.s32 $0x14680;
	s8 =	sadd.s32 $0x50, s20;
	s18 =	simm.s32 $0x14280  }
0xee: {  	[tilespmem:s18], [sflag:$0x6] =	stream.linear.gather [hbm4b:s8+s12], $0x80, $0x38;
	[tilespmem:$0x1E800] =	vst v63  }
0xef: {  	s10 =	sadd.s32 $0x50, s17;
	s29 =	smov.u32 s21;
	s21 =	simm.s32 @!p1 $0x10  }
0xf0: {  	[tilespmem:s11], [sflag:$0x6] =	stream.linear.gather [hbm4b:s10+s12], $0x80, $0x38;
	[tilespmem:$0x1E800] =	vst v63  }
0xf1: {  	_ =	swait.ge @!p1 [sflag:s21], $0x2800  }
0xf2: {  	[sflag:s21] =	ssyncset.done @!p1 $0x0  }
0xf3: {  	s8 =	simm.s32 $0x4;
	[sflag:s21] =	ssyncadd.s32 @!p1 $0xFFFFD800  }
0xf4: {  	_ =	swait.ge [sflag:s8], $0x80  }
0xf5: {  	[sflag:s8] =	ssyncset.done $0x0  }
0xf6: {  	[sflag:s8] =	ssyncadd.s32 $0xFFFFFF80  }
0xf7: {  	_ =	swait.ge [sflag:s8], $0x80  }
0xf8: {  	[sflag:s8] =	ssyncset.done $0x0  }
0xf9: {  	s14 =	simm.s32 $0x14180;
	[sflag:s8] =	ssyncadd.s32 $0xFFFFFF80  }
0xfa: {  	[tilespmem:s19], [sflag:$0xC] =	stream.indirect.gather [hbm4b:s4+s31], $0x80, s14, s31, $0xb8;
	[tilespmem:$0x1E800] =	vst v63  }
0xfb: {  	s14 =	simm.s32 $0xA  }
0xfc: {  	_ =	swait.ge [sflag:s14], $0x2800  }
0xfd: {  	[sflag:s14] =	ssyncset.done $0x0  }
0xfe: {  	s1 =	simm.s32 $0x14480;
	s23 =	simm.s32 $0x17000;
	[sflag:s14] =	ssyncadd.s32 $0xFFFFD800  }
0xff: {  	[spmem:s3] =	stream.indirect.scatter.add.f32 [tilespmem:s23], [sflag:$0xE], $0x80, s1, s31, $0xb8;
	[tilespmem:$0x1E800] =	vst v63  }
0x100: {  	s10 =	simm.s32 $0x14300;
	s21 =	sadd.s32 $0x60, s20  }
0x101: {  	[tilespmem:s10], [sflag:$0x7] =	stream.linear.gather [hbm4b:s21+s12], $0x80, $0x38;
	[tilespmem:$0x1E800] =	vst v63  }
0x102: {  	s30 =	sadd.s32 $0x60, s17;
	s8 =	simm.s32 $0x14700;
	s1 =	simm.s32 $0xD  }
0x103: {  	[tilespmem:s8], [sflag:$0x7] =	stream.linear.gather [hbm4b:s30+s12], $0x80, $0x38;
	[tilespmem:$0x1E800] =	vst v63  }
0x104: {  	_ =	swait.ge [sflag:s1], $0x2800  }
0x105: {  	[sflag:s1] =	ssyncset.done $0x0  }
0x106: {  	s21 =	simm.s32 $0x5;
	[sflag:s1] =	ssyncadd.s32 $0xFFFFD800  }
0x107: {  	_ =	swait.ge [sflag:s21], $0x80  }
0x108: {  	[sflag:s21] =	ssyncset.done $0x0  }
0x109: {  	[sflag:s21] =	ssyncadd.s32 $0xFFFFFF80  }
0x10a: {  	_ =	swait.ge [sflag:s21], $0x80  }
0x10b: {  	[sflag:s21] =	ssyncset.done $0x0  }
0x10c: {  	[sflag:s21] =	ssyncadd.s32 $0xFFFFFF80  }
0x10d: {  	[tilespmem:s6], [sflag:$0x9] =	stream.indirect.gather [hbm4b:s4+s31], $0x80, s24, s31, $0xb8;
	[tilespmem:$0x1E800] =	vst v63  }
0x10e: {  	_ =	swait.ge [sflag:s25], $0x2800  }
0x10f: {  	[sflag:s25] =	ssyncset.done $0x0  }
0x110: {  	s22 =	simm.s32 $0x19800;
	s24 =	simm.s32 $0x14500;
	[sflag:s25] =	ssyncadd.s32 $0xFFFFD800  }
0x111: {  	[spmem:s3] =	stream.indirect.scatter.add.f32 [tilespmem:s22], [sflag:$0xF], $0x80, s24, s31, $0xb8;
	[tilespmem:$0x1E800] =	vst v63  }
0x112: {  	s30 =	sadd.s32 $0x70, s20;
	s22 =	simm.s32 $0x14380  }
0x113: {  	[tilespmem:s22], [sflag:$0x8] =	stream.linear.gather [hbm4b:s30+s12], $0x80, $0x38;
	[tilespmem:$0x1E800] =	vst v63  }
0x114: {  	s1 =	sadd.s32 $0x70, s17;
	s17 =	simm.s32 $0xE  }
0x115: {  	[tilespmem:s0], [sflag:$0x8] =	stream.linear.gather [hbm4b:s1+s12], $0x80, $0x38;
	[tilespmem:$0x1E800] =	vst v63  }
0x116: {  	_ =	swait.ge [sflag:s17], $0x2800  }
0x117: {  	[sflag:s17] =	ssyncset.done $0x0  }
0x118: {  	[sflag:s17] =	ssyncadd.s32 $0xFFFFD800  }
0x119: {  	_ =	swait.ge [sflag:s26], $0x80  }
0x11a: {  	[sflag:s26] =	ssyncset.done $0x0  }
0x11b: {  	[sflag:s26] =	ssyncadd.s32 $0xFFFFFF80  }
0x11c: {  	_ =	swait.ge [sflag:s26], $0x80  }
0x11d: {  	[sflag:s26] =	ssyncset.done $0x0  }
0x11e: {  	[sflag:s26] =	ssyncadd.s32 $0xFFFFFF80  }
0x11f: {  	[tilespmem:s23], [sflag:$0xA] =	stream.indirect.gather [hbm4b:s4+s31], $0x80, s18, s31, $0xb8;
	[tilespmem:$0x1E800] =	vst v63  }
0x120: {  	_ =	swait.ge [sflag:s5], $0x2800  }
0x121: {  	p1 =	seq.s32 s13, $0x780;
	s20 =	simm.s32 $0x14580;
	[sflag:s5] =	ssyncset.done $0x0  }
0x122: {  	s17 =	simm.s32 @!p1 $0x0;
	s30 =	rddreg [dreg:$0x4];
	[sflag:s5] =	ssyncadd.s32 $0xFFFFD800  }
0x123: {  	[spmem:s3] =	stream.indirect.scatter.add.f32 [tilespmem:s19], [sflag:$0x10], $0x80, s20, s31, $0xb8;
	[tilespmem:$0x1E800] =	vst v63  }
0x124: {  	s1 =	rddreg [dreg:$0x5];
	s15 =	sadd.s32 @!p1 s13, s30;
	s20 =	simm.s32 @!p1 $0x14000  }
0x125: {  	[tilespmem:s20], [sflag:$0x1] =	stream.linear.gather @!p1 [hbm4b:s15+s17], $0x80, $0x38;
	[tilespmem:$0x1E800] =	vst v63  }
0x126: {  	s21 =	simm.s32 @!p1 $0x14400;
	s20 =	sadd.s32 @!p1 s13, s1  }
0x127: {  	[tilespmem:s21], [sflag:$0x1] =	stream.linear.gather @!p1 [hbm4b:s20+s17], $0x80, $0x38;
	[tilespmem:$0x1E800] =	vst v63  }
0x128: {  	s21 =	simm.s32 $0xF  }
0x129: {  	_ =	swait.ge [sflag:s21], $0x2800  }
0x12a: {  	[sflag:s21] =	ssyncset.done $0x0  }
0x12b: {  	s5 =	simm.s32 $0x7;
	[sflag:s21] =	ssyncadd.s32 $0xFFFFD800  }
0x12c: {  	_ =	swait.ge [sflag:s5], $0x80  }
0x12d: {  	[sflag:s5] =	ssyncset.done $0x0  }
0x12e: {  	[sflag:s5] =	ssyncadd.s32 $0xFFFFFF80  }
0x12f: {  	_ =	swait.ge [sflag:s5], $0x80  }
0x130: {  	[sflag:s5] =	ssyncset.done $0x0  }
0x131: {  	s18 =	simm.s32 $0x19800;
	[sflag:s5] =	ssyncadd.s32 $0xFFFFFF80  }
0x132: {  	[tilespmem:s18], [sflag:$0xB] =	stream.indirect.gather [hbm4b:s4+s31], $0x80, s10, s31, $0xb8;
	[tilespmem:$0x1E800] =	vst v63  }
0x133: {  	_ =	swait.ge [sflag:s16], $0x2800  }
0x134: {  	[sflag:s16] =	ssyncset.done $0x0  }
0x135: {  	[sflag:s16] =	ssyncadd.s32 $0xFFFFD800  }
0x136: {  	[spmem:s3] =	stream.indirect.scatter.add.f32 [tilespmem:s6], [sflag:$0xD], $0x80, s28, s31, $0xb8;
	[tilespmem:$0x1E800] =	vst v63  }
0x137: {  	s15 =	sadd.s32 @!p1 $0x10, s15;
	s21 =	simm.s32 @!p1 $0x14080  }
0x138: {  	[tilespmem:s21], [sflag:$0x2] =	stream.linear.gather @!p1 [hbm4b:s15+s17], $0x80, $0x38;
	[tilespmem:$0x1E800] =	vst v63  }
0x139: {  	s20 =	sadd.s32 @!p1 $0x10, s20;
	s28 =	simm.s32 $0x10;
	s15 =	simm.s32 @!p1 $0x14480  }
0x13a: {  	[tilespmem:s15], [sflag:$0x2] =	stream.linear.gather @!p1 [hbm4b:s20+s17], $0x80, $0x38;
	[tilespmem:$0x1E800] =	vst v63  }
0x13b: {  	_ =	swait.ge [sflag:s28], $0x2800  }
0x13c: {  	[sflag:s28] =	ssyncset.done $0x0  }
0x13d: {  	[sflag:s28] =	ssyncadd.s32 $0xFFFFD800  }
0x13e: {  	_ =	swait.ge [sflag:s2], $0x80  }
0x13f: {  	[sflag:s2] =	ssyncset.done $0x0  }
0x140: {  	[sflag:s2] =	ssyncadd.s32 $0xFFFFFF80  }
0x141: {  	_ =	swait.ge [sflag:s2], $0x80  }
0x142: {  	[sflag:s2] =	ssyncset.done $0x0  }
0x143: {  	[sflag:s2] =	ssyncadd.s32 $0xFFFFFF80  }
0x144: {  	[tilespmem:s19], [sflag:$0xC] =	stream.indirect.gather [hbm4b:s4+s31], $0x80, s22, s31, $0xb8;
	[tilespmem:$0x1E800] =	vst v63  }
0x145: {  	_ =	swait.ge [sflag:s14], $0x2800  }
0x146: {  	p1 =	sne.s32 s13, $0x780;
	[sflag:s14] =	ssyncset.done $0x0  }
0x147: {  	s15 =	sadd.s32 @p1 s13, s30;
	s17 =	simm.s32 @p1 $0x0;
	[sflag:s14] =	ssyncadd.s32 $0xFFFFD800  }
0x148: {  	[spmem:s3] =	stream.indirect.scatter.add.f32 [tilespmem:s23], [sflag:$0xE], $0x80, s11, s31, $0xb8;
	[tilespmem:$0x1E800] =	vst v63  }
0x149: {  	s21 =	simm.s32 @p1 $0x14100;
	s13 =	sadd.s32 @p1 s13, s1;
	s20 =	sadd.s32 @p1 $0x20, s15  }
0x14a: {  	[tilespmem:s21], [sflag:$0x3] =	stream.linear.gather @p1 [hbm4b:s20+s17], $0x80, $0x38;
	[tilespmem:$0x1E800] =	vst v63  }
0x14b: {  	s23 =	sadd.s32 @p1 $0x20, s13;
	s20 =	simm.s32 @p1 $0x14500;
	s21 =	simm.s32 @p1 $0xD  }
0x14c: {  	[tilespmem:s20], [sflag:$0x3] =	stream.linear.gather @p1 [hbm4b:s23+s17], $0x80, $0x38;
	[tilespmem:$0x1E800] =	vst v63  }
0x14d: {  	_ =	swait.ge @p1 [sflag:s21], $0x2800  }
0x14e: {  	[sflag:s21] =	ssyncset.done @p1 $0x0  }
0x14f: {  	s20 =	simm.s32 @p1 $0x1;
	[sflag:s21] =	ssyncadd.s32 @p1 $0xFFFFD800  }
0x150: {  	_ =	swait.ge @p1 [sflag:s20], $0x80  }
0x151: {  	[sflag:s20] =	ssyncset.done @p1 $0x0  }
0x152: {  	[sflag:s20] =	ssyncadd.s32 @p1 $0xFFFFFF80  }
0x153: {  	_ =	swait.ge @p1 [sflag:s20], $0x80  }
0x154: {  	s0 =	simm.s32 @p1 $0x14000;
	s23 =	simm.s32 @!p1 $0xD;
	[sflag:s20] =	ssyncset.done @p1 $0x0  }
0x155: {  	s21 =	simm.s32 @p1 $0x14800;
	[sflag:s20] =	ssyncadd.s32 @p1 $0xFFFFFF80;
	s20 =	simm.s32 @p1 $0x50  }
0x156: {  	[tilespmem:s21], [sflag:$0x9] =	stream.indirect.gather @p1 [hbm4b:s4+s20], $0x80, s0, s20, $0xb8;
	[tilespmem:$0x1E800] =	vst v63  }
0x157: {  	_ =	swait.ge @!p1 [sflag:s23], $0x2800  }
0x158: {  	[sflag:s23] =	ssyncset.done @!p1 $0x0  }
0x159: {  	[sflag:s23] =	ssyncadd.s32 @!p1 $0xFFFFD800  }
0x15a: {  	_ =	swait.ge [sflag:s25], $0x2800  }
0x15b: {  	[sflag:s25] =	ssyncset.done $0x0  }
0x15c: {  	[sflag:s25] =	ssyncadd.s32 $0xFFFFD800  }
0x15d: {  	[spmem:s3] =	stream.indirect.scatter.add.f32 [tilespmem:s18], [sflag:$0xF], $0x80, s8, s31, $0xb8;
	[tilespmem:$0x1E800] =	vst v63  }
0x15e: {  	s0 =	sadd.s32 @p1 $0x30, s15;
	s15 =	simm.s32 @p1 $0x14180  }
0x15f: {  	[tilespmem:s15], [sflag:$0x4] =	stream.linear.gather @p1 [hbm4b:s0+s17], $0x80, $0x38;
	[tilespmem:$0x1E800] =	vst v63  }
0x160: {  	s13 =	sadd.s32 @p1 $0x30, s13;
	s0 =	simm.s32 @p1 $0x14580;
	s15 =	simm.s32 @p1 $0xE  }
0x161: {  	[tilespmem:s0], [sflag:$0x4] =	stream.linear.gather @p1 [hbm4b:s13+s17], $0x80, $0x38;
	[tilespmem:$0x1E800] =	vst v63  }
0x162: {  	_ =	swait.ge @p1 [sflag:s15], $0x2800  }
0x163: {  	[sflag:s15] =	ssyncset.done @p1 $0x0  }
0x164: {  	s0 =	simm.s32 @p1 $0x2;
	[sflag:s15] =	ssyncadd.s32 @p1 $0xFFFFD800  }
0x165: {  	_ =	swait.ge @p1 [sflag:s0], $0x80  }
0x166: {  	s9 =	sadd.s32 $0x80, s9;
	[sflag:s0] =	ssyncset.done @p1 $0x0  }
0x167: {  	p0 =	sne.s32 s9, $0x800;
	s24 =	simm.s32 $0x14780;
	[sflag:s0] =	ssyncadd.s32 @p1 $0xFFFFFF80  }
.Ltmp0:
0x168: {  	s6 =	simm.s32 $0x1C000;
	_ =	swait.ge @p1 [sflag:s0], $0x80;
	(pc) =	sbr.rel @p0 .LBB2_2-.Ltmp0, $4  }
0x169: {  	s21 =	smov.u32 s29;
	s17 =	simm.s32 @!p1 $0xE;
	[sflag:s0] =	ssyncset.done @p1 $0x0  }
0x16a: {  	s13 =	simm.s32 @p1 $0x17000;
	[sflag:s0] =	ssyncadd.s32 @p1 $0xFFFFFF80;
	s0 =	simm.s32 @p1 $0x14080  }
0x16b: {  	[tilespmem:s13], [sflag:$0xA] =	stream.indirect.gather @p1 [hbm4b:s4+s20], $0x80, s0, s20, $0xb8;
	[tilespmem:$0x1E800] =	vst v63  }
0x16c: {  	s23 =	simm.s32 $0x14400;
	s15 =	smov.u32 s7;
	_ =	swait.ge @!p1 [sflag:s17], $0x2800  }
0x16d: {  	[sflag:s17] =	ssyncset.done @!p1 $0x0  }
0x16e: {  	s0 =	simm.s32 $0xC;
	[sflag:s17] =	ssyncadd.s32 @!p1 $0xFFFFD800  }
0x16f: {  	_ =	swait.ge [sflag:s0], $0x2800  }
0x170: {  	[sflag:s0] =	ssyncset.done $0x0  }
0x171: {  	[sflag:s0] =	ssyncadd.s32 $0xFFFFD800  }
0x172: {  	s19 =	simm.s32 $0xF;
	s0 =	rddreg [dreg:$0x2]  }
0x173: {  	[spmem:s0] =	stream.indirect.scatter.add.f32 [tilespmem:s6], [sflag:$0x10], $0x80, s24, s31, $0xb8;
	[tilespmem:$0x1E800] =	vst v63  }
0x174: {  	_ =	swait.ge [sflag:s19], $0x2800  }
0x175: {  	[sflag:s19] =	ssyncset.done $0x0  }
0x176: {  	s20 =	simm.s32 $0x10;
	[sflag:s19] =	ssyncadd.s32 $0xFFFFD800  }
0x177: {  	_ =	swait.ge [sflag:s20], $0x2800  }
0x178: {  	[sflag:s20] =	ssyncset.done $0x0  }
0x179: {  	[sflag:s20] =	ssyncadd.s32 $0xFFFFD800  }
0x17a: {  	[bflag:$0x0] =	sbarrier.arrive $0xFFFF  }
0x17b: {  	s13 =	rddreg [dreg:$0xe]  }
0x17c: {  	s22 =	rddreg [dreg:$0xf]  }
0x17d: {  	s7 =	simm.s32 $0x11;
	s26 =	rddreg [dreg:$0x12]  }
0x17e: {  	[hbm:s22], [sflag:s13] =	dma.local [spmem:s26], $0x2800  }
0x17f: {  	_ =	swait.ge [sflag:s7], $0x2800  }
0x180: {  	s28 =	rddreg [dreg:$0x11]  }
0x181: {  	s30 =	rddreg [dreg:$0x10];
	s6 =	sadd.s32 $0x1, s28  }
0x182: {  	p0 =	sne.s32 s6, s30  }
.Ltmp1:
0x183: {  	_ = 	snop;
	(pc) =	sbr.rel @p0 .LBB2_1-.Ltmp1, $4  }
0x184: {  	s29 =	simm.s32 $0x14480  }
0x185: {  	s10 =	simm.s32 $0x3;
	s11 =	simm.s32 $0x9;
	s12 =	simm.s32 $0x4  }
0x186: {  	s14 =	simm.s32 $0xA;
	s17 =	simm.s32 $0x14500;
	[sflag:s7] =	ssyncset.done $0x0  }
0x187: {  	s20 =	simm.s32 $0x14100;
	s26 =	simm.s32 $0x0;
	[sflag:s7] =	ssyncadd.s32 $0xFFFFD800  }
0x188: {  	_ =	sfence.sel $0x180000  }
0x189: {  	[bflag:$0x0] =	sbarrier.arrive $0xFFFF  }
0x18a: {  	_ =	strace $0x9000004D  }
0x18b: {  	s0 =	stileid.u32;
	[bflag:$0x2] =	sbarrier.arrive $0xFFFF  }
0x18c: {  	p0 =	sne.s32 s0, $0x0;
	s0 =	rddreg [dreg:$0x3]  }
0x18d: {  	s0 =	sadd.s32 @!p0 $0x100000, s0  }
0x18e: {  	[sflag:s0] =	ssyncadd.tile.s32 @!p0 $0x1;
	_ =	shalt  }
.Lfunc_end2:
_tile_overlayer_lowered:
.L_overlay_start_2:
0x18f: {  	(tag) =	ssettag $0x2  }
0x190: {  	s0 =	rddreg [dreg:$0x0];
	s2 =	stileid.u32  }
0x191: {  	s1 =	rddreg [dreg:$0x1];
	p0 =	sne.s32 s2, $0x0  }
0x192: {  	s3 =	rddreg [dreg:$0x2];
	[bflag:$0x3] =	sbarrier.arrive $0xFFFF;
	s2 =	simm.s32 @!p0 $0x1C11  }
0x193: {  	[timem:s3], [sflag:s2] =	dma.local @!p0 [hbm:s0], s1  }
0x194: {  	s0 =	simm.s32 @!p0 $0x11  }
0x195: {  	_ =	swait.ge @!p0 [sflag:s0], s1  }
0x196: {  	s1 =	ssub.s32 @!p0 $0x0, s1;
	[sflag:s0] =	ssyncset.done @!p0 $0x0  }
0x197: {  	[sflag:s0] =	ssyncadd.s32 @!p0 s1  }
0x198: {  	[bflag:$0x3] =	sbarrier.arrive $0xFFFF  }
0x199: {  	_ =	shalt  }

// kernel: kernel.8.cloned.1.call-start
scs
__scs_entry_jumppad:
0x0: {  	(pc) =	sbr.rel $0x88, $3  }
0x1: {  	(tag) =	ssettag $0x0;
	lr =	simm.s32 $0x1  }
0x2: {  	[smem:$0x3F9B] =	sst lr;
	_ =	strace $0xD0000000  }
0x3: {  	_ = 	snop  }
0x4: {  	_ = 	snop  }
0x5: {  	_ = 	snop  }
0x6: {  	_ = 	snop  }
0x7: {  	_ = 	snop  }
__scs_overlays_trampoline_lowered:
0x8: {  	[smem:$0x3FAA] =	sst s0  }
0x9: {  	[smem:$0x3FAB] =	sst s1  }
0xa: {  	[smem:$0x3FAC] =	sst s2  }
0xb: {  	[smem:$0x3FAD] =	sst s3  }
0xc: {  	[smem:$0x3FAE] =	sst s4  }
0xd: {  	[smem:$0x3FAF] =	sst s5  }
0xe: {  	[smem:$0x3FB0] =	sst s6  }
0xf: {  	[smem:$0x3FB1] =	sst s7  }
0x10: {  	[smem:$0x3FB2] =	sst s8  }
0x11: {  	[smem:$0x3FB3] =	sst s9;
	s0 =	simm.s32 @!p0 $0x0  }
0x12: {  	s1 =	sld [smem:$0x3F99];
	s0 =	simm.s32 @p0 $0x1  }
0x13: {  	[smem:$0x3FB4] =	sst s0;
	s0 =	simm.s32 @!p1 $0x0  }
0x14: {  	s2 =	sld [smem:$0x3F98];
	s0 =	simm.s32 @p1 $0x1  }
0x15: {  	[smem:$0x3FB5] =	sst s0;
	s0 =	simm.s32 @!p2 $0x0  }
0x16: {  	s3 =	sld [smem:$0x3FDB];
	s0 =	simm.s32 @p2 $0x1  }
0x17: {  	s4 =	simm.s32 $0x1BF5;
	[smem:$0x3FB7] =	sst s0  }
0x18: {  	s0 =	sld [smem:$0x3F9A];
	_ =	swait.ge [sflag:s4], $0x0  }
0x19: {  	s7 =	sld [smem:$0x3F9B]  }
0x1a: {  	s8 =	sadd.s32 $0xFFFFE003, lr  }
0x1b: {  	s9 =	sadd.s32 $0xFFFFFEF7, lr;
	s5 =	simm.s32 $0xFFFFFFFF;
	p2 =	slt.u32 s8, $0xFFFFF086  }
0x1c: {  	p1 =	slt.u32 s9, $0xF7A;
	s5 =	simm.s32 @!p2 $0x0  }
0x1d: {  	s5 =	simm.s32 @p1 $0x1;
	p0 =	seq.s32 s7, s2  }
0x1e: {  	s7 =	smul.u32 @!p0 $0xF7A, s2;
	p2 =	seq.s32 @!p0 s5, $0x0  }
0x1f: {  	s9 =	smul.u32 $0xF7A, s1;
	s8 =	simm.s32 @!p0 $0x1BF5;
	p2 =	por !p2, p0  }
0x20: {  	[sflag:s8] =	ssyncset.s32 @!p0 $0xFFFFF086;
	s6 =	sadd.s32 @!p0 s3, s7;
	s7 =	simm.s32 @!p0 $0x108  }
0x21: {  	s3 =	sadd.s32 s3, s9;
	s6 =	sadd.s32 @!p0 $0x88, s6;
	s7 =	simm.s32 @p2 $0x1082  }
0x22: {  	[simem:s7], [sflag:s8] =	dma.local @!p0 [hbm:s6], $0xF7A  }
0x23: {  	s9 =	sor.u32 $0xD0000000, s2;
	s6 =	simm.s32 $0x108;
	_ =	swait.ge @!p0 [sflag:s8], $0x0  }
0x24: {  	s3 =	sadd.s32 $0x88, s3;
	s6 =	simm.s32 @!p1 $0x1082;
	[sflag:s4] =	ssyncset.s32 $0xFFFFF086  }
0x25: {  	[simem:s6], [sflag:s4] =	dma.local [hbm:s3], $0xF7A  }
0x26: {  	[smem:$0x3F9B] =	sst s1;
	(tag) =	ssettag s2;
	_ =	strace s9  }
0x27: {  	s1 =	sld [smem:$0x3FAB]  }
0x28: {  	s2 =	sld [smem:$0x3FAC]  }
0x29: {  	s4 =	sld [smem:$0x3FAE]  }
0x2a: {  	p0 =	seq.s32 s5, $0x0;
	s5 =	sld [smem:$0x3FAF]  }
0x2b: {  	s6 =	sld [smem:$0x3FB0]  }
0x2c: {  	s7 =	sld [smem:$0x3FB1]  }
0x2d: {  	s3 =	simm.s32 $0x108;
	s8 =	sld [smem:$0x3FB2]  }
0x2e: {  	s3 =	simm.s32 @!p0 $0x1082;
	s9 =	sld [smem:$0x3FB3]  }
0x2f: {  	lr =	sadd.s32 s0, s3;
	s0 =	sld [smem:$0x3FAA]  }
0x30: {  	s3 =	sld [smem:$0x3FAD]  }
0x31: {  	[smem:$0x3FB6] =	sst s10  }
0x32: {  	s10 =	sld [smem:$0x3FB4];
	_ =	sdelay $0x3  }
0x33: {  	p0 =	seq.s32 s10, $0x1;
	s10 =	sld [smem:$0x3FB6];
	_ =	sdelay $0x3  }
0x34: {  	[smem:$0x3FB6] =	sst s10  }
0x35: {  	s10 =	sld [smem:$0x3FB5];
	_ =	sdelay $0x3  }
0x36: {  	p1 =	seq.s32 s10, $0x1;
	s10 =	sld [smem:$0x3FB6];
	_ =	sdelay $0x3  }
0x37: {  	[smem:$0x3FB6] =	sst s10  }
0x38: {  	s10 =	sld [smem:$0x3FB7]  }
0x39: {  	_ = 	snop;
	(pc) =	sbr.ind lr, $3  }
0x3a: {  	_ = 	snop  }
0x3b: {  	_ = 	snop  }
0x3c: {  	p2 =	seq.s32 s10, $0x1;
	s10 =	sld [smem:$0x3FB6]  }
0x3d: {  	_ =	shalt  }
0x3e: {  	_ =	shalt  }
0x3f: {  	_ =	shalt  }
0x40: {  	_ =	shalt  }
0x41: {  	_ =	shalt  }
0x42: {  	_ =	shalt  }
0x43: {  	_ =	shalt  }
0x44: {  	_ =	shalt  }
0x45: {  	_ =	shalt  }
0x46: {  	_ =	shalt  }
0x47: {  	_ =	shalt  }
0x48: {  	_ =	shalt  }
0x49: {  	_ =	shalt  }
0x4a: {  	_ =	shalt  }
0x4b: {  	_ =	shalt  }
0x4c: {  	_ =	shalt  }
0x4d: {  	_ =	shalt  }
0x4e: {  	_ =	shalt  }
0x4f: {  	_ =	shalt  }
0x50: {  	_ =	shalt  }
0x51: {  	_ =	shalt  }
0x52: {  	_ =	shalt  }
0x53: {  	_ =	shalt  }
0x54: {  	_ =	shalt  }
0x55: {  	_ =	shalt  }
0x56: {  	_ =	shalt  }
0x57: {  	_ =	shalt  }
0x58: {  	_ =	shalt  }
0x59: {  	_ =	shalt  }
0x5a: {  	_ =	shalt  }
0x5b: {  	_ =	shalt  }
0x5c: {  	_ =	shalt  }
0x5d: {  	_ =	shalt  }
0x5e: {  	_ =	shalt  }
0x5f: {  	_ =	shalt  }
0x60: {  	_ =	shalt  }
0x61: {  	_ =	shalt  }
0x62: {  	_ =	shalt  }
0x63: {  	_ =	shalt  }
0x64: {  	_ =	shalt  }
0x65: {  	_ =	shalt  }
0x66: {  	_ =	shalt  }
0x67: {  	_ =	shalt  }
0x68: {  	_ =	shalt  }
0x69: {  	_ =	shalt  }
0x6a: {  	_ =	shalt  }
0x6b: {  	_ =	shalt  }
0x6c: {  	_ =	shalt  }
0x6d: {  	_ =	shalt  }
0x6e: {  	_ =	shalt  }
0x6f: {  	_ =	shalt  }
0x70: {  	_ =	shalt  }
0x71: {  	_ =	shalt  }
0x72: {  	_ =	shalt  }
0x73: {  	_ =	shalt  }
0x74: {  	_ =	shalt  }
0x75: {  	_ =	shalt  }
0x76: {  	_ =	shalt  }
0x77: {  	_ =	shalt  }
0x78: {  	_ =	shalt  }
0x79: {  	_ =	shalt  }
0x7a: {  	_ =	shalt  }
0x7b: {  	_ =	shalt  }
0x7c: {  	_ =	shalt  }
0x7d: {  	_ =	shalt  }
0x7e: {  	_ =	shalt  }
0x7f: {  	_ =	shalt  }
0x80: {  	_ =	shalt  }
0x81: {  	_ =	shalt  }
0x82: {  	_ =	shalt  }
0x83: {  	_ =	shalt  }
0x84: {  	_ =	shalt  }
0x85: {  	_ =	shalt  }
0x86: {  	_ =	shalt  }
0x87: {  	_ =	shalt  }
.Lfunc_end0:
.L_simem_size_0:
called_computation_lowered:
.L_overlay_start_0:
0x88: {  	s2 =	sld [smem:$0x3FD9]  }
0x89: {  	s3 =	sld [smem:$0x3FFE];
	_ =	sdelay $0x1  }
0x8a: {  	s1 =	srdreg.scid  }
0x8b: {  	s0 =	sand.u32 $0x1, s1  }
0x8c: {  	s16 =	sshll.u32 s0, $0xA;
	s2 =	sadd.s32 s3, s2  }
0x8d: {  	s2 =	sadd.s32 s2, s16  }
0x8e: {  	[smem:$0x3FC2] =	sst s2  }
0x8f: {  	_ = 	snop  }
0x90: {  	(tm) =	ssettm $0x1  }
0x91: {  	s17 =	sld [smem:$0x3FFB];
	_ =	sdelay $0x3  }
0x92: {  	_ =	strace s17  }
0x93: {  	s2 =	sld [smem:$0x3FFC];
	_ =	sdelay $0x3  }
0x94: {  	_ =	strace s2  }
0x95: {  	s2 =	sld [smem:$0x3FFD];
	_ =	sdelay $0x3  }
0x96: {  	_ =	strace s2  }
0x97: {  	_ =	strace $0x8FFFFFFF  }
0x98: {  	s18 =	sld [smem:$0x3FDB];
	_ =	sdelay $0x1  }
0x99: {  	s19 =	simm.s32 $_scs_section_size  }
0x9a: {  	s4 =	simm.s32 $_size__tile_overlayer_lowered;
	s5 =	simm.s32 $_tile_overlayer_lowered  }
0x9b: {  	s22 =	simm.s32 $0x1BFF;
	s21 =	sshll.u32 s5, $0x1;
	s2 =	sadd.s32 s19, s18  }
0x9c: {  	s6 =	simm.s32 $0x0;
	s20 =	sshll.u32 s4, $0x1;
	s4 =	sadd.s32 s21, s2  }
0x9d: {  	[timem:s6], [sflag:s22] =	dma.local [hbm:s4], s20  }
0x9e: {  	_ =	swait.ge [sflag:s22], s20  }
0x9f: {  	s3 =	ssub.s32 $0x0, s20;
	[sflag:s22] =	ssyncset.done $0x0  }
0xa0: {  	[sflag:s22] =	ssyncadd.s32 s3;
	_ =	sdelay $0x1  }
0xa1: {  	s23 =	simm.s32 $0x1B8B  }
0xa2: {  	_ =	swait.ge [sflag:s23], $0x1  }
0xa3: {  	[sflag:s23] =	ssyncset.done $0x0  }
0xa4: {  	s25 =	simm.s32 $0x1B8E;
	s24 =	sld [smem:$0x3FFE];
	[sflag:s23] =	ssyncadd.s32 $0xFFFFFFFF  }
0xa5: {  	s26 =	simm.s32 $execute0_lowered;
	[smem:$0x3FD2] =	sst s25  }
0xa6: {  	s4 =	sshll.u32 s26, $0x1;
	_ =	strace $0x80000046;
	[dreg:$0x1] =	wrdreg $0xFFFFFFFF  }
0xa7: {  	s28 =	simm.s32 $_size_execute0_lowered;
	s2 =	sadd.s32 s2, s4;
	[dreg:$0x0] =	wrdreg $0x0  }
0xa8: {  	s4 =	sshll.u32 s28, $0x1;
	[dreg:$0x2] =	wrdreg s2  }
0xa9: {  	[dreg:$0x3] =	wrdreg s4  }
0xaa: {  	[dreg:$0x4] =	wrdreg $0xC0  }
0xab: {  	_ =	task [dreg:s6], $0x5FFFF  }
0xac: {  	[dreg:$0x1] =	wrdreg $0xFFFFFFFF  }
0xad: {  	[dreg:$0x0] =	wrdreg $0x60  }
0xae: {  	[dreg:$0x2] =	wrdreg s24  }
0xaf: {  	[dreg:$0x3] =	wrdreg $0x9  }
0xb0: {  	_ =	task.clear_ibuf [dreg:s6], $0x4FFFF;
	_ =	strace $0x90000046  }
0xb1: {  	s29 =	simm.s32 $0x9;
	_ =	strace $0x80000048  }
0xb2: {  	_ =	swait.ge [sflag:s29], $0x1  }
0xb3: {  	[sflag:s29] =	ssyncadd.s32 $0xFFFFFFFF  }
0xb4: {  	_ =	strace $0x90000048  }
0xb5: {  	_ =	sfence  }
0xb6: {  	s30 =	sld [smem:$0x0];
	_ =	sdelay $0x2  }
0xb7: {  	s31 =	sshll.u32 s1, $0xD;
	s1 =	sshrl.u32 s1, $0x2  }
0xb8: {  	s3 =	sand.u32 $0x4000, s31;
	s1 =	sadd.s32 s1, s30  }
0xb9: {  	s0 =	sor.u32 s3, s0;
	s1 =	sshll.u32 s1, $0x11  }
0xba: {  	s0 =	sor.u32 s1, s0  }
0xbb: {  	s0 =	sadd.s32 $0x8F2B, s0  }
0xbc: {  	[sflag:s0] =	ssyncadd.remote.s32 $0x1  }
0xbd: {  	_ =	sfence.sel $0xFFFF  }
0xbe: {  	[dreg:$0x0] =	wrdreg $0xFFFFFFFF;
	(pc) =	sbr.abs _section_cstart, $3  }
0xbf: {  	[dreg:$0x1] =	wrdreg $0xFFFFFFFF  }
0xc0: {  	_ =	task.clear_ibuf [dreg:s6], $0x2FFFF;
	_ =	strace $0x9FFFFFFF  }
0xc1: {  	(tm) =	ssettm $0x7FFFFFFF  }
tec
execute0_lowered:
.L_overlay_start_1:
0x0: {  	(tag) =	ssettag $0x1  }
0x1: {  	s4 =	rddreg [dreg:$0x0];
	s1 =	srdreg.scid  }
0x2: {  	s0 =	stileid.u32;
	s8 =	simm.s32 $0x80;
	s9 =	simm.s32 $0x400  }
0x3: {  	s10 =	simm.s32 $0x2800;
	s11 =	simm.s32 $0x0;
	s3 =	sand.u32 $0x1, s1  }
0x4: {  	s29 =	sshrl.u32 s0, $0x2;
	s2 =	sshll.u32 s0, $0x8;
	s1 =	rddreg [dreg:$0x1]  }
0x5: {  	s5 =	smul.u32 $0x14000, s29;
	s6 =	sshll.u32 s3, $0x7;
	s7 =	sand.u32 $0x300, s2  }
0x6: {  	s2 =	simm.s32 $0x0;
	s30 =	ssub.s32 $0x2, s3;
	s6 =	sor.u32 s6, s7  }
0x7: {  	s3 =	sadd.s32 $0xC400, s4;
	[smem:$0x7FF] =	sst s2;
	s5 =	sor.u32 s5, s6  }
0x8: {  	s31 =	sshrl.u32 s30, $0x1;
	s7 =	simm.s32 $0x1;
	s5 =	sshrl.u32 s5, $0x3  }
0x9: {  	_ =	strace $0x80000047;
	s6 =	ssub.s32 s30, s31;
	s5 =	sadd.s32 s5, s4  }
0xa: {  	s6 =	smax.u32 s6, $0x1;
	s4 =	sadd.s32 $0x2400, s5;
	s5 =	sadd.s32 $0xCA00, s5  }
.LBB2_1:
0xb: {  	[tilespmem:s2], [sflag:$0x1] =	stream.linear.gather [hbm4b:s3+s2], $0x2800, $0x38;
	[tilespmem:$0x5000] =	vst v63  }
0xc: {  	_ =	swait.ge [sflag:s7], $0x2800  }
0xd: {  	[sflag:s7] =	ssyncset.done $0x0  }
0xe: {  	[sflag:s7] =	ssyncadd.s32 $0xFFFFD800  }
0xf: {  	[tilespmem:s10], [sflag:$0x1] =	stream.strided.gather [hbm4b:s4+s8], $0x2800, s9, s8, $0x38;
	[tilespmem:$0x5000] =	vst v63  }
0x10: {  	_ =	swait.ge [sflag:s7], $0x2800  }
0x11: {  	[sflag:s7] =	ssyncset.done $0x0  }
0x12: {  	s12 =	simm.s32 $0x0;
	[sflag:s7] =	ssyncadd.s32 $0xFFFFD800  }
.LBB2_2:
0x13: {  	s13 =	sshra.s32 s12, $0x2  }
0x14: {  	v0 =	vld [tilespmem:s13+$0x2800];
	_ =	sdelay $0x4  }
0x15: {  	(xrf1) =	vunique.msk.u32 $0xffff, v0;
	_ =	sdelay $0xd  }
0x16: {  	_, v1, vm0 =	vpop (xrf1);
	_ =	sdelay $0x5  }
0x17: {  	[tilespmem:v0+s2+$0x0] =	vst.idx.add.s32.msk vm0, v1  }
0x18: {  	v0 =	vld [tilespmem:s13+$0x2810];
	_ =	sdelay $0x4  }
0x19: {  	(xrf1) =	vunique.msk.u32 $0xffff, v0;
	_ =	sdelay $0xd  }
0x1a: {  	_, v1, vm0 =	vpop (xrf1);
	_ =	sdelay $0x5  }
0x1b: {  	[tilespmem:v0+s2+$0x0] =	vst.idx.add.s32.msk vm0, v1  }
0x1c: {  	v0 =	vld [tilespmem:s13+$0x2820];
	_ =	sdelay $0x4  }
0x1d: {  	(xrf1) =	vunique.msk.u32 $0xffff, v0;
	_ =	sdelay $0xd  }
0x1e: {  	_, v1, vm0 =	vpop (xrf1);
	_ =	sdelay $0x5  }
0x1f: {  	[tilespmem:v0+s2+$0x0] =	vst.idx.add.s32.msk vm0, v1  }
0x20: {  	v0 =	vld [tilespmem:s13+$0x2830];
	_ =	sdelay $0x4  }
0x21: {  	(xrf1) =	vunique.msk.u32 $0xffff, v0;
	_ =	sdelay $0xd  }
0x22: {  	_, v1, vm0 =	vpop (xrf1)  }
0x23: {  	p0 =	sne.s32 s12, $0x9F00  }
.Ltmp0:
0x24: {  	_ = 	snop;
	(pc) =	sbr.rel @p0 .LBB2_2-.Ltmp0, $2  }
0x25: {  	_ =	sdelay $0x2  }
0x26: {  	s12 =	sadd.s32 $0x100, s12;
	[tilespmem:v0+s2+$0x0] =	vst.idx.add.s32.msk vm0, v1  }
0x27: {  	s11 =	sadd.s32 $0x1, s11  }
0x28: {  	p0 =	sne.s32 s11, s6  }
.Ltmp1:
0x29: {  	_ = 	snop;
	(pc) =	sbr.rel @p0 .LBB2_1-.Ltmp1, $4  }
0x2a: {  	[hbm4b:s5+s8] =	stream.strided.scatter [tilespmem:s2], [sflag:$0x1], $0x2800, s9, s8, $0x38;
	[tilespmem:$0x5000] =	vst v63  }
0x2b: {  	_ =	swait.ge [sflag:s7], $0x2800  }
0x2c: {  	[sflag:s7] =	ssyncset.done $0x0  }
0x2d: {  	[sflag:s7] =	ssyncadd.s32 $0xFFFFD800  }
0x2e: {  	_ =	sfence.sel $0x180000  }
0x2f: {  	[bflag:$0x0] =	sbarrier.arrive $0xFFFF  }
0x30: {  	p0 =	sne.s32 s0, $0x0;
	_ =	strace $0x90000047  }
0x31: {  	s0 =	sadd.s32 @!p0 $0x100000, s1;
	[bflag:$0x2] =	sbarrier.arrive $0xFFFF  }
0x32: {  	[sflag:s0] =	ssyncadd.tile.s32 @!p0 $0x1;
	_ =	shalt  }
.Lfunc_end2:
_tile_overlayer_lowered:
.L_overlay_start_2:
0x33: {  	(tag) =	ssettag $0x2  }
0x34: {  	s0 =	rddreg [dreg:$0x0];
	s2 =	stileid.u32  }
0x35: {  	s1 =	rddreg [dreg:$0x1];
	p0 =	sne.s32 s2, $0x0  }
0x36: {  	s3 =	rddreg [dreg:$0x2];
	[bflag:$0x3] =	sbarrier.arrive $0xFFFF;
	s2 =	simm.s32 @!p0 $0x1C01  }
0x37: {  	[timem:s3], [sflag:s2] =	dma.local @!p0 [hbm:s0], s1  }
0x38: {  	s0 =	simm.s32 @!p0 $0x1  }
0x39: {  	_ =	swait.ge @!p0 [sflag:s0], s1  }
0x3a: {  	s1 =	ssub.s32 @!p0 $0x0, s1;
	[sflag:s0] =	ssyncset.done @!p0 $0x0  }
0x3b: {  	[sflag:s0] =	ssyncadd.s32 @!p0 s1  }
0x3c: {  	[bflag:$0x3] =	sbarrier.arrive $0xFFFF  }
0x3d: {  	_ =	shalt  }

</sc_bundles>
